<compile_context>
chip_gen: v7x
topology: tpu7x:2x2x1
jax: 0.10.2.dev20260603
libtpu: 0.0.44.dev20260713+nightly
codegen_flags: <defaults>
</compile_context>

<pallas_src>
import functools

import jax
import jax.numpy as jnp
from jax import lax
from jax.experimental import pallas as pl
from jax.experimental.pallas import tpu as pltpu
from jax.experimental.pallas import tpu_sc as plsc

NN = 10000
NP = 10240
DD = 128
HH = 64
BB = 16384
NC, NS, CH = 2, 16, 128
NW = NC * NS
KE = 80
KB = BB // (NW * CH)
EPAD = NW * KE * CH
RB = 512
RBH = 2048



def _sc_mesh():
    return plsc.VectorSubcoreMesh(core_axis_name="c", subcore_axis_name="s",
                                  num_cores=NC, num_subcores=NS)


@functools.cache
def _deg_kernel():
    @functools.partial(
        pl.kernel,
        out_type=jax.ShapeDtypeStruct((NC, NP), jnp.float32),
        mesh=_sc_mesh(),
        compiler_params=pltpu.CompilerParams(use_tc_tiling_on_sc=False),
        scratch_types=[
            pltpu.VMEM((KE, CH), jnp.int32),
            pltpu.VMEM((CH,), jnp.float32),
            pltpu.VMEM_SHARED((NP,), jnp.float32),
        ],
    )
    def body_fn(dst_hbm, zeros_hbm, out_hbm, dst_v, ones_v, acc_sh):
        c = lax.axis_index("c")
        s = lax.axis_index("s")
        w = c * NS + s
        pltpu.sync_copy(dst_hbm.at[w], dst_v)
        for j in range(CH // 16):
            ones_v[pl.ds(j * 16, 16)] = jnp.ones((16,), jnp.float32)

        @pl.when(s == 0)
        def _():
            pltpu.sync_copy(zeros_hbm, acc_sh)

        plsc.subcore_barrier()

        def body(k, carry):
            pltpu.sync_copy(ones_v, acc_sh.at[dst_v.at[k]], add=True)
            return carry

        lax.fori_loop(0, KE, body, 0)
        plsc.subcore_barrier()

        @pl.when(s == 0)
        def _():
            pltpu.sync_copy(acc_sh, out_hbm.at[c])

    return body_fn


@functools.cache
def _agg_kernel():
    @functools.partial(
        pl.kernel,
        out_type=jax.ShapeDtypeStruct((NC, NP, HH), jnp.float32),
        mesh=_sc_mesh(),
        compiler_params=pltpu.CompilerParams(use_tc_tiling_on_sc=False),
        scratch_types=[
            pltpu.VMEM((KE, CH), jnp.int32),
            pltpu.VMEM((KE, CH), jnp.int32),
            pltpu.VMEM((4, CH, HH), jnp.float32),
            pltpu.VMEM_SHARED((NP, HH), jnp.float32),
            pltpu.SemaphoreType.DMA((4,)),
            pltpu.SemaphoreType.DMA((4,)),
        ],
    )
    def body_fn(yp_hbm, src_hbm, dst_hbm, zeros_hbm, out_hbm,
                src_v, dst_v, rows_v, acc_sh, gsem, ssem):
        c = lax.axis_index("c")
        s = lax.axis_index("s")
        w = c * NS + s
        pltpu.sync_copy(src_hbm.at[w], src_v)
        pltpu.sync_copy(dst_hbm.at[w], dst_v)
        for b in range(3):
            pltpu.async_copy(yp_hbm.at[src_v.at[b]], rows_v.at[b], gsem.at[b])

        @pl.when(s == 0)
        def _():
            pltpu.sync_copy(zeros_hbm, acc_sh)

        plsc.subcore_barrier()

        def body(i, carry):
            for b in range(4):
                k = i * 4 + b
                bn = (b + 3) % 4
                pltpu.make_async_copy(yp_hbm.at[src_v.at[k]], rows_v.at[b],
                                      gsem.at[b]).wait()
                pltpu.async_copy(rows_v.at[b], acc_sh.at[dst_v.at[k]],
                                 ssem.at[b], add=True)

                @pl.when(k >= 1)
                def _():
                    pltpu.make_async_copy(rows_v.at[bn],
                                          acc_sh.at[dst_v.at[k - 1]],
                                          ssem.at[bn]).wait()

                @pl.when(k + 3 < KE)
                def _():
                    pltpu.async_copy(yp_hbm.at[src_v.at[k + 3]], rows_v.at[bn],
                                     gsem.at[bn])
            return carry

        lax.fori_loop(0, KE // 4, body, 0)
        pltpu.make_async_copy(rows_v.at[(KE - 1) % 4],
                              acc_sh.at[dst_v.at[KE - 1]],
                              ssem.at[(KE - 1) % 4]).wait()
        plsc.subcore_barrier()

        @pl.when(s == 0)
        def _():
            pltpu.sync_copy(acc_sh, out_hbm.at[c])

    return body_fn


@functools.cache
def _pair_gather_kernel():
    @functools.partial(
        pl.kernel,
        out_type=[
            jax.ShapeDtypeStruct((BB, 2 * HH), jnp.float32),
            jax.ShapeDtypeStruct((BB, 2 * HH), jnp.float32),
        ],
        mesh=_sc_mesh(),
        compiler_params=pltpu.CompilerParams(use_tc_tiling_on_sc=False),
        scratch_types=[
            pltpu.VMEM((KB, CH), jnp.int32),
            pltpu.VMEM((KB, CH), jnp.int32),
            pltpu.VMEM((2, CH, 2 * HH), jnp.float32),
            pltpu.VMEM((2, CH, 2 * HH), jnp.float32),
            pltpu.SemaphoreType.DMA((2,)),
            pltpu.SemaphoreType.DMA((2,)),
        ],
    )
    def body_fn(go_hbm, gd_hbm, oid_hbm, did_hbm, oo_hbm, od_hbm,
                oi_v, di_v, ro_v, rd_v, so, sd):
        c = lax.axis_index("c")
        s = lax.axis_index("s")
        w = c * NS + s
        pltpu.sync_copy(oid_hbm.at[w], oi_v)
        pltpu.sync_copy(did_hbm.at[w], di_v)
        pltpu.async_copy(go_hbm.at[oi_v.at[0]], ro_v.at[0], so.at[0])
        pltpu.async_copy(gd_hbm.at[di_v.at[0]], rd_v.at[0], sd.at[0])

        for k in range(KB):
            b, bn = k % 2, (k + 1) % 2
            if k + 1 < KB:
                pltpu.async_copy(go_hbm.at[oi_v.at[k + 1]], ro_v.at[bn],
                                 so.at[bn])
                pltpu.async_copy(gd_hbm.at[di_v.at[k + 1]], rd_v.at[bn],
                                 sd.at[bn])
            base = w * (KB * CH) + k * CH
            pltpu.make_async_copy(go_hbm.at[oi_v.at[k]], ro_v.at[b],
                                  so.at[b]).wait()
            pltpu.sync_copy(ro_v.at[b], oo_hbm.at[pl.ds(base, CH)])
            pltpu.make_async_copy(gd_hbm.at[di_v.at[k]], rd_v.at[b],
                                  sd.at[b]).wait()
            pltpu.sync_copy(rd_v.at[b], od_hbm.at[pl.ds(base, CH)])

    return body_fn




def _dotf(a, b):
    return jnp.dot(a, b, preferred_element_type=jnp.float32)


def _prep_body(degp_ref, x_ref, w1_ref, se_ref, so_ref, plo_ref, phi_ref,
               yp_ref, dinvp_ref):
    deg = degp_ref[0, :] + degp_ref[1, :] + 1.0
    dinv = lax.rsqrt(deg)
    xw = _dotf(x_ref[...], w1_ref[...])
    y = xw * dinv[:, None]
    ye = _dotf(se_ref[...], y)
    yo = _dotf(so_ref[...], y)
    yp_ref[...] = _dotf(ye, plo_ref[...]) + _dotf(yo, phi_ref[...])
    dc = dinv[:, None] * jnp.ones((1, HH), jnp.float32)
    dinvp_ref[...] = (_dotf(_dotf(se_ref[...], dc), plo_ref[...])
                      + _dotf(_dotf(so_ref[...], dc), phi_ref[...]))


def _mid_body(up_ref, yp_ref, dinvp_ref, bp_ref, wbd_ref, out_ref):
    u = up_ref[0] + up_ref[1] + yp_ref[...]
    h = jnp.maximum(u * dinvp_ref[...] + bp_ref[...], 0.0)
    out_ref[...] = _dotf(h, wbd_ref[...]) * dinvp_ref[...]


def _final_body(up_ref, yp_ref, dinvp_ref, bp_ref, set_ref, sot_ref,
                wae_ref, wao_ref, wbe_ref, wbo_ref, go_ref, gd_ref):
    u = up_ref[0] + up_ref[1] + yp_ref[...]
    h = jnp.maximum(u * dinvp_ref[...] + bp_ref[...], 0.0)
    go = (_dotf(set_ref[...], _dotf(h, wae_ref[...]))
          + _dotf(sot_ref[...], _dotf(h, wao_ref[...])))
    gd = (_dotf(set_ref[...], _dotf(h, wbe_ref[...]))
          + _dotf(sot_ref[...], _dotf(h, wbo_ref[...])))
    go_ref[...] = go.reshape(RB // 8, 8, 2 * HH)
    gd_ref[...] = gd.reshape(RB // 8, 8, 2 * HH)


def _tables_body(dt_ref, tt_ref, wt_ref, ohd_ref, oht_ref, ohw_ref,
                 wta_ref, wtb_ref, wtc_ref, bt_ref, wp1c_ref,
                 modep_ref, wp1d_ref, t_ref, m_ref):
    d1 = jnp.dot(dt_ref[...], wta_ref[...], preferred_element_type=jnp.float32)
    d2 = jnp.dot(tt_ref[...], wtb_ref[...], preferred_element_type=jnp.float32)
    d3 = jnp.dot(wt_ref[...], wtc_ref[...], preferred_element_type=jnp.float32)
    t64 = jnp.dot(ohd_ref[...], d1, preferred_element_type=jnp.float32)
    t64 += jnp.dot(oht_ref[...], d2, preferred_element_type=jnp.float32)
    t64 += jnp.dot(ohw_ref[...], d3, preferred_element_type=jnp.float32)
    t64 = jnp.maximum(t64 + bt_ref[...], 0.0)
    t_ref[...] = jnp.dot(t64, wp1c_ref[...], preferred_element_type=jnp.float32)
    m_ref[...] = jnp.dot(modep_ref[...], wp1d_ref[...],
                         preferred_element_type=jnp.float32)


def _head_body(go_ref, gd_ref, day_ref, time_ref, dow_ref, mode_ref,
               t_ref, m_ref, bp1_ref, wp2_ref, bp2_ref, wp3_ref, bp3_ref,
               wp4_ref, bp4_ref, out_ref):
    cidx = day_ref[...] * 56 + time_ref[...] * 7 + dow_ref[...]
    oht = (cidx == lax.broadcasted_iota(jnp.int32, (RBH, 224), 1))
    ohm = (mode_ref[...] == lax.broadcasted_iota(jnp.int32, (RBH, 8), 1))
    z = (go_ref[...].reshape(RBH, 2 * HH) + gd_ref[...].reshape(RBH, 2 * HH)
         + jnp.dot(oht.astype(jnp.float32), t_ref[...],
                   preferred_element_type=jnp.float32)
         + jnp.dot(ohm.astype(jnp.float32), m_ref[...],
                   preferred_element_type=jnp.float32)
         + bp1_ref[...])
    z = jnp.maximum(z, 0.0)
    z = jnp.maximum(jnp.dot(z, wp2_ref[...],
                            preferred_element_type=jnp.float32) + bp2_ref[...],
                    0.0)
    z = jnp.maximum(jnp.dot(z, wp3_ref[...],
                            preferred_element_type=jnp.float32) + bp3_ref[...],
                    0.0)
    sc = (jnp.dot(z, wp4_ref[...], preferred_element_type=jnp.float32)
          + bp4_ref[...])
    out_ref[...] = 1.0 / (1.0 + jnp.exp(-sc))


def _prep(degp, xp, W1, Se, So, Plo, Phi):
    return pl.pallas_call(
        _prep_body,
        grid=(NP // RB,),
        in_specs=[
            pl.BlockSpec((2, RB), lambda i: (0, i)),
            pl.BlockSpec((RB, DD), lambda i: (i, 0)),
            pl.BlockSpec((DD, HH), lambda i: (0, 0)),
            pl.BlockSpec((RB // 2, RB), lambda i: (0, 0)),
            pl.BlockSpec((RB // 2, RB), lambda i: (0, 0)),
            pl.BlockSpec((HH, 2 * HH), lambda i: (0, 0)),
            pl.BlockSpec((HH, 2 * HH), lambda i: (0, 0)),
        ],
        out_specs=[
            pl.BlockSpec((RB // 2, 2 * HH), lambda i: (i, 0)),
            pl.BlockSpec((RB // 2, 2 * HH), lambda i: (i, 0)),
        ],
        out_shape=[
            jax.ShapeDtypeStruct((NP // 2, 2 * HH), jnp.float32),
            jax.ShapeDtypeStruct((NP // 2, 2 * HH), jnp.float32),
        ],
    )(degp, xp, W1, Se, So, Plo, Phi)


def _mid(up, ypp, dinvp, bp, Wbd):
    return pl.pallas_call(
        _mid_body,
        grid=(NP // RB,),
        in_specs=[
            pl.BlockSpec((2, RB // 2, 2 * HH), lambda i: (0, i, 0)),
            pl.BlockSpec((RB // 2, 2 * HH), lambda i: (i, 0)),
            pl.BlockSpec((RB // 2, 2 * HH), lambda i: (i, 0)),
            pl.BlockSpec((1, 2 * HH), lambda i: (0, 0)),
            pl.BlockSpec((2 * HH, 2 * HH), lambda i: (0, 0)),
        ],
        out_specs=pl.BlockSpec((RB // 2, 2 * HH), lambda i: (i, 0)),
        out_shape=jax.ShapeDtypeStruct((NP // 2, 2 * HH), jnp.float32),
    )(up, ypp, dinvp, bp, Wbd)


def _final(up, ypp, dinvp, bp, SeT, SoT, Wae, Wao, Wbe, Wbo):
    return pl.pallas_call(
        _final_body,
        grid=(NP // RB,),
        in_specs=[
            pl.BlockSpec((2, RB // 2, 2 * HH), lambda i: (0, i, 0)),
            pl.BlockSpec((RB // 2, 2 * HH), lambda i: (i, 0)),
            pl.BlockSpec((RB // 2, 2 * HH), lambda i: (i, 0)),
            pl.BlockSpec((1, 2 * HH), lambda i: (0, 0)),
            pl.BlockSpec((RB, RB // 2), lambda i: (0, 0)),
            pl.BlockSpec((RB, RB // 2), lambda i: (0, 0)),
            pl.BlockSpec((2 * HH, 2 * HH), lambda i: (0, 0)),
            pl.BlockSpec((2 * HH, 2 * HH), lambda i: (0, 0)),
            pl.BlockSpec((2 * HH, 2 * HH), lambda i: (0, 0)),
            pl.BlockSpec((2 * HH, 2 * HH), lambda i: (0, 0)),
        ],
        out_specs=[
            pl.BlockSpec((RB // 8, 8, 2 * HH), lambda i: (i, 0, 0)),
            pl.BlockSpec((RB // 8, 8, 2 * HH), lambda i: (i, 0, 0)),
        ],
        out_shape=[
            jax.ShapeDtypeStruct((NP // 8, 8, 2 * HH), jnp.float32),
            jax.ShapeDtypeStruct((NP // 8, 8, 2 * HH), jnp.float32),
        ],
    )(up, ypp, dinvp, bp, SeT, SoT, Wae, Wao, Wbe, Wbo)


def _tables(day_tab, time_tab, dow_tab, ohd, oht, ohw, wta, wtb, wtc, bt,
            wp1c, modep, wp1d):
    return pl.pallas_call(
        _tables_body,
        out_shape=[
            jax.ShapeDtypeStruct((224, 2 * HH), jnp.float32),
            jax.ShapeDtypeStruct((8, 2 * HH), jnp.float32),
        ],
    )(day_tab, time_tab, dow_tab, ohd, oht, ohw, wta, wtb, wtc, bt,
      wp1c, modep, wp1d)


def _head(go_g, gd_g, day, time_, dow, mode, t_comb, m_comb,
          bp1, Wp2, bp2, Wp3, bp3, Wp4, bp4):
    return pl.pallas_call(
        _head_body,
        grid=(BB // RBH,),
        in_specs=[
            pl.BlockSpec((RBH // 8, 8, 2 * HH), lambda i: (i, 0, 0)),
            pl.BlockSpec((RBH // 8, 8, 2 * HH), lambda i: (i, 0, 0)),
            pl.BlockSpec((RBH, 1), lambda i: (i, 0)),
            pl.BlockSpec((RBH, 1), lambda i: (i, 0)),
            pl.BlockSpec((RBH, 1), lambda i: (i, 0)),
            pl.BlockSpec((RBH, 1), lambda i: (i, 0)),
            pl.BlockSpec((224, 2 * HH), lambda i: (0, 0)),
            pl.BlockSpec((8, 2 * HH), lambda i: (0, 0)),
            pl.BlockSpec((1, 2 * HH), lambda i: (0, 0)),
            pl.BlockSpec((2 * HH, HH), lambda i: (0, 0)),
            pl.BlockSpec((1, HH), lambda i: (0, 0)),
            pl.BlockSpec((HH, HH // 2), lambda i: (0, 0)),
            pl.BlockSpec((1, HH // 2), lambda i: (0, 0)),
            pl.BlockSpec((HH // 2, 1), lambda i: (0, 0)),
            pl.BlockSpec((1, 1), lambda i: (0, 0)),
        ],
        out_specs=pl.BlockSpec((RBH, 1), lambda i: (i, 0)),
        out_shape=jax.ShapeDtypeStruct((BB, 1), jnp.float32),
    )(go_g, gd_g, day, time_, dow, mode, t_comb, m_comb,
      bp1, Wp2, bp2, Wp3, bp3, Wp4, bp4)



def kernel(x, edge_index, origin_ids, destination_ids, day_type_ids,
           time_bucket_ids, day_of_week_ids, mode_ids, W1, b1, W2, b2, W3, b3,
           day_tab, time_tab, dow_tab, Wt, bt, mode_tab,
           Wp1, bp1, Wp2, bp2, Wp3, bp3, Wp4, bp4):
    f32 = jnp.float32
    src = edge_index[0]
    dst = edge_index[1]
    npad = EPAD - src.shape[0]
    pad_src = (jnp.arange(npad, dtype=jnp.int32) * 37) % NN
    pad_dst = NN + (jnp.arange(npad, dtype=jnp.int32) % (NP - NN))
    srcp = jnp.concatenate([src, pad_src]).reshape(NW, KE, CH)
    dstp = jnp.concatenate([dst, pad_dst]).reshape(NW, KE, CH)
    xp = jnp.pad(x, ((0, NP - NN), (0, 0)))
    zeros1 = jnp.zeros((NP,), f32)
    zeros2 = jnp.zeros((NP, HH), f32)

    eye2 = jnp.eye(2, dtype=f32)
    W2bd = jnp.kron(eye2, W2)
    W3bd = jnp.kron(eye2, W3)
    b1p = jnp.tile(b1.reshape(1, HH), (1, 2))
    b2p = jnp.tile(b2.reshape(1, HH), (1, 2))
    b3p = jnp.tile(b3.reshape(1, HH), (1, 2))
    pr = jnp.arange(RB // 2)
    cr = jnp.arange(RB)
    Se = (cr[None, :] == 2 * pr[:, None]).astype(f32)
    So = (cr[None, :] == 2 * pr[:, None] + 1).astype(f32)
    eyeh = jnp.eye(HH, dtype=f32)
    zh = jnp.zeros((HH, HH), f32)
    Plo = jnp.concatenate([eyeh, zh], axis=1)
    Phi = jnp.concatenate([zh, eyeh], axis=1)
    Wa, Wb = Wp1[:HH], Wp1[HH:2 * HH]
    z2h = jnp.zeros((HH, 2 * HH), f32)
    Wae = jnp.concatenate([Wa, z2h], axis=0)
    Wao = jnp.concatenate([z2h, Wa], axis=0)
    Wbe = jnp.concatenate([Wb, z2h], axis=0)
    Wbo = jnp.concatenate([z2h, Wb], axis=0)

    degp = _deg_kernel()(dstp, zeros1)
    ypp1, dinvp = _prep(degp, xp, W1, Se, So, Plo, Phi)
    u1 = _agg_kernel()(ypp1.reshape(NP, HH), srcp, dstp, zeros2)
    ypp2 = _mid(u1.reshape(NC, NP // 2, 2 * HH), ypp1, dinvp, b1p, W2bd)
    u2 = _agg_kernel()(ypp2.reshape(NP, HH), srcp, dstp, zeros2)
    ypp3 = _mid(u2.reshape(NC, NP // 2, 2 * HH), ypp2, dinvp, b2p, W3bd)
    u3 = _agg_kernel()(ypp3.reshape(NP, HH), srcp, dstp, zeros2)
    g_o, g_d = _final(u3.reshape(NC, NP // 2, 2 * HH), ypp3, dinvp, b3p,
                      Se.T, So.T, Wae, Wao, Wbe, Wbo)

    car = jnp.arange(224, dtype=jnp.int32)
    ohd = (car[:, None] // 56 == jnp.arange(4)[None, :]).astype(f32)
    oht = (car[:, None] % 56 // 7 == jnp.arange(8)[None, :]).astype(f32)
    ohw = (car[:, None] % 7 == jnp.arange(7)[None, :]).astype(f32)
    modep = jnp.pad(mode_tab, ((0, 8 - mode_tab.shape[0]), (0, 0)))
    t_comb, m_comb = _tables(
        day_tab, time_tab, dow_tab, ohd, oht, ohw,
        Wt[:21], Wt[21:42], Wt[42:63], bt.reshape(1, HH),
        Wp1[2 * HH:3 * HH], modep, Wp1[3 * HH:])

    oid = origin_ids.reshape(NW, KB, CH)
    did = destination_ids.reshape(NW, KB, CH)
    go_g, gd_g = _pair_gather_kernel()(g_o.reshape(NP, 2 * HH),
                                       g_d.reshape(NP, 2 * HH), oid, did)

    score = _head(
        go_g.reshape(BB // 8, 8, 2 * HH), gd_g.reshape(BB // 8, 8, 2 * HH),
        day_type_ids.reshape(BB, 1), time_bucket_ids.reshape(BB, 1),
        day_of_week_ids.reshape(BB, 1), mode_ids.reshape(BB, 1),
        t_comb, m_comb, bp1.reshape(1, 2 * HH), Wp2, bp2.reshape(1, HH),
        Wp3, bp3.reshape(1, HH // 2), Wp4, bp4.reshape(1, 1))
    return score

# --- scband reference (transcript-rebuilt; emitter-appended) ---
"""Pipeline reference for scband-temporal-transport-gnn-18219251270346 (READ-ONLY COPY).

The authoritative reference and input builder live on the scoring server;
editing this copy changes nothing except your own understanding.
"""

import jax, jax.numpy as jnp
import numpy as np

N = 10000
E = 320000
D = 128
H = 64
B = 16384
TEMP = H // 3  # 21


def _lin_init(key, fan_in, fan_out):
    k1, k2 = jax.random.split(key)
    s = 1.0 / np.sqrt(fan_in)
    W = jax.random.uniform(k1, (fan_in, fan_out), dtype=jnp.float32, minval=-s, maxval=s)
    b = jax.random.uniform(k2, (fan_out,), dtype=jnp.float32, minval=-s, maxval=s)
    return W, b


def setup_inputs(seed: int = 0) -> dict:
    key = jax.random.key(seed)
    ks = jax.random.split(key, 24)
    inp = {}
    inp["x"] = jax.random.normal(ks[0], (N, D), dtype=jnp.float32)
    inp["edge_index"] = jax.random.randint(ks[1], (2, E), 0, N, dtype=jnp.int32)
    inp["origin_ids"] = jax.random.randint(ks[2], (B,), 0, N, dtype=jnp.int32)
    inp["destination_ids"] = jax.random.randint(ks[3], (B,), 0, N, dtype=jnp.int32)
    inp["day_type_ids"] = jax.random.randint(ks[4], (B,), 0, 4, dtype=jnp.int32)
    inp["time_bucket_ids"] = jax.random.randint(ks[5], (B,), 0, 8, dtype=jnp.int32)
    inp["day_of_week_ids"] = jax.random.randint(ks[6], (B,), 0, 7, dtype=jnp.int32)
    inp["mode_ids"] = jax.random.randint(ks[7], (B,), 0, 3, dtype=jnp.int32)
    # GCN layer weights
    inp["W1"], inp["b1"] = _lin_init(ks[8], D, H)
    inp["W2"], inp["b2"] = _lin_init(ks[9], H, H)
    inp["W3"], inp["b3"] = _lin_init(ks[10], H, H)
    # temporal embedding tables
    inp["day_tab"] = jax.random.normal(ks[11], (4, TEMP), dtype=jnp.float32)
    inp["time_tab"] = jax.random.normal(ks[12], (8, TEMP), dtype=jnp.float32)
    inp["dow_tab"] = jax.random.normal(ks[13], (7, TEMP), dtype=jnp.float32)
    inp["Wt"], inp["bt"] = _lin_init(ks[14], TEMP * 3, H)
    # mode embedding
    inp["mode_tab"] = jax.random.normal(ks[15], (3, H // 2), dtype=jnp.float32)
    # prediction head: 2H + H + H//2 = 224
    pin = H * 2 + H + H // 2
    inp["Wp1"], inp["bp1"] = _lin_init(ks[16], pin, H * 2)
    inp["Wp2"], inp["bp2"] = _lin_init(ks[17], H * 2, H)
    inp["Wp3"], inp["bp3"] = _lin_init(ks[18], H, H // 2)
    inp["Wp4"], inp["bp4"] = _lin_init(ks[19], H // 2, 1)
    return inp


def gcn_conv(x, edge_index, W, b):
    # GCNConv with self-loops and symmetric normalization (eval mode)
    n = x.shape[0]
    loop = jnp.arange(n, dtype=edge_index.dtype)
    src = jnp.concatenate([edge_index[0], loop])
    dst = jnp.concatenate([edge_index[1], loop])
    deg = jnp.zeros((n,), x.dtype).at[dst].add(1.0)
    dinv = jnp.where(deg > 0, 1.0 / jnp.sqrt(deg), 0.0)
    norm = dinv[src] * dinv[dst]
    xw = x @ W
    msg = xw[src] * norm[:, None]
    out = jnp.zeros((n, W.shape[1]), x.dtype).at[dst].add(msg)
    return out + b


def reference(x, edge_index, origin_ids, destination_ids, day_type_ids, time_bucket_ids, day_of_week_ids, mode_ids, W1, b1, W2, b2, W3, b3, day_tab, time_tab, dow_tab, Wt, bt, mode_tab, Wp1, bp1, Wp2, bp2, Wp3, bp3, Wp4, bp4):
    h = jax.nn.relu(gcn_conv(x, edge_index, W1, b1))
    h = jax.nn.relu(gcn_conv(h, edge_index, W2, b2))
    h = jax.nn.relu(gcn_conv(h, edge_index, W3, b3))
    origin_emb = h[origin_ids]
    dest_emb = h[destination_ids]
    route_emb = jnp.concatenate([origin_emb, dest_emb], axis=1)
    temporal = jnp.concatenate([day_tab[day_type_ids], time_tab[time_bucket_ids], dow_tab[day_of_week_ids]], axis=1)
    temporal = jax.nn.relu(temporal @ Wt + bt)  # dropout is identity in eval
    mode_emb = mode_tab[mode_ids]
    comb = jnp.concatenate([route_emb, temporal, mode_emb], axis=1)
    z = jax.nn.relu(comb @ Wp1 + bp1)
    z = jax.nn.relu(z @ Wp2 + bp2)
    z = jax.nn.relu(z @ Wp3 + bp3)
    score = jax.nn.sigmoid(z @ Wp4 + bp4)
    return score

if __name__ == "__main__":
    import jax
    _d = setup_inputs()
    print(jax.jit(kernel)(*tuple(_d.values())))

</pallas_src>

<mosaic_0001>
#map = affine_map<(d0, d1) -> (0, 0)>
#map1 = affine_map<(d0, d1) -> (0, 0, 0)>
module attributes {stable_mosaic.version = 14 : i64} {
  func.func @body_fn(%arg0: i32, %arg1: i32, %arg2: memref<10240x64xf32, #tpu.memory_space<hbm>>, %arg3: memref<32x80x128xi32, #tpu.memory_space<hbm>>, %arg4: memref<32x80x128xi32, #tpu.memory_space<hbm>>, %arg5: memref<10240x64xf32, #tpu.memory_space<hbm>>, %arg6: memref<2x10240x64xf32, #tpu.memory_space<hbm>>, %arg7: memref<80x128xi32, #tpu.memory_space<vmem>>, %arg8: memref<80x128xi32, #tpu.memory_space<vmem>>, %arg9: memref<4x128x64xf32, #tpu.memory_space<vmem>>, %arg10: memref<10240x64xf32, #tpu.memory_space<vmem_shared>>, %arg11: memref<4x!tpu.dma_semaphore, #tpu.memory_space<semaphore_mem>>, %arg12: memref<4x!tpu.dma_semaphore, #tpu.memory_space<semaphore_mem>>) attributes {dimension_semantics = [#tpu.dimension_semantics<core_parallel>, #tpu.dimension_semantics<subcore_parallel>], iteration_bounds = array<i64: 2, 16>, scalar_prefetch = 0 : i64, scratch_operands = 6 : i64, tpu.core_type = #tpu.core_type<sc_vector_subcore>, window_params = [{transform_indices = #map}, {transform_indices = #map1}, {transform_indices = #map1}, {transform_indices = #map}, {transform_indices = #map1}]} {
    %mul3A = arith.constant 16 : i32
    %mul3A_0 = arith.muli %arg0, %mul3A : i32
    %add3A = arith.addi %mul3A_0, %arg1 : i32
    "tpu.region"() ({
      %run_scoped3A = tpu.sem_alloc : memref<!tpu.dma_semaphore, #tpu.memory_space<semaphore_mem>>
      %dma_start3A_72 = arith.constant 0 : i32
      %dma_start3A_73 = arith.constant 0 : i32
      %dma_start3A_74 = tpu.memref_slice %arg3[%add3A, %dma_start3A_72, %dma_start3A_73] : memref<32x80x128xi32, #tpu.memory_space<hbm>> -> memref<1x80x128xi32, #tpu.memory_space<hbm>>
      %dma_start3A_75 = tpu.memref_squeeze %dma_start3A_74 : memref<1x80x128xi32, #tpu.memory_space<hbm>> -> memref<80x128xi32, #tpu.memory_space<hbm>>
      %dma_start3A_76 = arith.constant 0 : i32
      %dma_start3A_77 = arith.constant 0 : i32
      %dma_start3A_78 = tpu.memref_slice %arg3[%add3A, %dma_start3A_76, %dma_start3A_77] : memref<32x80x128xi32, #tpu.memory_space<hbm>> -> memref<1x80x128xi32, #tpu.memory_space<hbm>>
      %dma_start3A_79 = tpu.memref_squeeze %dma_start3A_78 : memref<1x80x128xi32, #tpu.memory_space<hbm>> -> memref<80x128xi32, #tpu.memory_space<hbm>>
      tpu.enqueue_dma source(%dma_start3A_79 : memref<80x128xi32, #tpu.memory_space<hbm>>) target(%arg7 : memref<80x128xi32, #tpu.memory_space<vmem>>) target_semaphore(%run_scoped3A : memref<!tpu.dma_semaphore, #tpu.memory_space<semaphore_mem>>)
      %dma_wait3A_80 = arith.constant 0 : i32
      %dma_wait3A_81 = arith.constant 0 : i32
      %dma_wait3A_82 = tpu.memref_slice %arg3[%add3A, %dma_wait3A_80, %dma_wait3A_81] : memref<32x80x128xi32, #tpu.memory_space<hbm>> -> memref<1x80x128xi32, #tpu.memory_space<hbm>>
      %dma_wait3A_83 = tpu.memref_squeeze %dma_wait3A_82 : memref<1x80x128xi32, #tpu.memory_space<hbm>> -> memref<80x128xi32, #tpu.memory_space<hbm>>
      %dma_wait3A_84 = arith.constant 0 : i32
      %dma_wait3A_85 = arith.constant 0 : i32
      %dma_wait3A_86 = tpu.memref_slice %arg3[%add3A, %dma_wait3A_84, %dma_wait3A_85] : memref<32x80x128xi32, #tpu.memory_space<hbm>> -> memref<1x80x128xi32, #tpu.memory_space<hbm>>
      %dma_wait3A_87 = tpu.memref_squeeze %dma_wait3A_86 : memref<1x80x128xi32, #tpu.memory_space<hbm>> -> memref<80x128xi32, #tpu.memory_space<hbm>>
      tpu.wait_dma2 semaphore(%run_scoped3A : memref<!tpu.dma_semaphore, #tpu.memory_space<semaphore_mem>>) src(%dma_wait3A_87 : memref<80x128xi32, #tpu.memory_space<hbm>>) dst(%arg7 : memref<80x128xi32, #tpu.memory_space<vmem>>)
      tpu.yield
    }) : () -> ()
    "tpu.region"() ({
      %run_scoped3A = tpu.sem_alloc : memref<!tpu.dma_semaphore, #tpu.memory_space<semaphore_mem>>
      %dma_start3A_72 = arith.constant 0 : i32
      %dma_start3A_73 = arith.constant 0 : i32
      %dma_start3A_74 = tpu.memref_slice %arg4[%add3A, %dma_start3A_72, %dma_start3A_73] : memref<32x80x128xi32, #tpu.memory_space<hbm>> -> memref<1x80x128xi32, #tpu.memory_space<hbm>>
      %dma_start3A_75 = tpu.memref_squeeze %dma_start3A_74 : memref<1x80x128xi32, #tpu.memory_space<hbm>> -> memref<80x128xi32, #tpu.memory_space<hbm>>
      %dma_start3A_76 = arith.constant 0 : i32
      %dma_start3A_77 = arith.constant 0 : i32
      %dma_start3A_78 = tpu.memref_slice %arg4[%add3A, %dma_start3A_76, %dma_start3A_77] : memref<32x80x128xi32, #tpu.memory_space<hbm>> -> memref<1x80x128xi32, #tpu.memory_space<hbm>>
      %dma_start3A_79 = tpu.memref_squeeze %dma_start3A_78 : memref<1x80x128xi32, #tpu.memory_space<hbm>> -> memref<80x128xi32, #tpu.memory_space<hbm>>
      tpu.enqueue_dma source(%dma_start3A_79 : memref<80x128xi32, #tpu.memory_space<hbm>>) target(%arg8 : memref<80x128xi32, #tpu.memory_space<vmem>>) target_semaphore(%run_scoped3A : memref<!tpu.dma_semaphore, #tpu.memory_space<semaphore_mem>>)
      %dma_wait3A_80 = arith.constant 0 : i32
      %dma_wait3A_81 = arith.constant 0 : i32
      %dma_wait3A_82 = tpu.memref_slice %arg4[%add3A, %dma_wait3A_80, %dma_wait3A_81] : memref<32x80x128xi32, #tpu.memory_space<hbm>> -> memref<1x80x128xi32, #tpu.memory_space<hbm>>
      %dma_wait3A_83 = tpu.memref_squeeze %dma_wait3A_82 : memref<1x80x128xi32, #tpu.memory_space<hbm>> -> memref<80x128xi32, #tpu.memory_space<hbm>>
      %dma_wait3A_84 = arith.constant 0 : i32
      %dma_wait3A_85 = arith.constant 0 : i32
      %dma_wait3A_86 = tpu.memref_slice %arg4[%add3A, %dma_wait3A_84, %dma_wait3A_85] : memref<32x80x128xi32, #tpu.memory_space<hbm>> -> memref<1x80x128xi32, #tpu.memory_space<hbm>>
      %dma_wait3A_87 = tpu.memref_squeeze %dma_wait3A_86 : memref<1x80x128xi32, #tpu.memory_space<hbm>> -> memref<80x128xi32, #tpu.memory_space<hbm>>
      tpu.wait_dma2 semaphore(%run_scoped3A : memref<!tpu.dma_semaphore, #tpu.memory_space<semaphore_mem>>) src(%dma_wait3A_87 : memref<80x128xi32, #tpu.memory_space<hbm>>) dst(%arg8 : memref<80x128xi32, #tpu.memory_space<vmem>>)
      tpu.yield
    }) : () -> ()
    %dma_start3A = arith.constant 0 : i32
    %dma_start3A_1 = arith.constant 0 : i32
    %dma_start3A_2 = arith.constant 0 : i32
    %dma_start3A_3 = arith.constant 0 : i32
    %dma_start3A_4 = arith.constant 0 : i32
    %dma_start3A_5 = tpu.memref_slice %arg9[%dma_start3A_1, %dma_start3A_3, %dma_start3A_4] : memref<4x128x64xf32, #tpu.memory_space<vmem>> -> memref<1x128x64xf32, #tpu.memory_space<vmem>>
    %dma_start3A_6 = tpu.memref_squeeze %dma_start3A_5 : memref<1x128x64xf32, #tpu.memory_space<vmem>> -> memref<128x64xf32, #tpu.memory_space<vmem>>
    %dma_start3A_7 = arith.constant 0 : i32
    %dma_start3A_8 = tpu.memref_slice %arg7[%dma_start3A, %dma_start3A_7] : memref<80x128xi32, #tpu.memory_space<vmem>> -> memref<1x128xi32, #tpu.memory_space<vmem>>
    %dma_start3A_9 = tpu.memref_squeeze %dma_start3A_8 : memref<1x128xi32, #tpu.memory_space<vmem>> -> memref<128xi32, #tpu.memory_space<vmem>>
    %dma_start3A_10 = arith.constant 0 : i32
    %dma_start3A_11 = arith.constant 0 : i32
    %dma_start3A_12 = tpu.memref_slice %arg2[%dma_start3A_10, %dma_start3A_11] : memref<10240x64xf32, #tpu.memory_space<hbm>> -> memref<10240x64xf32, #tpu.memory_space<hbm>>
    %dma_start3A_13 = tpu.memref_slice %arg11[%dma_start3A_2] : memref<4x!tpu.dma_semaphore, #tpu.memory_space<semaphore_mem>> -> memref<1x!tpu.dma_semaphore, #tpu.memory_space<semaphore_mem>>
    %dma_start3A_14 = tpu.memref_squeeze %dma_start3A_13 : memref<1x!tpu.dma_semaphore, #tpu.memory_space<semaphore_mem>> -> memref<!tpu.dma_semaphore, #tpu.memory_space<semaphore_mem>>
    tpu.enqueue_indirect_dma source(%dma_start3A_12 : memref<10240x64xf32, #tpu.memory_space<hbm>>) target(%dma_start3A_6 : memref<128x64xf32, #tpu.memory_space<vmem>>) offsets(%dma_start3A_9 : memref<128xi32, #tpu.memory_space<vmem>>) semaphore(%dma_start3A_14 : memref<!tpu.dma_semaphore, #tpu.memory_space<semaphore_mem>>)
    %dma_start3A_15 = arith.constant 1 : i32
    %dma_start3A_16 = arith.constant 1 : i32
    %dma_start3A_17 = arith.constant 1 : i32
    %dma_start3A_18 = arith.constant 0 : i32
    %dma_start3A_19 = arith.constant 0 : i32
    %dma_start3A_20 = tpu.memref_slice %arg9[%dma_start3A_16, %dma_start3A_18, %dma_start3A_19] : memref<4x128x64xf32, #tpu.memory_space<vmem>> -> memref<1x128x64xf32, #tpu.memory_space<vmem>>
    %dma_start3A_21 = tpu.memref_squeeze %dma_start3A_20 : memref<1x128x64xf32, #tpu.memory_space<vmem>> -> memref<128x64xf32, #tpu.memory_space<vmem>>
    %dma_start3A_22 = arith.constant 0 : i32
    %dma_start3A_23 = tpu.memref_slice %arg7[%dma_start3A_15, %dma_start3A_22] : memref<80x128xi32, #tpu.memory_space<vmem>> -> memref<1x128xi32, #tpu.memory_space<vmem>>
    %dma_start3A_24 = tpu.memref_squeeze %dma_start3A_23 : memref<1x128xi32, #tpu.memory_space<vmem>> -> memref<128xi32, #tpu.memory_space<vmem>>
    %dma_start3A_25 = arith.constant 0 : i32
    %dma_start3A_26 = arith.constant 0 : i32
    %dma_start3A_27 = tpu.memref_slice %arg2[%dma_start3A_25, %dma_start3A_26] : memref<10240x64xf32, #tpu.memory_space<hbm>> -> memref<10240x64xf32, #tpu.memory_space<hbm>>
    %dma_start3A_28 = tpu.memref_slice %arg11[%dma_start3A_17] : memref<4x!tpu.dma_semaphore, #tpu.memory_space<semaphore_mem>> -> memref<1x!tpu.dma_semaphore, #tpu.memory_space<semaphore_mem>>
    %dma_start3A_29 = tpu.memref_squeeze %dma_start3A_28 : memref<1x!tpu.dma_semaphore, #tpu.memory_space<semaphore_mem>> -> memref<!tpu.dma_semaphore, #tpu.memory_space<semaphore_mem>>
    tpu.enqueue_indirect_dma source(%dma_start3A_27 : memref<10240x64xf32, #tpu.memory_space<hbm>>) target(%dma_start3A_21 : memref<128x64xf32, #tpu.memory_space<vmem>>) offsets(%dma_start3A_24 : memref<128xi32, #tpu.memory_space<vmem>>) semaphore(%dma_start3A_29 : memref<!tpu.dma_semaphore, #tpu.memory_space<semaphore_mem>>)
    %dma_start3A_30 = arith.constant 2 : i32
    %dma_start3A_31 = arith.constant 2 : i32
    %dma_start3A_32 = arith.constant 2 : i32
    %dma_start3A_33 = arith.constant 0 : i32
    %dma_start3A_34 = arith.constant 0 : i32
    %dma_start3A_35 = tpu.memref_slice %arg9[%dma_start3A_31, %dma_start3A_33, %dma_start3A_34] : memref<4x128x64xf32, #tpu.memory_space<vmem>> -> memref<1x128x64xf32, #tpu.memory_space<vmem>>
    %dma_start3A_36 = tpu.memref_squeeze %dma_start3A_35 : memref<1x128x64xf32, #tpu.memory_space<vmem>> -> memref<128x64xf32, #tpu.memory_space<vmem>>
    %dma_start3A_37 = arith.constant 0 : i32
    %dma_start3A_38 = tpu.memref_slice %arg7[%dma_start3A_30, %dma_start3A_37] : memref<80x128xi32, #tpu.memory_space<vmem>> -> memref<1x128xi32, #tpu.memory_space<vmem>>
    %dma_start3A_39 = tpu.memref_squeeze %dma_start3A_38 : memref<1x128xi32, #tpu.memory_space<vmem>> -> memref<128xi32, #tpu.memory_space<vmem>>
    %dma_start3A_40 = arith.constant 0 : i32
    %dma_start3A_41 = arith.constant 0 : i32
    %dma_start3A_42 = tpu.memref_slice %arg2[%dma_start3A_40, %dma_start3A_41] : memref<10240x64xf32, #tpu.memory_space<hbm>> -> memref<10240x64xf32, #tpu.memory_space<hbm>>
    %dma_start3A_43 = tpu.memref_slice %arg11[%dma_start3A_32] : memref<4x!tpu.dma_semaphore, #tpu.memory_space<semaphore_mem>> -> memref<1x!tpu.dma_semaphore, #tpu.memory_space<semaphore_mem>>
    %dma_start3A_44 = tpu.memref_squeeze %dma_start3A_43 : memref<1x!tpu.dma_semaphore, #tpu.memory_space<semaphore_mem>> -> memref<!tpu.dma_semaphore, #tpu.memory_space<semaphore_mem>>
    tpu.enqueue_indirect_dma source(%dma_start3A_42 : memref<10240x64xf32, #tpu.memory_space<hbm>>) target(%dma_start3A_36 : memref<128x64xf32, #tpu.memory_space<vmem>>) offsets(%dma_start3A_39 : memref<128xi32, #tpu.memory_space<vmem>>) semaphore(%dma_start3A_44 : memref<!tpu.dma_semaphore, #tpu.memory_space<semaphore_mem>>)
    %eq3A = arith.constant 0 : i32
    %eq3A_45 = arith.cmpi eq, %arg1, %eq3A : i32
    %convert_element_type3A = arith.extui %eq3A_45 : i1 to i32
    %cond3A = arith.constant 0 : i32
    %cond3A_46 = arith.cmpi ne, %convert_element_type3A, %cond3A : i32
    scf.if %cond3A_46 {
      "tpu.region"() ({
        %run_scoped3A = tpu.sem_alloc : memref<!tpu.dma_semaphore, #tpu.memory_space<semaphore_mem>>
        tpu.enqueue_dma source(%arg5 : memref<10240x64xf32, #tpu.memory_space<hbm>>) target(%arg10 : memref<10240x64xf32, #tpu.memory_space<vmem_shared>>) target_semaphore(%run_scoped3A : memref<!tpu.dma_semaphore, #tpu.memory_space<semaphore_mem>>)
        tpu.wait_dma2 semaphore(%run_scoped3A : memref<!tpu.dma_semaphore, #tpu.memory_space<semaphore_mem>>) src(%arg5 : memref<10240x64xf32, #tpu.memory_space<hbm>>) dst(%arg10 : memref<10240x64xf32, #tpu.memory_space<vmem_shared>>)
        tpu.yield
      }) : () -> ()
    } else {
    }
    %barrier3A = arith.constant 0 : index
    tpu.barrier barrier_id(%barrier3A)
    %scan3A = arith.constant 0 : i32
    %scan3A_47 = arith.constant 0 : i32
    %scan3A_48 = arith.constant 20 : i32
    %scan3A_49 = arith.addi %scan3A_47, %scan3A_48 : i32
    %scan3A_50 = arith.constant 1 : i32
    scf.for %scan3A_72 = %scan3A_47 to %scan3A_49 step %scan3A_50  : i32 {
      %mul3A_73 = arith.constant 4 : i32
      %mul3A_74 = arith.muli %scan3A_72, %mul3A_73 : i32
      %add3A_75 = arith.constant 0 : i32
      %add3A_76 = arith.addi %mul3A_74, %add3A_75 : i32
      %dma_wait3A_77 = arith.constant 0 : i32
      %dma_wait3A_78 = arith.constant 0 : i32
      %dma_wait3A_79 = arith.constant 0 : i32
      %dma_wait3A_80 = arith.constant 0 : i32
      %dma_wait3A_81 = tpu.memref_slice %arg9[%dma_wait3A_77, %dma_wait3A_79, %dma_wait3A_80] : memref<4x128x64xf32, #tpu.memory_space<vmem>> -> memref<1x128x64xf32, #tpu.memory_space<vmem>>
      %dma_wait3A_82 = tpu.memref_squeeze %dma_wait3A_81 : memref<1x128x64xf32, #tpu.memory_space<vmem>> -> memref<128x64xf32, #tpu.memory_space<vmem>>
      %dma_wait3A_83 = arith.constant 0 : i32
      %dma_wait3A_84 = tpu.memref_slice %arg7[%add3A_76, %dma_wait3A_83] : memref<80x128xi32, #tpu.memory_space<vmem>> -> memref<1x128xi32, #tpu.memory_space<vmem>>
      %dma_wait3A_85 = tpu.memref_squeeze %dma_wait3A_84 : memref<1x128xi32, #tpu.memory_space<vmem>> -> memref<128xi32, #tpu.memory_space<vmem>>
      %dma_wait3A_86 = arith.constant 0 : i32
      %dma_wait3A_87 = arith.constant 0 : i32
      %dma_wait3A_88 = tpu.memref_slice %arg2[%dma_wait3A_86, %dma_wait3A_87] : memref<10240x64xf32, #tpu.memory_space<hbm>> -> memref<10240x64xf32, #tpu.memory_space<hbm>>
      %dma_wait3A_89 = tpu.memref_slice %arg11[%dma_wait3A_78] : memref<4x!tpu.dma_semaphore, #tpu.memory_space<semaphore_mem>> -> memref<1x!tpu.dma_semaphore, #tpu.memory_space<semaphore_mem>>
      %dma_wait3A_90 = tpu.memref_squeeze %dma_wait3A_89 : memref<1x!tpu.dma_semaphore, #tpu.memory_space<semaphore_mem>> -> memref<!tpu.dma_semaphore, #tpu.memory_space<semaphore_mem>>
      tpu.wait_indirect_dma semaphore(%dma_wait3A_90 : memref<!tpu.dma_semaphore, #tpu.memory_space<semaphore_mem>>) src(%dma_wait3A_88 : memref<10240x64xf32, #tpu.memory_space<hbm>>) dst(%dma_wait3A_82 : memref<128x64xf32, #tpu.memory_space<vmem>>)
      %dma_start3A_91 = arith.constant 0 : i32
      %dma_start3A_92 = arith.constant 0 : i32
      %dma_start3A_93 = arith.constant 0 : i32
      %dma_start3A_94 = arith.constant 0 : i32
      %dma_start3A_95 = tpu.memref_slice %arg9[%dma_start3A_91, %dma_start3A_93, %dma_start3A_94] : memref<4x128x64xf32, #tpu.memory_space<vmem>> -> memref<1x128x64xf32, #tpu.memory_space<vmem>>
      %dma_start3A_96 = tpu.memref_squeeze %dma_start3A_95 : memref<1x128x64xf32, #tpu.memory_space<vmem>> -> memref<128x64xf32, #tpu.memory_space<vmem>>
      %dma_start3A_97 = arith.constant 0 : i32
      %dma_start3A_98 = tpu.memref_slice %arg8[%add3A_76, %dma_start3A_97] : memref<80x128xi32, #tpu.memory_space<vmem>> -> memref<1x128xi32, #tpu.memory_space<vmem>>
      %dma_start3A_99 = tpu.memref_squeeze %dma_start3A_98 : memref<1x128xi32, #tpu.memory_space<vmem>> -> memref<128xi32, #tpu.memory_space<vmem>>
      %dma_start3A_100 = arith.constant 0 : i32
      %dma_start3A_101 = arith.constant 0 : i32
      %dma_start3A_102 = tpu.memref_slice %arg10[%dma_start3A_100, %dma_start3A_101] : memref<10240x64xf32, #tpu.memory_space<vmem_shared>> -> memref<10240x64xf32, #tpu.memory_space<vmem_shared>>
      %dma_start3A_103 = tpu.memref_slice %arg12[%dma_start3A_92] : memref<4x!tpu.dma_semaphore, #tpu.memory_space<semaphore_mem>> -> memref<1x!tpu.dma_semaphore, #tpu.memory_space<semaphore_mem>>
      %dma_start3A_104 = tpu.memref_squeeze %dma_start3A_103 : memref<1x!tpu.dma_semaphore, #tpu.memory_space<semaphore_mem>> -> memref<!tpu.dma_semaphore, #tpu.memory_space<semaphore_mem>>
      tpu.enqueue_indirect_dma source(%dma_start3A_96 : memref<128x64xf32, #tpu.memory_space<vmem>>) target(%dma_start3A_102 : memref<10240x64xf32, #tpu.memory_space<vmem_shared>>) offsets(%dma_start3A_99 : memref<128xi32, #tpu.memory_space<vmem>>) semaphore(%dma_start3A_104 : memref<!tpu.dma_semaphore, #tpu.memory_space<semaphore_mem>>) {add = true}
      %ge3A = arith.constant 1 : i32
      %ge3A_105 = arith.cmpi sge, %add3A_76, %ge3A : i32
      %convert_element_type3A_106 = arith.extui %ge3A_105 : i1 to i32
      %cond3A_107 = arith.constant 0 : i32
      %cond3A_108 = arith.cmpi ne, %convert_element_type3A_106, %cond3A_107 : i32
      scf.if %cond3A_108 {
        %sub3A = arith.constant 1 : i32
        %sub3A_247 = arith.subi %add3A_76, %sub3A : i32
        %dma_wait3A_248 = arith.constant 3 : i32
        %dma_wait3A_249 = arith.constant 3 : i32
        %dma_wait3A_250 = arith.constant 0 : i32
        %dma_wait3A_251 = arith.constant 0 : i32
        %dma_wait3A_252 = tpu.memref_slice %arg9[%dma_wait3A_248, %dma_wait3A_250, %dma_wait3A_251] : memref<4x128x64xf32, #tpu.memory_space<vmem>> -> memref<1x128x64xf32, #tpu.memory_space<vmem>>
        %dma_wait3A_253 = tpu.memref_squeeze %dma_wait3A_252 : memref<1x128x64xf32, #tpu.memory_space<vmem>> -> memref<128x64xf32, #tpu.memory_space<vmem>>
        %dma_wait3A_254 = arith.constant 0 : i32
        %dma_wait3A_255 = tpu.memref_slice %arg8[%sub3A_247, %dma_wait3A_254] : memref<80x128xi32, #tpu.memory_space<vmem>> -> memref<1x128xi32, #tpu.memory_space<vmem>>
        %dma_wait3A_256 = tpu.memref_squeeze %dma_wait3A_255 : memref<1x128xi32, #tpu.memory_space<vmem>> -> memref<128xi32, #tpu.memory_space<vmem>>
        %dma_wait3A_257 = arith.constant 0 : i32
        %dma_wait3A_258 = arith.constant 0 : i32
        %dma_wait3A_259 = tpu.memref_slice %arg10[%dma_wait3A_257, %dma_wait3A_258] : memref<10240x64xf32, #tpu.memory_space<vmem_shared>> -> memref<10240x64xf32, #tpu.memory_space<vmem_shared>>
        %dma_wait3A_260 = tpu.memref_slice %arg12[%dma_wait3A_249] : memref<4x!tpu.dma_semaphore, #tpu.memory_space<semaphore_mem>> -> memref<1x!tpu.dma_semaphore, #tpu.memory_space<semaphore_mem>>
        %dma_wait3A_261 = tpu.memref_squeeze %dma_wait3A_260 : memref<1x!tpu.dma_semaphore, #tpu.memory_space<semaphore_mem>> -> memref<!tpu.dma_semaphore, #tpu.memory_space<semaphore_mem>>
        tpu.wait_indirect_dma semaphore(%dma_wait3A_261 : memref<!tpu.dma_semaphore, #tpu.memory_space<semaphore_mem>>) src(%dma_wait3A_253 : memref<128x64xf32, #tpu.memory_space<vmem>>) dst(%dma_wait3A_259 : memref<10240x64xf32, #tpu.memory_space<vmem_shared>>)
      } else {
      }
      %add3A_109 = arith.constant 3 : i32
      %add3A_110 = arith.addi %add3A_76, %add3A_109 : i32
      %lt3A = arith.constant 80 : i32
      %lt3A_111 = arith.cmpi slt, %add3A_110, %lt3A : i32
      %convert_element_type3A_112 = arith.extui %lt3A_111 : i1 to i32
      %cond3A_113 = arith.constant 0 : i32
      %cond3A_114 = arith.cmpi ne, %convert_element_type3A_112, %cond3A_113 : i32
      scf.if %cond3A_114 {
        %add3A_247 = arith.constant 3 : i32
        %add3A_248 = arith.addi %add3A_76, %add3A_247 : i32
        %dma_start3A_249 = arith.constant 3 : i32
        %dma_start3A_250 = arith.constant 3 : i32
        %dma_start3A_251 = arith.constant 0 : i32
        %dma_start3A_252 = arith.constant 0 : i32
        %dma_start3A_253 = tpu.memref_slice %arg9[%dma_start3A_249, %dma_start3A_251, %dma_start3A_252] : memref<4x128x64xf32, #tpu.memory_space<vmem>> -> memref<1x128x64xf32, #tpu.memory_space<vmem>>
        %dma_start3A_254 = tpu.memref_squeeze %dma_start3A_253 : memref<1x128x64xf32, #tpu.memory_space<vmem>> -> memref<128x64xf32, #tpu.memory_space<vmem>>
        %dma_start3A_255 = arith.constant 0 : i32
        %dma_start3A_256 = tpu.memref_slice %arg7[%add3A_248, %dma_start3A_255] : memref<80x128xi32, #tpu.memory_space<vmem>> -> memref<1x128xi32, #tpu.memory_space<vmem>>
        %dma_start3A_257 = tpu.memref_squeeze %dma_start3A_256 : memref<1x128xi32, #tpu.memory_space<vmem>> -> memref<128xi32, #tpu.memory_space<vmem>>
        %dma_start3A_258 = arith.constant 0 : i32
        %dma_start3A_259 = arith.constant 0 : i32
        %dma_start3A_260 = tpu.memref_slice %arg2[%dma_start3A_258, %dma_start3A_259] : memref<10240x64xf32, #tpu.memory_space<hbm>> -> memref<10240x64xf32, #tpu.memory_space<hbm>>
        %dma_start3A_261 = tpu.memref_slice %arg11[%dma_start3A_250] : memref<4x!tpu.dma_semaphore, #tpu.memory_space<semaphore_mem>> -> memref<1x!tpu.dma_semaphore, #tpu.memory_space<semaphore_mem>>
        %dma_start3A_262 = tpu.memref_squeeze %dma_start3A_261 : memref<1x!tpu.dma_semaphore, #tpu.memory_space<semaphore_mem>> -> memref<!tpu.dma_semaphore, #tpu.memory_space<semaphore_mem>>
        tpu.enqueue_indirect_dma source(%dma_start3A_260 : memref<10240x64xf32, #tpu.memory_space<hbm>>) target(%dma_start3A_254 : memref<128x64xf32, #tpu.memory_space<vmem>>) offsets(%dma_start3A_257 : memref<128xi32, #tpu.memory_space<vmem>>) semaphore(%dma_start3A_262 : memref<!tpu.dma_semaphore, #tpu.memory_space<semaphore_mem>>)
      } else {
      }
      %mul3A_115 = arith.constant 4 : i32
      %mul3A_116 = arith.muli %scan3A_72, %mul3A_115 : i32
      %add3A_117 = arith.constant 1 : i32
      %add3A_118 = arith.addi %mul3A_116, %add3A_117 : i32
      %dma_wait3A_119 = arith.constant 1 : i32
      %dma_wait3A_120 = arith.constant 1 : i32
      %dma_wait3A_121 = arith.constant 0 : i32
      %dma_wait3A_122 = arith.constant 0 : i32
      %dma_wait3A_123 = tpu.memref_slice %arg9[%dma_wait3A_119, %dma_wait3A_121, %dma_wait3A_122] : memref<4x128x64xf32, #tpu.memory_space<vmem>> -> memref<1x128x64xf32, #tpu.memory_space<vmem>>
      %dma_wait3A_124 = tpu.memref_squeeze %dma_wait3A_123 : memref<1x128x64xf32, #tpu.memory_space<vmem>> -> memref<128x64xf32, #tpu.memory_space<vmem>>
      %dma_wait3A_125 = arith.constant 0 : i32
      %dma_wait3A_126 = tpu.memref_slice %arg7[%add3A_118, %dma_wait3A_125] : memref<80x128xi32, #tpu.memory_space<vmem>> -> memref<1x128xi32, #tpu.memory_space<vmem>>
      %dma_wait3A_127 = tpu.memref_squeeze %dma_wait3A_126 : memref<1x128xi32, #tpu.memory_space<vmem>> -> memref<128xi32, #tpu.memory_space<vmem>>
      %dma_wait3A_128 = arith.constant 0 : i32
      %dma_wait3A_129 = arith.constant 0 : i32
      %dma_wait3A_130 = tpu.memref_slice %arg2[%dma_wait3A_128, %dma_wait3A_129] : memref<10240x64xf32, #tpu.memory_space<hbm>> -> memref<10240x64xf32, #tpu.memory_space<hbm>>
      %dma_wait3A_131 = tpu.memref_slice %arg11[%dma_wait3A_120] : memref<4x!tpu.dma_semaphore, #tpu.memory_space<semaphore_mem>> -> memref<1x!tpu.dma_semaphore, #tpu.memory_space<semaphore_mem>>
      %dma_wait3A_132 = tpu.memref_squeeze %dma_wait3A_131 : memref<1x!tpu.dma_semaphore, #tpu.memory_space<semaphore_mem>> -> memref<!tpu.dma_semaphore, #tpu.memory_space<semaphore_mem>>
      tpu.wait_indirect_dma semaphore(%dma_wait3A_132 : memref<!tpu.dma_semaphore, #tpu.memory_space<semaphore_mem>>) src(%dma_wait3A_130 : memref<10240x64xf32, #tpu.memory_space<hbm>>) dst(%dma_wait3A_124 : memref<128x64xf32, #tpu.memory_space<vmem>>)
      %dma_start3A_133 = arith.constant 1 : i32
      %dma_start3A_134 = arith.constant 1 : i32
      %dma_start3A_135 = arith.constant 0 : i32
      %dma_start3A_136 = arith.constant 0 : i32
      %dma_start3A_137 = tpu.memref_slice %arg9[%dma_start3A_133, %dma_start3A_135, %dma_start3A_136] : memref<4x128x64xf32, #tpu.memory_space<vmem>> -> memref<1x128x64xf32, #tpu.memory_space<vmem>>
      %dma_start3A_138 = tpu.memref_squeeze %dma_start3A_137 : memref<1x128x64xf32, #tpu.memory_space<vmem>> -> memref<128x64xf32, #tpu.memory_space<vmem>>
      %dma_start3A_139 = arith.constant 0 : i32
      %dma_start3A_140 = tpu.memref_slice %arg8[%add3A_118, %dma_start3A_139] : memref<80x128xi32, #tpu.memory_space<vmem>> -> memref<1x128xi32, #tpu.memory_space<vmem>>
      %dma_start3A_141 = tpu.memref_squeeze %dma_start3A_140 : memref<1x128xi32, #tpu.memory_space<vmem>> -> memref<128xi32, #tpu.memory_space<vmem>>
      %dma_start3A_142 = arith.constant 0 : i32
      %dma_start3A_143 = arith.constant 0 : i32
      %dma_start3A_144 = tpu.memref_slice %arg10[%dma_start3A_142, %dma_start3A_143] : memref<10240x64xf32, #tpu.memory_space<vmem_shared>> -> memref<10240x64xf32, #tpu.memory_space<vmem_shared>>
      %dma_start3A_145 = tpu.memref_slice %arg12[%dma_start3A_134] : memref<4x!tpu.dma_semaphore, #tpu.memory_space<semaphore_mem>> -> memref<1x!tpu.dma_semaphore, #tpu.memory_space<semaphore_mem>>
      %dma_start3A_146 = tpu.memref_squeeze %dma_start3A_145 : memref<1x!tpu.dma_semaphore, #tpu.memory_space<semaphore_mem>> -> memref<!tpu.dma_semaphore, #tpu.memory_space<semaphore_mem>>
      tpu.enqueue_indirect_dma source(%dma_start3A_138 : memref<128x64xf32, #tpu.memory_space<vmem>>) target(%dma_start3A_144 : memref<10240x64xf32, #tpu.memory_space<vmem_shared>>) offsets(%dma_start3A_141 : memref<128xi32, #tpu.memory_space<vmem>>) semaphore(%dma_start3A_146 : memref<!tpu.dma_semaphore, #tpu.memory_space<semaphore_mem>>) {add = true}
      %ge3A_147 = arith.constant 1 : i32
      %ge3A_148 = arith.cmpi sge, %add3A_118, %ge3A_147 : i32
      %convert_element_type3A_149 = arith.extui %ge3A_148 : i1 to i32
      %cond3A_150 = arith.constant 0 : i32
      %cond3A_151 = arith.cmpi ne, %convert_element_type3A_149, %cond3A_150 : i32
      scf.if %cond3A_151 {
        %sub3A = arith.constant 1 : i32
        %sub3A_247 = arith.subi %add3A_118, %sub3A : i32
        %dma_wait3A_248 = arith.constant 0 : i32
        %dma_wait3A_249 = arith.constant 0 : i32
        %dma_wait3A_250 = arith.constant 0 : i32
        %dma_wait3A_251 = arith.constant 0 : i32
        %dma_wait3A_252 = tpu.memref_slice %arg9[%dma_wait3A_248, %dma_wait3A_250, %dma_wait3A_251] : memref<4x128x64xf32, #tpu.memory_space<vmem>> -> memref<1x128x64xf32, #tpu.memory_space<vmem>>
        %dma_wait3A_253 = tpu.memref_squeeze %dma_wait3A_252 : memref<1x128x64xf32, #tpu.memory_space<vmem>> -> memref<128x64xf32, #tpu.memory_space<vmem>>
        %dma_wait3A_254 = arith.constant 0 : i32
        %dma_wait3A_255 = tpu.memref_slice %arg8[%sub3A_247, %dma_wait3A_254] : memref<80x128xi32, #tpu.memory_space<vmem>> -> memref<1x128xi32, #tpu.memory_space<vmem>>
        %dma_wait3A_256 = tpu.memref_squeeze %dma_wait3A_255 : memref<1x128xi32, #tpu.memory_space<vmem>> -> memref<128xi32, #tpu.memory_space<vmem>>
        %dma_wait3A_257 = arith.constant 0 : i32
        %dma_wait3A_258 = arith.constant 0 : i32
        %dma_wait3A_259 = tpu.memref_slice %arg10[%dma_wait3A_257, %dma_wait3A_258] : memref<10240x64xf32, #tpu.memory_space<vmem_shared>> -> memref<10240x64xf32, #tpu.memory_space<vmem_shared>>
        %dma_wait3A_260 = tpu.memref_slice %arg12[%dma_wait3A_249] : memref<4x!tpu.dma_semaphore, #tpu.memory_space<semaphore_mem>> -> memref<1x!tpu.dma_semaphore, #tpu.memory_space<semaphore_mem>>
        %dma_wait3A_261 = tpu.memref_squeeze %dma_wait3A_260 : memref<1x!tpu.dma_semaphore, #tpu.memory_space<semaphore_mem>> -> memref<!tpu.dma_semaphore, #tpu.memory_space<semaphore_mem>>
        tpu.wait_indirect_dma semaphore(%dma_wait3A_261 : memref<!tpu.dma_semaphore, #tpu.memory_space<semaphore_mem>>) src(%dma_wait3A_253 : memref<128x64xf32, #tpu.memory_space<vmem>>) dst(%dma_wait3A_259 : memref<10240x64xf32, #tpu.memory_space<vmem_shared>>)
      } else {
      }
      %add3A_152 = arith.constant 3 : i32
      %add3A_153 = arith.addi %add3A_118, %add3A_152 : i32
      %lt3A_154 = arith.constant 80 : i32
      %lt3A_155 = arith.cmpi slt, %add3A_153, %lt3A_154 : i32
      %convert_element_type3A_156 = arith.extui %lt3A_155 : i1 to i32
      %cond3A_157 = arith.constant 0 : i32
      %cond3A_158 = arith.cmpi ne, %convert_element_type3A_156, %cond3A_157 : i32
      scf.if %cond3A_158 {
        %add3A_247 = arith.constant 3 : i32
        %add3A_248 = arith.addi %add3A_118, %add3A_247 : i32
        %dma_start3A_249 = arith.constant 0 : i32
        %dma_start3A_250 = arith.constant 0 : i32
        %dma_start3A_251 = arith.constant 0 : i32
        %dma_start3A_252 = arith.constant 0 : i32
        %dma_start3A_253 = tpu.memref_slice %arg9[%dma_start3A_249, %dma_start3A_251, %dma_start3A_252] : memref<4x128x64xf32, #tpu.memory_space<vmem>> -> memref<1x128x64xf32, #tpu.memory_space<vmem>>
        %dma_start3A_254 = tpu.memref_squeeze %dma_start3A_253 : memref<1x128x64xf32, #tpu.memory_space<vmem>> -> memref<128x64xf32, #tpu.memory_space<vmem>>
        %dma_start3A_255 = arith.constant 0 : i32
        %dma_start3A_256 = tpu.memref_slice %arg7[%add3A_248, %dma_start3A_255] : memref<80x128xi32, #tpu.memory_space<vmem>> -> memref<1x128xi32, #tpu.memory_space<vmem>>
        %dma_start3A_257 = tpu.memref_squeeze %dma_start3A_256 : memref<1x128xi32, #tpu.memory_space<vmem>> -> memref<128xi32, #tpu.memory_space<vmem>>
        %dma_start3A_258 = arith.constant 0 : i32
        %dma_start3A_259 = arith.constant 0 : i32
        %dma_start3A_260 = tpu.memref_slice %arg2[%dma_start3A_258, %dma_start3A_259] : memref<10240x64xf32, #tpu.memory_space<hbm>> -> memref<10240x64xf32, #tpu.memory_space<hbm>>
        %dma_start3A_261 = tpu.memref_slice %arg11[%dma_start3A_250] : memref<4x!tpu.dma_semaphore, #tpu.memory_space<semaphore_mem>> -> memref<1x!tpu.dma_semaphore, #tpu.memory_space<semaphore_mem>>
        %dma_start3A_262 = tpu.memref_squeeze %dma_start3A_261 : memref<1x!tpu.dma_semaphore, #tpu.memory_space<semaphore_mem>> -> memref<!tpu.dma_semaphore, #tpu.memory_space<semaphore_mem>>
        tpu.enqueue_indirect_dma source(%dma_start3A_260 : memref<10240x64xf32, #tpu.memory_space<hbm>>) target(%dma_start3A_254 : memref<128x64xf32, #tpu.memory_space<vmem>>) offsets(%dma_start3A_257 : memref<128xi32, #tpu.memory_space<vmem>>) semaphore(%dma_start3A_262 : memref<!tpu.dma_semaphore, #tpu.memory_space<semaphore_mem>>)
      } else {
      }
      %mul3A_159 = arith.constant 4 : i32
      %mul3A_160 = arith.muli %scan3A_72, %mul3A_159 : i32
      %add3A_161 = arith.constant 2 : i32
      %add3A_162 = arith.addi %mul3A_160, %add3A_161 : i32
      %dma_wait3A_163 = arith.constant 2 : i32
      %dma_wait3A_164 = arith.constant 2 : i32
      %dma_wait3A_165 = arith.constant 0 : i32
      %dma_wait3A_166 = arith.constant 0 : i32
      %dma_wait3A_167 = tpu.memref_slice %arg9[%dma_wait3A_163, %dma_wait3A_165, %dma_wait3A_166] : memref<4x128x64xf32, #tpu.memory_space<vmem>> -> memref<1x128x64xf32, #tpu.memory_space<vmem>>
      %dma_wait3A_168 = tpu.memref_squeeze %dma_wait3A_167 : memref<1x128x64xf32, #tpu.memory_space<vmem>> -> memref<128x64xf32, #tpu.memory_space<vmem>>
      %dma_wait3A_169 = arith.constant 0 : i32
      %dma_wait3A_170 = tpu.memref_slice %arg7[%add3A_162, %dma_wait3A_169] : memref<80x128xi32, #tpu.memory_space<vmem>> -> memref<1x128xi32, #tpu.memory_space<vmem>>
      %dma_wait3A_171 = tpu.memref_squeeze %dma_wait3A_170 : memref<1x128xi32, #tpu.memory_space<vmem>> -> memref<128xi32, #tpu.memory_space<vmem>>
      %dma_wait3A_172 = arith.constant 0 : i32
      %dma_wait3A_173 = arith.constant 0 : i32
      %dma_wait3A_174 = tpu.memref_slice %arg2[%dma_wait3A_172, %dma_wait3A_173] : memref<10240x64xf32, #tpu.memory_space<hbm>> -> memref<10240x64xf32, #tpu.memory_space<hbm>>
      %dma_wait3A_175 = tpu.memref_slice %arg11[%dma_wait3A_164] : memref<4x!tpu.dma_semaphore, #tpu.memory_space<semaphore_mem>> -> memref<1x!tpu.dma_semaphore, #tpu.memory_space<semaphore_mem>>
      %dma_wait3A_176 = tpu.memref_squeeze %dma_wait3A_175 : memref<1x!tpu.dma_semaphore, #tpu.memory_space<semaphore_mem>> -> memref<!tpu.dma_semaphore, #tpu.memory_space<semaphore_mem>>
      tpu.wait_indirect_dma semaphore(%dma_wait3A_176 : memref<!tpu.dma_semaphore, #tpu.memory_space<semaphore_mem>>) src(%dma_wait3A_174 : memref<10240x64xf32, #tpu.memory_space<hbm>>) dst(%dma_wait3A_168 : memref<128x64xf32, #tpu.memory_space<vmem>>)
      %dma_start3A_177 = arith.constant 2 : i32
      %dma_start3A_178 = arith.constant 2 : i32
      %dma_start3A_179 = arith.constant 0 : i32
      %dma_start3A_180 = arith.constant 0 : i32
      %dma_start3A_181 = tpu.memref_slice %arg9[%dma_start3A_177, %dma_start3A_179, %dma_start3A_180] : memref<4x128x64xf32, #tpu.memory_space<vmem>> -> memref<1x128x64xf32, #tpu.memory_space<vmem>>
      %dma_start3A_182 = tpu.memref_squeeze %dma_start3A_181 : memref<1x128x64xf32, #tpu.memory_space<vmem>> -> memref<128x64xf32, #tpu.memory_space<vmem>>
      %dma_start3A_183 = arith.constant 0 : i32
      %dma_start3A_184 = tpu.memref_slice %arg8[%add3A_162, %dma_start3A_183] : memref<80x128xi32, #tpu.memory_space<vmem>> -> memref<1x128xi32, #tpu.memory_space<vmem>>
      %dma_start3A_185 = tpu.memref_squeeze %dma_start3A_184 : memref<1x128xi32, #tpu.memory_space<vmem>> -> memref<128xi32, #tpu.memory_space<vmem>>
      %dma_start3A_186 = arith.constant 0 : i32
      %dma_start3A_187 = arith.constant 0 : i32
      %dma_start3A_188 = tpu.memref_slice %arg10[%dma_start3A_186, %dma_start3A_187] : memref<10240x64xf32, #tpu.memory_space<vmem_shared>> -> memref<10240x64xf32, #tpu.memory_space<vmem_shared>>
      %dma_start3A_189 = tpu.memref_slice %arg12[%dma_start3A_178] : memref<4x!tpu.dma_semaphore, #tpu.memory_space<semaphore_mem>> -> memref<1x!tpu.dma_semaphore, #tpu.memory_space<semaphore_mem>>
      %dma_start3A_190 = tpu.memref_squeeze %dma_start3A_189 : memref<1x!tpu.dma_semaphore, #tpu.memory_space<semaphore_mem>> -> memref<!tpu.dma_semaphore, #tpu.memory_space<semaphore_mem>>
      tpu.enqueue_indirect_dma source(%dma_start3A_182 : memref<128x64xf32, #tpu.memory_space<vmem>>) target(%dma_start3A_188 : memref<10240x64xf32, #tpu.memory_space<vmem_shared>>) offsets(%dma_start3A_185 : memref<128xi32, #tpu.memory_space<vmem>>) semaphore(%dma_start3A_190 : memref<!tpu.dma_semaphore, #tpu.memory_space<semaphore_mem>>) {add = true}
      %ge3A_191 = arith.constant 1 : i32
      %ge3A_192 = arith.cmpi sge, %add3A_162, %ge3A_191 : i32
      %convert_element_type3A_193 = arith.extui %ge3A_192 : i1 to i32
      %cond3A_194 = arith.constant 0 : i32
      %cond3A_195 = arith.cmpi ne, %convert_element_type3A_193, %cond3A_194 : i32
      scf.if %cond3A_195 {
        %sub3A = arith.constant 1 : i32
        %sub3A_247 = arith.subi %add3A_162, %sub3A : i32
        %dma_wait3A_248 = arith.constant 1 : i32
        %dma_wait3A_249 = arith.constant 1 : i32
        %dma_wait3A_250 = arith.constant 0 : i32
        %dma_wait3A_251 = arith.constant 0 : i32
        %dma_wait3A_252 = tpu.memref_slice %arg9[%dma_wait3A_248, %dma_wait3A_250, %dma_wait3A_251] : memref<4x128x64xf32, #tpu.memory_space<vmem>> -> memref<1x128x64xf32, #tpu.memory_space<vmem>>
        %dma_wait3A_253 = tpu.memref_squeeze %dma_wait3A_252 : memref<1x128x64xf32, #tpu.memory_space<vmem>> -> memref<128x64xf32, #tpu.memory_space<vmem>>
        %dma_wait3A_254 = arith.constant 0 : i32
        %dma_wait3A_255 = tpu.memref_slice %arg8[%sub3A_247, %dma_wait3A_254] : memref<80x128xi32, #tpu.memory_space<vmem>> -> memref<1x128xi32, #tpu.memory_space<vmem>>
        %dma_wait3A_256 = tpu.memref_squeeze %dma_wait3A_255 : memref<1x128xi32, #tpu.memory_space<vmem>> -> memref<128xi32, #tpu.memory_space<vmem>>
        %dma_wait3A_257 = arith.constant 0 : i32
        %dma_wait3A_258 = arith.constant 0 : i32
        %dma_wait3A_259 = tpu.memref_slice %arg10[%dma_wait3A_257, %dma_wait3A_258] : memref<10240x64xf32, #tpu.memory_space<vmem_shared>> -> memref<10240x64xf32, #tpu.memory_space<vmem_shared>>
        %dma_wait3A_260 = tpu.memref_slice %arg12[%dma_wait3A_249] : memref<4x!tpu.dma_semaphore, #tpu.memory_space<semaphore_mem>> -> memref<1x!tpu.dma_semaphore, #tpu.memory_space<semaphore_mem>>
        %dma_wait3A_261 = tpu.memref_squeeze %dma_wait3A_260 : memref<1x!tpu.dma_semaphore, #tpu.memory_space<semaphore_mem>> -> memref<!tpu.dma_semaphore, #tpu.memory_space<semaphore_mem>>
        tpu.wait_indirect_dma semaphore(%dma_wait3A_261 : memref<!tpu.dma_semaphore, #tpu.memory_space<semaphore_mem>>) src(%dma_wait3A_253 : memref<128x64xf32, #tpu.memory_space<vmem>>) dst(%dma_wait3A_259 : memref<10240x64xf32, #tpu.memory_space<vmem_shared>>)
      } else {
      }
      %add3A_196 = arith.constant 3 : i32
      %add3A_197 = arith.addi %add3A_162, %add3A_196 : i32
      %lt3A_198 = arith.constant 80 : i32
      %lt3A_199 = arith.cmpi slt, %add3A_197, %lt3A_198 : i32
      %convert_element_type3A_200 = arith.extui %lt3A_199 : i1 to i32
      %cond3A_201 = arith.constant 0 : i32
      %cond3A_202 = arith.cmpi ne, %convert_element_type3A_200, %cond3A_201 : i32
      scf.if %cond3A_202 {
        %add3A_247 = arith.constant 3 : i32
        %add3A_248 = arith.addi %add3A_162, %add3A_247 : i32
        %dma_start3A_249 = arith.constant 1 : i32
        %dma_start3A_250 = arith.constant 1 : i32
        %dma_start3A_251 = arith.constant 0 : i32
        %dma_start3A_252 = arith.constant 0 : i32
        %dma_start3A_253 = tpu.memref_slice %arg9[%dma_start3A_249, %dma_start3A_251, %dma_start3A_252] : memref<4x128x64xf32, #tpu.memory_space<vmem>> -> memref<1x128x64xf32, #tpu.memory_space<vmem>>
        %dma_start3A_254 = tpu.memref_squeeze %dma_start3A_253 : memref<1x128x64xf32, #tpu.memory_space<vmem>> -> memref<128x64xf32, #tpu.memory_space<vmem>>
        %dma_start3A_255 = arith.constant 0 : i32
        %dma_start3A_256 = tpu.memref_slice %arg7[%add3A_248, %dma_start3A_255] : memref<80x128xi32, #tpu.memory_space<vmem>> -> memref<1x128xi32, #tpu.memory_space<vmem>>
        %dma_start3A_257 = tpu.memref_squeeze %dma_start3A_256 : memref<1x128xi32, #tpu.memory_space<vmem>> -> memref<128xi32, #tpu.memory_space<vmem>>
        %dma_start3A_258 = arith.constant 0 : i32
        %dma_start3A_259 = arith.constant 0 : i32
        %dma_start3A_260 = tpu.memref_slice %arg2[%dma_start3A_258, %dma_start3A_259] : memref<10240x64xf32, #tpu.memory_space<hbm>> -> memref<10240x64xf32, #tpu.memory_space<hbm>>
        %dma_start3A_261 = tpu.memref_slice %arg11[%dma_start3A_250] : memref<4x!tpu.dma_semaphore, #tpu.memory_space<semaphore_mem>> -> memref<1x!tpu.dma_semaphore, #tpu.memory_space<semaphore_mem>>
        %dma_start3A_262 = tpu.memref_squeeze %dma_start3A_261 : memref<1x!tpu.dma_semaphore, #tpu.memory_space<semaphore_mem>> -> memref<!tpu.dma_semaphore, #tpu.memory_space<semaphore_mem>>
        tpu.enqueue_indirect_dma source(%dma_start3A_260 : memref<10240x64xf32, #tpu.memory_space<hbm>>) target(%dma_start3A_254 : memref<128x64xf32, #tpu.memory_space<vmem>>) offsets(%dma_start3A_257 : memref<128xi32, #tpu.memory_space<vmem>>) semaphore(%dma_start3A_262 : memref<!tpu.dma_semaphore, #tpu.memory_space<semaphore_mem>>)
      } else {
      }
      %mul3A_203 = arith.constant 4 : i32
      %mul3A_204 = arith.muli %scan3A_72, %mul3A_203 : i32
      %add3A_205 = arith.constant 3 : i32
      %add3A_206 = arith.addi %mul3A_204, %add3A_205 : i32
      %dma_wait3A_207 = arith.constant 3 : i32
      %dma_wait3A_208 = arith.constant 3 : i32
      %dma_wait3A_209 = arith.constant 0 : i32
      %dma_wait3A_210 = arith.constant 0 : i32
      %dma_wait3A_211 = tpu.memref_slice %arg9[%dma_wait3A_207, %dma_wait3A_209, %dma_wait3A_210] : memref<4x128x64xf32, #tpu.memory_space<vmem>> -> memref<1x128x64xf32, #tpu.memory_space<vmem>>
      %dma_wait3A_212 = tpu.memref_squeeze %dma_wait3A_211 : memref<1x128x64xf32, #tpu.memory_space<vmem>> -> memref<128x64xf32, #tpu.memory_space<vmem>>
      %dma_wait3A_213 = arith.constant 0 : i32
      %dma_wait3A_214 = tpu.memref_slice %arg7[%add3A_206, %dma_wait3A_213] : memref<80x128xi32, #tpu.memory_space<vmem>> -> memref<1x128xi32, #tpu.memory_space<vmem>>
      %dma_wait3A_215 = tpu.memref_squeeze %dma_wait3A_214 : memref<1x128xi32, #tpu.memory_space<vmem>> -> memref<128xi32, #tpu.memory_space<vmem>>
      %dma_wait3A_216 = arith.constant 0 : i32
      %dma_wait3A_217 = arith.constant 0 : i32
      %dma_wait3A_218 = tpu.memref_slice %arg2[%dma_wait3A_216, %dma_wait3A_217] : memref<10240x64xf32, #tpu.memory_space<hbm>> -> memref<10240x64xf32, #tpu.memory_space<hbm>>
      %dma_wait3A_219 = tpu.memref_slice %arg11[%dma_wait3A_208] : memref<4x!tpu.dma_semaphore, #tpu.memory_space<semaphore_mem>> -> memref<1x!tpu.dma_semaphore, #tpu.memory_space<semaphore_mem>>
      %dma_wait3A_220 = tpu.memref_squeeze %dma_wait3A_219 : memref<1x!tpu.dma_semaphore, #tpu.memory_space<semaphore_mem>> -> memref<!tpu.dma_semaphore, #tpu.memory_space<semaphore_mem>>
      tpu.wait_indirect_dma semaphore(%dma_wait3A_220 : memref<!tpu.dma_semaphore, #tpu.memory_space<semaphore_mem>>) src(%dma_wait3A_218 : memref<10240x64xf32, #tpu.memory_space<hbm>>) dst(%dma_wait3A_212 : memref<128x64xf32, #tpu.memory_space<vmem>>)
      %dma_start3A_221 = arith.constant 3 : i32
      %dma_start3A_222 = arith.constant 3 : i32
      %dma_start3A_223 = arith.constant 0 : i32
      %dma_start3A_224 = arith.constant 0 : i32
      %dma_start3A_225 = tpu.memref_slice %arg9[%dma_start3A_221, %dma_start3A_223, %dma_start3A_224] : memref<4x128x64xf32, #tpu.memory_space<vmem>> -> memref<1x128x64xf32, #tpu.memory_space<vmem>>
      %dma_start3A_226 = tpu.memref_squeeze %dma_start3A_225 : memref<1x128x64xf32, #tpu.memory_space<vmem>> -> memref<128x64xf32, #tpu.memory_space<vmem>>
      %dma_start3A_227 = arith.constant 0 : i32
      %dma_start3A_228 = tpu.memref_slice %arg8[%add3A_206, %dma_start3A_227] : memref<80x128xi32, #tpu.memory_space<vmem>> -> memref<1x128xi32, #tpu.memory_space<vmem>>
      %dma_start3A_229 = tpu.memref_squeeze %dma_start3A_228 : memref<1x128xi32, #tpu.memory_space<vmem>> -> memref<128xi32, #tpu.memory_space<vmem>>
      %dma_start3A_230 = arith.constant 0 : i32
      %dma_start3A_231 = arith.constant 0 : i32
      %dma_start3A_232 = tpu.memref_slice %arg10[%dma_start3A_230, %dma_start3A_231] : memref<10240x64xf32, #tpu.memory_space<vmem_shared>> -> memref<10240x64xf32, #tpu.memory_space<vmem_shared>>
      %dma_start3A_233 = tpu.memref_slice %arg12[%dma_start3A_222] : memref<4x!tpu.dma_semaphore, #tpu.memory_space<semaphore_mem>> -> memref<1x!tpu.dma_semaphore, #tpu.memory_space<semaphore_mem>>
      %dma_start3A_234 = tpu.memref_squeeze %dma_start3A_233 : memref<1x!tpu.dma_semaphore, #tpu.memory_space<semaphore_mem>> -> memref<!tpu.dma_semaphore, #tpu.memory_space<semaphore_mem>>
      tpu.enqueue_indirect_dma source(%dma_start3A_226 : memref<128x64xf32, #tpu.memory_space<vmem>>) target(%dma_start3A_232 : memref<10240x64xf32, #tpu.memory_space<vmem_shared>>) offsets(%dma_start3A_229 : memref<128xi32, #tpu.memory_space<vmem>>) semaphore(%dma_start3A_234 : memref<!tpu.dma_semaphore, #tpu.memory_space<semaphore_mem>>) {add = true}
      %ge3A_235 = arith.constant 1 : i32
      %ge3A_236 = arith.cmpi sge, %add3A_206, %ge3A_235 : i32
      %convert_element_type3A_237 = arith.extui %ge3A_236 : i1 to i32
      %cond3A_238 = arith.constant 0 : i32
      %cond3A_239 = arith.cmpi ne, %convert_element_type3A_237, %cond3A_238 : i32
      scf.if %cond3A_239 {
        %sub3A = arith.constant 1 : i32
        %sub3A_247 = arith.subi %add3A_206, %sub3A : i32
        %dma_wait3A_248 = arith.constant 2 : i32
        %dma_wait3A_249 = arith.constant 2 : i32
        %dma_wait3A_250 = arith.constant 0 : i32
        %dma_wait3A_251 = arith.constant 0 : i32
        %dma_wait3A_252 = tpu.memref_slice %arg9[%dma_wait3A_248, %dma_wait3A_250, %dma_wait3A_251] : memref<4x128x64xf32, #tpu.memory_space<vmem>> -> memref<1x128x64xf32, #tpu.memory_space<vmem>>
        %dma_wait3A_253 = tpu.memref_squeeze %dma_wait3A_252 : memref<1x128x64xf32, #tpu.memory_space<vmem>> -> memref<128x64xf32, #tpu.memory_space<vmem>>
        %dma_wait3A_254 = arith.constant 0 : i32
        %dma_wait3A_255 = tpu.memref_slice %arg8[%sub3A_247, %dma_wait3A_254] : memref<80x128xi32, #tpu.memory_space<vmem>> -> memref<1x128xi32, #tpu.memory_space<vmem>>
        %dma_wait3A_256 = tpu.memref_squeeze %dma_wait3A_255 : memref<1x128xi32, #tpu.memory_space<vmem>> -> memref<128xi32, #tpu.memory_space<vmem>>
        %dma_wait3A_257 = arith.constant 0 : i32
        %dma_wait3A_258 = arith.constant 0 : i32
        %dma_wait3A_259 = tpu.memref_slice %arg10[%dma_wait3A_257, %dma_wait3A_258] : memref<10240x64xf32, #tpu.memory_space<vmem_shared>> -> memref<10240x64xf32, #tpu.memory_space<vmem_shared>>
        %dma_wait3A_260 = tpu.memref_slice %arg12[%dma_wait3A_249] : memref<4x!tpu.dma_semaphore, #tpu.memory_space<semaphore_mem>> -> memref<1x!tpu.dma_semaphore, #tpu.memory_space<semaphore_mem>>
        %dma_wait3A_261 = tpu.memref_squeeze %dma_wait3A_260 : memref<1x!tpu.dma_semaphore, #tpu.memory_space<semaphore_mem>> -> memref<!tpu.dma_semaphore, #tpu.memory_space<semaphore_mem>>
        tpu.wait_indirect_dma semaphore(%dma_wait3A_261 : memref<!tpu.dma_semaphore, #tpu.memory_space<semaphore_mem>>) src(%dma_wait3A_253 : memref<128x64xf32, #tpu.memory_space<vmem>>) dst(%dma_wait3A_259 : memref<10240x64xf32, #tpu.memory_space<vmem_shared>>)
      } else {
      }
      %add3A_240 = arith.constant 3 : i32
      %add3A_241 = arith.addi %add3A_206, %add3A_240 : i32
      %lt3A_242 = arith.constant 80 : i32
      %lt3A_243 = arith.cmpi slt, %add3A_241, %lt3A_242 : i32
      %convert_element_type3A_244 = arith.extui %lt3A_243 : i1 to i32
      %cond3A_245 = arith.constant 0 : i32
      %cond3A_246 = arith.cmpi ne, %convert_element_type3A_244, %cond3A_245 : i32
      scf.if %cond3A_246 {
        %add3A_247 = arith.constant 3 : i32
        %add3A_248 = arith.addi %add3A_206, %add3A_247 : i32
        %dma_start3A_249 = arith.constant 2 : i32
        %dma_start3A_250 = arith.constant 2 : i32
        %dma_start3A_251 = arith.constant 0 : i32
        %dma_start3A_252 = arith.constant 0 : i32
        %dma_start3A_253 = tpu.memref_slice %arg9[%dma_start3A_249, %dma_start3A_251, %dma_start3A_252] : memref<4x128x64xf32, #tpu.memory_space<vmem>> -> memref<1x128x64xf32, #tpu.memory_space<vmem>>
        %dma_start3A_254 = tpu.memref_squeeze %dma_start3A_253 : memref<1x128x64xf32, #tpu.memory_space<vmem>> -> memref<128x64xf32, #tpu.memory_space<vmem>>
        %dma_start3A_255 = arith.constant 0 : i32
        %dma_start3A_256 = tpu.memref_slice %arg7[%add3A_248, %dma_start3A_255] : memref<80x128xi32, #tpu.memory_space<vmem>> -> memref<1x128xi32, #tpu.memory_space<vmem>>
        %dma_start3A_257 = tpu.memref_squeeze %dma_start3A_256 : memref<1x128xi32, #tpu.memory_space<vmem>> -> memref<128xi32, #tpu.memory_space<vmem>>
        %dma_start3A_258 = arith.constant 0 : i32
        %dma_start3A_259 = arith.constant 0 : i32
        %dma_start3A_260 = tpu.memref_slice %arg2[%dma_start3A_258, %dma_start3A_259] : memref<10240x64xf32, #tpu.memory_space<hbm>> -> memref<10240x64xf32, #tpu.memory_space<hbm>>
        %dma_start3A_261 = tpu.memref_slice %arg11[%dma_start3A_250] : memref<4x!tpu.dma_semaphore, #tpu.memory_space<semaphore_mem>> -> memref<1x!tpu.dma_semaphore, #tpu.memory_space<semaphore_mem>>
        %dma_start3A_262 = tpu.memref_squeeze %dma_start3A_261 : memref<1x!tpu.dma_semaphore, #tpu.memory_space<semaphore_mem>> -> memref<!tpu.dma_semaphore, #tpu.memory_space<semaphore_mem>>
        tpu.enqueue_indirect_dma source(%dma_start3A_260 : memref<10240x64xf32, #tpu.memory_space<hbm>>) target(%dma_start3A_254 : memref<128x64xf32, #tpu.memory_space<vmem>>) offsets(%dma_start3A_257 : memref<128xi32, #tpu.memory_space<vmem>>) semaphore(%dma_start3A_262 : memref<!tpu.dma_semaphore, #tpu.memory_space<semaphore_mem>>)
      } else {
      }
    }
    %scan3A_51 = arith.constant 20 : i32
    %dma_wait3A = arith.constant 3 : i32
    %dma_wait3A_52 = arith.constant 79 : i32
    %dma_wait3A_53 = arith.constant 3 : i32
    %dma_wait3A_54 = arith.constant 0 : i32
    %dma_wait3A_55 = arith.constant 0 : i32
    %dma_wait3A_56 = tpu.memref_slice %arg9[%dma_wait3A, %dma_wait3A_54, %dma_wait3A_55] : memref<4x128x64xf32, #tpu.memory_space<vmem>> -> memref<1x128x64xf32, #tpu.memory_space<vmem>>
    %dma_wait3A_57 = tpu.memref_squeeze %dma_wait3A_56 : memref<1x128x64xf32, #tpu.memory_space<vmem>> -> memref<128x64xf32, #tpu.memory_space<vmem>>
    %dma_wait3A_58 = arith.constant 0 : i32
    %dma_wait3A_59 = tpu.memref_slice %arg8[%dma_wait3A_52, %dma_wait3A_58] : memref<80x128xi32, #tpu.memory_space<vmem>> -> memref<1x128xi32, #tpu.memory_space<vmem>>
    %dma_wait3A_60 = tpu.memref_squeeze %dma_wait3A_59 : memref<1x128xi32, #tpu.memory_space<vmem>> -> memref<128xi32, #tpu.memory_space<vmem>>
    %dma_wait3A_61 = arith.constant 0 : i32
    %dma_wait3A_62 = arith.constant 0 : i32
    %dma_wait3A_63 = tpu.memref_slice %arg10[%dma_wait3A_61, %dma_wait3A_62] : memref<10240x64xf32, #tpu.memory_space<vmem_shared>> -> memref<10240x64xf32, #tpu.memory_space<vmem_shared>>
    %dma_wait3A_64 = tpu.memref_slice %arg12[%dma_wait3A_53] : memref<4x!tpu.dma_semaphore, #tpu.memory_space<semaphore_mem>> -> memref<1x!tpu.dma_semaphore, #tpu.memory_space<semaphore_mem>>
    %dma_wait3A_65 = tpu.memref_squeeze %dma_wait3A_64 : memref<1x!tpu.dma_semaphore, #tpu.memory_space<semaphore_mem>> -> memref<!tpu.dma_semaphore, #tpu.memory_space<semaphore_mem>>
    tpu.wait_indirect_dma semaphore(%dma_wait3A_65 : memref<!tpu.dma_semaphore, #tpu.memory_space<semaphore_mem>>) src(%dma_wait3A_57 : memref<128x64xf32, #tpu.memory_space<vmem>>) dst(%dma_wait3A_63 : memref<10240x64xf32, #tpu.memory_space<vmem_shared>>)
    %barrier3A_66 = arith.constant 0 : index
    tpu.barrier barrier_id(%barrier3A_66)
    %eq3A_67 = arith.constant 0 : i32
    %eq3A_68 = arith.cmpi eq, %arg1, %eq3A_67 : i32
    %convert_element_type3A_69 = arith.extui %eq3A_68 : i1 to i32
    %cond3A_70 = arith.constant 0 : i32
    %cond3A_71 = arith.cmpi ne, %convert_element_type3A_69, %cond3A_70 : i32
    scf.if %cond3A_71 {
      "tpu.region"() ({
        %run_scoped3A = tpu.sem_alloc : memref<!tpu.dma_semaphore, #tpu.memory_space<semaphore_mem>>
        %dma_start3A_72 = arith.constant 0 : i32
        %dma_start3A_73 = arith.constant 0 : i32
        %dma_start3A_74 = tpu.memref_slice %arg6[%arg0, %dma_start3A_72, %dma_start3A_73] : memref<2x10240x64xf32, #tpu.memory_space<hbm>> -> memref<1x10240x64xf32, #tpu.memory_space<hbm>>
        %dma_start3A_75 = tpu.memref_squeeze %dma_start3A_74 : memref<1x10240x64xf32, #tpu.memory_space<hbm>> -> memref<10240x64xf32, #tpu.memory_space<hbm>>
        tpu.enqueue_dma source(%arg10 : memref<10240x64xf32, #tpu.memory_space<vmem_shared>>) target(%dma_start3A_75 : memref<10240x64xf32, #tpu.memory_space<hbm>>) target_semaphore(%run_scoped3A : memref<!tpu.dma_semaphore, #tpu.memory_space<semaphore_mem>>)
        %dma_wait3A_76 = arith.constant 0 : i32
        %dma_wait3A_77 = arith.constant 0 : i32
        %dma_wait3A_78 = tpu.memref_slice %arg6[%arg0, %dma_wait3A_76, %dma_wait3A_77] : memref<2x10240x64xf32, #tpu.memory_space<hbm>> -> memref<1x10240x64xf32, #tpu.memory_space<hbm>>
        %dma_wait3A_79 = tpu.memref_squeeze %dma_wait3A_78 : memref<1x10240x64xf32, #tpu.memory_space<hbm>> -> memref<10240x64xf32, #tpu.memory_space<hbm>>
        tpu.wait_dma2 semaphore(%run_scoped3A : memref<!tpu.dma_semaphore, #tpu.memory_space<semaphore_mem>>) src(%arg10 : memref<10240x64xf32, #tpu.memory_space<vmem_shared>>) dst(%dma_wait3A_79 : memref<10240x64xf32, #tpu.memory_space<hbm>>)
        tpu.yield
      }) : () -> ()
    } else {
    }
    return
  }
}

#map = affine_map<(d0, d1) -> (0, 0, 0)>
#map1 = affine_map<(d0, d1) -> (0)>
#map2 = affine_map<(d0, d1) -> (0, 0)>
module attributes {stable_mosaic.version = 14 : i64} {
  func.func @body_fn(%arg0: i32, %arg1: i32, %arg2: memref<32x80x128xi32, #tpu.memory_space<hbm>>, %arg3: memref<10240xf32, #tpu.memory_space<hbm>>, %arg4: memref<2x10240xf32, #tpu.memory_space<hbm>>, %arg5: memref<80x128xi32, #tpu.memory_space<vmem>>, %arg6: memref<128xf32, #tpu.memory_space<vmem>>, %arg7: memref<10240xf32, #tpu.memory_space<vmem_shared>>) attributes {dimension_semantics = [#tpu.dimension_semantics<core_parallel>, #tpu.dimension_semantics<subcore_parallel>], iteration_bounds = array<i64: 2, 16>, scalar_prefetch = 0 : i64, scratch_operands = 3 : i64, tpu.core_type = #tpu.core_type<sc_vector_subcore>, window_params = [{transform_indices = #map}, {transform_indices = #map1}, {transform_indices = #map2}]} {
    %mul3A = arith.constant 16 : i32
    %mul3A_0 = arith.muli %arg0, %mul3A : i32
    %add3A = arith.addi %mul3A_0, %arg1 : i32
    "tpu.region"() ({
      %run_scoped3A = tpu.sem_alloc : memref<!tpu.dma_semaphore, #tpu.memory_space<semaphore_mem>>
      %dma_start3A = arith.constant 0 : i32
      %dma_start3A_60 = arith.constant 0 : i32
      %dma_start3A_61 = tpu.memref_slice %arg2[%add3A, %dma_start3A, %dma_start3A_60] : memref<32x80x128xi32, #tpu.memory_space<hbm>> -> memref<1x80x128xi32, #tpu.memory_space<hbm>>
      %dma_start3A_62 = tpu.memref_squeeze %dma_start3A_61 : memref<1x80x128xi32, #tpu.memory_space<hbm>> -> memref<80x128xi32, #tpu.memory_space<hbm>>
      %dma_start3A_63 = arith.constant 0 : i32
      %dma_start3A_64 = arith.constant 0 : i32
      %dma_start3A_65 = tpu.memref_slice %arg2[%add3A, %dma_start3A_63, %dma_start3A_64] : memref<32x80x128xi32, #tpu.memory_space<hbm>> -> memref<1x80x128xi32, #tpu.memory_space<hbm>>
      %dma_start3A_66 = tpu.memref_squeeze %dma_start3A_65 : memref<1x80x128xi32, #tpu.memory_space<hbm>> -> memref<80x128xi32, #tpu.memory_space<hbm>>
      tpu.enqueue_dma source(%dma_start3A_66 : memref<80x128xi32, #tpu.memory_space<hbm>>) target(%arg5 : memref<80x128xi32, #tpu.memory_space<vmem>>) target_semaphore(%run_scoped3A : memref<!tpu.dma_semaphore, #tpu.memory_space<semaphore_mem>>)
      %dma_wait3A = arith.constant 0 : i32
      %dma_wait3A_67 = arith.constant 0 : i32
      %dma_wait3A_68 = tpu.memref_slice %arg2[%add3A, %dma_wait3A, %dma_wait3A_67] : memref<32x80x128xi32, #tpu.memory_space<hbm>> -> memref<1x80x128xi32, #tpu.memory_space<hbm>>
      %dma_wait3A_69 = tpu.memref_squeeze %dma_wait3A_68 : memref<1x80x128xi32, #tpu.memory_space<hbm>> -> memref<80x128xi32, #tpu.memory_space<hbm>>
      %dma_wait3A_70 = arith.constant 0 : i32
      %dma_wait3A_71 = arith.constant 0 : i32
      %dma_wait3A_72 = tpu.memref_slice %arg2[%add3A, %dma_wait3A_70, %dma_wait3A_71] : memref<32x80x128xi32, #tpu.memory_space<hbm>> -> memref<1x80x128xi32, #tpu.memory_space<hbm>>
      %dma_wait3A_73 = tpu.memref_squeeze %dma_wait3A_72 : memref<1x80x128xi32, #tpu.memory_space<hbm>> -> memref<80x128xi32, #tpu.memory_space<hbm>>
      tpu.wait_dma2 semaphore(%run_scoped3A : memref<!tpu.dma_semaphore, #tpu.memory_space<semaphore_mem>>) src(%dma_wait3A_73 : memref<80x128xi32, #tpu.memory_space<hbm>>) dst(%arg5 : memref<80x128xi32, #tpu.memory_space<vmem>>)
      tpu.yield
    }) : () -> ()
    %broadcast_in_dim3A = arith.constant 1.000000e+00 : f32
    %broadcast_in_dim3A_1 = vector.broadcast %broadcast_in_dim3A : f32 to vector<16xf32>
    %swap3A = arith.constant 0 : index
    %swap3A_2 = tpu.vector_load %arg6[%swap3A] {strides = array<i32>} : memref<128xf32, #tpu.memory_space<vmem>>, vector<16xf32>,
    %swap3A_3 = vector.shape_cast %swap3A_2 : vector<16xf32> to vector<16xf32>
    %swap3A_4 = vector.shape_cast %broadcast_in_dim3A_1 : vector<16xf32> to vector<16xf32>
    tpu.vector_store %arg6[%swap3A], %swap3A_4 {strides = array<i32>} : memref<128xf32, #tpu.memory_space<vmem>>, vector<16xf32>,
    %broadcast_in_dim3A_5 = arith.constant 1.000000e+00 : f32
    %broadcast_in_dim3A_6 = vector.broadcast %broadcast_in_dim3A_5 : f32 to vector<16xf32>
    %swap3A_7 = arith.constant 16 : index
    %swap3A_8 = tpu.vector_load %arg6[%swap3A_7] {strides = array<i32>} : memref<128xf32, #tpu.memory_space<vmem>>, vector<16xf32>,
    %swap3A_9 = vector.shape_cast %swap3A_8 : vector<16xf32> to vector<16xf32>
    %swap3A_10 = vector.shape_cast %broadcast_in_dim3A_6 : vector<16xf32> to vector<16xf32>
    tpu.vector_store %arg6[%swap3A_7], %swap3A_10 {strides = array<i32>} : memref<128xf32, #tpu.memory_space<vmem>>, vector<16xf32>,
    %broadcast_in_dim3A_11 = arith.constant 1.000000e+00 : f32
    %broadcast_in_dim3A_12 = vector.broadcast %broadcast_in_dim3A_11 : f32 to vector<16xf32>
    %swap3A_13 = arith.constant 32 : index
    %swap3A_14 = tpu.vector_load %arg6[%swap3A_13] {strides = array<i32>} : memref<128xf32, #tpu.memory_space<vmem>>, vector<16xf32>,
    %swap3A_15 = vector.shape_cast %swap3A_14 : vector<16xf32> to vector<16xf32>
    %swap3A_16 = vector.shape_cast %broadcast_in_dim3A_12 : vector<16xf32> to vector<16xf32>
    tpu.vector_store %arg6[%swap3A_13], %swap3A_16 {strides = array<i32>} : memref<128xf32, #tpu.memory_space<vmem>>, vector<16xf32>,
    %broadcast_in_dim3A_17 = arith.constant 1.000000e+00 : f32
    %broadcast_in_dim3A_18 = vector.broadcast %broadcast_in_dim3A_17 : f32 to vector<16xf32>
    %swap3A_19 = arith.constant 48 : index
    %swap3A_20 = tpu.vector_load %arg6[%swap3A_19] {strides = array<i32>} : memref<128xf32, #tpu.memory_space<vmem>>, vector<16xf32>,
    %swap3A_21 = vector.shape_cast %swap3A_20 : vector<16xf32> to vector<16xf32>
    %swap3A_22 = vector.shape_cast %broadcast_in_dim3A_18 : vector<16xf32> to vector<16xf32>
    tpu.vector_store %arg6[%swap3A_19], %swap3A_22 {strides = array<i32>} : memref<128xf32, #tpu.memory_space<vmem>>, vector<16xf32>,
    %broadcast_in_dim3A_23 = arith.constant 1.000000e+00 : f32
    %broadcast_in_dim3A_24 = vector.broadcast %broadcast_in_dim3A_23 : f32 to vector<16xf32>
    %swap3A_25 = arith.constant 64 : index
    %swap3A_26 = tpu.vector_load %arg6[%swap3A_25] {strides = array<i32>} : memref<128xf32, #tpu.memory_space<vmem>>, vector<16xf32>,
    %swap3A_27 = vector.shape_cast %swap3A_26 : vector<16xf32> to vector<16xf32>
    %swap3A_28 = vector.shape_cast %broadcast_in_dim3A_24 : vector<16xf32> to vector<16xf32>
    tpu.vector_store %arg6[%swap3A_25], %swap3A_28 {strides = array<i32>} : memref<128xf32, #tpu.memory_space<vmem>>, vector<16xf32>,
    %broadcast_in_dim3A_29 = arith.constant 1.000000e+00 : f32
    %broadcast_in_dim3A_30 = vector.broadcast %broadcast_in_dim3A_29 : f32 to vector<16xf32>
    %swap3A_31 = arith.constant 80 : index
    %swap3A_32 = tpu.vector_load %arg6[%swap3A_31] {strides = array<i32>} : memref<128xf32, #tpu.memory_space<vmem>>, vector<16xf32>,
    %swap3A_33 = vector.shape_cast %swap3A_32 : vector<16xf32> to vector<16xf32>
    %swap3A_34 = vector.shape_cast %broadcast_in_dim3A_30 : vector<16xf32> to vector<16xf32>
    tpu.vector_store %arg6[%swap3A_31], %swap3A_34 {strides = array<i32>} : memref<128xf32, #tpu.memory_space<vmem>>, vector<16xf32>,
    %broadcast_in_dim3A_35 = arith.constant 1.000000e+00 : f32
    %broadcast_in_dim3A_36 = vector.broadcast %broadcast_in_dim3A_35 : f32 to vector<16xf32>
    %swap3A_37 = arith.constant 96 : index
    %swap3A_38 = tpu.vector_load %arg6[%swap3A_37] {strides = array<i32>} : memref<128xf32, #tpu.memory_space<vmem>>, vector<16xf32>,
    %swap3A_39 = vector.shape_cast %swap3A_38 : vector<16xf32> to vector<16xf32>
    %swap3A_40 = vector.shape_cast %broadcast_in_dim3A_36 : vector<16xf32> to vector<16xf32>
    tpu.vector_store %arg6[%swap3A_37], %swap3A_40 {strides = array<i32>} : memref<128xf32, #tpu.memory_space<vmem>>, vector<16xf32>,
    %broadcast_in_dim3A_41 = arith.constant 1.000000e+00 : f32
    %broadcast_in_dim3A_42 = vector.broadcast %broadcast_in_dim3A_41 : f32 to vector<16xf32>
    %swap3A_43 = arith.constant 112 : index
    %swap3A_44 = tpu.vector_load %arg6[%swap3A_43] {strides = array<i32>} : memref<128xf32, #tpu.memory_space<vmem>>, vector<16xf32>,
    %swap3A_45 = vector.shape_cast %swap3A_44 : vector<16xf32> to vector<16xf32>
    %swap3A_46 = vector.shape_cast %broadcast_in_dim3A_42 : vector<16xf32> to vector<16xf32>
    tpu.vector_store %arg6[%swap3A_43], %swap3A_46 {strides = array<i32>} : memref<128xf32, #tpu.memory_space<vmem>>, vector<16xf32>,
    %eq3A = arith.constant 0 : i32
    %eq3A_47 = arith.cmpi eq, %arg1, %eq3A : i32
    %convert_element_type3A = arith.extui %eq3A_47 : i1 to i32
    %cond3A = arith.constant 0 : i32
    %cond3A_48 = arith.cmpi ne, %convert_element_type3A, %cond3A : i32
    scf.if %cond3A_48 {
      "tpu.region"() ({
        %run_scoped3A = tpu.sem_alloc : memref<!tpu.dma_semaphore, #tpu.memory_space<semaphore_mem>>
        tpu.enqueue_dma source(%arg3 : memref<10240xf32, #tpu.memory_space<hbm>>) target(%arg7 : memref<10240xf32, #tpu.memory_space<vmem_shared>>) target_semaphore(%run_scoped3A : memref<!tpu.dma_semaphore, #tpu.memory_space<semaphore_mem>>)
        tpu.wait_dma2 semaphore(%run_scoped3A : memref<!tpu.dma_semaphore, #tpu.memory_space<semaphore_mem>>) src(%arg3 : memref<10240xf32, #tpu.memory_space<hbm>>) dst(%arg7 : memref<10240xf32, #tpu.memory_space<vmem_shared>>)
        tpu.yield
      }) : () -> ()
    } else {
    }
    %barrier3A = arith.constant 0 : index
    tpu.barrier barrier_id(%barrier3A)
    %scan3A = arith.constant 0 : i32
    %scan3A_49 = arith.constant 0 : i32
    %scan3A_50 = arith.constant 80 : i32
    %scan3A_51 = arith.addi %scan3A_49, %scan3A_50 : i32
    %scan3A_52 = arith.constant 1 : i32
    scf.for %scan3A_60 = %scan3A_49 to %scan3A_51 step %scan3A_52  : i32 {
      "tpu.region"() ({
        %run_scoped3A = tpu.sem_alloc : memref<!tpu.dma_semaphore, #tpu.memory_space<semaphore_mem>>
        %dma_start3A = arith.constant 0 : i32
        %dma_start3A_61 = tpu.memref_slice %arg5[%scan3A_60, %dma_start3A] : memref<80x128xi32, #tpu.memory_space<vmem>> -> memref<1x128xi32, #tpu.memory_space<vmem>>
        %dma_start3A_62 = tpu.memref_squeeze %dma_start3A_61 : memref<1x128xi32, #tpu.memory_space<vmem>> -> memref<128xi32, #tpu.memory_space<vmem>>
        %dma_start3A_63 = arith.constant 0 : i32
        %dma_start3A_64 = tpu.memref_slice %arg7[%dma_start3A_63] : memref<10240xf32, #tpu.memory_space<vmem_shared>> -> memref<10240xf32, #tpu.memory_space<vmem_shared>>
        tpu.enqueue_indirect_dma source(%arg6 : memref<128xf32, #tpu.memory_space<vmem>>) target(%dma_start3A_64 : memref<10240xf32, #tpu.memory_space<vmem_shared>>) offsets(%dma_start3A_62 : memref<128xi32, #tpu.memory_space<vmem>>) semaphore(%run_scoped3A : memref<!tpu.dma_semaphore, #tpu.memory_space<semaphore_mem>>) {add = true}
        %dma_wait3A = arith.constant 0 : i32
        %dma_wait3A_65 = tpu.memref_slice %arg5[%scan3A_60, %dma_wait3A] : memref<80x128xi32, #tpu.memory_space<vmem>> -> memref<1x128xi32, #tpu.memory_space<vmem>>
        %dma_wait3A_66 = tpu.memref_squeeze %dma_wait3A_65 : memref<1x128xi32, #tpu.memory_space<vmem>> -> memref<128xi32, #tpu.memory_space<vmem>>
        %dma_wait3A_67 = arith.constant 0 : i32
        %dma_wait3A_68 = tpu.memref_slice %arg7[%dma_wait3A_67] : memref<10240xf32, #tpu.memory_space<vmem_shared>> -> memref<10240xf32, #tpu.memory_space<vmem_shared>>
        tpu.wait_indirect_dma semaphore(%run_scoped3A : memref<!tpu.dma_semaphore, #tpu.memory_space<semaphore_mem>>) src(%arg6 : memref<128xf32, #tpu.memory_space<vmem>>) dst(%dma_wait3A_68 : memref<10240xf32, #tpu.memory_space<vmem_shared>>)
        tpu.yield
      }) : () -> ()
    }
    %scan3A_53 = arith.constant 80 : i32
    %barrier3A_54 = arith.constant 0 : index
    tpu.barrier barrier_id(%barrier3A_54)
    %eq3A_55 = arith.constant 0 : i32
    %eq3A_56 = arith.cmpi eq, %arg1, %eq3A_55 : i32
    %convert_element_type3A_57 = arith.extui %eq3A_56 : i1 to i32
    %cond3A_58 = arith.constant 0 : i32
    %cond3A_59 = arith.cmpi ne, %convert_element_type3A_57, %cond3A_58 : i32
    scf.if %cond3A_59 {
      "tpu.region"() ({
        %run_scoped3A = tpu.sem_alloc : memref<!tpu.dma_semaphore, #tpu.memory_space<semaphore_mem>>
        %dma_start3A = arith.constant 0 : i32
        %dma_start3A_60 = tpu.memref_slice %arg4[%arg0, %dma_start3A] : memref<2x10240xf32, #tpu.memory_space<hbm>> -> memref<1x10240xf32, #tpu.memory_space<hbm>>
        %dma_start3A_61 = tpu.memref_squeeze %dma_start3A_60 : memref<1x10240xf32, #tpu.memory_space<hbm>> -> memref<10240xf32, #tpu.memory_space<hbm>>
        tpu.enqueue_dma source(%arg7 : memref<10240xf32, #tpu.memory_space<vmem_shared>>) target(%dma_start3A_61 : memref<10240xf32, #tpu.memory_space<hbm>>) target_semaphore(%run_scoped3A : memref<!tpu.dma_semaphore, #tpu.memory_space<semaphore_mem>>)
        %dma_wait3A = arith.constant 0 : i32
        %dma_wait3A_62 = tpu.memref_slice %arg4[%arg0, %dma_wait3A] : memref<2x10240xf32, #tpu.memory_space<hbm>> -> memref<1x10240xf32, #tpu.memory_space<hbm>>
        %dma_wait3A_63 = tpu.memref_squeeze %dma_wait3A_62 : memref<1x10240xf32, #tpu.memory_space<hbm>> -> memref<10240xf32, #tpu.memory_space<hbm>>
        tpu.wait_dma2 semaphore(%run_scoped3A : memref<!tpu.dma_semaphore, #tpu.memory_space<semaphore_mem>>) src(%arg7 : memref<10240xf32, #tpu.memory_space<vmem_shared>>) dst(%dma_wait3A_63 : memref<10240xf32, #tpu.memory_space<hbm>>)
        tpu.yield
      }) : () -> ()
    } else {
    }
    return
  }
}

#map = affine_map<(d0, d1) -> (0, 0)>
#map1 = affine_map<(d0, d1) -> (0, 0, 0)>
module attributes {stable_mosaic.version = 14 : i64} {
  func.func @body_fn(%arg0: i32, %arg1: i32, %arg2: memref<10240x64xf32, #tpu.memory_space<hbm>>, %arg3: memref<32x80x128xi32, #tpu.memory_space<hbm>>, %arg4: memref<32x80x128xi32, #tpu.memory_space<hbm>>, %arg5: memref<10240x64xf32, #tpu.memory_space<hbm>>, %arg6: memref<2x10240x64xf32, #tpu.memory_space<hbm>>, %arg7: memref<80x128xi32, #tpu.memory_space<vmem>>, %arg8: memref<80x128xi32, #tpu.memory_space<vmem>>, %arg9: memref<4x128x64xf32, #tpu.memory_space<vmem>>, %arg10: memref<10240x64xf32, #tpu.memory_space<vmem_shared>>, %arg11: memref<4x!tpu.dma_semaphore, #tpu.memory_space<semaphore_mem>>, %arg12: memref<4x!tpu.dma_semaphore, #tpu.memory_space<semaphore_mem>>) attributes {dimension_semantics = [#tpu.dimension_semantics<core_parallel>, #tpu.dimension_semantics<subcore_parallel>], iteration_bounds = array<i64: 2, 16>, scalar_prefetch = 0 : i64, scratch_operands = 6 : i64, tpu.core_type = #tpu.core_type<sc_vector_subcore>, window_params = [{transform_indices = #map}, {transform_indices = #map1}, {transform_indices = #map1}, {transform_indices = #map}, {transform_indices = #map1}]} {
    %mul3A = arith.constant 16 : i32
    %mul3A_0 = arith.muli %arg0, %mul3A : i32
    %add3A = arith.addi %mul3A_0, %arg1 : i32
    "tpu.region"() ({
      %run_scoped3A = tpu.sem_alloc : memref<!tpu.dma_semaphore, #tpu.memory_space<semaphore_mem>>
      %dma_start3A_72 = arith.constant 0 : i32
      %dma_start3A_73 = arith.constant 0 : i32
      %dma_start3A_74 = tpu.memref_slice %arg3[%add3A, %dma_start3A_72, %dma_start3A_73] : memref<32x80x128xi32, #tpu.memory_space<hbm>> -> memref<1x80x128xi32, #tpu.memory_space<hbm>>
      %dma_start3A_75 = tpu.memref_squeeze %dma_start3A_74 : memref<1x80x128xi32, #tpu.memory_space<hbm>> -> memref<80x128xi32, #tpu.memory_space<hbm>>
      %dma_start3A_76 = arith.constant 0 : i32
      %dma_start3A_77 = arith.constant 0 : i32
      %dma_start3A_78 = tpu.memref_slice %arg3[%add3A, %dma_start3A_76, %dma_start3A_77] : memref<32x80x128xi32, #tpu.memory_space<hbm>> -> memref<1x80x128xi32, #tpu.memory_space<hbm>>
      %dma_start3A_79 = tpu.memref_squeeze %dma_start3A_78 : memref<1x80x128xi32, #tpu.memory_space<hbm>> -> memref<80x128xi32, #tpu.memory_space<hbm>>
      tpu.enqueue_dma source(%dma_start3A_79 : memref<80x128xi32, #tpu.memory_space<hbm>>) target(%arg7 : memref<80x128xi32, #tpu.memory_space<vmem>>) target_semaphore(%run_scoped3A : memref<!tpu.dma_semaphore, #tpu.memory_space<semaphore_mem>>)
      %dma_wait3A_80 = arith.constant 0 : i32
      %dma_wait3A_81 = arith.constant 0 : i32
      %dma_wait3A_82 = tpu.memref_slice %arg3[%add3A, %dma_wait3A_80, %dma_wait3A_81] : memref<32x80x128xi32, #tpu.memory_space<hbm>> -> memref<1x80x128xi32, #tpu.memory_space<hbm>>
      %dma_wait3A_83 = tpu.memref_squeeze %dma_wait3A_82 : memref<1x80x128xi32, #tpu.memory_space<hbm>> -> memref<80x128xi32, #tpu.memory_space<hbm>>
      %dma_wait3A_84 = arith.constant 0 : i32
      %dma_wait3A_85 = arith.constant 0 : i32
      %dma_wait3A_86 = tpu.memref_slice %arg3[%add3A, %dma_wait3A_84, %dma_wait3A_85] : memref<32x80x128xi32, #tpu.memory_space<hbm>> -> memref<1x80x128xi32, #tpu.memory_space<hbm>>
      %dma_wait3A_87 = tpu.memref_squeeze %dma_wait3A_86 : memref<1x80x128xi32, #tpu.memory_space<hbm>> -> memref<80x128xi32, #tpu.memory_space<hbm>>
      tpu.wait_dma2 semaphore(%run_scoped3A : memref<!tpu.dma_semaphore, #tpu.memory_space<semaphore_mem>>) src(%dma_wait3A_87 : memref<80x128xi32, #tpu.memory_space<hbm>>) dst(%arg7 : memref<80x128xi32, #tpu.memory_space<vmem>>)
      tpu.yield
    }) : () -> ()
    "tpu.region"() ({
      %run_scoped3A = tpu.sem_alloc : memref<!tpu.dma_semaphore, #tpu.memory_space<semaphore_mem>>
      %dma_start3A_72 = arith.constant 0 : i32
      %dma_start3A_73 = arith.constant 0 : i32
      %dma_start3A_74 = tpu.memref_slice %arg4[%add3A, %dma_start3A_72, %dma_start3A_73] : memref<32x80x128xi32, #tpu.memory_space<hbm>> -> memref<1x80x128xi32, #tpu.memory_space<hbm>>
      %dma_start3A_75 = tpu.memref_squeeze %dma_start3A_74 : memref<1x80x128xi32, #tpu.memory_space<hbm>> -> memref<80x128xi32, #tpu.memory_space<hbm>>
      %dma_start3A_76 = arith.constant 0 : i32
      %dma_start3A_77 = arith.constant 0 : i32
      %dma_start3A_78 = tpu.memref_slice %arg4[%add3A, %dma_start3A_76, %dma_start3A_77] : memref<32x80x128xi32, #tpu.memory_space<hbm>> -> memref<1x80x128xi32, #tpu.memory_space<hbm>>
      %dma_start3A_79 = tpu.memref_squeeze %dma_start3A_78 : memref<1x80x128xi32, #tpu.memory_space<hbm>> -> memref<80x128xi32, #tpu.memory_space<hbm>>
      tpu.enqueue_dma source(%dma_start3A_79 : memref<80x128xi32, #tpu.memory_space<hbm>>) target(%arg8 : memref<80x128xi32, #tpu.memory_space<vmem>>) target_semaphore(%run_scoped3A : memref<!tpu.dma_semaphore, #tpu.memory_space<semaphore_mem>>)
      %dma_wait3A_80 = arith.constant 0 : i32
      %dma_wait3A_81 = arith.constant 0 : i32
      %dma_wait3A_82 = tpu.memref_slice %arg4[%add3A, %dma_wait3A_80, %dma_wait3A_81] : memref<32x80x128xi32, #tpu.memory_space<hbm>> -> memref<1x80x128xi32, #tpu.memory_space<hbm>>
      %dma_wait3A_83 = tpu.memref_squeeze %dma_wait3A_82 : memref<1x80x128xi32, #tpu.memory_space<hbm>> -> memref<80x128xi32, #tpu.memory_space<hbm>>
      %dma_wait3A_84 = arith.constant 0 : i32
      %dma_wait3A_85 = arith.constant 0 : i32
      %dma_wait3A_86 = tpu.memref_slice %arg4[%add3A, %dma_wait3A_84, %dma_wait3A_85] : memref<32x80x128xi32, #tpu.memory_space<hbm>> -> memref<1x80x128xi32, #tpu.memory_space<hbm>>
      %dma_wait3A_87 = tpu.memref_squeeze %dma_wait3A_86 : memref<1x80x128xi32, #tpu.memory_space<hbm>> -> memref<80x128xi32, #tpu.memory_space<hbm>>
      tpu.wait_dma2 semaphore(%run_scoped3A : memref<!tpu.dma_semaphore, #tpu.memory_space<semaphore_mem>>) src(%dma_wait3A_87 : memref<80x128xi32, #tpu.memory_space<hbm>>) dst(%arg8 : memref<80x128xi32, #tpu.memory_space<vmem>>)
      tpu.yield
    }) : () -> ()
    %dma_start3A = arith.constant 0 : i32
    %dma_start3A_1 = arith.constant 0 : i32
    %dma_start3A_2 = arith.constant 0 : i32
    %dma_start3A_3 = arith.constant 0 : i32
    %dma_start3A_4 = arith.constant 0 : i32
    %dma_start3A_5 = tpu.memref_slice %arg9[%dma_start3A_1, %dma_start3A_3, %dma_start3A_4] : memref<4x128x64xf32, #tpu.memory_space<vmem>> -> memref<1x128x64xf32, #tpu.memory_space<vmem>>
    %dma_start3A_6 = tpu.memref_squeeze %dma_start3A_5 : memref<1x128x64xf32, #tpu.memory_space<vmem>> -> memref<128x64xf32, #tpu.memory_space<vmem>>
    %dma_start3A_7 = arith.constant 0 : i32
    %dma_start3A_8 = tpu.memref_slice %arg7[%dma_start3A, %dma_start3A_7] : memref<80x128xi32, #tpu.memory_space<vmem>> -> memref<1x128xi32, #tpu.memory_space<vmem>>
    %dma_start3A_9 = tpu.memref_squeeze %dma_start3A_8 : memref<1x128xi32, #tpu.memory_space<vmem>> -> memref<128xi32, #tpu.memory_space<vmem>>
    %dma_start3A_10 = arith.constant 0 : i32
    %dma_start3A_11 = arith.constant 0 : i32
    %dma_start3A_12 = tpu.memref_slice %arg2[%dma_start3A_10, %dma_start3A_11] : memref<10240x64xf32, #tpu.memory_space<hbm>> -> memref<10240x64xf32, #tpu.memory_space<hbm>>
    %dma_start3A_13 = tpu.memref_slice %arg11[%dma_start3A_2] : memref<4x!tpu.dma_semaphore, #tpu.memory_space<semaphore_mem>> -> memref<1x!tpu.dma_semaphore, #tpu.memory_space<semaphore_mem>>
    %dma_start3A_14 = tpu.memref_squeeze %dma_start3A_13 : memref<1x!tpu.dma_semaphore, #tpu.memory_space<semaphore_mem>> -> memref<!tpu.dma_semaphore, #tpu.memory_space<semaphore_mem>>
    tpu.enqueue_indirect_dma source(%dma_start3A_12 : memref<10240x64xf32, #tpu.memory_space<hbm>>) target(%dma_start3A_6 : memref<128x64xf32, #tpu.memory_space<vmem>>) offsets(%dma_start3A_9 : memref<128xi32, #tpu.memory_space<vmem>>) semaphore(%dma_start3A_14 : memref<!tpu.dma_semaphore, #tpu.memory_space<semaphore_mem>>)
    %dma_start3A_15 = arith.constant 1 : i32
    %dma_start3A_16 = arith.constant 1 : i32
    %dma_start3A_17 = arith.constant 1 : i32
    %dma_start3A_18 = arith.constant 0 : i32
    %dma_start3A_19 = arith.constant 0 : i32
    %dma_start3A_20 = tpu.memref_slice %arg9[%dma_start3A_16, %dma_start3A_18, %dma_start3A_19] : memref<4x128x64xf32, #tpu.memory_space<vmem>> -> memref<1x128x64xf32, #tpu.memory_space<vmem>>
    %dma_start3A_21 = tpu.memref_squeeze %dma_start3A_20 : memref<1x128x64xf32, #tpu.memory_space<vmem>> -> memref<128x64xf32, #tpu.memory_space<vmem>>
    %dma_start3A_22 = arith.constant 0 : i32
    %dma_start3A_23 = tpu.memref_slice %arg7[%dma_start3A_15, %dma_start3A_22] : memref<80x128xi32, #tpu.memory_space<vmem>> -> memref<1x128xi32, #tpu.memory_space<vmem>>
    %dma_start3A_24 = tpu.memref_squeeze %dma_start3A_23 : memref<1x128xi32, #tpu.memory_space<vmem>> -> memref<128xi32, #tpu.memory_space<vmem>>
    %dma_start3A_25 = arith.constant 0 : i32
    %dma_start3A_26 = arith.constant 0 : i32
    %dma_start3A_27 = tpu.memref_slice %arg2[%dma_start3A_25, %dma_start3A_26] : memref<10240x64xf32, #tpu.memory_space<hbm>> -> memref<10240x64xf32, #tpu.memory_space<hbm>>
    %dma_start3A_28 = tpu.memref_slice %arg11[%dma_start3A_17] : memref<4x!tpu.dma_semaphore, #tpu.memory_space<semaphore_mem>> -> memref<1x!tpu.dma_semaphore, #tpu.memory_space<semaphore_mem>>
    %dma_start3A_29 = tpu.memref_squeeze %dma_start3A_28 : memref<1x!tpu.dma_semaphore, #tpu.memory_space<semaphore_mem>> -> memref<!tpu.dma_semaphore, #tpu.memory_space<semaphore_mem>>
    tpu.enqueue_indirect_dma source(%dma_start3A_27 : memref<10240x64xf32, #tpu.memory_space<hbm>>) target(%dma_start3A_21 : memref<128x64xf32, #tpu.memory_space<vmem>>) offsets(%dma_start3A_24 : memref<128xi32, #tpu.memory_space<vmem>>) semaphore(%dma_start3A_29 : memref<!tpu.dma_semaphore, #tpu.memory_space<semaphore_mem>>)
    %dma_start3A_30 = arith.constant 2 : i32
    %dma_start3A_31 = arith.constant 2 : i32
    %dma_start3A_32 = arith.constant 2 : i32
    %dma_start3A_33 = arith.constant 0 : i32
    %dma_start3A_34 = arith.constant 0 : i32
    %dma_start3A_35 = tpu.memref_slice %arg9[%dma_start3A_31, %dma_start3A_33, %dma_start3A_34] : memref<4x128x64xf32, #tpu.memory_space<vmem>> -> memref<1x128x64xf32, #tpu.memory_space<vmem>>
    %dma_start3A_36 = tpu.memref_squeeze %dma_start3A_35 : memref<1x128x64xf32, #tpu.memory_space<vmem>> -> memref<128x64xf32, #tpu.memory_space<vmem>>
    %dma_start3A_37 = arith.constant 0 : i32
    %dma_start3A_38 = tpu.memref_slice %arg7[%dma_start3A_30, %dma_start3A_37] : memref<80x128xi32, #tpu.memory_space<vmem>> -> memref<1x128xi32, #tpu.memory_space<vmem>>
    %dma_start3A_39 = tpu.memref_squeeze %dma_start3A_38 : memref<1x128xi32, #tpu.memory_space<vmem>> -> memref<128xi32, #tpu.memory_space<vmem>>
    %dma_start3A_40 = arith.constant 0 : i32
    %dma_start3A_41 = arith.constant 0 : i32
    %dma_start3A_42 = tpu.memref_slice %arg2[%dma_start3A_40, %dma_start3A_41] : memref<10240x64xf32, #tpu.memory_space<hbm>> -> memref<10240x64xf32, #tpu.memory_space<hbm>>
    %dma_start3A_43 = tpu.memref_slice %arg11[%dma_start3A_32] : memref<4x!tpu.dma_semaphore, #tpu.memory_space<semaphore_mem>> -> memref<1x!tpu.dma_semaphore, #tpu.memory_space<semaphore_mem>>
    %dma_start3A_44 = tpu.memref_squeeze %dma_start3A_43 : memref<1x!tpu.dma_semaphore, #tpu.memory_space<semaphore_mem>> -> memref<!tpu.dma_semaphore, #tpu.memory_space<semaphore_mem>>
    tpu.enqueue_indirect_dma source(%dma_start3A_42 : memref<10240x64xf32, #tpu.memory_space<hbm>>) target(%dma_start3A_36 : memref<128x64xf32, #tpu.memory_space<vmem>>) offsets(%dma_start3A_39 : memref<128xi32, #tpu.memory_space<vmem>>) semaphore(%dma_start3A_44 : memref<!tpu.dma_semaphore, #tpu.memory_space<semaphore_mem>>)
    %eq3A = arith.constant 0 : i32
    %eq3A_45 = arith.cmpi eq, %arg1, %eq3A : i32
    %convert_element_type3A = arith.extui %eq3A_45 : i1 to i32
    %cond3A = arith.constant 0 : i32
    %cond3A_46 = arith.cmpi ne, %convert_element_type3A, %cond3A : i32
    scf.if %cond3A_46 {
      "tpu.region"() ({
        %run_scoped3A = tpu.sem_alloc : memref<!tpu.dma_semaphore, #tpu.memory_space<semaphore_mem>>
        tpu.enqueue_dma source(%arg5 : memref<10240x64xf32, #tpu.memory_space<hbm>>) target(%arg10 : memref<10240x64xf32, #tpu.memory_space<vmem_shared>>) target_semaphore(%run_scoped3A : memref<!tpu.dma_semaphore, #tpu.memory_space<semaphore_mem>>)
        tpu.wait_dma2 semaphore(%run_scoped3A : memref<!tpu.dma_semaphore, #tpu.memory_space<semaphore_mem>>) src(%arg5 : memref<10240x64xf32, #tpu.memory_space<hbm>>) dst(%arg10 : memref<10240x64xf32, #tpu.memory_space<vmem_shared>>)
        tpu.yield
      }) : () -> ()
    } else {
    }
    %barrier3A = arith.constant 0 : index
    tpu.barrier barrier_id(%barrier3A)
    %scan3A = arith.constant 0 : i32
    %scan3A_47 = arith.constant 0 : i32
    %scan3A_48 = arith.constant 20 : i32
    %scan3A_49 = arith.addi %scan3A_47, %scan3A_48 : i32
    %scan3A_50 = arith.constant 1 : i32
    scf.for %scan3A_72 = %scan3A_47 to %scan3A_49 step %scan3A_50  : i32 {
      %mul3A_73 = arith.constant 4 : i32
      %mul3A_74 = arith.muli %scan3A_72, %mul3A_73 : i32
      %add3A_75 = arith.constant 0 : i32
      %add3A_76 = arith.addi %mul3A_74, %add3A_75 : i32
      %dma_wait3A_77 = arith.constant 0 : i32
      %dma_wait3A_78 = arith.constant 0 : i32
      %dma_wait3A_79 = arith.constant 0 : i32
      %dma_wait3A_80 = arith.constant 0 : i32
      %dma_wait3A_81 = tpu.memref_slice %arg9[%dma_wait3A_77, %dma_wait3A_79, %dma_wait3A_80] : memref<4x128x64xf32, #tpu.memory_space<vmem>> -> memref<1x128x64xf32, #tpu.memory_space<vmem>>
      %dma_wait3A_82 = tpu.memref_squeeze %dma_wait3A_81 : memref<1x128x64xf32, #tpu.memory_space<vmem>> -> memref<128x64xf32, #tpu.memory_space<vmem>>
      %dma_wait3A_83 = arith.constant 0 : i32
      %dma_wait3A_84 = tpu.memref_slice %arg7[%add3A_76, %dma_wait3A_83] : memref<80x128xi32, #tpu.memory_space<vmem>> -> memref<1x128xi32, #tpu.memory_space<vmem>>
      %dma_wait3A_85 = tpu.memref_squeeze %dma_wait3A_84 : memref<1x128xi32, #tpu.memory_space<vmem>> -> memref<128xi32, #tpu.memory_space<vmem>>
      %dma_wait3A_86 = arith.constant 0 : i32
      %dma_wait3A_87 = arith.constant 0 : i32
      %dma_wait3A_88 = tpu.memref_slice %arg2[%dma_wait3A_86, %dma_wait3A_87] : memref<10240x64xf32, #tpu.memory_space<hbm>> -> memref<10240x64xf32, #tpu.memory_space<hbm>>
      %dma_wait3A_89 = tpu.memref_slice %arg11[%dma_wait3A_78] : memref<4x!tpu.dma_semaphore, #tpu.memory_space<semaphore_mem>> -> memref<1x!tpu.dma_semaphore, #tpu.memory_space<semaphore_mem>>
      %dma_wait3A_90 = tpu.memref_squeeze %dma_wait3A_89 : memref<1x!tpu.dma_semaphore, #tpu.memory_space<semaphore_mem>> -> memref<!tpu.dma_semaphore, #tpu.memory_space<semaphore_mem>>
      tpu.wait_indirect_dma semaphore(%dma_wait3A_90 : memref<!tpu.dma_semaphore, #tpu.memory_space<semaphore_mem>>) src(%dma_wait3A_88 : memref<10240x64xf32, #tpu.memory_space<hbm>>) dst(%dma_wait3A_82 : memref<128x64xf32, #tpu.memory_space<vmem>>)
      %dma_start3A_91 = arith.constant 0 : i32
      %dma_start3A_92 = arith.constant 0 : i32
      %dma_start3A_93 = arith.constant 0 : i32
      %dma_start3A_94 = arith.constant 0 : i32
      %dma_start3A_95 = tpu.memref_slice %arg9[%dma_start3A_91, %dma_start3A_93, %dma_start3A_94] : memref<4x128x64xf32, #tpu.memory_space<vmem>> -> memref<1x128x64xf32, #tpu.memory_space<vmem>>
      %dma_start3A_96 = tpu.memref_squeeze %dma_start3A_95 : memref<1x128x64xf32, #tpu.memory_space<vmem>> -> memref<128x64xf32, #tpu.memory_space<vmem>>
      %dma_start3A_97 = arith.constant 0 : i32
      %dma_start3A_98 = tpu.memref_slice %arg8[%add3A_76, %dma_start3A_97] : memref<80x128xi32, #tpu.memory_space<vmem>> -> memref<1x128xi32, #tpu.memory_space<vmem>>
      %dma_start3A_99 = tpu.memref_squeeze %dma_start3A_98 : memref<1x128xi32, #tpu.memory_space<vmem>> -> memref<128xi32, #tpu.memory_space<vmem>>
      %dma_start3A_100 = arith.constant 0 : i32
      %dma_start3A_101 = arith.constant 0 : i32
      %dma_start3A_102 = tpu.memref_slice %arg10[%dma_start3A_100, %dma_start3A_101] : memref<10240x64xf32, #tpu.memory_space<vmem_shared>> -> memref<10240x64xf32, #tpu.memory_space<vmem_shared>>
      %dma_start3A_103 = tpu.memref_slice %arg12[%dma_start3A_92] : memref<4x!tpu.dma_semaphore, #tpu.memory_space<semaphore_mem>> -> memref<1x!tpu.dma_semaphore, #tpu.memory_space<semaphore_mem>>
      %dma_start3A_104 = tpu.memref_squeeze %dma_start3A_103 : memref<1x!tpu.dma_semaphore, #tpu.memory_space<semaphore_mem>> -> memref<!tpu.dma_semaphore, #tpu.memory_space<semaphore_mem>>
      tpu.enqueue_indirect_dma source(%dma_start3A_96 : memref<128x64xf32, #tpu.memory_space<vmem>>) target(%dma_start3A_102 : memref<10240x64xf32, #tpu.memory_space<vmem_shared>>) offsets(%dma_start3A_99 : memref<128xi32, #tpu.memory_space<vmem>>) semaphore(%dma_start3A_104 : memref<!tpu.dma_semaphore, #tpu.memory_space<semaphore_mem>>) {add = true}
      %ge3A = arith.constant 1 : i32
      %ge3A_105 = arith.cmpi sge, %add3A_76, %ge3A : i32
      %convert_element_type3A_106 = arith.extui %ge3A_105 : i1 to i32
      %cond3A_107 = arith.constant 0 : i32
      %cond3A_108 = arith.cmpi ne, %convert_element_type3A_106, %cond3A_107 : i32
      scf.if %cond3A_108 {
        %sub3A = arith.constant 1 : i32
        %sub3A_247 = arith.subi %add3A_76, %sub3A : i32
        %dma_wait3A_248 = arith.constant 3 : i32
        %dma_wait3A_249 = arith.constant 3 : i32
        %dma_wait3A_250 = arith.constant 0 : i32
        %dma_wait3A_251 = arith.constant 0 : i32
        %dma_wait3A_252 = tpu.memref_slice %arg9[%dma_wait3A_248, %dma_wait3A_250, %dma_wait3A_251] : memref<4x128x64xf32, #tpu.memory_space<vmem>> -> memref<1x128x64xf32, #tpu.memory_space<vmem>>
        %dma_wait3A_253 = tpu.memref_squeeze %dma_wait3A_252 : memref<1x128x64xf32, #tpu.memory_space<vmem>> -> memref<128x64xf32, #tpu.memory_space<vmem>>
        %dma_wait3A_254 = arith.constant 0 : i32
        %dma_wait3A_255 = tpu.memref_slice %arg8[%sub3A_247, %dma_wait3A_254] : memref<80x128xi32, #tpu.memory_space<vmem>> -> memref<1x128xi32, #tpu.memory_space<vmem>>
        %dma_wait3A_256 = tpu.memref_squeeze %dma_wait3A_255 : memref<1x128xi32, #tpu.memory_space<vmem>> -> memref<128xi32, #tpu.memory_space<vmem>>
        %dma_wait3A_257 = arith.constant 0 : i32
        %dma_wait3A_258 = arith.constant 0 : i32
        %dma_wait3A_259 = tpu.memref_slice %arg10[%dma_wait3A_257, %dma_wait3A_258] : memref<10240x64xf32, #tpu.memory_space<vmem_shared>> -> memref<10240x64xf32, #tpu.memory_space<vmem_shared>>
        %dma_wait3A_260 = tpu.memref_slice %arg12[%dma_wait3A_249] : memref<4x!tpu.dma_semaphore, #tpu.memory_space<semaphore_mem>> -> memref<1x!tpu.dma_semaphore, #tpu.memory_space<semaphore_mem>>
        %dma_wait3A_261 = tpu.memref_squeeze %dma_wait3A_260 : memref<1x!tpu.dma_semaphore, #tpu.memory_space<semaphore_mem>> -> memref<!tpu.dma_semaphore, #tpu.memory_space<semaphore_mem>>
        tpu.wait_indirect_dma semaphore(%dma_wait3A_261 : memref<!tpu.dma_semaphore, #tpu.memory_space<semaphore_mem>>) src(%dma_wait3A_253 : memref<128x64xf32, #tpu.memory_space<vmem>>) dst(%dma_wait3A_259 : memref<10240x64xf32, #tpu.memory_space<vmem_shared>>)
      } else {
      }
      %add3A_109 = arith.constant 3 : i32
      %add3A_110 = arith.addi %add3A_76, %add3A_109 : i32
      %lt3A = arith.constant 80 : i32
      %lt3A_111 = arith.cmpi slt, %add3A_110, %lt3A : i32
      %convert_element_type3A_112 = arith.extui %lt3A_111 : i1 to i32
      %cond3A_113 = arith.constant 0 : i32
      %cond3A_114 = arith.cmpi ne, %convert_element_type3A_112, %cond3A_113 : i32
      scf.if %cond3A_114 {
        %add3A_247 = arith.constant 3 : i32
        %add3A_248 = arith.addi %add3A_76, %add3A_247 : i32
        %dma_start3A_249 = arith.constant 3 : i32
        %dma_start3A_250 = arith.constant 3 : i32
        %dma_start3A_251 = arith.constant 0 : i32
        %dma_start3A_252 = arith.constant 0 : i32
        %dma_start3A_253 = tpu.memref_slice %arg9[%dma_start3A_249, %dma_start3A_251, %dma_start3A_252] : memref<4x128x64xf32, #tpu.memory_space<vmem>> -> memref<1x128x64xf32, #tpu.memory_space<vmem>>
        %dma_start3A_254 = tpu.memref_squeeze %dma_start3A_253 : memref<1x128x64xf32, #tpu.memory_space<vmem>> -> memref<128x64xf32, #tpu.memory_space<vmem>>
        %dma_start3A_255 = arith.constant 0 : i32
        %dma_start3A_256 = tpu.memref_slice %arg7[%add3A_248, %dma_start3A_255] : memref<80x128xi32, #tpu.memory_space<vmem>> -> memref<1x128xi32, #tpu.memory_space<vmem>>
        %dma_start3A_257 = tpu.memref_squeeze %dma_start3A_256 : memref<1x128xi32, #tpu.memory_space<vmem>> -> memref<128xi32, #tpu.memory_space<vmem>>
        %dma_start3A_258 = arith.constant 0 : i32
        %dma_start3A_259 = arith.constant 0 : i32
        %dma_start3A_260 = tpu.memref_slice %arg2[%dma_start3A_258, %dma_start3A_259] : memref<10240x64xf32, #tpu.memory_space<hbm>> -> memref<10240x64xf32, #tpu.memory_space<hbm>>
        %dma_start3A_261 = tpu.memref_slice %arg11[%dma_start3A_250] : memref<4x!tpu.dma_semaphore, #tpu.memory_space<semaphore_mem>> -> memref<1x!tpu.dma_semaphore, #tpu.memory_space<semaphore_mem>>
        %dma_start3A_262 = tpu.memref_squeeze %dma_start3A_261 : memref<1x!tpu.dma_semaphore, #tpu.memory_space<semaphore_mem>> -> memref<!tpu.dma_semaphore, #tpu.memory_space<semaphore_mem>>
        tpu.enqueue_indirect_dma source(%dma_start3A_260 : memref<10240x64xf32, #tpu.memory_space<hbm>>) target(%dma_start3A_254 : memref<128x64xf32, #tpu.memory_space<vmem>>) offsets(%dma_start3A_257 : memref<128xi32, #tpu.memory_space<vmem>>) semaphore(%dma_start3A_262 : memref<!tpu.dma_semaphore, #tpu.memory_space<semaphore_mem>>)
      } else {
      }
      %mul3A_115 = arith.constant 4 : i32
      %mul3A_116 = arith.muli %scan3A_72, %mul3A_115 : i32
      %add3A_117 = arith.constant 1 : i32
      %add3A_118 = arith.addi %mul3A_116, %add3A_117 : i32
      %dma_wait3A_119 = arith.constant 1 : i32
      %dma_wait3A_120 = arith.constant 1 : i32
      %dma_wait3A_121 = arith.constant 0 : i32
      %dma_wait3A_122 = arith.constant 0 : i32
      %dma_wait3A_123 = tpu.memref_slice %arg9[%dma_wait3A_119, %dma_wait3A_121, %dma_wait3A_122] : memref<4x128x64xf32, #tpu.memory_space<vmem>> -> memref<1x128x64xf32, #tpu.memory_space<vmem>>
      %dma_wait3A_124 = tpu.memref_squeeze %dma_wait3A_123 : memref<1x128x64xf32, #tpu.memory_space<vmem>> -> memref<128x64xf32, #tpu.memory_space<vmem>>
      %dma_wait3A_125 = arith.constant 0 : i32
      %dma_wait3A_126 = tpu.memref_slice %arg7[%add3A_118, %dma_wait3A_125] : memref<80x128xi32, #tpu.memory_space<vmem>> -> memref<1x128xi32, #tpu.memory_space<vmem>>
      %dma_wait3A_127 = tpu.memref_squeeze %dma_wait3A_126 : memref<1x128xi32, #tpu.memory_space<vmem>> -> memref<128xi32, #tpu.memory_space<vmem>>
      %dma_wait3A_128 = arith.constant 0 : i32
      %dma_wait3A_129 = arith.constant 0 : i32
      %dma_wait3A_130 = tpu.memref_slice %arg2[%dma_wait3A_128, %dma_wait3A_129] : memref<10240x64xf32, #tpu.memory_space<hbm>> -> memref<10240x64xf32, #tpu.memory_space<hbm>>
      %dma_wait3A_131 = tpu.memref_slice %arg11[%dma_wait3A_120] : memref<4x!tpu.dma_semaphore, #tpu.memory_space<semaphore_mem>> -> memref<1x!tpu.dma_semaphore, #tpu.memory_space<semaphore_mem>>
      %dma_wait3A_132 = tpu.memref_squeeze %dma_wait3A_131 : memref<1x!tpu.dma_semaphore, #tpu.memory_space<semaphore_mem>> -> memref<!tpu.dma_semaphore, #tpu.memory_space<semaphore_mem>>
      tpu.wait_indirect_dma semaphore(%dma_wait3A_132 : memref<!tpu.dma_semaphore, #tpu.memory_space<semaphore_mem>>) src(%dma_wait3A_130 : memref<10240x64xf32, #tpu.memory_space<hbm>>) dst(%dma_wait3A_124 : memref<128x64xf32, #tpu.memory_space<vmem>>)
      %dma_start3A_133 = arith.constant 1 : i32
      %dma_start3A_134 = arith.constant 1 : i32
      %dma_start3A_135 = arith.constant 0 : i32
      %dma_start3A_136 = arith.constant 0 : i32
      %dma_start3A_137 = tpu.memref_slice %arg9[%dma_start3A_133, %dma_start3A_135, %dma_start3A_136] : memref<4x128x64xf32, #tpu.memory_space<vmem>> -> memref<1x128x64xf32, #tpu.memory_space<vmem>>
      %dma_start3A_138 = tpu.memref_squeeze %dma_start3A_137 : memref<1x128x64xf32, #tpu.memory_space<vmem>> -> memref<128x64xf32, #tpu.memory_space<vmem>>
      %dma_start3A_139 = arith.constant 0 : i32
      %dma_start3A_140 = tpu.memref_slice %arg8[%add3A_118, %dma_start3A_139] : memref<80x128xi32, #tpu.memory_space<vmem>> -> memref<1x128xi32, #tpu.memory_space<vmem>>
      %dma_start3A_141 = tpu.memref_squeeze %dma_start3A_140 : memref<1x128xi32, #tpu.memory_space<vmem>> -> memref<128xi32, #tpu.memory_space<vmem>>
      %dma_start3A_142 = arith.constant 0 : i32
      %dma_start3A_143 = arith.constant 0 : i32
      %dma_start3A_144 = tpu.memref_slice %arg10[%dma_start3A_142, %dma_start3A_143] : memref<10240x64xf32, #tpu.memory_space<vmem_shared>> -> memref<10240x64xf32, #tpu.memory_space<vmem_shared>>
      %dma_start3A_145 = tpu.memref_slice %arg12[%dma_start3A_134] : memref<4x!tpu.dma_semaphore, #tpu.memory_space<semaphore_mem>> -> memref<1x!tpu.dma_semaphore, #tpu.memory_space<semaphore_mem>>
      %dma_start3A_146 = tpu.memref_squeeze %dma_start3A_145 : memref<1x!tpu.dma_semaphore, #tpu.memory_space<semaphore_mem>> -> memref<!tpu.dma_semaphore, #tpu.memory_space<semaphore_mem>>
      tpu.enqueue_indirect_dma source(%dma_start3A_138 : memref<128x64xf32, #tpu.memory_space<vmem>>) target(%dma_start3A_144 : memref<10240x64xf32, #tpu.memory_space<vmem_shared>>) offsets(%dma_start3A_141 : memref<128xi32, #tpu.memory_space<vmem>>) semaphore(%dma_start3A_146 : memref<!tpu.dma_semaphore, #tpu.memory_space<semaphore_mem>>) {add = true}
      %ge3A_147 = arith.constant 1 : i32
      %ge3A_148 = arith.cmpi sge, %add3A_118, %ge3A_147 : i32
      %convert_element_type3A_149 = arith.extui %ge3A_148 : i1 to i32
      %cond3A_150 = arith.constant 0 : i32
      %cond3A_151 = arith.cmpi ne, %convert_element_type3A_149, %cond3A_150 : i32
      scf.if %cond3A_151 {
        %sub3A = arith.constant 1 : i32
        %sub3A_247 = arith.subi %add3A_118, %sub3A : i32
        %dma_wait3A_248 = arith.constant 0 : i32
        %dma_wait3A_249 = arith.constant 0 : i32
        %dma_wait3A_250 = arith.constant 0 : i32
        %dma_wait3A_251 = arith.constant 0 : i32
        %dma_wait3A_252 = tpu.memref_slice %arg9[%dma_wait3A_248, %dma_wait3A_250, %dma_wait3A_251] : memref<4x128x64xf32, #tpu.memory_space<vmem>> -> memref<1x128x64xf32, #tpu.memory_space<vmem>>
        %dma_wait3A_253 = tpu.memref_squeeze %dma_wait3A_252 : memref<1x128x64xf32, #tpu.memory_space<vmem>> -> memref<128x64xf32, #tpu.memory_space<vmem>>
        %dma_wait3A_254 = arith.constant 0 : i32
        %dma_wait3A_255 = tpu.memref_slice %arg8[%sub3A_247, %dma_wait3A_254] : memref<80x128xi32, #tpu.memory_space<vmem>> -> memref<1x128xi32, #tpu.memory_space<vmem>>
        %dma_wait3A_256 = tpu.memref_squeeze %dma_wait3A_255 : memref<1x128xi32, #tpu.memory_space<vmem>> -> memref<128xi32, #tpu.memory_space<vmem>>
        %dma_wait3A_257 = arith.constant 0 : i32
        %dma_wait3A_258 = arith.constant 0 : i32
        %dma_wait3A_259 = tpu.memref_slice %arg10[%dma_wait3A_257, %dma_wait3A_258] : memref<10240x64xf32, #tpu.memory_space<vmem_shared>> -> memref<10240x64xf32, #tpu.memory_space<vmem_shared>>
        %dma_wait3A_260 = tpu.memref_slice %arg12[%dma_wait3A_249] : memref<4x!tpu.dma_semaphore, #tpu.memory_space<semaphore_mem>> -> memref<1x!tpu.dma_semaphore, #tpu.memory_space<semaphore_mem>>
        %dma_wait3A_261 = tpu.memref_squeeze %dma_wait3A_260 : memref<1x!tpu.dma_semaphore, #tpu.memory_space<semaphore_mem>> -> memref<!tpu.dma_semaphore, #tpu.memory_space<semaphore_mem>>
        tpu.wait_indirect_dma semaphore(%dma_wait3A_261 : memref<!tpu.dma_semaphore, #tpu.memory_space<semaphore_mem>>) src(%dma_wait3A_253 : memref<128x64xf32, #tpu.memory_space<vmem>>) dst(%dma_wait3A_259 : memref<10240x64xf32, #tpu.memory_space<vmem_shared>>)
      } else {
      }
      %add3A_152 = arith.constant 3 : i32
      %add3A_153 = arith.addi %add3A_118, %add3A_152 : i32
      %lt3A_154 = arith.constant 80 : i32
      %lt3A_155 = arith.cmpi slt, %add3A_153, %lt3A_154 : i32
      %convert_element_type3A_156 = arith.extui %lt3A_155 : i1 to i32
      %cond3A_157 = arith.constant 0 : i32
      %cond3A_158 = arith.cmpi ne, %convert_element_type3A_156, %cond3A_157 : i32
      scf.if %cond3A_158 {
        %add3A_247 = arith.constant 3 : i32
        %add3A_248 = arith.addi %add3A_118, %add3A_247 : i32
        %dma_start3A_249 = arith.constant 0 : i32
        %dma_start3A_250 = arith.constant 0 : i32
        %dma_start3A_251 = arith.constant 0 : i32
        %dma_start3A_252 = arith.constant 0 : i32
        %dma_start3A_253 = tpu.memref_slice %arg9[%dma_start3A_249, %dma_start3A_251, %dma_start3A_252] : memref<4x128x64xf32, #tpu.memory_space<vmem>> -> memref<1x128x64xf32, #tpu.memory_space<vmem>>
        %dma_start3A_254 = tpu.memref_squeeze %dma_start3A_253 : memref<1x128x64xf32, #tpu.memory_space<vmem>> -> memref<128x64xf32, #tpu.memory_space<vmem>>
        %dma_start3A_255 = arith.constant 0 : i32
        %dma_start3A_256 = tpu.memref_slice %arg7[%add3A_248, %dma_start3A_255] : memref<80x128xi32, #tpu.memory_space<vmem>> -> memref<1x128xi32, #tpu.memory_space<vmem>>
        %dma_start3A_257 = tpu.memref_squeeze %dma_start3A_256 : memref<1x128xi32, #tpu.memory_space<vmem>> -> memref<128xi32, #tpu.memory_space<vmem>>
        %dma_start3A_258 = arith.constant 0 : i32
        %dma_start3A_259 = arith.constant 0 : i32
        %dma_start3A_260 = tpu.memref_slice %arg2[%dma_start3A_258, %dma_start3A_259] : memref<10240x64xf32, #tpu.memory_space<hbm>> -> memref<10240x64xf32, #tpu.memory_space<hbm>>
        %dma_start3A_261 = tpu.memref_slice %arg11[%dma_start3A_250] : memref<4x!tpu.dma_semaphore, #tpu.memory_space<semaphore_mem>> -> memref<1x!tpu.dma_semaphore, #tpu.memory_space<semaphore_mem>>
        %dma_start3A_262 = tpu.memref_squeeze %dma_start3A_261 : memref<1x!tpu.dma_semaphore, #tpu.memory_space<semaphore_mem>> -> memref<!tpu.dma_semaphore, #tpu.memory_space<semaphore_mem>>
        tpu.enqueue_indirect_dma source(%dma_start3A_260 : memref<10240x64xf32, #tpu.memory_space<hbm>>) target(%dma_start3A_254 : memref<128x64xf32, #tpu.memory_space<vmem>>) offsets(%dma_start3A_257 : memref<128xi32, #tpu.memory_space<vmem>>) semaphore(%dma_start3A_262 : memref<!tpu.dma_semaphore, #tpu.memory_space<semaphore_mem>>)
      } else {
      }
      %mul3A_159 = arith.constant 4 : i32
      %mul3A_160 = arith.muli %scan3A_72, %mul3A_159 : i32
      %add3A_161 = arith.constant 2 : i32
      %add3A_162 = arith.addi %mul3A_160, %add3A_161 : i32
      %dma_wait3A_163 = arith.constant 2 : i32
      %dma_wait3A_164 = arith.constant 2 : i32
      %dma_wait3A_165 = arith.constant 0 : i32
      %dma_wait3A_166 = arith.constant 0 : i32
      %dma_wait3A_167 = tpu.memref_slice %arg9[%dma_wait3A_163, %dma_wait3A_165, %dma_wait3A_166] : memref<4x128x64xf32, #tpu.memory_space<vmem>> -> memref<1x128x64xf32, #tpu.memory_space<vmem>>
      %dma_wait3A_168 = tpu.memref_squeeze %dma_wait3A_167 : memref<1x128x64xf32, #tpu.memory_space<vmem>> -> memref<128x64xf32, #tpu.memory_space<vmem>>
      %dma_wait3A_169 = arith.constant 0 : i32
      %dma_wait3A_170 = tpu.memref_slice %arg7[%add3A_162, %dma_wait3A_169] : memref<80x128xi32, #tpu.memory_space<vmem>> -> memref<1x128xi32, #tpu.memory_space<vmem>>
      %dma_wait3A_171 = tpu.memref_squeeze %dma_wait3A_170 : memref<1x128xi32, #tpu.memory_space<vmem>> -> memref<128xi32, #tpu.memory_space<vmem>>
      %dma_wait3A_172 = arith.constant 0 : i32
      %dma_wait3A_173 = arith.constant 0 : i32
      %dma_wait3A_174 = tpu.memref_slice %arg2[%dma_wait3A_172, %dma_wait3A_173] : memref<10240x64xf32, #tpu.memory_space<hbm>> -> memref<10240x64xf32, #tpu.memory_space<hbm>>
      %dma_wait3A_175 = tpu.memref_slice %arg11[%dma_wait3A_164] : memref<4x!tpu.dma_semaphore, #tpu.memory_space<semaphore_mem>> -> memref<1x!tpu.dma_semaphore, #tpu.memory_space<semaphore_mem>>
      %dma_wait3A_176 = tpu.memref_squeeze %dma_wait3A_175 : memref<1x!tpu.dma_semaphore, #tpu.memory_space<semaphore_mem>> -> memref<!tpu.dma_semaphore, #tpu.memory_space<semaphore_mem>>
      tpu.wait_indirect_dma semaphore(%dma_wait3A_176 : memref<!tpu.dma_semaphore, #tpu.memory_space<semaphore_mem>>) src(%dma_wait3A_174 : memref<10240x64xf32, #tpu.memory_space<hbm>>) dst(%dma_wait3A_168 : memref<128x64xf32, #tpu.memory_space<vmem>>)
      %dma_start3A_177 = arith.constant 2 : i32
      %dma_start3A_178 = arith.constant 2 : i32
      %dma_start3A_179 = arith.constant 0 : i32
      %dma_start3A_180 = arith.constant 0 : i32
      %dma_start3A_181 = tpu.memref_slice %arg9[%dma_start3A_177, %dma_start3A_179, %dma_start3A_180] : memref<4x128x64xf32, #tpu.memory_space<vmem>> -> memref<1x128x64xf32, #tpu.memory_space<vmem>>
      %dma_start3A_182 = tpu.memref_squeeze %dma_start3A_181 : memref<1x128x64xf32, #tpu.memory_space<vmem>> -> memref<128x64xf32, #tpu.memory_space<vmem>>
      %dma_start3A_183 = arith.constant 0 : i32
      %dma_start3A_184 = tpu.memref_slice %arg8[%add3A_162, %dma_start3A_183] : memref<80x128xi32, #tpu.memory_space<vmem>> -> memref<1x128xi32, #tpu.memory_space<vmem>>
      %dma_start3A_185 = tpu.memref_squeeze %dma_start3A_184 : memref<1x128xi32, #tpu.memory_space<vmem>> -> memref<128xi32, #tpu.memory_space<vmem>>
      %dma_start3A_186 = arith.constant 0 : i32
      %dma_start3A_187 = arith.constant 0 : i32
      %dma_start3A_188 = tpu.memref_slice %arg10[%dma_start3A_186, %dma_start3A_187] : memref<10240x64xf32, #tpu.memory_space<vmem_shared>> -> memref<10240x64xf32, #tpu.memory_space<vmem_shared>>
      %dma_start3A_189 = tpu.memref_slice %arg12[%dma_start3A_178] : memref<4x!tpu.dma_semaphore, #tpu.memory_space<semaphore_mem>> -> memref<1x!tpu.dma_semaphore, #tpu.memory_space<semaphore_mem>>
      %dma_start3A_190 = tpu.memref_squeeze %dma_start3A_189 : memref<1x!tpu.dma_semaphore, #tpu.memory_space<semaphore_mem>> -> memref<!tpu.dma_semaphore, #tpu.memory_space<semaphore_mem>>
      tpu.enqueue_indirect_dma source(%dma_start3A_182 : memref<128x64xf32, #tpu.memory_space<vmem>>) target(%dma_start3A_188 : memref<10240x64xf32, #tpu.memory_space<vmem_shared>>) offsets(%dma_start3A_185 : memref<128xi32, #tpu.memory_space<vmem>>) semaphore(%dma_start3A_190 : memref<!tpu.dma_semaphore, #tpu.memory_space<semaphore_mem>>) {add = true}
      %ge3A_191 = arith.constant 1 : i32
      %ge3A_192 = arith.cmpi sge, %add3A_162, %ge3A_191 : i32
      %convert_element_type3A_193 = arith.extui %ge3A_192 : i1 to i32
      %cond3A_194 = arith.constant 0 : i32
      %cond3A_195 = arith.cmpi ne, %convert_element_type3A_193, %cond3A_194 : i32
      scf.if %cond3A_195 {
        %sub3A = arith.constant 1 : i32
        %sub3A_247 = arith.subi %add3A_162, %sub3A : i32
        %dma_wait3A_248 = arith.constant 1 : i32
        %dma_wait3A_249 = arith.constant 1 : i32
        %dma_wait3A_250 = arith.constant 0 : i32
        %dma_wait3A_251 = arith.constant 0 : i32
        %dma_wait3A_252 = tpu.memref_slice %arg9[%dma_wait3A_248, %dma_wait3A_250, %dma_wait3A_251] : memref<4x128x64xf32, #tpu.memory_space<vmem>> -> memref<1x128x64xf32, #tpu.memory_space<vmem>>
        %dma_wait3A_253 = tpu.memref_squeeze %dma_wait3A_252 : memref<1x128x64xf32, #tpu.memory_space<vmem>> -> memref<128x64xf32, #tpu.memory_space<vmem>>
        %dma_wait3A_254 = arith.constant 0 : i32
        %dma_wait3A_255 = tpu.memref_slice %arg8[%sub3A_247, %dma_wait3A_254] : memref<80x128xi32, #tpu.memory_space<vmem>> -> memref<1x128xi32, #tpu.memory_space<vmem>>
        %dma_wait3A_256 = tpu.memref_squeeze %dma_wait3A_255 : memref<1x128xi32, #tpu.memory_space<vmem>> -> memref<128xi32, #tpu.memory_space<vmem>>
        %dma_wait3A_257 = arith.constant 0 : i32
        %dma_wait3A_258 = arith.constant 0 : i32
        %dma_wait3A_259 = tpu.memref_slice %arg10[%dma_wait3A_257, %dma_wait3A_258] : memref<10240x64xf32, #tpu.memory_space<vmem_shared>> -> memref<10240x64xf32, #tpu.memory_space<vmem_shared>>
        %dma_wait3A_260 = tpu.memref_slice %arg12[%dma_wait3A_249] : memref<4x!tpu.dma_semaphore, #tpu.memory_space<semaphore_mem>> -> memref<1x!tpu.dma_semaphore, #tpu.memory_space<semaphore_mem>>
        %dma_wait3A_261 = tpu.memref_squeeze %dma_wait3A_260 : memref<1x!tpu.dma_semaphore, #tpu.memory_space<semaphore_mem>> -> memref<!tpu.dma_semaphore, #tpu.memory_space<semaphore_mem>>
        tpu.wait_indirect_dma semaphore(%dma_wait3A_261 : memref<!tpu.dma_semaphore, #tpu.memory_space<semaphore_mem>>) src(%dma_wait3A_253 : memref<128x64xf32, #tpu.memory_space<vmem>>) dst(%dma_wait3A_259 : memref<10240x64xf32, #tpu.memory_space<vmem_shared>>)
      } else {
      }
      %add3A_196 = arith.constant 3 : i32
      %add3A_197 = arith.addi %add3A_162, %add3A_196 : i32
      %lt3A_198 = arith.constant 80 : i32
      %lt3A_199 = arith.cmpi slt, %add3A_197, %lt3A_198 : i32
      %convert_element_type3A_200 = arith.extui %lt3A_199 : i1 to i32
      %cond3A_201 = arith.constant 0 : i32
      %cond3A_202 = arith.cmpi ne, %convert_element_type3A_200, %cond3A_201 : i32
      scf.if %cond3A_202 {
        %add3A_247 = arith.constant 3 : i32
        %add3A_248 = arith.addi %add3A_162, %add3A_247 : i32
        %dma_start3A_249 = arith.constant 1 : i32
        %dma_start3A_250 = arith.constant 1 : i32
        %dma_start3A_251 = arith.constant 0 : i32
        %dma_start3A_252 = arith.constant 0 : i32
        %dma_start3A_253 = tpu.memref_slice %arg9[%dma_start3A_249, %dma_start3A_251, %dma_start3A_252] : memref<4x128x64xf32, #tpu.memory_space<vmem>> -> memref<1x128x64xf32, #tpu.memory_space<vmem>>
        %dma_start3A_254 = tpu.memref_squeeze %dma_start3A_253 : memref<1x128x64xf32, #tpu.memory_space<vmem>> -> memref<128x64xf32, #tpu.memory_space<vmem>>
        %dma_start3A_255 = arith.constant 0 : i32
        %dma_start3A_256 = tpu.memref_slice %arg7[%add3A_248, %dma_start3A_255] : memref<80x128xi32, #tpu.memory_space<vmem>> -> memref<1x128xi32, #tpu.memory_space<vmem>>
        %dma_start3A_257 = tpu.memref_squeeze %dma_start3A_256 : memref<1x128xi32, #tpu.memory_space<vmem>> -> memref<128xi32, #tpu.memory_space<vmem>>
        %dma_start3A_258 = arith.constant 0 : i32
        %dma_start3A_259 = arith.constant 0 : i32
        %dma_start3A_260 = tpu.memref_slice %arg2[%dma_start3A_258, %dma_start3A_259] : memref<10240x64xf32, #tpu.memory_space<hbm>> -> memref<10240x64xf32, #tpu.memory_space<hbm>>
        %dma_start3A_261 = tpu.memref_slice %arg11[%dma_start3A_250] : memref<4x!tpu.dma_semaphore, #tpu.memory_space<semaphore_mem>> -> memref<1x!tpu.dma_semaphore, #tpu.memory_space<semaphore_mem>>
        %dma_start3A_262 = tpu.memref_squeeze %dma_start3A_261 : memref<1x!tpu.dma_semaphore, #tpu.memory_space<semaphore_mem>> -> memref<!tpu.dma_semaphore, #tpu.memory_space<semaphore_mem>>
        tpu.enqueue_indirect_dma source(%dma_start3A_260 : memref<10240x64xf32, #tpu.memory_space<hbm>>) target(%dma_start3A_254 : memref<128x64xf32, #tpu.memory_space<vmem>>) offsets(%dma_start3A_257 : memref<128xi32, #tpu.memory_space<vmem>>) semaphore(%dma_start3A_262 : memref<!tpu.dma_semaphore, #tpu.memory_space<semaphore_mem>>)
      } else {
      }
      %mul3A_203 = arith.constant 4 : i32
      %mul3A_204 = arith.muli %scan3A_72, %mul3A_203 : i32
      %add3A_205 = arith.constant 3 : i32
      %add3A_206 = arith.addi %mul3A_204, %add3A_205 : i32
      %dma_wait3A_207 = arith.constant 3 : i32
      %dma_wait3A_208 = arith.constant 3 : i32
      %dma_wait3A_209 = arith.constant 0 : i32
      %dma_wait3A_210 = arith.constant 0 : i32
      %dma_wait3A_211 = tpu.memref_slice %arg9[%dma_wait3A_207, %dma_wait3A_209, %dma_wait3A_210] : memref<4x128x64xf32, #tpu.memory_space<vmem>> -> memref<1x128x64xf32, #tpu.memory_space<vmem>>
      %dma_wait3A_212 = tpu.memref_squeeze %dma_wait3A_211 : memref<1x128x64xf32, #tpu.memory_space<vmem>> -> memref<128x64xf32, #tpu.memory_space<vmem>>
      %dma_wait3A_213 = arith.constant 0 : i32
      %dma_wait3A_214 = tpu.memref_slice %arg7[%add3A_206, %dma_wait3A_213] : memref<80x128xi32, #tpu.memory_space<vmem>> -> memref<1x128xi32, #tpu.memory_space<vmem>>
      %dma_wait3A_215 = tpu.memref_squeeze %dma_wait3A_214 : memref<1x128xi32, #tpu.memory_space<vmem>> -> memref<128xi32, #tpu.memory_space<vmem>>
      %dma_wait3A_216 = arith.constant 0 : i32
      %dma_wait3A_217 = arith.constant 0 : i32
      %dma_wait3A_218 = tpu.memref_slice %arg2[%dma_wait3A_216, %dma_wait3A_217] : memref<10240x64xf32, #tpu.memory_space<hbm>> -> memref<10240x64xf32, #tpu.memory_space<hbm>>
      %dma_wait3A_219 = tpu.memref_slice %arg11[%dma_wait3A_208] : memref<4x!tpu.dma_semaphore, #tpu.memory_space<semaphore_mem>> -> memref<1x!tpu.dma_semaphore, #tpu.memory_space<semaphore_mem>>
      %dma_wait3A_220 = tpu.memref_squeeze %dma_wait3A_219 : memref<1x!tpu.dma_semaphore, #tpu.memory_space<semaphore_mem>> -> memref<!tpu.dma_semaphore, #tpu.memory_space<semaphore_mem>>
      tpu.wait_indirect_dma semaphore(%dma_wait3A_220 : memref<!tpu.dma_semaphore, #tpu.memory_space<semaphore_mem>>) src(%dma_wait3A_218 : memref<10240x64xf32, #tpu.memory_space<hbm>>) dst(%dma_wait3A_212 : memref<128x64xf32, #tpu.memory_space<vmem>>)
      %dma_start3A_221 = arith.constant 3 : i32
      %dma_start3A_222 = arith.constant 3 : i32
      %dma_start3A_223 = arith.constant 0 : i32
      %dma_start3A_224 = arith.constant 0 : i32
      %dma_start3A_225 = tpu.memref_slice %arg9[%dma_start3A_221, %dma_start3A_223, %dma_start3A_224] : memref<4x128x64xf32, #tpu.memory_space<vmem>> -> memref<1x128x64xf32, #tpu.memory_space<vmem>>
      %dma_start3A_226 = tpu.memref_squeeze %dma_start3A_225 : memref<1x128x64xf32, #tpu.memory_space<vmem>> -> memref<128x64xf32, #tpu.memory_space<vmem>>
      %dma_start3A_227 = arith.constant 0 : i32
      %dma_start3A_228 = tpu.memref_slice %arg8[%add3A_206, %dma_start3A_227] : memref<80x128xi32, #tpu.memory_space<vmem>> -> memref<1x128xi32, #tpu.memory_space<vmem>>
      %dma_start3A_229 = tpu.memref_squeeze %dma_start3A_228 : memref<1x128xi32, #tpu.memory_space<vmem>> -> memref<128xi32, #tpu.memory_space<vmem>>
      %dma_start3A_230 = arith.constant 0 : i32
      %dma_start3A_231 = arith.constant 0 : i32
      %dma_start3A_232 = tpu.memref_slice %arg10[%dma_start3A_230, %dma_start3A_231] : memref<10240x64xf32, #tpu.memory_space<vmem_shared>> -> memref<10240x64xf32, #tpu.memory_space<vmem_shared>>
      %dma_start3A_233 = tpu.memref_slice %arg12[%dma_start3A_222] : memref<4x!tpu.dma_semaphore, #tpu.memory_space<semaphore_mem>> -> memref<1x!tpu.dma_semaphore, #tpu.memory_space<semaphore_mem>>
      %dma_start3A_234 = tpu.memref_squeeze %dma_start3A_233 : memref<1x!tpu.dma_semaphore, #tpu.memory_space<semaphore_mem>> -> memref<!tpu.dma_semaphore, #tpu.memory_space<semaphore_mem>>
      tpu.enqueue_indirect_dma source(%dma_start3A_226 : memref<128x64xf32, #tpu.memory_space<vmem>>) target(%dma_start3A_232 : memref<10240x64xf32, #tpu.memory_space<vmem_shared>>) offsets(%dma_start3A_229 : memref<128xi32, #tpu.memory_space<vmem>>) semaphore(%dma_start3A_234 : memref<!tpu.dma_semaphore, #tpu.memory_space<semaphore_mem>>) {add = true}
      %ge3A_235 = arith.constant 1 : i32
      %ge3A_236 = arith.cmpi sge, %add3A_206, %ge3A_235 : i32
      %convert_element_type3A_237 = arith.extui %ge3A_236 : i1 to i32
      %cond3A_238 = arith.constant 0 : i32
      %cond3A_239 = arith.cmpi ne, %convert_element_type3A_237, %cond3A_238 : i32
      scf.if %cond3A_239 {
        %sub3A = arith.constant 1 : i32
        %sub3A_247 = arith.subi %add3A_206, %sub3A : i32
        %dma_wait3A_248 = arith.constant 2 : i32
        %dma_wait3A_249 = arith.constant 2 : i32
        %dma_wait3A_250 = arith.constant 0 : i32
        %dma_wait3A_251 = arith.constant 0 : i32
        %dma_wait3A_252 = tpu.memref_slice %arg9[%dma_wait3A_248, %dma_wait3A_250, %dma_wait3A_251] : memref<4x128x64xf32, #tpu.memory_space<vmem>> -> memref<1x128x64xf32, #tpu.memory_space<vmem>>
        %dma_wait3A_253 = tpu.memref_squeeze %dma_wait3A_252 : memref<1x128x64xf32, #tpu.memory_space<vmem>> -> memref<128x64xf32, #tpu.memory_space<vmem>>
        %dma_wait3A_254 = arith.constant 0 : i32
        %dma_wait3A_255 = tpu.memref_slice %arg8[%sub3A_247, %dma_wait3A_254] : memref<80x128xi32, #tpu.memory_space<vmem>> -> memref<1x128xi32, #tpu.memory_space<vmem>>
        %dma_wait3A_256 = tpu.memref_squeeze %dma_wait3A_255 : memref<1x128xi32, #tpu.memory_space<vmem>> -> memref<128xi32, #tpu.memory_space<vmem>>
        %dma_wait3A_257 = arith.constant 0 : i32
        %dma_wait3A_258 = arith.constant 0 : i32
        %dma_wait3A_259 = tpu.memref_slice %arg10[%dma_wait3A_257, %dma_wait3A_258] : memref<10240x64xf32, #tpu.memory_space<vmem_shared>> -> memref<10240x64xf32, #tpu.memory_space<vmem_shared>>
        %dma_wait3A_260 = tpu.memref_slice %arg12[%dma_wait3A_249] : memref<4x!tpu.dma_semaphore, #tpu.memory_space<semaphore_mem>> -> memref<1x!tpu.dma_semaphore, #tpu.memory_space<semaphore_mem>>
        %dma_wait3A_261 = tpu.memref_squeeze %dma_wait3A_260 : memref<1x!tpu.dma_semaphore, #tpu.memory_space<semaphore_mem>> -> memref<!tpu.dma_semaphore, #tpu.memory_space<semaphore_mem>>
        tpu.wait_indirect_dma semaphore(%dma_wait3A_261 : memref<!tpu.dma_semaphore, #tpu.memory_space<semaphore_mem>>) src(%dma_wait3A_253 : memref<128x64xf32, #tpu.memory_space<vmem>>) dst(%dma_wait3A_259 : memref<10240x64xf32, #tpu.memory_space<vmem_shared>>)
      } else {
      }
      %add3A_240 = arith.constant 3 : i32
      %add3A_241 = arith.addi %add3A_206, %add3A_240 : i32
      %lt3A_242 = arith.constant 80 : i32
      %lt3A_243 = arith.cmpi slt, %add3A_241, %lt3A_242 : i32
      %convert_element_type3A_244 = arith.extui %lt3A_243 : i1 to i32
      %cond3A_245 = arith.constant 0 : i32
      %cond3A_246 = arith.cmpi ne, %convert_element_type3A_244, %cond3A_245 : i32
      scf.if %cond3A_246 {
        %add3A_247 = arith.constant 3 : i32
        %add3A_248 = arith.addi %add3A_206, %add3A_247 : i32
        %dma_start3A_249 = arith.constant 2 : i32
        %dma_start3A_250 = arith.constant 2 : i32
        %dma_start3A_251 = arith.constant 0 : i32
        %dma_start3A_252 = arith.constant 0 : i32
        %dma_start3A_253 = tpu.memref_slice %arg9[%dma_start3A_249, %dma_start3A_251, %dma_start3A_252] : memref<4x128x64xf32, #tpu.memory_space<vmem>> -> memref<1x128x64xf32, #tpu.memory_space<vmem>>
        %dma_start3A_254 = tpu.memref_squeeze %dma_start3A_253 : memref<1x128x64xf32, #tpu.memory_space<vmem>> -> memref<128x64xf32, #tpu.memory_space<vmem>>
        %dma_start3A_255 = arith.constant 0 : i32
        %dma_start3A_256 = tpu.memref_slice %arg7[%add3A_248, %dma_start3A_255] : memref<80x128xi32, #tpu.memory_space<vmem>> -> memref<1x128xi32, #tpu.memory_space<vmem>>
        %dma_start3A_257 = tpu.memref_squeeze %dma_start3A_256 : memref<1x128xi32, #tpu.memory_space<vmem>> -> memref<128xi32, #tpu.memory_space<vmem>>
        %dma_start3A_258 = arith.constant 0 : i32
        %dma_start3A_259 = arith.constant 0 : i32
        %dma_start3A_260 = tpu.memref_slice %arg2[%dma_start3A_258, %dma_start3A_259] : memref<10240x64xf32, #tpu.memory_space<hbm>> -> memref<10240x64xf32, #tpu.memory_space<hbm>>
        %dma_start3A_261 = tpu.memref_slice %arg11[%dma_start3A_250] : memref<4x!tpu.dma_semaphore, #tpu.memory_space<semaphore_mem>> -> memref<1x!tpu.dma_semaphore, #tpu.memory_space<semaphore_mem>>
        %dma_start3A_262 = tpu.memref_squeeze %dma_start3A_261 : memref<1x!tpu.dma_semaphore, #tpu.memory_space<semaphore_mem>> -> memref<!tpu.dma_semaphore, #tpu.memory_space<semaphore_mem>>
        tpu.enqueue_indirect_dma source(%dma_start3A_260 : memref<10240x64xf32, #tpu.memory_space<hbm>>) target(%dma_start3A_254 : memref<128x64xf32, #tpu.memory_space<vmem>>) offsets(%dma_start3A_257 : memref<128xi32, #tpu.memory_space<vmem>>) semaphore(%dma_start3A_262 : memref<!tpu.dma_semaphore, #tpu.memory_space<semaphore_mem>>)
      } else {
      }
    }
    %scan3A_51 = arith.constant 20 : i32
    %dma_wait3A = arith.constant 3 : i32
    %dma_wait3A_52 = arith.constant 79 : i32
    %dma_wait3A_53 = arith.constant 3 : i32
    %dma_wait3A_54 = arith.constant 0 : i32
    %dma_wait3A_55 = arith.constant 0 : i32
    %dma_wait3A_56 = tpu.memref_slice %arg9[%dma_wait3A, %dma_wait3A_54, %dma_wait3A_55] : memref<4x128x64xf32, #tpu.memory_space<vmem>> -> memref<1x128x64xf32, #tpu.memory_space<vmem>>
    %dma_wait3A_57 = tpu.memref_squeeze %dma_wait3A_56 : memref<1x128x64xf32, #tpu.memory_space<vmem>> -> memref<128x64xf32, #tpu.memory_space<vmem>>
    %dma_wait3A_58 = arith.constant 0 : i32
    %dma_wait3A_59 = tpu.memref_slice %arg8[%dma_wait3A_52, %dma_wait3A_58] : memref<80x128xi32, #tpu.memory_space<vmem>> -> memref<1x128xi32, #tpu.memory_space<vmem>>
    %dma_wait3A_60 = tpu.memref_squeeze %dma_wait3A_59 : memref<1x128xi32, #tpu.memory_space<vmem>> -> memref<128xi32, #tpu.memory_space<vmem>>
    %dma_wait3A_61 = arith.constant 0 : i32
    %dma_wait3A_62 = arith.constant 0 : i32
    %dma_wait3A_63 = tpu.memref_slice %arg10[%dma_wait3A_61, %dma_wait3A_62] : memref<10240x64xf32, #tpu.memory_space<vmem_shared>> -> memref<10240x64xf32, #tpu.memory_space<vmem_shared>>
    %dma_wait3A_64 = tpu.memref_slice %arg12[%dma_wait3A_53] : memref<4x!tpu.dma_semaphore, #tpu.memory_space<semaphore_mem>> -> memref<1x!tpu.dma_semaphore, #tpu.memory_space<semaphore_mem>>
    %dma_wait3A_65 = tpu.memref_squeeze %dma_wait3A_64 : memref<1x!tpu.dma_semaphore, #tpu.memory_space<semaphore_mem>> -> memref<!tpu.dma_semaphore, #tpu.memory_space<semaphore_mem>>
    tpu.wait_indirect_dma semaphore(%dma_wait3A_65 : memref<!tpu.dma_semaphore, #tpu.memory_space<semaphore_mem>>) src(%dma_wait3A_57 : memref<128x64xf32, #tpu.memory_space<vmem>>) dst(%dma_wait3A_63 : memref<10240x64xf32, #tpu.memory_space<vmem_shared>>)
    %barrier3A_66 = arith.constant 0 : index
    tpu.barrier barrier_id(%barrier3A_66)
    %eq3A_67 = arith.constant 0 : i32
    %eq3A_68 = arith.cmpi eq, %arg1, %eq3A_67 : i32
    %convert_element_type3A_69 = arith.extui %eq3A_68 : i1 to i32
    %cond3A_70 = arith.constant 0 : i32
    %cond3A_71 = arith.cmpi ne, %convert_element_type3A_69, %cond3A_70 : i32
    scf.if %cond3A_71 {
      "tpu.region"() ({
        %run_scoped3A = tpu.sem_alloc : memref<!tpu.dma_semaphore, #tpu.memory_space<semaphore_mem>>
        %dma_start3A_72 = arith.constant 0 : i32
        %dma_start3A_73 = arith.constant 0 : i32
        %dma_start3A_74 = tpu.memref_slice %arg6[%arg0, %dma_start3A_72, %dma_start3A_73] : memref<2x10240x64xf32, #tpu.memory_space<hbm>> -> memref<1x10240x64xf32, #tpu.memory_space<hbm>>
        %dma_start3A_75 = tpu.memref_squeeze %dma_start3A_74 : memref<1x10240x64xf32, #tpu.memory_space<hbm>> -> memref<10240x64xf32, #tpu.memory_space<hbm>>
        tpu.enqueue_dma source(%arg10 : memref<10240x64xf32, #tpu.memory_space<vmem_shared>>) target(%dma_start3A_75 : memref<10240x64xf32, #tpu.memory_space<hbm>>) target_semaphore(%run_scoped3A : memref<!tpu.dma_semaphore, #tpu.memory_space<semaphore_mem>>)
        %dma_wait3A_76 = arith.constant 0 : i32
        %dma_wait3A_77 = arith.constant 0 : i32
        %dma_wait3A_78 = tpu.memref_slice %arg6[%arg0, %dma_wait3A_76, %dma_wait3A_77] : memref<2x10240x64xf32, #tpu.memory_space<hbm>> -> memref<1x10240x64xf32, #tpu.memory_space<hbm>>
        %dma_wait3A_79 = tpu.memref_squeeze %dma_wait3A_78 : memref<1x10240x64xf32, #tpu.memory_space<hbm>> -> memref<10240x64xf32, #tpu.memory_space<hbm>>
        tpu.wait_dma2 semaphore(%run_scoped3A : memref<!tpu.dma_semaphore, #tpu.memory_space<semaphore_mem>>) src(%arg10 : memref<10240x64xf32, #tpu.memory_space<vmem_shared>>) dst(%dma_wait3A_79 : memref<10240x64xf32, #tpu.memory_space<hbm>>)
        tpu.yield
      }) : () -> ()
    } else {
    }
    return
  }
}

#map = affine_map<(d0, d1) -> (0, 0)>
#map1 = affine_map<(d0, d1) -> (0, 0, 0)>
module attributes {stable_mosaic.version = 14 : i64} {
  func.func @body_fn(%arg0: i32, %arg1: i32, %arg2: memref<10240x64xf32, #tpu.memory_space<hbm>>, %arg3: memref<32x80x128xi32, #tpu.memory_space<hbm>>, %arg4: memref<32x80x128xi32, #tpu.memory_space<hbm>>, %arg5: memref<10240x64xf32, #tpu.memory_space<hbm>>, %arg6: memref<2x10240x64xf32, #tpu.memory_space<hbm>>, %arg7: memref<80x128xi32, #tpu.memory_space<vmem>>, %arg8: memref<80x128xi32, #tpu.memory_space<vmem>>, %arg9: memref<4x128x64xf32, #tpu.memory_space<vmem>>, %arg10: memref<10240x64xf32, #tpu.memory_space<vmem_shared>>, %arg11: memref<4x!tpu.dma_semaphore, #tpu.memory_space<semaphore_mem>>, %arg12: memref<4x!tpu.dma_semaphore, #tpu.memory_space<semaphore_mem>>) attributes {dimension_semantics = [#tpu.dimension_semantics<core_parallel>, #tpu.dimension_semantics<subcore_parallel>], iteration_bounds = array<i64: 2, 16>, scalar_prefetch = 0 : i64, scratch_operands = 6 : i64, tpu.core_type = #tpu.core_type<sc_vector_subcore>, window_params = [{transform_indices = #map}, {transform_indices = #map1}, {transform_indices = #map1}, {transform_indices = #map}, {transform_indices = #map1}]} {
    %mul3A = arith.constant 16 : i32
    %mul3A_0 = arith.muli %arg0, %mul3A : i32
    %add3A = arith.addi %mul3A_0, %arg1 : i32
    "tpu.region"() ({
      %run_scoped3A = tpu.sem_alloc : memref<!tpu.dma_semaphore, #tpu.memory_space<semaphore_mem>>
      %dma_start3A_72 = arith.constant 0 : i32
      %dma_start3A_73 = arith.constant 0 : i32
      %dma_start3A_74 = tpu.memref_slice %arg3[%add3A, %dma_start3A_72, %dma_start3A_73] : memref<32x80x128xi32, #tpu.memory_space<hbm>> -> memref<1x80x128xi32, #tpu.memory_space<hbm>>
      %dma_start3A_75 = tpu.memref_squeeze %dma_start3A_74 : memref<1x80x128xi32, #tpu.memory_space<hbm>> -> memref<80x128xi32, #tpu.memory_space<hbm>>
      %dma_start3A_76 = arith.constant 0 : i32
      %dma_start3A_77 = arith.constant 0 : i32
      %dma_start3A_78 = tpu.memref_slice %arg3[%add3A, %dma_start3A_76, %dma_start3A_77] : memref<32x80x128xi32, #tpu.memory_space<hbm>> -> memref<1x80x128xi32, #tpu.memory_space<hbm>>
      %dma_start3A_79 = tpu.memref_squeeze %dma_start3A_78 : memref<1x80x128xi32, #tpu.memory_space<hbm>> -> memref<80x128xi32, #tpu.memory_space<hbm>>
      tpu.enqueue_dma source(%dma_start3A_79 : memref<80x128xi32, #tpu.memory_space<hbm>>) target(%arg7 : memref<80x128xi32, #tpu.memory_space<vmem>>) target_semaphore(%run_scoped3A : memref<!tpu.dma_semaphore, #tpu.memory_space<semaphore_mem>>)
      %dma_wait3A_80 = arith.constant 0 : i32
      %dma_wait3A_81 = arith.constant 0 : i32
      %dma_wait3A_82 = tpu.memref_slice %arg3[%add3A, %dma_wait3A_80, %dma_wait3A_81] : memref<32x80x128xi32, #tpu.memory_space<hbm>> -> memref<1x80x128xi32, #tpu.memory_space<hbm>>
      %dma_wait3A_83 = tpu.memref_squeeze %dma_wait3A_82 : memref<1x80x128xi32, #tpu.memory_space<hbm>> -> memref<80x128xi32, #tpu.memory_space<hbm>>
      %dma_wait3A_84 = arith.constant 0 : i32
      %dma_wait3A_85 = arith.constant 0 : i32
      %dma_wait3A_86 = tpu.memref_slice %arg3[%add3A, %dma_wait3A_84, %dma_wait3A_85] : memref<32x80x128xi32, #tpu.memory_space<hbm>> -> memref<1x80x128xi32, #tpu.memory_space<hbm>>
      %dma_wait3A_87 = tpu.memref_squeeze %dma_wait3A_86 : memref<1x80x128xi32, #tpu.memory_space<hbm>> -> memref<80x128xi32, #tpu.memory_space<hbm>>
      tpu.wait_dma2 semaphore(%run_scoped3A : memref<!tpu.dma_semaphore, #tpu.memory_space<semaphore_mem>>) src(%dma_wait3A_87 : memref<80x128xi32, #tpu.memory_space<hbm>>) dst(%arg7 : memref<80x128xi32, #tpu.memory_space<vmem>>)
      tpu.yield
    }) : () -> ()
    "tpu.region"() ({
      %run_scoped3A = tpu.sem_alloc : memref<!tpu.dma_semaphore, #tpu.memory_space<semaphore_mem>>
      %dma_start3A_72 = arith.constant 0 : i32
      %dma_start3A_73 = arith.constant 0 : i32
      %dma_start3A_74 = tpu.memref_slice %arg4[%add3A, %dma_start3A_72, %dma_start3A_73] : memref<32x80x128xi32, #tpu.memory_space<hbm>> -> memref<1x80x128xi32, #tpu.memory_space<hbm>>
      %dma_start3A_75 = tpu.memref_squeeze %dma_start3A_74 : memref<1x80x128xi32, #tpu.memory_space<hbm>> -> memref<80x128xi32, #tpu.memory_space<hbm>>
      %dma_start3A_76 = arith.constant 0 : i32
      %dma_start3A_77 = arith.constant 0 : i32
      %dma_start3A_78 = tpu.memref_slice %arg4[%add3A, %dma_start3A_76, %dma_start3A_77] : memref<32x80x128xi32, #tpu.memory_space<hbm>> -> memref<1x80x128xi32, #tpu.memory_space<hbm>>
      %dma_start3A_79 = tpu.memref_squeeze %dma_start3A_78 : memref<1x80x128xi32, #tpu.memory_space<hbm>> -> memref<80x128xi32, #tpu.memory_space<hbm>>
      tpu.enqueue_dma source(%dma_start3A_79 : memref<80x128xi32, #tpu.memory_space<hbm>>) target(%arg8 : memref<80x128xi32, #tpu.memory_space<vmem>>) target_semaphore(%run_scoped3A : memref<!tpu.dma_semaphore, #tpu.memory_space<semaphore_mem>>)
      %dma_wait3A_80 = arith.constant 0 : i32
      %dma_wait3A_81 = arith.constant 0 : i32
      %dma_wait3A_82 = tpu.memref_slice %arg4[%add3A, %dma_wait3A_80, %dma_wait3A_81] : memref<32x80x128xi32, #tpu.memory_space<hbm>> -> memref<1x80x128xi32, #tpu.memory_space<hbm>>
      %dma_wait3A_83 = tpu.memref_squeeze %dma_wait3A_82 : memref<1x80x128xi32, #tpu.memory_space<hbm>> -> memref<80x128xi32, #tpu.memory_space<hbm>>
      %dma_wait3A_84 = arith.constant 0 : i32
      %dma_wait3A_85 = arith.constant 0 : i32
      %dma_wait3A_86 = tpu.memref_slice %arg4[%add3A, %dma_wait3A_84, %dma_wait3A_85] : memref<32x80x128xi32, #tpu.memory_space<hbm>> -> memref<1x80x128xi32, #tpu.memory_space<hbm>>
      %dma_wait3A_87 = tpu.memref_squeeze %dma_wait3A_86 : memref<1x80x128xi32, #tpu.memory_space<hbm>> -> memref<80x128xi32, #tpu.memory_space<hbm>>
      tpu.wait_dma2 semaphore(%run_scoped3A : memref<!tpu.dma_semaphore, #tpu.memory_space<semaphore_mem>>) src(%dma_wait3A_87 : memref<80x128xi32, #tpu.memory_space<hbm>>) dst(%arg8 : memref<80x128xi32, #tpu.memory_space<vmem>>)
      tpu.yield
    }) : () -> ()
    %dma_start3A = arith.constant 0 : i32
    %dma_start3A_1 = arith.constant 0 : i32
    %dma_start3A_2 = arith.constant 0 : i32
    %dma_start3A_3 = arith.constant 0 : i32
    %dma_start3A_4 = arith.constant 0 : i32
    %dma_start3A_5 = tpu.memref_slice %arg9[%dma_start3A_1, %dma_start3A_3, %dma_start3A_4] : memref<4x128x64xf32, #tpu.memory_space<vmem>> -> memref<1x128x64xf32, #tpu.memory_space<vmem>>
    %dma_start3A_6 = tpu.memref_squeeze %dma_start3A_5 : memref<1x128x64xf32, #tpu.memory_space<vmem>> -> memref<128x64xf32, #tpu.memory_space<vmem>>
    %dma_start3A_7 = arith.constant 0 : i32
    %dma_start3A_8 = tpu.memref_slice %arg7[%dma_start3A, %dma_start3A_7] : memref<80x128xi32, #tpu.memory_space<vmem>> -> memref<1x128xi32, #tpu.memory_space<vmem>>
    %dma_start3A_9 = tpu.memref_squeeze %dma_start3A_8 : memref<1x128xi32, #tpu.memory_space<vmem>> -> memref<128xi32, #tpu.memory_space<vmem>>
    %dma_start3A_10 = arith.constant 0 : i32
    %dma_start3A_11 = arith.constant 0 : i32
    %dma_start3A_12 = tpu.memref_slice %arg2[%dma_start3A_10, %dma_start3A_11] : memref<10240x64xf32, #tpu.memory_space<hbm>> -> memref<10240x64xf32, #tpu.memory_space<hbm>>
    %dma_start3A_13 = tpu.memref_slice %arg11[%dma_start3A_2] : memref<4x!tpu.dma_semaphore, #tpu.memory_space<semaphore_mem>> -> memref<1x!tpu.dma_semaphore, #tpu.memory_space<semaphore_mem>>
    %dma_start3A_14 = tpu.memref_squeeze %dma_start3A_13 : memref<1x!tpu.dma_semaphore, #tpu.memory_space<semaphore_mem>> -> memref<!tpu.dma_semaphore, #tpu.memory_space<semaphore_mem>>
    tpu.enqueue_indirect_dma source(%dma_start3A_12 : memref<10240x64xf32, #tpu.memory_space<hbm>>) target(%dma_start3A_6 : memref<128x64xf32, #tpu.memory_space<vmem>>) offsets(%dma_start3A_9 : memref<128xi32, #tpu.memory_space<vmem>>) semaphore(%dma_start3A_14 : memref<!tpu.dma_semaphore, #tpu.memory_space<semaphore_mem>>)
    %dma_start3A_15 = arith.constant 1 : i32
    %dma_start3A_16 = arith.constant 1 : i32
    %dma_start3A_17 = arith.constant 1 : i32
    %dma_start3A_18 = arith.constant 0 : i32
    %dma_start3A_19 = arith.constant 0 : i32
    %dma_start3A_20 = tpu.memref_slice %arg9[%dma_start3A_16, %dma_start3A_18, %dma_start3A_19] : memref<4x128x64xf32, #tpu.memory_space<vmem>> -> memref<1x128x64xf32, #tpu.memory_space<vmem>>
    %dma_start3A_21 = tpu.memref_squeeze %dma_start3A_20 : memref<1x128x64xf32, #tpu.memory_space<vmem>> -> memref<128x64xf32, #tpu.memory_space<vmem>>
    %dma_start3A_22 = arith.constant 0 : i32
    %dma_start3A_23 = tpu.memref_slice %arg7[%dma_start3A_15, %dma_start3A_22] : memref<80x128xi32, #tpu.memory_space<vmem>> -> memref<1x128xi32, #tpu.memory_space<vmem>>
    %dma_start3A_24 = tpu.memref_squeeze %dma_start3A_23 : memref<1x128xi32, #tpu.memory_space<vmem>> -> memref<128xi32, #tpu.memory_space<vmem>>
    %dma_start3A_25 = arith.constant 0 : i32
    %dma_start3A_26 = arith.constant 0 : i32
    %dma_start3A_27 = tpu.memref_slice %arg2[%dma_start3A_25, %dma_start3A_26] : memref<10240x64xf32, #tpu.memory_space<hbm>> -> memref<10240x64xf32, #tpu.memory_space<hbm>>
    %dma_start3A_28 = tpu.memref_slice %arg11[%dma_start3A_17] : memref<4x!tpu.dma_semaphore, #tpu.memory_space<semaphore_mem>> -> memref<1x!tpu.dma_semaphore, #tpu.memory_space<semaphore_mem>>
    %dma_start3A_29 = tpu.memref_squeeze %dma_start3A_28 : memref<1x!tpu.dma_semaphore, #tpu.memory_space<semaphore_mem>> -> memref<!tpu.dma_semaphore, #tpu.memory_space<semaphore_mem>>
    tpu.enqueue_indirect_dma source(%dma_start3A_27 : memref<10240x64xf32, #tpu.memory_space<hbm>>) target(%dma_start3A_21 : memref<128x64xf32, #tpu.memory_space<vmem>>) offsets(%dma_start3A_24 : memref<128xi32, #tpu.memory_space<vmem>>) semaphore(%dma_start3A_29 : memref<!tpu.dma_semaphore, #tpu.memory_space<semaphore_mem>>)
    %dma_start3A_30 = arith.constant 2 : i32
    %dma_start3A_31 = arith.constant 2 : i32
    %dma_start3A_32 = arith.constant 2 : i32
    %dma_start3A_33 = arith.constant 0 : i32
    %dma_start3A_34 = arith.constant 0 : i32
    %dma_start3A_35 = tpu.memref_slice %arg9[%dma_start3A_31, %dma_start3A_33, %dma_start3A_34] : memref<4x128x64xf32, #tpu.memory_space<vmem>> -> memref<1x128x64xf32, #tpu.memory_space<vmem>>
    %dma_start3A_36 = tpu.memref_squeeze %dma_start3A_35 : memref<1x128x64xf32, #tpu.memory_space<vmem>> -> memref<128x64xf32, #tpu.memory_space<vmem>>
    %dma_start3A_37 = arith.constant 0 : i32
    %dma_start3A_38 = tpu.memref_slice %arg7[%dma_start3A_30, %dma_start3A_37] : memref<80x128xi32, #tpu.memory_space<vmem>> -> memref<1x128xi32, #tpu.memory_space<vmem>>
    %dma_start3A_39 = tpu.memref_squeeze %dma_start3A_38 : memref<1x128xi32, #tpu.memory_space<vmem>> -> memref<128xi32, #tpu.memory_space<vmem>>
    %dma_start3A_40 = arith.constant 0 : i32
    %dma_start3A_41 = arith.constant 0 : i32
    %dma_start3A_42 = tpu.memref_slice %arg2[%dma_start3A_40, %dma_start3A_41] : memref<10240x64xf32, #tpu.memory_space<hbm>> -> memref<10240x64xf32, #tpu.memory_space<hbm>>
    %dma_start3A_43 = tpu.memref_slice %arg11[%dma_start3A_32] : memref<4x!tpu.dma_semaphore, #tpu.memory_space<semaphore_mem>> -> memref<1x!tpu.dma_semaphore, #tpu.memory_space<semaphore_mem>>
    %dma_start3A_44 = tpu.memref_squeeze %dma_start3A_43 : memref<1x!tpu.dma_semaphore, #tpu.memory_space<semaphore_mem>> -> memref<!tpu.dma_semaphore, #tpu.memory_space<semaphore_mem>>
    tpu.enqueue_indirect_dma source(%dma_start3A_42 : memref<10240x64xf32, #tpu.memory_space<hbm>>) target(%dma_start3A_36 : memref<128x64xf32, #tpu.memory_space<vmem>>) offsets(%dma_start3A_39 : memref<128xi32, #tpu.memory_space<vmem>>) semaphore(%dma_start3A_44 : memref<!tpu.dma_semaphore, #tpu.memory_space<semaphore_mem>>)
    %eq3A = arith.constant 0 : i32
    %eq3A_45 = arith.cmpi eq, %arg1, %eq3A : i32
    %convert_element_type3A = arith.extui %eq3A_45 : i1 to i32
    %cond3A = arith.constant 0 : i32
    %cond3A_46 = arith.cmpi ne, %convert_element_type3A, %cond3A : i32
    scf.if %cond3A_46 {
      "tpu.region"() ({
        %run_scoped3A = tpu.sem_alloc : memref<!tpu.dma_semaphore, #tpu.memory_space<semaphore_mem>>
        tpu.enqueue_dma source(%arg5 : memref<10240x64xf32, #tpu.memory_space<hbm>>) target(%arg10 : memref<10240x64xf32, #tpu.memory_space<vmem_shared>>) target_semaphore(%run_scoped3A : memref<!tpu.dma_semaphore, #tpu.memory_space<semaphore_mem>>)
        tpu.wait_dma2 semaphore(%run_scoped3A : memref<!tpu.dma_semaphore, #tpu.memory_space<semaphore_mem>>) src(%arg5 : memref<10240x64xf32, #tpu.memory_space<hbm>>) dst(%arg10 : memref<10240x64xf32, #tpu.memory_space<vmem_shared>>)
        tpu.yield
      }) : () -> ()
    } else {
    }
    %barrier3A = arith.constant 0 : index
    tpu.barrier barrier_id(%barrier3A)
    %scan3A = arith.constant 0 : i32
    %scan3A_47 = arith.constant 0 : i32
    %scan3A_48 = arith.constant 20 : i32
    %scan3A_49 = arith.addi %scan3A_47, %scan3A_48 : i32
    %scan3A_50 = arith.constant 1 : i32
    scf.for %scan3A_72 = %scan3A_47 to %scan3A_49 step %scan3A_50  : i32 {
      %mul3A_73 = arith.constant 4 : i32
      %mul3A_74 = arith.muli %scan3A_72, %mul3A_73 : i32
      %add3A_75 = arith.constant 0 : i32
      %add3A_76 = arith.addi %mul3A_74, %add3A_75 : i32
      %dma_wait3A_77 = arith.constant 0 : i32
      %dma_wait3A_78 = arith.constant 0 : i32
      %dma_wait3A_79 = arith.constant 0 : i32
      %dma_wait3A_80 = arith.constant 0 : i32
      %dma_wait3A_81 = tpu.memref_slice %arg9[%dma_wait3A_77, %dma_wait3A_79, %dma_wait3A_80] : memref<4x128x64xf32, #tpu.memory_space<vmem>> -> memref<1x128x64xf32, #tpu.memory_space<vmem>>
      %dma_wait3A_82 = tpu.memref_squeeze %dma_wait3A_81 : memref<1x128x64xf32, #tpu.memory_space<vmem>> -> memref<128x64xf32, #tpu.memory_space<vmem>>
      %dma_wait3A_83 = arith.constant 0 : i32
      %dma_wait3A_84 = tpu.memref_slice %arg7[%add3A_76, %dma_wait3A_83] : memref<80x128xi32, #tpu.memory_space<vmem>> -> memref<1x128xi32, #tpu.memory_space<vmem>>
      %dma_wait3A_85 = tpu.memref_squeeze %dma_wait3A_84 : memref<1x128xi32, #tpu.memory_space<vmem>> -> memref<128xi32, #tpu.memory_space<vmem>>
      %dma_wait3A_86 = arith.constant 0 : i32
      %dma_wait3A_87 = arith.constant 0 : i32
      %dma_wait3A_88 = tpu.memref_slice %arg2[%dma_wait3A_86, %dma_wait3A_87] : memref<10240x64xf32, #tpu.memory_space<hbm>> -> memref<10240x64xf32, #tpu.memory_space<hbm>>
      %dma_wait3A_89 = tpu.memref_slice %arg11[%dma_wait3A_78] : memref<4x!tpu.dma_semaphore, #tpu.memory_space<semaphore_mem>> -> memref<1x!tpu.dma_semaphore, #tpu.memory_space<semaphore_mem>>
      %dma_wait3A_90 = tpu.memref_squeeze %dma_wait3A_89 : memref<1x!tpu.dma_semaphore, #tpu.memory_space<semaphore_mem>> -> memref<!tpu.dma_semaphore, #tpu.memory_space<semaphore_mem>>
      tpu.wait_indirect_dma semaphore(%dma_wait3A_90 : memref<!tpu.dma_semaphore, #tpu.memory_space<semaphore_mem>>) src(%dma_wait3A_88 : memref<10240x64xf32, #tpu.memory_space<hbm>>) dst(%dma_wait3A_82 : memref<128x64xf32, #tpu.memory_space<vmem>>)
      %dma_start3A_91 = arith.constant 0 : i32
      %dma_start3A_92 = arith.constant 0 : i32
      %dma_start3A_93 = arith.constant 0 : i32
      %dma_start3A_94 = arith.constant 0 : i32
      %dma_start3A_95 = tpu.memref_slice %arg9[%dma_start3A_91, %dma_start3A_93, %dma_start3A_94] : memref<4x128x64xf32, #tpu.memory_space<vmem>> -> memref<1x128x64xf32, #tpu.memory_space<vmem>>
      %dma_start3A_96 = tpu.memref_squeeze %dma_start3A_95 : memref<1x128x64xf32, #tpu.memory_space<vmem>> -> memref<128x64xf32, #tpu.memory_space<vmem>>
      %dma_start3A_97 = arith.constant 0 : i32
      %dma_start3A_98 = tpu.memref_slice %arg8[%add3A_76, %dma_start3A_97] : memref<80x128xi32, #tpu.memory_space<vmem>> -> memref<1x128xi32, #tpu.memory_space<vmem>>
      %dma_start3A_99 = tpu.memref_squeeze %dma_start3A_98 : memref<1x128xi32, #tpu.memory_space<vmem>> -> memref<128xi32, #tpu.memory_space<vmem>>
      %dma_start3A_100 = arith.constant 0 : i32
      %dma_start3A_101 = arith.constant 0 : i32
      %dma_start3A_102 = tpu.memref_slice %arg10[%dma_start3A_100, %dma_start3A_101] : memref<10240x64xf32, #tpu.memory_space<vmem_shared>> -> memref<10240x64xf32, #tpu.memory_space<vmem_shared>>
      %dma_start3A_103 = tpu.memref_slice %arg12[%dma_start3A_92] : memref<4x!tpu.dma_semaphore, #tpu.memory_space<semaphore_mem>> -> memref<1x!tpu.dma_semaphore, #tpu.memory_space<semaphore_mem>>
      %dma_start3A_104 = tpu.memref_squeeze %dma_start3A_103 : memref<1x!tpu.dma_semaphore, #tpu.memory_space<semaphore_mem>> -> memref<!tpu.dma_semaphore, #tpu.memory_space<semaphore_mem>>
      tpu.enqueue_indirect_dma source(%dma_start3A_96 : memref<128x64xf32, #tpu.memory_space<vmem>>) target(%dma_start3A_102 : memref<10240x64xf32, #tpu.memory_space<vmem_shared>>) offsets(%dma_start3A_99 : memref<128xi32, #tpu.memory_space<vmem>>) semaphore(%dma_start3A_104 : memref<!tpu.dma_semaphore, #tpu.memory_space<semaphore_mem>>) {add = true}
      %ge3A = arith.constant 1 : i32
      %ge3A_105 = arith.cmpi sge, %add3A_76, %ge3A : i32
      %convert_element_type3A_106 = arith.extui %ge3A_105 : i1 to i32
      %cond3A_107 = arith.constant 0 : i32
      %cond3A_108 = arith.cmpi ne, %convert_element_type3A_106, %cond3A_107 : i32
      scf.if %cond3A_108 {
        %sub3A = arith.constant 1 : i32
        %sub3A_247 = arith.subi %add3A_76, %sub3A : i32
        %dma_wait3A_248 = arith.constant 3 : i32
        %dma_wait3A_249 = arith.constant 3 : i32
        %dma_wait3A_250 = arith.constant 0 : i32
        %dma_wait3A_251 = arith.constant 0 : i32
        %dma_wait3A_252 = tpu.memref_slice %arg9[%dma_wait3A_248, %dma_wait3A_250, %dma_wait3A_251] : memref<4x128x64xf32, #tpu.memory_space<vmem>> -> memref<1x128x64xf32, #tpu.memory_space<vmem>>
        %dma_wait3A_253 = tpu.memref_squeeze %dma_wait3A_252 : memref<1x128x64xf32, #tpu.memory_space<vmem>> -> memref<128x64xf32, #tpu.memory_space<vmem>>
        %dma_wait3A_254 = arith.constant 0 : i32
        %dma_wait3A_255 = tpu.memref_slice %arg8[%sub3A_247, %dma_wait3A_254] : memref<80x128xi32, #tpu.memory_space<vmem>> -> memref<1x128xi32, #tpu.memory_space<vmem>>
        %dma_wait3A_256 = tpu.memref_squeeze %dma_wait3A_255 : memref<1x128xi32, #tpu.memory_space<vmem>> -> memref<128xi32, #tpu.memory_space<vmem>>
        %dma_wait3A_257 = arith.constant 0 : i32
        %dma_wait3A_258 = arith.constant 0 : i32
        %dma_wait3A_259 = tpu.memref_slice %arg10[%dma_wait3A_257, %dma_wait3A_258] : memref<10240x64xf32, #tpu.memory_space<vmem_shared>> -> memref<10240x64xf32, #tpu.memory_space<vmem_shared>>
        %dma_wait3A_260 = tpu.memref_slice %arg12[%dma_wait3A_249] : memref<4x!tpu.dma_semaphore, #tpu.memory_space<semaphore_mem>> -> memref<1x!tpu.dma_semaphore, #tpu.memory_space<semaphore_mem>>
        %dma_wait3A_261 = tpu.memref_squeeze %dma_wait3A_260 : memref<1x!tpu.dma_semaphore, #tpu.memory_space<semaphore_mem>> -> memref<!tpu.dma_semaphore, #tpu.memory_space<semaphore_mem>>
        tpu.wait_indirect_dma semaphore(%dma_wait3A_261 : memref<!tpu.dma_semaphore, #tpu.memory_space<semaphore_mem>>) src(%dma_wait3A_253 : memref<128x64xf32, #tpu.memory_space<vmem>>) dst(%dma_wait3A_259 : memref<10240x64xf32, #tpu.memory_space<vmem_shared>>)
      } else {
      }
      %add3A_109 = arith.constant 3 : i32
      %add3A_110 = arith.addi %add3A_76, %add3A_109 : i32
      %lt3A = arith.constant 80 : i32
      %lt3A_111 = arith.cmpi slt, %add3A_110, %lt3A : i32
      %convert_element_type3A_112 = arith.extui %lt3A_111 : i1 to i32
      %cond3A_113 = arith.constant 0 : i32
      %cond3A_114 = arith.cmpi ne, %convert_element_type3A_112, %cond3A_113 : i32
      scf.if %cond3A_114 {
        %add3A_247 = arith.constant 3 : i32
        %add3A_248 = arith.addi %add3A_76, %add3A_247 : i32
        %dma_start3A_249 = arith.constant 3 : i32
        %dma_start3A_250 = arith.constant 3 : i32
        %dma_start3A_251 = arith.constant 0 : i32
        %dma_start3A_252 = arith.constant 0 : i32
        %dma_start3A_253 = tpu.memref_slice %arg9[%dma_start3A_249, %dma_start3A_251, %dma_start3A_252] : memref<4x128x64xf32, #tpu.memory_space<vmem>> -> memref<1x128x64xf32, #tpu.memory_space<vmem>>
        %dma_start3A_254 = tpu.memref_squeeze %dma_start3A_253 : memref<1x128x64xf32, #tpu.memory_space<vmem>> -> memref<128x64xf32, #tpu.memory_space<vmem>>
        %dma_start3A_255 = arith.constant 0 : i32
        %dma_start3A_256 = tpu.memref_slice %arg7[%add3A_248, %dma_start3A_255] : memref<80x128xi32, #tpu.memory_space<vmem>> -> memref<1x128xi32, #tpu.memory_space<vmem>>
        %dma_start3A_257 = tpu.memref_squeeze %dma_start3A_256 : memref<1x128xi32, #tpu.memory_space<vmem>> -> memref<128xi32, #tpu.memory_space<vmem>>
        %dma_start3A_258 = arith.constant 0 : i32
        %dma_start3A_259 = arith.constant 0 : i32
        %dma_start3A_260 = tpu.memref_slice %arg2[%dma_start3A_258, %dma_start3A_259] : memref<10240x64xf32, #tpu.memory_space<hbm>> -> memref<10240x64xf32, #tpu.memory_space<hbm>>
        %dma_start3A_261 = tpu.memref_slice %arg11[%dma_start3A_250] : memref<4x!tpu.dma_semaphore, #tpu.memory_space<semaphore_mem>> -> memref<1x!tpu.dma_semaphore, #tpu.memory_space<semaphore_mem>>
        %dma_start3A_262 = tpu.memref_squeeze %dma_start3A_261 : memref<1x!tpu.dma_semaphore, #tpu.memory_space<semaphore_mem>> -> memref<!tpu.dma_semaphore, #tpu.memory_space<semaphore_mem>>
        tpu.enqueue_indirect_dma source(%dma_start3A_260 : memref<10240x64xf32, #tpu.memory_space<hbm>>) target(%dma_start3A_254 : memref<128x64xf32, #tpu.memory_space<vmem>>) offsets(%dma_start3A_257 : memref<128xi32, #tpu.memory_space<vmem>>) semaphore(%dma_start3A_262 : memref<!tpu.dma_semaphore, #tpu.memory_space<semaphore_mem>>)
      } else {
      }
      %mul3A_115 = arith.constant 4 : i32
      %mul3A_116 = arith.muli %scan3A_72, %mul3A_115 : i32
      %add3A_117 = arith.constant 1 : i32
      %add3A_118 = arith.addi %mul3A_116, %add3A_117 : i32
      %dma_wait3A_119 = arith.constant 1 : i32
      %dma_wait3A_120 = arith.constant 1 : i32
      %dma_wait3A_121 = arith.constant 0 : i32
      %dma_wait3A_122 = arith.constant 0 : i32
      %dma_wait3A_123 = tpu.memref_slice %arg9[%dma_wait3A_119, %dma_wait3A_121, %dma_wait3A_122] : memref<4x128x64xf32, #tpu.memory_space<vmem>> -> memref<1x128x64xf32, #tpu.memory_space<vmem>>
      %dma_wait3A_124 = tpu.memref_squeeze %dma_wait3A_123 : memref<1x128x64xf32, #tpu.memory_space<vmem>> -> memref<128x64xf32, #tpu.memory_space<vmem>>
      %dma_wait3A_125 = arith.constant 0 : i32
      %dma_wait3A_126 = tpu.memref_slice %arg7[%add3A_118, %dma_wait3A_125] : memref<80x128xi32, #tpu.memory_space<vmem>> -> memref<1x128xi32, #tpu.memory_space<vmem>>
      %dma_wait3A_127 = tpu.memref_squeeze %dma_wait3A_126 : memref<1x128xi32, #tpu.memory_space<vmem>> -> memref<128xi32, #tpu.memory_space<vmem>>
      %dma_wait3A_128 = arith.constant 0 : i32
      %dma_wait3A_129 = arith.constant 0 : i32
      %dma_wait3A_130 = tpu.memref_slice %arg2[%dma_wait3A_128, %dma_wait3A_129] : memref<10240x64xf32, #tpu.memory_space<hbm>> -> memref<10240x64xf32, #tpu.memory_space<hbm>>
      %dma_wait3A_131 = tpu.memref_slice %arg11[%dma_wait3A_120] : memref<4x!tpu.dma_semaphore, #tpu.memory_space<semaphore_mem>> -> memref<1x!tpu.dma_semaphore, #tpu.memory_space<semaphore_mem>>
      %dma_wait3A_132 = tpu.memref_squeeze %dma_wait3A_131 : memref<1x!tpu.dma_semaphore, #tpu.memory_space<semaphore_mem>> -> memref<!tpu.dma_semaphore, #tpu.memory_space<semaphore_mem>>
      tpu.wait_indirect_dma semaphore(%dma_wait3A_132 : memref<!tpu.dma_semaphore, #tpu.memory_space<semaphore_mem>>) src(%dma_wait3A_130 : memref<10240x64xf32, #tpu.memory_space<hbm>>) dst(%dma_wait3A_124 : memref<128x64xf32, #tpu.memory_space<vmem>>)
      %dma_start3A_133 = arith.constant 1 : i32
      %dma_start3A_134 = arith.constant 1 : i32
      %dma_start3A_135 = arith.constant 0 : i32
      %dma_start3A_136 = arith.constant 0 : i32
      %dma_start3A_137 = tpu.memref_slice %arg9[%dma_start3A_133, %dma_start3A_135, %dma_start3A_136] : memref<4x128x64xf32, #tpu.memory_space<vmem>> -> memref<1x128x64xf32, #tpu.memory_space<vmem>>
      %dma_start3A_138 = tpu.memref_squeeze %dma_start3A_137 : memref<1x128x64xf32, #tpu.memory_space<vmem>> -> memref<128x64xf32, #tpu.memory_space<vmem>>
      %dma_start3A_139 = arith.constant 0 : i32
      %dma_start3A_140 = tpu.memref_slice %arg8[%add3A_118, %dma_start3A_139] : memref<80x128xi32, #tpu.memory_space<vmem>> -> memref<1x128xi32, #tpu.memory_space<vmem>>
      %dma_start3A_141 = tpu.memref_squeeze %dma_start3A_140 : memref<1x128xi32, #tpu.memory_space<vmem>> -> memref<128xi32, #tpu.memory_space<vmem>>
      %dma_start3A_142 = arith.constant 0 : i32
      %dma_start3A_143 = arith.constant 0 : i32
      %dma_start3A_144 = tpu.memref_slice %arg10[%dma_start3A_142, %dma_start3A_143] : memref<10240x64xf32, #tpu.memory_space<vmem_shared>> -> memref<10240x64xf32, #tpu.memory_space<vmem_shared>>
      %dma_start3A_145 = tpu.memref_slice %arg12[%dma_start3A_134] : memref<4x!tpu.dma_semaphore, #tpu.memory_space<semaphore_mem>> -> memref<1x!tpu.dma_semaphore, #tpu.memory_space<semaphore_mem>>
      %dma_start3A_146 = tpu.memref_squeeze %dma_start3A_145 : memref<1x!tpu.dma_semaphore, #tpu.memory_space<semaphore_mem>> -> memref<!tpu.dma_semaphore, #tpu.memory_space<semaphore_mem>>
      tpu.enqueue_indirect_dma source(%dma_start3A_138 : memref<128x64xf32, #tpu.memory_space<vmem>>) target(%dma_start3A_144 : memref<10240x64xf32, #tpu.memory_space<vmem_shared>>) offsets(%dma_start3A_141 : memref<128xi32, #tpu.memory_space<vmem>>) semaphore(%dma_start3A_146 : memref<!tpu.dma_semaphore, #tpu.memory_space<semaphore_mem>>) {add = true}
      %ge3A_147 = arith.constant 1 : i32
      %ge3A_148 = arith.cmpi sge, %add3A_118, %ge3A_147 : i32
      %convert_element_type3A_149 = arith.extui %ge3A_148 : i1 to i32
      %cond3A_150 = arith.constant 0 : i32
      %cond3A_151 = arith.cmpi ne, %convert_element_type3A_149, %cond3A_150 : i32
      scf.if %cond3A_151 {
        %sub3A = arith.constant 1 : i32
        %sub3A_247 = arith.subi %add3A_118, %sub3A : i32
        %dma_wait3A_248 = arith.constant 0 : i32
        %dma_wait3A_249 = arith.constant 0 : i32
        %dma_wait3A_250 = arith.constant 0 : i32
        %dma_wait3A_251 = arith.constant 0 : i32
        %dma_wait3A_252 = tpu.memref_slice %arg9[%dma_wait3A_248, %dma_wait3A_250, %dma_wait3A_251] : memref<4x128x64xf32, #tpu.memory_space<vmem>> -> memref<1x128x64xf32, #tpu.memory_space<vmem>>
        %dma_wait3A_253 = tpu.memref_squeeze %dma_wait3A_252 : memref<1x128x64xf32, #tpu.memory_space<vmem>> -> memref<128x64xf32, #tpu.memory_space<vmem>>
        %dma_wait3A_254 = arith.constant 0 : i32
        %dma_wait3A_255 = tpu.memref_slice %arg8[%sub3A_247, %dma_wait3A_254] : memref<80x128xi32, #tpu.memory_space<vmem>> -> memref<1x128xi32, #tpu.memory_space<vmem>>
        %dma_wait3A_256 = tpu.memref_squeeze %dma_wait3A_255 : memref<1x128xi32, #tpu.memory_space<vmem>> -> memref<128xi32, #tpu.memory_space<vmem>>
        %dma_wait3A_257 = arith.constant 0 : i32
        %dma_wait3A_258 = arith.constant 0 : i32
        %dma_wait3A_259 = tpu.memref_slice %arg10[%dma_wait3A_257, %dma_wait3A_258] : memref<10240x64xf32, #tpu.memory_space<vmem_shared>> -> memref<10240x64xf32, #tpu.memory_space<vmem_shared>>
        %dma_wait3A_260 = tpu.memref_slice %arg12[%dma_wait3A_249] : memref<4x!tpu.dma_semaphore, #tpu.memory_space<semaphore_mem>> -> memref<1x!tpu.dma_semaphore, #tpu.memory_space<semaphore_mem>>
        %dma_wait3A_261 = tpu.memref_squeeze %dma_wait3A_260 : memref<1x!tpu.dma_semaphore, #tpu.memory_space<semaphore_mem>> -> memref<!tpu.dma_semaphore, #tpu.memory_space<semaphore_mem>>
        tpu.wait_indirect_dma semaphore(%dma_wait3A_261 : memref<!tpu.dma_semaphore, #tpu.memory_space<semaphore_mem>>) src(%dma_wait3A_253 : memref<128x64xf32, #tpu.memory_space<vmem>>) dst(%dma_wait3A_259 : memref<10240x64xf32, #tpu.memory_space<vmem_shared>>)
      } else {
      }
      %add3A_152 = arith.constant 3 : i32
      %add3A_153 = arith.addi %add3A_118, %add3A_152 : i32
      %lt3A_154 = arith.constant 80 : i32
      %lt3A_155 = arith.cmpi slt, %add3A_153, %lt3A_154 : i32
      %convert_element_type3A_156 = arith.extui %lt3A_155 : i1 to i32
      %cond3A_157 = arith.constant 0 : i32
      %cond3A_158 = arith.cmpi ne, %convert_element_type3A_156, %cond3A_157 : i32
      scf.if %cond3A_158 {
        %add3A_247 = arith.constant 3 : i32
        %add3A_248 = arith.addi %add3A_118, %add3A_247 : i32
        %dma_start3A_249 = arith.constant 0 : i32
        %dma_start3A_250 = arith.constant 0 : i32
        %dma_start3A_251 = arith.constant 0 : i32
        %dma_start3A_252 = arith.constant 0 : i32
        %dma_start3A_253 = tpu.memref_slice %arg9[%dma_start3A_249, %dma_start3A_251, %dma_start3A_252] : memref<4x128x64xf32, #tpu.memory_space<vmem>> -> memref<1x128x64xf32, #tpu.memory_space<vmem>>
        %dma_start3A_254 = tpu.memref_squeeze %dma_start3A_253 : memref<1x128x64xf32, #tpu.memory_space<vmem>> -> memref<128x64xf32, #tpu.memory_space<vmem>>
        %dma_start3A_255 = arith.constant 0 : i32
        %dma_start3A_256 = tpu.memref_slice %arg7[%add3A_248, %dma_start3A_255] : memref<80x128xi32, #tpu.memory_space<vmem>> -> memref<1x128xi32, #tpu.memory_space<vmem>>
        %dma_start3A_257 = tpu.memref_squeeze %dma_start3A_256 : memref<1x128xi32, #tpu.memory_space<vmem>> -> memref<128xi32, #tpu.memory_space<vmem>>
        %dma_start3A_258 = arith.constant 0 : i32
        %dma_start3A_259 = arith.constant 0 : i32
        %dma_start3A_260 = tpu.memref_slice %arg2[%dma_start3A_258, %dma_start3A_259] : memref<10240x64xf32, #tpu.memory_space<hbm>> -> memref<10240x64xf32, #tpu.memory_space<hbm>>
        %dma_start3A_261 = tpu.memref_slice %arg11[%dma_start3A_250] : memref<4x!tpu.dma_semaphore, #tpu.memory_space<semaphore_mem>> -> memref<1x!tpu.dma_semaphore, #tpu.memory_space<semaphore_mem>>
        %dma_start3A_262 = tpu.memref_squeeze %dma_start3A_261 : memref<1x!tpu.dma_semaphore, #tpu.memory_space<semaphore_mem>> -> memref<!tpu.dma_semaphore, #tpu.memory_space<semaphore_mem>>
        tpu.enqueue_indirect_dma source(%dma_start3A_260 : memref<10240x64xf32, #tpu.memory_space<hbm>>) target(%dma_start3A_254 : memref<128x64xf32, #tpu.memory_space<vmem>>) offsets(%dma_start3A_257 : memref<128xi32, #tpu.memory_space<vmem>>) semaphore(%dma_start3A_262 : memref<!tpu.dma_semaphore, #tpu.memory_space<semaphore_mem>>)
      } else {
      }
      %mul3A_159 = arith.constant 4 : i32
      %mul3A_160 = arith.muli %scan3A_72, %mul3A_159 : i32
      %add3A_161 = arith.constant 2 : i32
      %add3A_162 = arith.addi %mul3A_160, %add3A_161 : i32
      %dma_wait3A_163 = arith.constant 2 : i32
      %dma_wait3A_164 = arith.constant 2 : i32
      %dma_wait3A_165 = arith.constant 0 : i32
      %dma_wait3A_166 = arith.constant 0 : i32
      %dma_wait3A_167 = tpu.memref_slice %arg9[%dma_wait3A_163, %dma_wait3A_165, %dma_wait3A_166] : memref<4x128x64xf32, #tpu.memory_space<vmem>> -> memref<1x128x64xf32, #tpu.memory_space<vmem>>
      %dma_wait3A_168 = tpu.memref_squeeze %dma_wait3A_167 : memref<1x128x64xf32, #tpu.memory_space<vmem>> -> memref<128x64xf32, #tpu.memory_space<vmem>>
      %dma_wait3A_169 = arith.constant 0 : i32
      %dma_wait3A_170 = tpu.memref_slice %arg7[%add3A_162, %dma_wait3A_169] : memref<80x128xi32, #tpu.memory_space<vmem>> -> memref<1x128xi32, #tpu.memory_space<vmem>>
      %dma_wait3A_171 = tpu.memref_squeeze %dma_wait3A_170 : memref<1x128xi32, #tpu.memory_space<vmem>> -> memref<128xi32, #tpu.memory_space<vmem>>
      %dma_wait3A_172 = arith.constant 0 : i32
      %dma_wait3A_173 = arith.constant 0 : i32
      %dma_wait3A_174 = tpu.memref_slice %arg2[%dma_wait3A_172, %dma_wait3A_173] : memref<10240x64xf32, #tpu.memory_space<hbm>> -> memref<10240x64xf32, #tpu.memory_space<hbm>>
      %dma_wait3A_175 = tpu.memref_slice %arg11[%dma_wait3A_164] : memref<4x!tpu.dma_semaphore, #tpu.memory_space<semaphore_mem>> -> memref<1x!tpu.dma_semaphore, #tpu.memory_space<semaphore_mem>>
      %dma_wait3A_176 = tpu.memref_squeeze %dma_wait3A_175 : memref<1x!tpu.dma_semaphore, #tpu.memory_space<semaphore_mem>> -> memref<!tpu.dma_semaphore, #tpu.memory_space<semaphore_mem>>
      tpu.wait_indirect_dma semaphore(%dma_wait3A_176 : memref<!tpu.dma_semaphore, #tpu.memory_space<semaphore_mem>>) src(%dma_wait3A_174 : memref<10240x64xf32, #tpu.memory_space<hbm>>) dst(%dma_wait3A_168 : memref<128x64xf32, #tpu.memory_space<vmem>>)
      %dma_start3A_177 = arith.constant 2 : i32
      %dma_start3A_178 = arith.constant 2 : i32
      %dma_start3A_179 = arith.constant 0 : i32
      %dma_start3A_180 = arith.constant 0 : i32
      %dma_start3A_181 = tpu.memref_slice %arg9[%dma_start3A_177, %dma_start3A_179, %dma_start3A_180] : memref<4x128x64xf32, #tpu.memory_space<vmem>> -> memref<1x128x64xf32, #tpu.memory_space<vmem>>
      %dma_start3A_182 = tpu.memref_squeeze %dma_start3A_181 : memref<1x128x64xf32, #tpu.memory_space<vmem>> -> memref<128x64xf32, #tpu.memory_space<vmem>>
      %dma_start3A_183 = arith.constant 0 : i32
      %dma_start3A_184 = tpu.memref_slice %arg8[%add3A_162, %dma_start3A_183] : memref<80x128xi32, #tpu.memory_space<vmem>> -> memref<1x128xi32, #tpu.memory_space<vmem>>
      %dma_start3A_185 = tpu.memref_squeeze %dma_start3A_184 : memref<1x128xi32, #tpu.memory_space<vmem>> -> memref<128xi32, #tpu.memory_space<vmem>>
      %dma_start3A_186 = arith.constant 0 : i32
      %dma_start3A_187 = arith.constant 0 : i32
      %dma_start3A_188 = tpu.memref_slice %arg10[%dma_start3A_186, %dma_start3A_187] : memref<10240x64xf32, #tpu.memory_space<vmem_shared>> -> memref<10240x64xf32, #tpu.memory_space<vmem_shared>>
      %dma_start3A_189 = tpu.memref_slice %arg12[%dma_start3A_178] : memref<4x!tpu.dma_semaphore, #tpu.memory_space<semaphore_mem>> -> memref<1x!tpu.dma_semaphore, #tpu.memory_space<semaphore_mem>>
      %dma_start3A_190 = tpu.memref_squeeze %dma_start3A_189 : memref<1x!tpu.dma_semaphore, #tpu.memory_space<semaphore_mem>> -> memref<!tpu.dma_semaphore, #tpu.memory_space<semaphore_mem>>
      tpu.enqueue_indirect_dma source(%dma_start3A_182 : memref<128x64xf32, #tpu.memory_space<vmem>>) target(%dma_start3A_188 : memref<10240x64xf32, #tpu.memory_space<vmem_shared>>) offsets(%dma_start3A_185 : memref<128xi32, #tpu.memory_space<vmem>>) semaphore(%dma_start3A_190 : memref<!tpu.dma_semaphore, #tpu.memory_space<semaphore_mem>>) {add = true}
      %ge3A_191 = arith.constant 1 : i32
      %ge3A_192 = arith.cmpi sge, %add3A_162, %ge3A_191 : i32
      %convert_element_type3A_193 = arith.extui %ge3A_192 : i1 to i32
      %cond3A_194 = arith.constant 0 : i32
      %cond3A_195 = arith.cmpi ne, %convert_element_type3A_193, %cond3A_194 : i32
      scf.if %cond3A_195 {
        %sub3A = arith.constant 1 : i32
        %sub3A_247 = arith.subi %add3A_162, %sub3A : i32
        %dma_wait3A_248 = arith.constant 1 : i32
        %dma_wait3A_249 = arith.constant 1 : i32
        %dma_wait3A_250 = arith.constant 0 : i32
        %dma_wait3A_251 = arith.constant 0 : i32
        %dma_wait3A_252 = tpu.memref_slice %arg9[%dma_wait3A_248, %dma_wait3A_250, %dma_wait3A_251] : memref<4x128x64xf32, #tpu.memory_space<vmem>> -> memref<1x128x64xf32, #tpu.memory_space<vmem>>
        %dma_wait3A_253 = tpu.memref_squeeze %dma_wait3A_252 : memref<1x128x64xf32, #tpu.memory_space<vmem>> -> memref<128x64xf32, #tpu.memory_space<vmem>>
        %dma_wait3A_254 = arith.constant 0 : i32
        %dma_wait3A_255 = tpu.memref_slice %arg8[%sub3A_247, %dma_wait3A_254] : memref<80x128xi32, #tpu.memory_space<vmem>> -> memref<1x128xi32, #tpu.memory_space<vmem>>
        %dma_wait3A_256 = tpu.memref_squeeze %dma_wait3A_255 : memref<1x128xi32, #tpu.memory_space<vmem>> -> memref<128xi32, #tpu.memory_space<vmem>>
        %dma_wait3A_257 = arith.constant 0 : i32
        %dma_wait3A_258 = arith.constant 0 : i32
        %dma_wait3A_259 = tpu.memref_slice %arg10[%dma_wait3A_257, %dma_wait3A_258] : memref<10240x64xf32, #tpu.memory_space<vmem_shared>> -> memref<10240x64xf32, #tpu.memory_space<vmem_shared>>
        %dma_wait3A_260 = tpu.memref_slice %arg12[%dma_wait3A_249] : memref<4x!tpu.dma_semaphore, #tpu.memory_space<semaphore_mem>> -> memref<1x!tpu.dma_semaphore, #tpu.memory_space<semaphore_mem>>
        %dma_wait3A_261 = tpu.memref_squeeze %dma_wait3A_260 : memref<1x!tpu.dma_semaphore, #tpu.memory_space<semaphore_mem>> -> memref<!tpu.dma_semaphore, #tpu.memory_space<semaphore_mem>>
        tpu.wait_indirect_dma semaphore(%dma_wait3A_261 : memref<!tpu.dma_semaphore, #tpu.memory_space<semaphore_mem>>) src(%dma_wait3A_253 : memref<128x64xf32, #tpu.memory_space<vmem>>) dst(%dma_wait3A_259 : memref<10240x64xf32, #tpu.memory_space<vmem_shared>>)
      } else {
      }
      %add3A_196 = arith.constant 3 : i32
      %add3A_197 = arith.addi %add3A_162, %add3A_196 : i32
      %lt3A_198 = arith.constant 80 : i32
      %lt3A_199 = arith.cmpi slt, %add3A_197, %lt3A_198 : i32
      %convert_element_type3A_200 = arith.extui %lt3A_199 : i1 to i32
      %cond3A_201 = arith.constant 0 : i32
      %cond3A_202 = arith.cmpi ne, %convert_element_type3A_200, %cond3A_201 : i32
      scf.if %cond3A_202 {
        %add3A_247 = arith.constant 3 : i32
        %add3A_248 = arith.addi %add3A_162, %add3A_247 : i32
        %dma_start3A_249 = arith.constant 1 : i32
        %dma_start3A_250 = arith.constant 1 : i32
        %dma_start3A_251 = arith.constant 0 : i32
        %dma_start3A_252 = arith.constant 0 : i32
        %dma_start3A_253 = tpu.memref_slice %arg9[%dma_start3A_249, %dma_start3A_251, %dma_start3A_252] : memref<4x128x64xf32, #tpu.memory_space<vmem>> -> memref<1x128x64xf32, #tpu.memory_space<vmem>>
        %dma_start3A_254 = tpu.memref_squeeze %dma_start3A_253 : memref<1x128x64xf32, #tpu.memory_space<vmem>> -> memref<128x64xf32, #tpu.memory_space<vmem>>
        %dma_start3A_255 = arith.constant 0 : i32
        %dma_start3A_256 = tpu.memref_slice %arg7[%add3A_248, %dma_start3A_255] : memref<80x128xi32, #tpu.memory_space<vmem>> -> memref<1x128xi32, #tpu.memory_space<vmem>>
        %dma_start3A_257 = tpu.memref_squeeze %dma_start3A_256 : memref<1x128xi32, #tpu.memory_space<vmem>> -> memref<128xi32, #tpu.memory_space<vmem>>
        %dma_start3A_258 = arith.constant 0 : i32
        %dma_start3A_259 = arith.constant 0 : i32
        %dma_start3A_260 = tpu.memref_slice %arg2[%dma_start3A_258, %dma_start3A_259] : memref<10240x64xf32, #tpu.memory_space<hbm>> -> memref<10240x64xf32, #tpu.memory_space<hbm>>
        %dma_start3A_261 = tpu.memref_slice %arg11[%dma_start3A_250] : memref<4x!tpu.dma_semaphore, #tpu.memory_space<semaphore_mem>> -> memref<1x!tpu.dma_semaphore, #tpu.memory_space<semaphore_mem>>
        %dma_start3A_262 = tpu.memref_squeeze %dma_start3A_261 : memref<1x!tpu.dma_semaphore, #tpu.memory_space<semaphore_mem>> -> memref<!tpu.dma_semaphore, #tpu.memory_space<semaphore_mem>>
        tpu.enqueue_indirect_dma source(%dma_start3A_260 : memref<10240x64xf32, #tpu.memory_space<hbm>>) target(%dma_start3A_254 : memref<128x64xf32, #tpu.memory_space<vmem>>) offsets(%dma_start3A_257 : memref<128xi32, #tpu.memory_space<vmem>>) semaphore(%dma_start3A_262 : memref<!tpu.dma_semaphore, #tpu.memory_space<semaphore_mem>>)
      } else {
      }
      %mul3A_203 = arith.constant 4 : i32
      %mul3A_204 = arith.muli %scan3A_72, %mul3A_203 : i32
      %add3A_205 = arith.constant 3 : i32
      %add3A_206 = arith.addi %mul3A_204, %add3A_205 : i32
      %dma_wait3A_207 = arith.constant 3 : i32
      %dma_wait3A_208 = arith.constant 3 : i32
      %dma_wait3A_209 = arith.constant 0 : i32
      %dma_wait3A_210 = arith.constant 0 : i32
      %dma_wait3A_211 = tpu.memref_slice %arg9[%dma_wait3A_207, %dma_wait3A_209, %dma_wait3A_210] : memref<4x128x64xf32, #tpu.memory_space<vmem>> -> memref<1x128x64xf32, #tpu.memory_space<vmem>>
      %dma_wait3A_212 = tpu.memref_squeeze %dma_wait3A_211 : memref<1x128x64xf32, #tpu.memory_space<vmem>> -> memref<128x64xf32, #tpu.memory_space<vmem>>
      %dma_wait3A_213 = arith.constant 0 : i32
      %dma_wait3A_214 = tpu.memref_slice %arg7[%add3A_206, %dma_wait3A_213] : memref<80x128xi32, #tpu.memory_space<vmem>> -> memref<1x128xi32, #tpu.memory_space<vmem>>
      %dma_wait3A_215 = tpu.memref_squeeze %dma_wait3A_214 : memref<1x128xi32, #tpu.memory_space<vmem>> -> memref<128xi32, #tpu.memory_space<vmem>>
      %dma_wait3A_216 = arith.constant 0 : i32
      %dma_wait3A_217 = arith.constant 0 : i32
      %dma_wait3A_218 = tpu.memref_slice %arg2[%dma_wait3A_216, %dma_wait3A_217] : memref<10240x64xf32, #tpu.memory_space<hbm>> -> memref<10240x64xf32, #tpu.memory_space<hbm>>
      %dma_wait3A_219 = tpu.memref_slice %arg11[%dma_wait3A_208] : memref<4x!tpu.dma_semaphore, #tpu.memory_space<semaphore_mem>> -> memref<1x!tpu.dma_semaphore, #tpu.memory_space<semaphore_mem>>
      %dma_wait3A_220 = tpu.memref_squeeze %dma_wait3A_219 : memref<1x!tpu.dma_semaphore, #tpu.memory_space<semaphore_mem>> -> memref<!tpu.dma_semaphore, #tpu.memory_space<semaphore_mem>>
      tpu.wait_indirect_dma semaphore(%dma_wait3A_220 : memref<!tpu.dma_semaphore, #tpu.memory_space<semaphore_mem>>) src(%dma_wait3A_218 : memref<10240x64xf32, #tpu.memory_space<hbm>>) dst(%dma_wait3A_212 : memref<128x64xf32, #tpu.memory_space<vmem>>)
      %dma_start3A_221 = arith.constant 3 : i32
      %dma_start3A_222 = arith.constant 3 : i32
      %dma_start3A_223 = arith.constant 0 : i32
      %dma_start3A_224 = arith.constant 0 : i32
      %dma_start3A_225 = tpu.memref_slice %arg9[%dma_start3A_221, %dma_start3A_223, %dma_start3A_224] : memref<4x128x64xf32, #tpu.memory_space<vmem>> -> memref<1x128x64xf32, #tpu.memory_space<vmem>>
      %dma_start3A_226 = tpu.memref_squeeze %dma_start3A_225 : memref<1x128x64xf32, #tpu.memory_space<vmem>> -> memref<128x64xf32, #tpu.memory_space<vmem>>
      %dma_start3A_227 = arith.constant 0 : i32
      %dma_start3A_228 = tpu.memref_slice %arg8[%add3A_206, %dma_start3A_227] : memref<80x128xi32, #tpu.memory_space<vmem>> -> memref<1x128xi32, #tpu.memory_space<vmem>>
      %dma_start3A_229 = tpu.memref_squeeze %dma_start3A_228 : memref<1x128xi32, #tpu.memory_space<vmem>> -> memref<128xi32, #tpu.memory_space<vmem>>
      %dma_start3A_230 = arith.constant 0 : i32
      %dma_start3A_231 = arith.constant 0 : i32
      %dma_start3A_232 = tpu.memref_slice %arg10[%dma_start3A_230, %dma_start3A_231] : memref<10240x64xf32, #tpu.memory_space<vmem_shared>> -> memref<10240x64xf32, #tpu.memory_space<vmem_shared>>
      %dma_start3A_233 = tpu.memref_slice %arg12[%dma_start3A_222] : memref<4x!tpu.dma_semaphore, #tpu.memory_space<semaphore_mem>> -> memref<1x!tpu.dma_semaphore, #tpu.memory_space<semaphore_mem>>
      %dma_start3A_234 = tpu.memref_squeeze %dma_start3A_233 : memref<1x!tpu.dma_semaphore, #tpu.memory_space<semaphore_mem>> -> memref<!tpu.dma_semaphore, #tpu.memory_space<semaphore_mem>>
      tpu.enqueue_indirect_dma source(%dma_start3A_226 : memref<128x64xf32, #tpu.memory_space<vmem>>) target(%dma_start3A_232 : memref<10240x64xf32, #tpu.memory_space<vmem_shared>>) offsets(%dma_start3A_229 : memref<128xi32, #tpu.memory_space<vmem>>) semaphore(%dma_start3A_234 : memref<!tpu.dma_semaphore, #tpu.memory_space<semaphore_mem>>) {add = true}
      %ge3A_235 = arith.constant 1 : i32
      %ge3A_236 = arith.cmpi sge, %add3A_206, %ge3A_235 : i32
      %convert_element_type3A_237 = arith.extui %ge3A_236 : i1 to i32
      %cond3A_238 = arith.constant 0 : i32
      %cond3A_239 = arith.cmpi ne, %convert_element_type3A_237, %cond3A_238 : i32
      scf.if %cond3A_239 {
        %sub3A = arith.constant 1 : i32
        %sub3A_247 = arith.subi %add3A_206, %sub3A : i32
        %dma_wait3A_248 = arith.constant 2 : i32
        %dma_wait3A_249 = arith.constant 2 : i32
        %dma_wait3A_250 = arith.constant 0 : i32
        %dma_wait3A_251 = arith.constant 0 : i32
        %dma_wait3A_252 = tpu.memref_slice %arg9[%dma_wait3A_248, %dma_wait3A_250, %dma_wait3A_251] : memref<4x128x64xf32, #tpu.memory_space<vmem>> -> memref<1x128x64xf32, #tpu.memory_space<vmem>>
        %dma_wait3A_253 = tpu.memref_squeeze %dma_wait3A_252 : memref<1x128x64xf32, #tpu.memory_space<vmem>> -> memref<128x64xf32, #tpu.memory_space<vmem>>
        %dma_wait3A_254 = arith.constant 0 : i32
        %dma_wait3A_255 = tpu.memref_slice %arg8[%sub3A_247, %dma_wait3A_254] : memref<80x128xi32, #tpu.memory_space<vmem>> -> memref<1x128xi32, #tpu.memory_space<vmem>>
        %dma_wait3A_256 = tpu.memref_squeeze %dma_wait3A_255 : memref<1x128xi32, #tpu.memory_space<vmem>> -> memref<128xi32, #tpu.memory_space<vmem>>
        %dma_wait3A_257 = arith.constant 0 : i32
        %dma_wait3A_258 = arith.constant 0 : i32
        %dma_wait3A_259 = tpu.memref_slice %arg10[%dma_wait3A_257, %dma_wait3A_258] : memref<10240x64xf32, #tpu.memory_space<vmem_shared>> -> memref<10240x64xf32, #tpu.memory_space<vmem_shared>>
        %dma_wait3A_260 = tpu.memref_slice %arg12[%dma_wait3A_249] : memref<4x!tpu.dma_semaphore, #tpu.memory_space<semaphore_mem>> -> memref<1x!tpu.dma_semaphore, #tpu.memory_space<semaphore_mem>>
        %dma_wait3A_261 = tpu.memref_squeeze %dma_wait3A_260 : memref<1x!tpu.dma_semaphore, #tpu.memory_space<semaphore_mem>> -> memref<!tpu.dma_semaphore, #tpu.memory_space<semaphore_mem>>
        tpu.wait_indirect_dma semaphore(%dma_wait3A_261 : memref<!tpu.dma_semaphore, #tpu.memory_space<semaphore_mem>>) src(%dma_wait3A_253 : memref<128x64xf32, #tpu.memory_space<vmem>>) dst(%dma_wait3A_259 : memref<10240x64xf32, #tpu.memory_space<vmem_shared>>)
      } else {
      }
      %add3A_240 = arith.constant 3 : i32
      %add3A_241 = arith.addi %add3A_206, %add3A_240 : i32
      %lt3A_242 = arith.constant 80 : i32
      %lt3A_243 = arith.cmpi slt, %add3A_241, %lt3A_242 : i32
      %convert_element_type3A_244 = arith.extui %lt3A_243 : i1 to i32
      %cond3A_245 = arith.constant 0 : i32
      %cond3A_246 = arith.cmpi ne, %convert_element_type3A_244, %cond3A_245 : i32
      scf.if %cond3A_246 {
        %add3A_247 = arith.constant 3 : i32
        %add3A_248 = arith.addi %add3A_206, %add3A_247 : i32
        %dma_start3A_249 = arith.constant 2 : i32
        %dma_start3A_250 = arith.constant 2 : i32
        %dma_start3A_251 = arith.constant 0 : i32
        %dma_start3A_252 = arith.constant 0 : i32
        %dma_start3A_253 = tpu.memref_slice %arg9[%dma_start3A_249, %dma_start3A_251, %dma_start3A_252] : memref<4x128x64xf32, #tpu.memory_space<vmem>> -> memref<1x128x64xf32, #tpu.memory_space<vmem>>
        %dma_start3A_254 = tpu.memref_squeeze %dma_start3A_253 : memref<1x128x64xf32, #tpu.memory_space<vmem>> -> memref<128x64xf32, #tpu.memory_space<vmem>>
        %dma_start3A_255 = arith.constant 0 : i32
        %dma_start3A_256 = tpu.memref_slice %arg7[%add3A_248, %dma_start3A_255] : memref<80x128xi32, #tpu.memory_space<vmem>> -> memref<1x128xi32, #tpu.memory_space<vmem>>
        %dma_start3A_257 = tpu.memref_squeeze %dma_start3A_256 : memref<1x128xi32, #tpu.memory_space<vmem>> -> memref<128xi32, #tpu.memory_space<vmem>>
        %dma_start3A_258 = arith.constant 0 : i32
        %dma_start3A_259 = arith.constant 0 : i32
        %dma_start3A_260 = tpu.memref_slice %arg2[%dma_start3A_258, %dma_start3A_259] : memref<10240x64xf32, #tpu.memory_space<hbm>> -> memref<10240x64xf32, #tpu.memory_space<hbm>>
        %dma_start3A_261 = tpu.memref_slice %arg11[%dma_start3A_250] : memref<4x!tpu.dma_semaphore, #tpu.memory_space<semaphore_mem>> -> memref<1x!tpu.dma_semaphore, #tpu.memory_space<semaphore_mem>>
        %dma_start3A_262 = tpu.memref_squeeze %dma_start3A_261 : memref<1x!tpu.dma_semaphore, #tpu.memory_space<semaphore_mem>> -> memref<!tpu.dma_semaphore, #tpu.memory_space<semaphore_mem>>
        tpu.enqueue_indirect_dma source(%dma_start3A_260 : memref<10240x64xf32, #tpu.memory_space<hbm>>) target(%dma_start3A_254 : memref<128x64xf32, #tpu.memory_space<vmem>>) offsets(%dma_start3A_257 : memref<128xi32, #tpu.memory_space<vmem>>) semaphore(%dma_start3A_262 : memref<!tpu.dma_semaphore, #tpu.memory_space<semaphore_mem>>)
      } else {
      }
    }
    %scan3A_51 = arith.constant 20 : i32
    %dma_wait3A = arith.constant 3 : i32
    %dma_wait3A_52 = arith.constant 79 : i32
    %dma_wait3A_53 = arith.constant 3 : i32
    %dma_wait3A_54 = arith.constant 0 : i32
    %dma_wait3A_55 = arith.constant 0 : i32
    %dma_wait3A_56 = tpu.memref_slice %arg9[%dma_wait3A, %dma_wait3A_54, %dma_wait3A_55] : memref<4x128x64xf32, #tpu.memory_space<vmem>> -> memref<1x128x64xf32, #tpu.memory_space<vmem>>
    %dma_wait3A_57 = tpu.memref_squeeze %dma_wait3A_56 : memref<1x128x64xf32, #tpu.memory_space<vmem>> -> memref<128x64xf32, #tpu.memory_space<vmem>>
    %dma_wait3A_58 = arith.constant 0 : i32
    %dma_wait3A_59 = tpu.memref_slice %arg8[%dma_wait3A_52, %dma_wait3A_58] : memref<80x128xi32, #tpu.memory_space<vmem>> -> memref<1x128xi32, #tpu.memory_space<vmem>>
    %dma_wait3A_60 = tpu.memref_squeeze %dma_wait3A_59 : memref<1x128xi32, #tpu.memory_space<vmem>> -> memref<128xi32, #tpu.memory_space<vmem>>
    %dma_wait3A_61 = arith.constant 0 : i32
    %dma_wait3A_62 = arith.constant 0 : i32
    %dma_wait3A_63 = tpu.memref_slice %arg10[%dma_wait3A_61, %dma_wait3A_62] : memref<10240x64xf32, #tpu.memory_space<vmem_shared>> -> memref<10240x64xf32, #tpu.memory_space<vmem_shared>>
    %dma_wait3A_64 = tpu.memref_slice %arg12[%dma_wait3A_53] : memref<4x!tpu.dma_semaphore, #tpu.memory_space<semaphore_mem>> -> memref<1x!tpu.dma_semaphore, #tpu.memory_space<semaphore_mem>>
    %dma_wait3A_65 = tpu.memref_squeeze %dma_wait3A_64 : memref<1x!tpu.dma_semaphore, #tpu.memory_space<semaphore_mem>> -> memref<!tpu.dma_semaphore, #tpu.memory_space<semaphore_mem>>
    tpu.wait_indirect_dma semaphore(%dma_wait3A_65 : memref<!tpu.dma_semaphore, #tpu.memory_space<semaphore_mem>>) src(%dma_wait3A_57 : memref<128x64xf32, #tpu.memory_space<vmem>>) dst(%dma_wait3A_63 : memref<10240x64xf32, #tpu.memory_space<vmem_shared>>)
    %barrier3A_66 = arith.constant 0 : index
    tpu.barrier barrier_id(%barrier3A_66)
    %eq3A_67 = arith.constant 0 : i32
    %eq3A_68 = arith.cmpi eq, %arg1, %eq3A_67 : i32
    %convert_element_type3A_69 = arith.extui %eq3A_68 : i1 to i32
    %cond3A_70 = arith.constant 0 : i32
    %cond3A_71 = arith.cmpi ne, %convert_element_type3A_69, %cond3A_70 : i32
    scf.if %cond3A_71 {
      "tpu.region"() ({
        %run_scoped3A = tpu.sem_alloc : memref<!tpu.dma_semaphore, #tpu.memory_space<semaphore_mem>>
        %dma_start3A_72 = arith.constant 0 : i32
        %dma_start3A_73 = arith.constant 0 : i32
        %dma_start3A_74 = tpu.memref_slice %arg6[%arg0, %dma_start3A_72, %dma_start3A_73] : memref<2x10240x64xf32, #tpu.memory_space<hbm>> -> memref<1x10240x64xf32, #tpu.memory_space<hbm>>
        %dma_start3A_75 = tpu.memref_squeeze %dma_start3A_74 : memref<1x10240x64xf32, #tpu.memory_space<hbm>> -> memref<10240x64xf32, #tpu.memory_space<hbm>>
        tpu.enqueue_dma source(%arg10 : memref<10240x64xf32, #tpu.memory_space<vmem_shared>>) target(%dma_start3A_75 : memref<10240x64xf32, #tpu.memory_space<hbm>>) target_semaphore(%run_scoped3A : memref<!tpu.dma_semaphore, #tpu.memory_space<semaphore_mem>>)
        %dma_wait3A_76 = arith.constant 0 : i32
        %dma_wait3A_77 = arith.constant 0 : i32
        %dma_wait3A_78 = tpu.memref_slice %arg6[%arg0, %dma_wait3A_76, %dma_wait3A_77] : memref<2x10240x64xf32, #tpu.memory_space<hbm>> -> memref<1x10240x64xf32, #tpu.memory_space<hbm>>
        %dma_wait3A_79 = tpu.memref_squeeze %dma_wait3A_78 : memref<1x10240x64xf32, #tpu.memory_space<hbm>> -> memref<10240x64xf32, #tpu.memory_space<hbm>>
        tpu.wait_dma2 semaphore(%run_scoped3A : memref<!tpu.dma_semaphore, #tpu.memory_space<semaphore_mem>>) src(%arg10 : memref<10240x64xf32, #tpu.memory_space<vmem_shared>>) dst(%dma_wait3A_79 : memref<10240x64xf32, #tpu.memory_space<hbm>>)
        tpu.yield
      }) : () -> ()
    } else {
    }
    return
  }
}

#map = affine_map<(d0, d1) -> (0, 0)>
#map1 = affine_map<(d0, d1) -> (0, 0, 0)>
module attributes {stable_mosaic.version = 14 : i64} {
  func.func @body_fn(%arg0: i32, %arg1: i32, %arg2: memref<10240x128xf32, #tpu.memory_space<hbm>>, %arg3: memref<10240x128xf32, #tpu.memory_space<hbm>>, %arg4: memref<32x4x128xi32, #tpu.memory_space<hbm>>, %arg5: memref<32x4x128xi32, #tpu.memory_space<hbm>>, %arg6: memref<16384x128xf32, #tpu.memory_space<hbm>>, %arg7: memref<16384x128xf32, #tpu.memory_space<hbm>>, %arg8: memref<4x128xi32, #tpu.memory_space<vmem>>, %arg9: memref<4x128xi32, #tpu.memory_space<vmem>>, %arg10: memref<2x128x128xf32, #tpu.memory_space<vmem>>, %arg11: memref<2x128x128xf32, #tpu.memory_space<vmem>>, %arg12: memref<2x!tpu.dma_semaphore, #tpu.memory_space<semaphore_mem>>, %arg13: memref<2x!tpu.dma_semaphore, #tpu.memory_space<semaphore_mem>>) attributes {dimension_semantics = [#tpu.dimension_semantics<core_parallel>, #tpu.dimension_semantics<subcore_parallel>], iteration_bounds = array<i64: 2, 16>, scalar_prefetch = 0 : i64, scratch_operands = 6 : i64, tpu.core_type = #tpu.core_type<sc_vector_subcore>, window_params = [{transform_indices = #map}, {transform_indices = #map}, {transform_indices = #map1}, {transform_indices = #map1}, {transform_indices = #map}, {transform_indices = #map}]} {
    %mul3A = arith.constant 16 : i32
    %mul3A_0 = arith.muli %arg0, %mul3A : i32
    %add3A = arith.addi %mul3A_0, %arg1 : i32
    "tpu.region"() ({
      %run_scoped3A_262 = tpu.sem_alloc : memref<!tpu.dma_semaphore, #tpu.memory_space<semaphore_mem>>
      %dma_start3A_263 = arith.constant 0 : i32
      %dma_start3A_264 = arith.constant 0 : i32
      %dma_start3A_265 = tpu.memref_slice %arg4[%add3A, %dma_start3A_263, %dma_start3A_264] : memref<32x4x128xi32, #tpu.memory_space<hbm>> -> memref<1x4x128xi32, #tpu.memory_space<hbm>>
      %dma_start3A_266 = tpu.memref_squeeze %dma_start3A_265 : memref<1x4x128xi32, #tpu.memory_space<hbm>> -> memref<4x128xi32, #tpu.memory_space<hbm>>
      %dma_start3A_267 = arith.constant 0 : i32
      %dma_start3A_268 = arith.constant 0 : i32
      %dma_start3A_269 = tpu.memref_slice %arg4[%add3A, %dma_start3A_267, %dma_start3A_268] : memref<32x4x128xi32, #tpu.memory_space<hbm>> -> memref<1x4x128xi32, #tpu.memory_space<hbm>>
      %dma_start3A_270 = tpu.memref_squeeze %dma_start3A_269 : memref<1x4x128xi32, #tpu.memory_space<hbm>> -> memref<4x128xi32, #tpu.memory_space<hbm>>
      tpu.enqueue_dma source(%dma_start3A_270 : memref<4x128xi32, #tpu.memory_space<hbm>>) target(%arg8 : memref<4x128xi32, #tpu.memory_space<vmem>>) target_semaphore(%run_scoped3A_262 : memref<!tpu.dma_semaphore, #tpu.memory_space<semaphore_mem>>)
      %dma_wait3A_271 = arith.constant 0 : i32
      %dma_wait3A_272 = arith.constant 0 : i32
      %dma_wait3A_273 = tpu.memref_slice %arg4[%add3A, %dma_wait3A_271, %dma_wait3A_272] : memref<32x4x128xi32, #tpu.memory_space<hbm>> -> memref<1x4x128xi32, #tpu.memory_space<hbm>>
      %dma_wait3A_274 = tpu.memref_squeeze %dma_wait3A_273 : memref<1x4x128xi32, #tpu.memory_space<hbm>> -> memref<4x128xi32, #tpu.memory_space<hbm>>
      %dma_wait3A_275 = arith.constant 0 : i32
      %dma_wait3A_276 = arith.constant 0 : i32
      %dma_wait3A_277 = tpu.memref_slice %arg4[%add3A, %dma_wait3A_275, %dma_wait3A_276] : memref<32x4x128xi32, #tpu.memory_space<hbm>> -> memref<1x4x128xi32, #tpu.memory_space<hbm>>
      %dma_wait3A_278 = tpu.memref_squeeze %dma_wait3A_277 : memref<1x4x128xi32, #tpu.memory_space<hbm>> -> memref<4x128xi32, #tpu.memory_space<hbm>>
      tpu.wait_dma2 semaphore(%run_scoped3A_262 : memref<!tpu.dma_semaphore, #tpu.memory_space<semaphore_mem>>) src(%dma_wait3A_278 : memref<4x128xi32, #tpu.memory_space<hbm>>) dst(%arg8 : memref<4x128xi32, #tpu.memory_space<vmem>>)
      tpu.yield
    }) : () -> ()
    "tpu.region"() ({
      %run_scoped3A_262 = tpu.sem_alloc : memref<!tpu.dma_semaphore, #tpu.memory_space<semaphore_mem>>
      %dma_start3A_263 = arith.constant 0 : i32
      %dma_start3A_264 = arith.constant 0 : i32
      %dma_start3A_265 = tpu.memref_slice %arg5[%add3A, %dma_start3A_263, %dma_start3A_264] : memref<32x4x128xi32, #tpu.memory_space<hbm>> -> memref<1x4x128xi32, #tpu.memory_space<hbm>>
      %dma_start3A_266 = tpu.memref_squeeze %dma_start3A_265 : memref<1x4x128xi32, #tpu.memory_space<hbm>> -> memref<4x128xi32, #tpu.memory_space<hbm>>
      %dma_start3A_267 = arith.constant 0 : i32
      %dma_start3A_268 = arith.constant 0 : i32
      %dma_start3A_269 = tpu.memref_slice %arg5[%add3A, %dma_start3A_267, %dma_start3A_268] : memref<32x4x128xi32, #tpu.memory_space<hbm>> -> memref<1x4x128xi32, #tpu.memory_space<hbm>>
      %dma_start3A_270 = tpu.memref_squeeze %dma_start3A_269 : memref<1x4x128xi32, #tpu.memory_space<hbm>> -> memref<4x128xi32, #tpu.memory_space<hbm>>
      tpu.enqueue_dma source(%dma_start3A_270 : memref<4x128xi32, #tpu.memory_space<hbm>>) target(%arg9 : memref<4x128xi32, #tpu.memory_space<vmem>>) target_semaphore(%run_scoped3A_262 : memref<!tpu.dma_semaphore, #tpu.memory_space<semaphore_mem>>)
      %dma_wait3A_271 = arith.constant 0 : i32
      %dma_wait3A_272 = arith.constant 0 : i32
      %dma_wait3A_273 = tpu.memref_slice %arg5[%add3A, %dma_wait3A_271, %dma_wait3A_272] : memref<32x4x128xi32, #tpu.memory_space<hbm>> -> memref<1x4x128xi32, #tpu.memory_space<hbm>>
      %dma_wait3A_274 = tpu.memref_squeeze %dma_wait3A_273 : memref<1x4x128xi32, #tpu.memory_space<hbm>> -> memref<4x128xi32, #tpu.memory_space<hbm>>
      %dma_wait3A_275 = arith.constant 0 : i32
      %dma_wait3A_276 = arith.constant 0 : i32
      %dma_wait3A_277 = tpu.memref_slice %arg5[%add3A, %dma_wait3A_275, %dma_wait3A_276] : memref<32x4x128xi32, #tpu.memory_space<hbm>> -> memref<1x4x128xi32, #tpu.memory_space<hbm>>
      %dma_wait3A_278 = tpu.memref_squeeze %dma_wait3A_277 : memref<1x4x128xi32, #tpu.memory_space<hbm>> -> memref<4x128xi32, #tpu.memory_space<hbm>>
      tpu.wait_dma2 semaphore(%run_scoped3A_262 : memref<!tpu.dma_semaphore, #tpu.memory_space<semaphore_mem>>) src(%dma_wait3A_278 : memref<4x128xi32, #tpu.memory_space<hbm>>) dst(%arg9 : memref<4x128xi32, #tpu.memory_space<vmem>>)
      tpu.yield
    }) : () -> ()
    %dma_start3A = arith.constant 0 : i32
    %dma_start3A_1 = arith.constant 0 : i32
    %dma_start3A_2 = arith.constant 0 : i32
    %dma_start3A_3 = arith.constant 0 : i32
    %dma_start3A_4 = arith.constant 0 : i32
    %dma_start3A_5 = tpu.memref_slice %arg10[%dma_start3A_1, %dma_start3A_3, %dma_start3A_4] : memref<2x128x128xf32, #tpu.memory_space<vmem>> -> memref<1x128x128xf32, #tpu.memory_space<vmem>>
    %dma_start3A_6 = tpu.memref_squeeze %dma_start3A_5 : memref<1x128x128xf32, #tpu.memory_space<vmem>> -> memref<128x128xf32, #tpu.memory_space<vmem>>
    %dma_start3A_7 = arith.constant 0 : i32
    %dma_start3A_8 = tpu.memref_slice %arg8[%dma_start3A, %dma_start3A_7] : memref<4x128xi32, #tpu.memory_space<vmem>> -> memref<1x128xi32, #tpu.memory_space<vmem>>
    %dma_start3A_9 = tpu.memref_squeeze %dma_start3A_8 : memref<1x128xi32, #tpu.memory_space<vmem>> -> memref<128xi32, #tpu.memory_space<vmem>>
    %dma_start3A_10 = arith.constant 0 : i32
    %dma_start3A_11 = arith.constant 0 : i32
    %dma_start3A_12 = tpu.memref_slice %arg2[%dma_start3A_10, %dma_start3A_11] : memref<10240x128xf32, #tpu.memory_space<hbm>> -> memref<10240x128xf32, #tpu.memory_space<hbm>>
    %dma_start3A_13 = tpu.memref_slice %arg12[%dma_start3A_2] : memref<2x!tpu.dma_semaphore, #tpu.memory_space<semaphore_mem>> -> memref<1x!tpu.dma_semaphore, #tpu.memory_space<semaphore_mem>>
    %dma_start3A_14 = tpu.memref_squeeze %dma_start3A_13 : memref<1x!tpu.dma_semaphore, #tpu.memory_space<semaphore_mem>> -> memref<!tpu.dma_semaphore, #tpu.memory_space<semaphore_mem>>
    tpu.enqueue_indirect_dma source(%dma_start3A_12 : memref<10240x128xf32, #tpu.memory_space<hbm>>) target(%dma_start3A_6 : memref<128x128xf32, #tpu.memory_space<vmem>>) offsets(%dma_start3A_9 : memref<128xi32, #tpu.memory_space<vmem>>) semaphore(%dma_start3A_14 : memref<!tpu.dma_semaphore, #tpu.memory_space<semaphore_mem>>)
    %dma_start3A_15 = arith.constant 0 : i32
    %dma_start3A_16 = arith.constant 0 : i32
    %dma_start3A_17 = arith.constant 0 : i32
    %dma_start3A_18 = arith.constant 0 : i32
    %dma_start3A_19 = arith.constant 0 : i32
    %dma_start3A_20 = tpu.memref_slice %arg11[%dma_start3A_16, %dma_start3A_18, %dma_start3A_19] : memref<2x128x128xf32, #tpu.memory_space<vmem>> -> memref<1x128x128xf32, #tpu.memory_space<vmem>>
    %dma_start3A_21 = tpu.memref_squeeze %dma_start3A_20 : memref<1x128x128xf32, #tpu.memory_space<vmem>> -> memref<128x128xf32, #tpu.memory_space<vmem>>
    %dma_start3A_22 = arith.constant 0 : i32
    %dma_start3A_23 = tpu.memref_slice %arg9[%dma_start3A_15, %dma_start3A_22] : memref<4x128xi32, #tpu.memory_space<vmem>> -> memref<1x128xi32, #tpu.memory_space<vmem>>
    %dma_start3A_24 = tpu.memref_squeeze %dma_start3A_23 : memref<1x128xi32, #tpu.memory_space<vmem>> -> memref<128xi32, #tpu.memory_space<vmem>>
    %dma_start3A_25 = arith.constant 0 : i32
    %dma_start3A_26 = arith.constant 0 : i32
    %dma_start3A_27 = tpu.memref_slice %arg3[%dma_start3A_25, %dma_start3A_26] : memref<10240x128xf32, #tpu.memory_space<hbm>> -> memref<10240x128xf32, #tpu.memory_space<hbm>>
    %dma_start3A_28 = tpu.memref_slice %arg13[%dma_start3A_17] : memref<2x!tpu.dma_semaphore, #tpu.memory_space<semaphore_mem>> -> memref<1x!tpu.dma_semaphore, #tpu.memory_space<semaphore_mem>>
    %dma_start3A_29 = tpu.memref_squeeze %dma_start3A_28 : memref<1x!tpu.dma_semaphore, #tpu.memory_space<semaphore_mem>> -> memref<!tpu.dma_semaphore, #tpu.memory_space<semaphore_mem>>
    tpu.enqueue_indirect_dma source(%dma_start3A_27 : memref<10240x128xf32, #tpu.memory_space<hbm>>) target(%dma_start3A_21 : memref<128x128xf32, #tpu.memory_space<vmem>>) offsets(%dma_start3A_24 : memref<128xi32, #tpu.memory_space<vmem>>) semaphore(%dma_start3A_29 : memref<!tpu.dma_semaphore, #tpu.memory_space<semaphore_mem>>)
    %dma_start3A_30 = arith.constant 1 : i32
    %dma_start3A_31 = arith.constant 1 : i32
    %dma_start3A_32 = arith.constant 1 : i32
    %dma_start3A_33 = arith.constant 0 : i32
    %dma_start3A_34 = arith.constant 0 : i32
    %dma_start3A_35 = tpu.memref_slice %arg10[%dma_start3A_31, %dma_start3A_33, %dma_start3A_34] : memref<2x128x128xf32, #tpu.memory_space<vmem>> -> memref<1x128x128xf32, #tpu.memory_space<vmem>>
    %dma_start3A_36 = tpu.memref_squeeze %dma_start3A_35 : memref<1x128x128xf32, #tpu.memory_space<vmem>> -> memref<128x128xf32, #tpu.memory_space<vmem>>
    %dma_start3A_37 = arith.constant 0 : i32
    %dma_start3A_38 = tpu.memref_slice %arg8[%dma_start3A_30, %dma_start3A_37] : memref<4x128xi32, #tpu.memory_space<vmem>> -> memref<1x128xi32, #tpu.memory_space<vmem>>
    %dma_start3A_39 = tpu.memref_squeeze %dma_start3A_38 : memref<1x128xi32, #tpu.memory_space<vmem>> -> memref<128xi32, #tpu.memory_space<vmem>>
    %dma_start3A_40 = arith.constant 0 : i32
    %dma_start3A_41 = arith.constant 0 : i32
    %dma_start3A_42 = tpu.memref_slice %arg2[%dma_start3A_40, %dma_start3A_41] : memref<10240x128xf32, #tpu.memory_space<hbm>> -> memref<10240x128xf32, #tpu.memory_space<hbm>>
    %dma_start3A_43 = tpu.memref_slice %arg12[%dma_start3A_32] : memref<2x!tpu.dma_semaphore, #tpu.memory_space<semaphore_mem>> -> memref<1x!tpu.dma_semaphore, #tpu.memory_space<semaphore_mem>>
    %dma_start3A_44 = tpu.memref_squeeze %dma_start3A_43 : memref<1x!tpu.dma_semaphore, #tpu.memory_space<semaphore_mem>> -> memref<!tpu.dma_semaphore, #tpu.memory_space<semaphore_mem>>
    tpu.enqueue_indirect_dma source(%dma_start3A_42 : memref<10240x128xf32, #tpu.memory_space<hbm>>) target(%dma_start3A_36 : memref<128x128xf32, #tpu.memory_space<vmem>>) offsets(%dma_start3A_39 : memref<128xi32, #tpu.memory_space<vmem>>) semaphore(%dma_start3A_44 : memref<!tpu.dma_semaphore, #tpu.memory_space<semaphore_mem>>)
    %dma_start3A_45 = arith.constant 1 : i32
    %dma_start3A_46 = arith.constant 1 : i32
    %dma_start3A_47 = arith.constant 1 : i32
    %dma_start3A_48 = arith.constant 0 : i32
    %dma_start3A_49 = arith.constant 0 : i32
    %dma_start3A_50 = tpu.memref_slice %arg11[%dma_start3A_46, %dma_start3A_48, %dma_start3A_49] : memref<2x128x128xf32, #tpu.memory_space<vmem>> -> memref<1x128x128xf32, #tpu.memory_space<vmem>>
    %dma_start3A_51 = tpu.memref_squeeze %dma_start3A_50 : memref<1x128x128xf32, #tpu.memory_space<vmem>> -> memref<128x128xf32, #tpu.memory_space<vmem>>
    %dma_start3A_52 = arith.constant 0 : i32
    %dma_start3A_53 = tpu.memref_slice %arg9[%dma_start3A_45, %dma_start3A_52] : memref<4x128xi32, #tpu.memory_space<vmem>> -> memref<1x128xi32, #tpu.memory_space<vmem>>
    %dma_start3A_54 = tpu.memref_squeeze %dma_start3A_53 : memref<1x128xi32, #tpu.memory_space<vmem>> -> memref<128xi32, #tpu.memory_space<vmem>>
    %dma_start3A_55 = arith.constant 0 : i32
    %dma_start3A_56 = arith.constant 0 : i32
    %dma_start3A_57 = tpu.memref_slice %arg3[%dma_start3A_55, %dma_start3A_56] : memref<10240x128xf32, #tpu.memory_space<hbm>> -> memref<10240x128xf32, #tpu.memory_space<hbm>>
    %dma_start3A_58 = tpu.memref_slice %arg13[%dma_start3A_47] : memref<2x!tpu.dma_semaphore, #tpu.memory_space<semaphore_mem>> -> memref<1x!tpu.dma_semaphore, #tpu.memory_space<semaphore_mem>>
    %dma_start3A_59 = tpu.memref_squeeze %dma_start3A_58 : memref<1x!tpu.dma_semaphore, #tpu.memory_space<semaphore_mem>> -> memref<!tpu.dma_semaphore, #tpu.memory_space<semaphore_mem>>
    tpu.enqueue_indirect_dma source(%dma_start3A_57 : memref<10240x128xf32, #tpu.memory_space<hbm>>) target(%dma_start3A_51 : memref<128x128xf32, #tpu.memory_space<vmem>>) offsets(%dma_start3A_54 : memref<128xi32, #tpu.memory_space<vmem>>) semaphore(%dma_start3A_59 : memref<!tpu.dma_semaphore, #tpu.memory_space<semaphore_mem>>)
    %mul3A_60 = arith.constant 512 : i32
    %mul3A_61 = arith.muli %add3A, %mul3A_60 : i32
    %add3A_62 = arith.constant 0 : i32
    %add3A_63 = arith.addi %mul3A_61, %add3A_62 : i32
    %dma_wait3A = arith.constant 0 : i32
    %dma_wait3A_64 = arith.constant 0 : i32
    %dma_wait3A_65 = arith.constant 0 : i32
    %dma_wait3A_66 = arith.constant 0 : i32
    %dma_wait3A_67 = arith.constant 0 : i32
    %dma_wait3A_68 = tpu.memref_slice %arg10[%dma_wait3A_64, %dma_wait3A_66, %dma_wait3A_67] : memref<2x128x128xf32, #tpu.memory_space<vmem>> -> memref<1x128x128xf32, #tpu.memory_space<vmem>>
    %dma_wait3A_69 = tpu.memref_squeeze %dma_wait3A_68 : memref<1x128x128xf32, #tpu.memory_space<vmem>> -> memref<128x128xf32, #tpu.memory_space<vmem>>
    %dma_wait3A_70 = arith.constant 0 : i32
    %dma_wait3A_71 = tpu.memref_slice %arg8[%dma_wait3A, %dma_wait3A_70] : memref<4x128xi32, #tpu.memory_space<vmem>> -> memref<1x128xi32, #tpu.memory_space<vmem>>
    %dma_wait3A_72 = tpu.memref_squeeze %dma_wait3A_71 : memref<1x128xi32, #tpu.memory_space<vmem>> -> memref<128xi32, #tpu.memory_space<vmem>>
    %dma_wait3A_73 = arith.constant 0 : i32
    %dma_wait3A_74 = arith.constant 0 : i32
    %dma_wait3A_75 = tpu.memref_slice %arg2[%dma_wait3A_73, %dma_wait3A_74] : memref<10240x128xf32, #tpu.memory_space<hbm>> -> memref<10240x128xf32, #tpu.memory_space<hbm>>
    %dma_wait3A_76 = tpu.memref_slice %arg12[%dma_wait3A_65] : memref<2x!tpu.dma_semaphore, #tpu.memory_space<semaphore_mem>> -> memref<1x!tpu.dma_semaphore, #tpu.memory_space<semaphore_mem>>
    %dma_wait3A_77 = tpu.memref_squeeze %dma_wait3A_76 : memref<1x!tpu.dma_semaphore, #tpu.memory_space<semaphore_mem>> -> memref<!tpu.dma_semaphore, #tpu.memory_space<semaphore_mem>>
    tpu.wait_indirect_dma semaphore(%dma_wait3A_77 : memref<!tpu.dma_semaphore, #tpu.memory_space<semaphore_mem>>) src(%dma_wait3A_75 : memref<10240x128xf32, #tpu.memory_space<hbm>>) dst(%dma_wait3A_69 : memref<128x128xf32, #tpu.memory_space<vmem>>)
    %run_scoped3A = arith.constant 0 : i32
    "tpu.region"() ({
      %run_scoped3A_262 = tpu.sem_alloc : memref<!tpu.dma_semaphore, #tpu.memory_space<semaphore_mem>>
      %dma_start3A_263 = arith.constant 0 : i32
      %dma_start3A_264 = arith.constant 0 : i32
      %dma_start3A_265 = tpu.memref_slice %arg10[%run_scoped3A, %dma_start3A_263, %dma_start3A_264] : memref<2x128x128xf32, #tpu.memory_space<vmem>> -> memref<1x128x128xf32, #tpu.memory_space<vmem>>
      %dma_start3A_266 = tpu.memref_squeeze %dma_start3A_265 : memref<1x128x128xf32, #tpu.memory_space<vmem>> -> memref<128x128xf32, #tpu.memory_space<vmem>>
      %dma_start3A_267 = arith.constant 0 : i32
      %dma_start3A_268 = tpu.memref_slice %arg6[%add3A_63, %dma_start3A_267] : memref<16384x128xf32, #tpu.memory_space<hbm>> -> memref<128x128xf32, #tpu.memory_space<hbm>>
      %dma_start3A_269 = arith.constant 0 : i32
      %dma_start3A_270 = tpu.memref_slice %arg6[%add3A_63, %dma_start3A_269] : memref<16384x128xf32, #tpu.memory_space<hbm>> -> memref<128x128xf32, #tpu.memory_space<hbm>>
      %dma_start3A_271 = arith.constant 0 : i32
      %dma_start3A_272 = arith.constant 0 : i32
      %dma_start3A_273 = tpu.memref_slice %arg10[%run_scoped3A, %dma_start3A_271, %dma_start3A_272] : memref<2x128x128xf32, #tpu.memory_space<vmem>> -> memref<1x128x128xf32, #tpu.memory_space<vmem>>
      %dma_start3A_274 = tpu.memref_squeeze %dma_start3A_273 : memref<1x128x128xf32, #tpu.memory_space<vmem>> -> memref<128x128xf32, #tpu.memory_space<vmem>>
      tpu.enqueue_dma source(%dma_start3A_274 : memref<128x128xf32, #tpu.memory_space<vmem>>) target(%dma_start3A_270 : memref<128x128xf32, #tpu.memory_space<hbm>>) target_semaphore(%run_scoped3A_262 : memref<!tpu.dma_semaphore, #tpu.memory_space<semaphore_mem>>)
      %dma_wait3A_275 = arith.constant 0 : i32
      %dma_wait3A_276 = arith.constant 0 : i32
      %dma_wait3A_277 = tpu.memref_slice %arg10[%run_scoped3A, %dma_wait3A_275, %dma_wait3A_276] : memref<2x128x128xf32, #tpu.memory_space<vmem>> -> memref<1x128x128xf32, #tpu.memory_space<vmem>>
      %dma_wait3A_278 = tpu.memref_squeeze %dma_wait3A_277 : memref<1x128x128xf32, #tpu.memory_space<vmem>> -> memref<128x128xf32, #tpu.memory_space<vmem>>
      %dma_wait3A_279 = arith.constant 0 : i32
      %dma_wait3A_280 = tpu.memref_slice %arg6[%add3A_63, %dma_wait3A_279] : memref<16384x128xf32, #tpu.memory_space<hbm>> -> memref<128x128xf32, #tpu.memory_space<hbm>>
      %dma_wait3A_281 = arith.constant 0 : i32
      %dma_wait3A_282 = tpu.memref_slice %arg6[%add3A_63, %dma_wait3A_281] : memref<16384x128xf32, #tpu.memory_space<hbm>> -> memref<128x128xf32, #tpu.memory_space<hbm>>
      %dma_wait3A_283 = arith.constant 0 : i32
      %dma_wait3A_284 = arith.constant 0 : i32
      %dma_wait3A_285 = tpu.memref_slice %arg10[%run_scoped3A, %dma_wait3A_283, %dma_wait3A_284] : memref<2x128x128xf32, #tpu.memory_space<vmem>> -> memref<1x128x128xf32, #tpu.memory_space<vmem>>
      %dma_wait3A_286 = tpu.memref_squeeze %dma_wait3A_285 : memref<1x128x128xf32, #tpu.memory_space<vmem>> -> memref<128x128xf32, #tpu.memory_space<vmem>>
      tpu.wait_dma2 semaphore(%run_scoped3A_262 : memref<!tpu.dma_semaphore, #tpu.memory_space<semaphore_mem>>) src(%dma_wait3A_286 : memref<128x128xf32, #tpu.memory_space<vmem>>) dst(%dma_wait3A_282 : memref<128x128xf32, #tpu.memory_space<hbm>>)
      tpu.yield
    }) : () -> ()
    %dma_wait3A_78 = arith.constant 0 : i32
    %dma_wait3A_79 = arith.constant 0 : i32
    %dma_wait3A_80 = arith.constant 0 : i32
    %dma_wait3A_81 = arith.constant 0 : i32
    %dma_wait3A_82 = arith.constant 0 : i32
    %dma_wait3A_83 = tpu.memref_slice %arg11[%dma_wait3A_79, %dma_wait3A_81, %dma_wait3A_82] : memref<2x128x128xf32, #tpu.memory_space<vmem>> -> memref<1x128x128xf32, #tpu.memory_space<vmem>>
    %dma_wait3A_84 = tpu.memref_squeeze %dma_wait3A_83 : memref<1x128x128xf32, #tpu.memory_space<vmem>> -> memref<128x128xf32, #tpu.memory_space<vmem>>
    %dma_wait3A_85 = arith.constant 0 : i32
    %dma_wait3A_86 = tpu.memref_slice %arg9[%dma_wait3A_78, %dma_wait3A_85] : memref<4x128xi32, #tpu.memory_space<vmem>> -> memref<1x128xi32, #tpu.memory_space<vmem>>
    %dma_wait3A_87 = tpu.memref_squeeze %dma_wait3A_86 : memref<1x128xi32, #tpu.memory_space<vmem>> -> memref<128xi32, #tpu.memory_space<vmem>>
    %dma_wait3A_88 = arith.constant 0 : i32
    %dma_wait3A_89 = arith.constant 0 : i32
    %dma_wait3A_90 = tpu.memref_slice %arg3[%dma_wait3A_88, %dma_wait3A_89] : memref<10240x128xf32, #tpu.memory_space<hbm>> -> memref<10240x128xf32, #tpu.memory_space<hbm>>
    %dma_wait3A_91 = tpu.memref_slice %arg13[%dma_wait3A_80] : memref<2x!tpu.dma_semaphore, #tpu.memory_space<semaphore_mem>> -> memref<1x!tpu.dma_semaphore, #tpu.memory_space<semaphore_mem>>
    %dma_wait3A_92 = tpu.memref_squeeze %dma_wait3A_91 : memref<1x!tpu.dma_semaphore, #tpu.memory_space<semaphore_mem>> -> memref<!tpu.dma_semaphore, #tpu.memory_space<semaphore_mem>>
    tpu.wait_indirect_dma semaphore(%dma_wait3A_92 : memref<!tpu.dma_semaphore, #tpu.memory_space<semaphore_mem>>) src(%dma_wait3A_90 : memref<10240x128xf32, #tpu.memory_space<hbm>>) dst(%dma_wait3A_84 : memref<128x128xf32, #tpu.memory_space<vmem>>)
    %run_scoped3A_93 = arith.constant 0 : i32
    "tpu.region"() ({
      %run_scoped3A_262 = tpu.sem_alloc : memref<!tpu.dma_semaphore, #tpu.memory_space<semaphore_mem>>
      %dma_start3A_263 = arith.constant 0 : i32
      %dma_start3A_264 = arith.constant 0 : i32
      %dma_start3A_265 = tpu.memref_slice %arg11[%run_scoped3A_93, %dma_start3A_263, %dma_start3A_264] : memref<2x128x128xf32, #tpu.memory_space<vmem>> -> memref<1x128x128xf32, #tpu.memory_space<vmem>>
      %dma_start3A_266 = tpu.memref_squeeze %dma_start3A_265 : memref<1x128x128xf32, #tpu.memory_space<vmem>> -> memref<128x128xf32, #tpu.memory_space<vmem>>
      %dma_start3A_267 = arith.constant 0 : i32
      %dma_start3A_268 = tpu.memref_slice %arg7[%add3A_63, %dma_start3A_267] : memref<16384x128xf32, #tpu.memory_space<hbm>> -> memref<128x128xf32, #tpu.memory_space<hbm>>
      %dma_start3A_269 = arith.constant 0 : i32
      %dma_start3A_270 = tpu.memref_slice %arg7[%add3A_63, %dma_start3A_269] : memref<16384x128xf32, #tpu.memory_space<hbm>> -> memref<128x128xf32, #tpu.memory_space<hbm>>
      %dma_start3A_271 = arith.constant 0 : i32
      %dma_start3A_272 = arith.constant 0 : i32
      %dma_start3A_273 = tpu.memref_slice %arg11[%run_scoped3A_93, %dma_start3A_271, %dma_start3A_272] : memref<2x128x128xf32, #tpu.memory_space<vmem>> -> memref<1x128x128xf32, #tpu.memory_space<vmem>>
      %dma_start3A_274 = tpu.memref_squeeze %dma_start3A_273 : memref<1x128x128xf32, #tpu.memory_space<vmem>> -> memref<128x128xf32, #tpu.memory_space<vmem>>
      tpu.enqueue_dma source(%dma_start3A_274 : memref<128x128xf32, #tpu.memory_space<vmem>>) target(%dma_start3A_270 : memref<128x128xf32, #tpu.memory_space<hbm>>) target_semaphore(%run_scoped3A_262 : memref<!tpu.dma_semaphore, #tpu.memory_space<semaphore_mem>>)
      %dma_wait3A_275 = arith.constant 0 : i32
      %dma_wait3A_276 = arith.constant 0 : i32
      %dma_wait3A_277 = tpu.memref_slice %arg11[%run_scoped3A_93, %dma_wait3A_275, %dma_wait3A_276] : memref<2x128x128xf32, #tpu.memory_space<vmem>> -> memref<1x128x128xf32, #tpu.memory_space<vmem>>
      %dma_wait3A_278 = tpu.memref_squeeze %dma_wait3A_277 : memref<1x128x128xf32, #tpu.memory_space<vmem>> -> memref<128x128xf32, #tpu.memory_space<vmem>>
      %dma_wait3A_279 = arith.constant 0 : i32
      %dma_wait3A_280 = tpu.memref_slice %arg7[%add3A_63, %dma_wait3A_279] : memref<16384x128xf32, #tpu.memory_space<hbm>> -> memref<128x128xf32, #tpu.memory_space<hbm>>
      %dma_wait3A_281 = arith.constant 0 : i32
      %dma_wait3A_282 = tpu.memref_slice %arg7[%add3A_63, %dma_wait3A_281] : memref<16384x128xf32, #tpu.memory_space<hbm>> -> memref<128x128xf32, #tpu.memory_space<hbm>>
      %dma_wait3A_283 = arith.constant 0 : i32
      %dma_wait3A_284 = arith.constant 0 : i32
      %dma_wait3A_285 = tpu.memref_slice %arg11[%run_scoped3A_93, %dma_wait3A_283, %dma_wait3A_284] : memref<2x128x128xf32, #tpu.memory_space<vmem>> -> memref<1x128x128xf32, #tpu.memory_space<vmem>>
      %dma_wait3A_286 = tpu.memref_squeeze %dma_wait3A_285 : memref<1x128x128xf32, #tpu.memory_space<vmem>> -> memref<128x128xf32, #tpu.memory_space<vmem>>
      tpu.wait_dma2 semaphore(%run_scoped3A_262 : memref<!tpu.dma_semaphore, #tpu.memory_space<semaphore_mem>>) src(%dma_wait3A_286 : memref<128x128xf32, #tpu.memory_space<vmem>>) dst(%dma_wait3A_282 : memref<128x128xf32, #tpu.memory_space<hbm>>)
      tpu.yield
    }) : () -> ()
    %dma_start3A_94 = arith.constant 2 : i32
    %dma_start3A_95 = arith.constant 0 : i32
    %dma_start3A_96 = arith.constant 0 : i32
    %dma_start3A_97 = arith.constant 0 : i32
    %dma_start3A_98 = arith.constant 0 : i32
    %dma_start3A_99 = tpu.memref_slice %arg10[%dma_start3A_95, %dma_start3A_97, %dma_start3A_98] : memref<2x128x128xf32, #tpu.memory_space<vmem>> -> memref<1x128x128xf32, #tpu.memory_space<vmem>>
    %dma_start3A_100 = tpu.memref_squeeze %dma_start3A_99 : memref<1x128x128xf32, #tpu.memory_space<vmem>> -> memref<128x128xf32, #tpu.memory_space<vmem>>
    %dma_start3A_101 = arith.constant 0 : i32
    %dma_start3A_102 = tpu.memref_slice %arg8[%dma_start3A_94, %dma_start3A_101] : memref<4x128xi32, #tpu.memory_space<vmem>> -> memref<1x128xi32, #tpu.memory_space<vmem>>
    %dma_start3A_103 = tpu.memref_squeeze %dma_start3A_102 : memref<1x128xi32, #tpu.memory_space<vmem>> -> memref<128xi32, #tpu.memory_space<vmem>>
    %dma_start3A_104 = arith.constant 0 : i32
    %dma_start3A_105 = arith.constant 0 : i32
    %dma_start3A_106 = tpu.memref_slice %arg2[%dma_start3A_104, %dma_start3A_105] : memref<10240x128xf32, #tpu.memory_space<hbm>> -> memref<10240x128xf32, #tpu.memory_space<hbm>>
    %dma_start3A_107 = tpu.memref_slice %arg12[%dma_start3A_96] : memref<2x!tpu.dma_semaphore, #tpu.memory_space<semaphore_mem>> -> memref<1x!tpu.dma_semaphore, #tpu.memory_space<semaphore_mem>>
    %dma_start3A_108 = tpu.memref_squeeze %dma_start3A_107 : memref<1x!tpu.dma_semaphore, #tpu.memory_space<semaphore_mem>> -> memref<!tpu.dma_semaphore, #tpu.memory_space<semaphore_mem>>
    tpu.enqueue_indirect_dma source(%dma_start3A_106 : memref<10240x128xf32, #tpu.memory_space<hbm>>) target(%dma_start3A_100 : memref<128x128xf32, #tpu.memory_space<vmem>>) offsets(%dma_start3A_103 : memref<128xi32, #tpu.memory_space<vmem>>) semaphore(%dma_start3A_108 : memref<!tpu.dma_semaphore, #tpu.memory_space<semaphore_mem>>)
    %dma_start3A_109 = arith.constant 2 : i32
    %dma_start3A_110 = arith.constant 0 : i32
    %dma_start3A_111 = arith.constant 0 : i32
    %dma_start3A_112 = arith.constant 0 : i32
    %dma_start3A_113 = arith.constant 0 : i32
    %dma_start3A_114 = tpu.memref_slice %arg11[%dma_start3A_110, %dma_start3A_112, %dma_start3A_113] : memref<2x128x128xf32, #tpu.memory_space<vmem>> -> memref<1x128x128xf32, #tpu.memory_space<vmem>>
    %dma_start3A_115 = tpu.memref_squeeze %dma_start3A_114 : memref<1x128x128xf32, #tpu.memory_space<vmem>> -> memref<128x128xf32, #tpu.memory_space<vmem>>
    %dma_start3A_116 = arith.constant 0 : i32
    %dma_start3A_117 = tpu.memref_slice %arg9[%dma_start3A_109, %dma_start3A_116] : memref<4x128xi32, #tpu.memory_space<vmem>> -> memref<1x128xi32, #tpu.memory_space<vmem>>
    %dma_start3A_118 = tpu.memref_squeeze %dma_start3A_117 : memref<1x128xi32, #tpu.memory_space<vmem>> -> memref<128xi32, #tpu.memory_space<vmem>>
    %dma_start3A_119 = arith.constant 0 : i32
    %dma_start3A_120 = arith.constant 0 : i32
    %dma_start3A_121 = tpu.memref_slice %arg3[%dma_start3A_119, %dma_start3A_120] : memref<10240x128xf32, #tpu.memory_space<hbm>> -> memref<10240x128xf32, #tpu.memory_space<hbm>>
    %dma_start3A_122 = tpu.memref_slice %arg13[%dma_start3A_111] : memref<2x!tpu.dma_semaphore, #tpu.memory_space<semaphore_mem>> -> memref<1x!tpu.dma_semaphore, #tpu.memory_space<semaphore_mem>>
    %dma_start3A_123 = tpu.memref_squeeze %dma_start3A_122 : memref<1x!tpu.dma_semaphore, #tpu.memory_space<semaphore_mem>> -> memref<!tpu.dma_semaphore, #tpu.memory_space<semaphore_mem>>
    tpu.enqueue_indirect_dma source(%dma_start3A_121 : memref<10240x128xf32, #tpu.memory_space<hbm>>) target(%dma_start3A_115 : memref<128x128xf32, #tpu.memory_space<vmem>>) offsets(%dma_start3A_118 : memref<128xi32, #tpu.memory_space<vmem>>) semaphore(%dma_start3A_123 : memref<!tpu.dma_semaphore, #tpu.memory_space<semaphore_mem>>)
    %mul3A_124 = arith.constant 512 : i32
    %mul3A_125 = arith.muli %add3A, %mul3A_124 : i32
    %add3A_126 = arith.constant 128 : i32
    %add3A_127 = arith.addi %mul3A_125, %add3A_126 : i32
    %dma_wait3A_128 = arith.constant 1 : i32
    %dma_wait3A_129 = arith.constant 1 : i32
    %dma_wait3A_130 = arith.constant 1 : i32
    %dma_wait3A_131 = arith.constant 0 : i32
    %dma_wait3A_132 = arith.constant 0 : i32
    %dma_wait3A_133 = tpu.memref_slice %arg10[%dma_wait3A_129, %dma_wait3A_131, %dma_wait3A_132] : memref<2x128x128xf32, #tpu.memory_space<vmem>> -> memref<1x128x128xf32, #tpu.memory_space<vmem>>
    %dma_wait3A_134 = tpu.memref_squeeze %dma_wait3A_133 : memref<1x128x128xf32, #tpu.memory_space<vmem>> -> memref<128x128xf32, #tpu.memory_space<vmem>>
    %dma_wait3A_135 = arith.constant 0 : i32
    %dma_wait3A_136 = tpu.memref_slice %arg8[%dma_wait3A_128, %dma_wait3A_135] : memref<4x128xi32, #tpu.memory_space<vmem>> -> memref<1x128xi32, #tpu.memory_space<vmem>>
    %dma_wait3A_137 = tpu.memref_squeeze %dma_wait3A_136 : memref<1x128xi32, #tpu.memory_space<vmem>> -> memref<128xi32, #tpu.memory_space<vmem>>
    %dma_wait3A_138 = arith.constant 0 : i32
    %dma_wait3A_139 = arith.constant 0 : i32
    %dma_wait3A_140 = tpu.memref_slice %arg2[%dma_wait3A_138, %dma_wait3A_139] : memref<10240x128xf32, #tpu.memory_space<hbm>> -> memref<10240x128xf32, #tpu.memory_space<hbm>>
    %dma_wait3A_141 = tpu.memref_slice %arg12[%dma_wait3A_130] : memref<2x!tpu.dma_semaphore, #tpu.memory_space<semaphore_mem>> -> memref<1x!tpu.dma_semaphore, #tpu.memory_space<semaphore_mem>>
    %dma_wait3A_142 = tpu.memref_squeeze %dma_wait3A_141 : memref<1x!tpu.dma_semaphore, #tpu.memory_space<semaphore_mem>> -> memref<!tpu.dma_semaphore, #tpu.memory_space<semaphore_mem>>
    tpu.wait_indirect_dma semaphore(%dma_wait3A_142 : memref<!tpu.dma_semaphore, #tpu.memory_space<semaphore_mem>>) src(%dma_wait3A_140 : memref<10240x128xf32, #tpu.memory_space<hbm>>) dst(%dma_wait3A_134 : memref<128x128xf32, #tpu.memory_space<vmem>>)
    %run_scoped3A_143 = arith.constant 1 : i32
    "tpu.region"() ({
      %run_scoped3A_262 = tpu.sem_alloc : memref<!tpu.dma_semaphore, #tpu.memory_space<semaphore_mem>>
      %dma_start3A_263 = arith.constant 0 : i32
      %dma_start3A_264 = arith.constant 0 : i32
      %dma_start3A_265 = tpu.memref_slice %arg10[%run_scoped3A_143, %dma_start3A_263, %dma_start3A_264] : memref<2x128x128xf32, #tpu.memory_space<vmem>> -> memref<1x128x128xf32, #tpu.memory_space<vmem>>
      %dma_start3A_266 = tpu.memref_squeeze %dma_start3A_265 : memref<1x128x128xf32, #tpu.memory_space<vmem>> -> memref<128x128xf32, #tpu.memory_space<vmem>>
      %dma_start3A_267 = arith.constant 0 : i32
      %dma_start3A_268 = tpu.memref_slice %arg6[%add3A_127, %dma_start3A_267] : memref<16384x128xf32, #tpu.memory_space<hbm>> -> memref<128x128xf32, #tpu.memory_space<hbm>>
      %dma_start3A_269 = arith.constant 0 : i32
      %dma_start3A_270 = tpu.memref_slice %arg6[%add3A_127, %dma_start3A_269] : memref<16384x128xf32, #tpu.memory_space<hbm>> -> memref<128x128xf32, #tpu.memory_space<hbm>>
      %dma_start3A_271 = arith.constant 0 : i32
      %dma_start3A_272 = arith.constant 0 : i32
      %dma_start3A_273 = tpu.memref_slice %arg10[%run_scoped3A_143, %dma_start3A_271, %dma_start3A_272] : memref<2x128x128xf32, #tpu.memory_space<vmem>> -> memref<1x128x128xf32, #tpu.memory_space<vmem>>
      %dma_start3A_274 = tpu.memref_squeeze %dma_start3A_273 : memref<1x128x128xf32, #tpu.memory_space<vmem>> -> memref<128x128xf32, #tpu.memory_space<vmem>>
      tpu.enqueue_dma source(%dma_start3A_274 : memref<128x128xf32, #tpu.memory_space<vmem>>) target(%dma_start3A_270 : memref<128x128xf32, #tpu.memory_space<hbm>>) target_semaphore(%run_scoped3A_262 : memref<!tpu.dma_semaphore, #tpu.memory_space<semaphore_mem>>)
      %dma_wait3A_275 = arith.constant 0 : i32
      %dma_wait3A_276 = arith.constant 0 : i32
      %dma_wait3A_277 = tpu.memref_slice %arg10[%run_scoped3A_143, %dma_wait3A_275, %dma_wait3A_276] : memref<2x128x128xf32, #tpu.memory_space<vmem>> -> memref<1x128x128xf32, #tpu.memory_space<vmem>>
      %dma_wait3A_278 = tpu.memref_squeeze %dma_wait3A_277 : memref<1x128x128xf32, #tpu.memory_space<vmem>> -> memref<128x128xf32, #tpu.memory_space<vmem>>
      %dma_wait3A_279 = arith.constant 0 : i32
      %dma_wait3A_280 = tpu.memref_slice %arg6[%add3A_127, %dma_wait3A_279] : memref<16384x128xf32, #tpu.memory_space<hbm>> -> memref<128x128xf32, #tpu.memory_space<hbm>>
      %dma_wait3A_281 = arith.constant 0 : i32
      %dma_wait3A_282 = tpu.memref_slice %arg6[%add3A_127, %dma_wait3A_281] : memref<16384x128xf32, #tpu.memory_space<hbm>> -> memref<128x128xf32, #tpu.memory_space<hbm>>
      %dma_wait3A_283 = arith.constant 0 : i32
      %dma_wait3A_284 = arith.constant 0 : i32
      %dma_wait3A_285 = tpu.memref_slice %arg10[%run_scoped3A_143, %dma_wait3A_283, %dma_wait3A_284] : memref<2x128x128xf32, #tpu.memory_space<vmem>> -> memref<1x128x128xf32, #tpu.memory_space<vmem>>
      %dma_wait3A_286 = tpu.memref_squeeze %dma_wait3A_285 : memref<1x128x128xf32, #tpu.memory_space<vmem>> -> memref<128x128xf32, #tpu.memory_space<vmem>>
      tpu.wait_dma2 semaphore(%run_scoped3A_262 : memref<!tpu.dma_semaphore, #tpu.memory_space<semaphore_mem>>) src(%dma_wait3A_286 : memref<128x128xf32, #tpu.memory_space<vmem>>) dst(%dma_wait3A_282 : memref<128x128xf32, #tpu.memory_space<hbm>>)
      tpu.yield
    }) : () -> ()
    %dma_wait3A_144 = arith.constant 1 : i32
    %dma_wait3A_145 = arith.constant 1 : i32
    %dma_wait3A_146 = arith.constant 1 : i32
    %dma_wait3A_147 = arith.constant 0 : i32
    %dma_wait3A_148 = arith.constant 0 : i32
    %dma_wait3A_149 = tpu.memref_slice %arg11[%dma_wait3A_145, %dma_wait3A_147, %dma_wait3A_148] : memref<2x128x128xf32, #tpu.memory_space<vmem>> -> memref<1x128x128xf32, #tpu.memory_space<vmem>>
    %dma_wait3A_150 = tpu.memref_squeeze %dma_wait3A_149 : memref<1x128x128xf32, #tpu.memory_space<vmem>> -> memref<128x128xf32, #tpu.memory_space<vmem>>
    %dma_wait3A_151 = arith.constant 0 : i32
    %dma_wait3A_152 = tpu.memref_slice %arg9[%dma_wait3A_144, %dma_wait3A_151] : memref<4x128xi32, #tpu.memory_space<vmem>> -> memref<1x128xi32, #tpu.memory_space<vmem>>
    %dma_wait3A_153 = tpu.memref_squeeze %dma_wait3A_152 : memref<1x128xi32, #tpu.memory_space<vmem>> -> memref<128xi32, #tpu.memory_space<vmem>>
    %dma_wait3A_154 = arith.constant 0 : i32
    %dma_wait3A_155 = arith.constant 0 : i32
    %dma_wait3A_156 = tpu.memref_slice %arg3[%dma_wait3A_154, %dma_wait3A_155] : memref<10240x128xf32, #tpu.memory_space<hbm>> -> memref<10240x128xf32, #tpu.memory_space<hbm>>
    %dma_wait3A_157 = tpu.memref_slice %arg13[%dma_wait3A_146] : memref<2x!tpu.dma_semaphore, #tpu.memory_space<semaphore_mem>> -> memref<1x!tpu.dma_semaphore, #tpu.memory_space<semaphore_mem>>
    %dma_wait3A_158 = tpu.memref_squeeze %dma_wait3A_157 : memref<1x!tpu.dma_semaphore, #tpu.memory_space<semaphore_mem>> -> memref<!tpu.dma_semaphore, #tpu.memory_space<semaphore_mem>>
    tpu.wait_indirect_dma semaphore(%dma_wait3A_158 : memref<!tpu.dma_semaphore, #tpu.memory_space<semaphore_mem>>) src(%dma_wait3A_156 : memref<10240x128xf32, #tpu.memory_space<hbm>>) dst(%dma_wait3A_150 : memref<128x128xf32, #tpu.memory_space<vmem>>)
    %run_scoped3A_159 = arith.constant 1 : i32
    "tpu.region"() ({
      %run_scoped3A_262 = tpu.sem_alloc : memref<!tpu.dma_semaphore, #tpu.memory_space<semaphore_mem>>
      %dma_start3A_263 = arith.constant 0 : i32
      %dma_start3A_264 = arith.constant 0 : i32
      %dma_start3A_265 = tpu.memref_slice %arg11[%run_scoped3A_159, %dma_start3A_263, %dma_start3A_264] : memref<2x128x128xf32, #tpu.memory_space<vmem>> -> memref<1x128x128xf32, #tpu.memory_space<vmem>>
      %dma_start3A_266 = tpu.memref_squeeze %dma_start3A_265 : memref<1x128x128xf32, #tpu.memory_space<vmem>> -> memref<128x128xf32, #tpu.memory_space<vmem>>
      %dma_start3A_267 = arith.constant 0 : i32
      %dma_start3A_268 = tpu.memref_slice %arg7[%add3A_127, %dma_start3A_267] : memref<16384x128xf32, #tpu.memory_space<hbm>> -> memref<128x128xf32, #tpu.memory_space<hbm>>
      %dma_start3A_269 = arith.constant 0 : i32
      %dma_start3A_270 = tpu.memref_slice %arg7[%add3A_127, %dma_start3A_269] : memref<16384x128xf32, #tpu.memory_space<hbm>> -> memref<128x128xf32, #tpu.memory_space<hbm>>
      %dma_start3A_271 = arith.constant 0 : i32
      %dma_start3A_272 = arith.constant 0 : i32
      %dma_start3A_273 = tpu.memref_slice %arg11[%run_scoped3A_159, %dma_start3A_271, %dma_start3A_272] : memref<2x128x128xf32, #tpu.memory_space<vmem>> -> memref<1x128x128xf32, #tpu.memory_space<vmem>>
      %dma_start3A_274 = tpu.memref_squeeze %dma_start3A_273 : memref<1x128x128xf32, #tpu.memory_space<vmem>> -> memref<128x128xf32, #tpu.memory_space<vmem>>
      tpu.enqueue_dma source(%dma_start3A_274 : memref<128x128xf32, #tpu.memory_space<vmem>>) target(%dma_start3A_270 : memref<128x128xf32, #tpu.memory_space<hbm>>) target_semaphore(%run_scoped3A_262 : memref<!tpu.dma_semaphore, #tpu.memory_space<semaphore_mem>>)
      %dma_wait3A_275 = arith.constant 0 : i32
      %dma_wait3A_276 = arith.constant 0 : i32
      %dma_wait3A_277 = tpu.memref_slice %arg11[%run_scoped3A_159, %dma_wait3A_275, %dma_wait3A_276] : memref<2x128x128xf32, #tpu.memory_space<vmem>> -> memref<1x128x128xf32, #tpu.memory_space<vmem>>
      %dma_wait3A_278 = tpu.memref_squeeze %dma_wait3A_277 : memref<1x128x128xf32, #tpu.memory_space<vmem>> -> memref<128x128xf32, #tpu.memory_space<vmem>>
      %dma_wait3A_279 = arith.constant 0 : i32
      %dma_wait3A_280 = tpu.memref_slice %arg7[%add3A_127, %dma_wait3A_279] : memref<16384x128xf32, #tpu.memory_space<hbm>> -> memref<128x128xf32, #tpu.memory_space<hbm>>
      %dma_wait3A_281 = arith.constant 0 : i32
      %dma_wait3A_282 = tpu.memref_slice %arg7[%add3A_127, %dma_wait3A_281] : memref<16384x128xf32, #tpu.memory_space<hbm>> -> memref<128x128xf32, #tpu.memory_space<hbm>>
      %dma_wait3A_283 = arith.constant 0 : i32
      %dma_wait3A_284 = arith.constant 0 : i32
      %dma_wait3A_285 = tpu.memref_slice %arg11[%run_scoped3A_159, %dma_wait3A_283, %dma_wait3A_284] : memref<2x128x128xf32, #tpu.memory_space<vmem>> -> memref<1x128x128xf32, #tpu.memory_space<vmem>>
      %dma_wait3A_286 = tpu.memref_squeeze %dma_wait3A_285 : memref<1x128x128xf32, #tpu.memory_space<vmem>> -> memref<128x128xf32, #tpu.memory_space<vmem>>
      tpu.wait_dma2 semaphore(%run_scoped3A_262 : memref<!tpu.dma_semaphore, #tpu.memory_space<semaphore_mem>>) src(%dma_wait3A_286 : memref<128x128xf32, #tpu.memory_space<vmem>>) dst(%dma_wait3A_282 : memref<128x128xf32, #tpu.memory_space<hbm>>)
      tpu.yield
    }) : () -> ()
    %dma_start3A_160 = arith.constant 3 : i32
    %dma_start3A_161 = arith.constant 1 : i32
    %dma_start3A_162 = arith.constant 1 : i32
    %dma_start3A_163 = arith.constant 0 : i32
    %dma_start3A_164 = arith.constant 0 : i32
    %dma_start3A_165 = tpu.memref_slice %arg10[%dma_start3A_161, %dma_start3A_163, %dma_start3A_164] : memref<2x128x128xf32, #tpu.memory_space<vmem>> -> memref<1x128x128xf32, #tpu.memory_space<vmem>>
    %dma_start3A_166 = tpu.memref_squeeze %dma_start3A_165 : memref<1x128x128xf32, #tpu.memory_space<vmem>> -> memref<128x128xf32, #tpu.memory_space<vmem>>
    %dma_start3A_167 = arith.constant 0 : i32
    %dma_start3A_168 = tpu.memref_slice %arg8[%dma_start3A_160, %dma_start3A_167] : memref<4x128xi32, #tpu.memory_space<vmem>> -> memref<1x128xi32, #tpu.memory_space<vmem>>
    %dma_start3A_169 = tpu.memref_squeeze %dma_start3A_168 : memref<1x128xi32, #tpu.memory_space<vmem>> -> memref<128xi32, #tpu.memory_space<vmem>>
    %dma_start3A_170 = arith.constant 0 : i32
    %dma_start3A_171 = arith.constant 0 : i32
    %dma_start3A_172 = tpu.memref_slice %arg2[%dma_start3A_170, %dma_start3A_171] : memref<10240x128xf32, #tpu.memory_space<hbm>> -> memref<10240x128xf32, #tpu.memory_space<hbm>>
    %dma_start3A_173 = tpu.memref_slice %arg12[%dma_start3A_162] : memref<2x!tpu.dma_semaphore, #tpu.memory_space<semaphore_mem>> -> memref<1x!tpu.dma_semaphore, #tpu.memory_space<semaphore_mem>>
    %dma_start3A_174 = tpu.memref_squeeze %dma_start3A_173 : memref<1x!tpu.dma_semaphore, #tpu.memory_space<semaphore_mem>> -> memref<!tpu.dma_semaphore, #tpu.memory_space<semaphore_mem>>
    tpu.enqueue_indirect_dma source(%dma_start3A_172 : memref<10240x128xf32, #tpu.memory_space<hbm>>) target(%dma_start3A_166 : memref<128x128xf32, #tpu.memory_space<vmem>>) offsets(%dma_start3A_169 : memref<128xi32, #tpu.memory_space<vmem>>) semaphore(%dma_start3A_174 : memref<!tpu.dma_semaphore, #tpu.memory_space<semaphore_mem>>)
    %dma_start3A_175 = arith.constant 3 : i32
    %dma_start3A_176 = arith.constant 1 : i32
    %dma_start3A_177 = arith.constant 1 : i32
    %dma_start3A_178 = arith.constant 0 : i32
    %dma_start3A_179 = arith.constant 0 : i32
    %dma_start3A_180 = tpu.memref_slice %arg11[%dma_start3A_176, %dma_start3A_178, %dma_start3A_179] : memref<2x128x128xf32, #tpu.memory_space<vmem>> -> memref<1x128x128xf32, #tpu.memory_space<vmem>>
    %dma_start3A_181 = tpu.memref_squeeze %dma_start3A_180 : memref<1x128x128xf32, #tpu.memory_space<vmem>> -> memref<128x128xf32, #tpu.memory_space<vmem>>
    %dma_start3A_182 = arith.constant 0 : i32
    %dma_start3A_183 = tpu.memref_slice %arg9[%dma_start3A_175, %dma_start3A_182] : memref<4x128xi32, #tpu.memory_space<vmem>> -> memref<1x128xi32, #tpu.memory_space<vmem>>
    %dma_start3A_184 = tpu.memref_squeeze %dma_start3A_183 : memref<1x128xi32, #tpu.memory_space<vmem>> -> memref<128xi32, #tpu.memory_space<vmem>>
    %dma_start3A_185 = arith.constant 0 : i32
    %dma_start3A_186 = arith.constant 0 : i32
    %dma_start3A_187 = tpu.memref_slice %arg3[%dma_start3A_185, %dma_start3A_186] : memref<10240x128xf32, #tpu.memory_space<hbm>> -> memref<10240x128xf32, #tpu.memory_space<hbm>>
    %dma_start3A_188 = tpu.memref_slice %arg13[%dma_start3A_177] : memref<2x!tpu.dma_semaphore, #tpu.memory_space<semaphore_mem>> -> memref<1x!tpu.dma_semaphore, #tpu.memory_space<semaphore_mem>>
    %dma_start3A_189 = tpu.memref_squeeze %dma_start3A_188 : memref<1x!tpu.dma_semaphore, #tpu.memory_space<semaphore_mem>> -> memref<!tpu.dma_semaphore, #tpu.memory_space<semaphore_mem>>
    tpu.enqueue_indirect_dma source(%dma_start3A_187 : memref<10240x128xf32, #tpu.memory_space<hbm>>) target(%dma_start3A_181 : memref<128x128xf32, #tpu.memory_space<vmem>>) offsets(%dma_start3A_184 : memref<128xi32, #tpu.memory_space<vmem>>) semaphore(%dma_start3A_189 : memref<!tpu.dma_semaphore, #tpu.memory_space<semaphore_mem>>)
    %mul3A_190 = arith.constant 512 : i32
    %mul3A_191 = arith.muli %add3A, %mul3A_190 : i32
    %add3A_192 = arith.constant 256 : i32
    %add3A_193 = arith.addi %mul3A_191, %add3A_192 : i32
    %dma_wait3A_194 = arith.constant 2 : i32
    %dma_wait3A_195 = arith.constant 0 : i32
    %dma_wait3A_196 = arith.constant 0 : i32
    %dma_wait3A_197 = arith.constant 0 : i32
    %dma_wait3A_198 = arith.constant 0 : i32
    %dma_wait3A_199 = tpu.memref_slice %arg10[%dma_wait3A_195, %dma_wait3A_197, %dma_wait3A_198] : memref<2x128x128xf32, #tpu.memory_space<vmem>> -> memref<1x128x128xf32, #tpu.memory_space<vmem>>
    %dma_wait3A_200 = tpu.memref_squeeze %dma_wait3A_199 : memref<1x128x128xf32, #tpu.memory_space<vmem>> -> memref<128x128xf32, #tpu.memory_space<vmem>>
    %dma_wait3A_201 = arith.constant 0 : i32
    %dma_wait3A_202 = tpu.memref_slice %arg8[%dma_wait3A_194, %dma_wait3A_201] : memref<4x128xi32, #tpu.memory_space<vmem>> -> memref<1x128xi32, #tpu.memory_space<vmem>>
    %dma_wait3A_203 = tpu.memref_squeeze %dma_wait3A_202 : memref<1x128xi32, #tpu.memory_space<vmem>> -> memref<128xi32, #tpu.memory_space<vmem>>
    %dma_wait3A_204 = arith.constant 0 : i32
    %dma_wait3A_205 = arith.constant 0 : i32
    %dma_wait3A_206 = tpu.memref_slice %arg2[%dma_wait3A_204, %dma_wait3A_205] : memref<10240x128xf32, #tpu.memory_space<hbm>> -> memref<10240x128xf32, #tpu.memory_space<hbm>>
    %dma_wait3A_207 = tpu.memref_slice %arg12[%dma_wait3A_196] : memref<2x!tpu.dma_semaphore, #tpu.memory_space<semaphore_mem>> -> memref<1x!tpu.dma_semaphore, #tpu.memory_space<semaphore_mem>>
    %dma_wait3A_208 = tpu.memref_squeeze %dma_wait3A_207 : memref<1x!tpu.dma_semaphore, #tpu.memory_space<semaphore_mem>> -> memref<!tpu.dma_semaphore, #tpu.memory_space<semaphore_mem>>
    tpu.wait_indirect_dma semaphore(%dma_wait3A_208 : memref<!tpu.dma_semaphore, #tpu.memory_space<semaphore_mem>>) src(%dma_wait3A_206 : memref<10240x128xf32, #tpu.memory_space<hbm>>) dst(%dma_wait3A_200 : memref<128x128xf32, #tpu.memory_space<vmem>>)
    %run_scoped3A_209 = arith.constant 0 : i32
    "tpu.region"() ({
      %run_scoped3A_262 = tpu.sem_alloc : memref<!tpu.dma_semaphore, #tpu.memory_space<semaphore_mem>>
      %dma_start3A_263 = arith.constant 0 : i32
      %dma_start3A_264 = arith.constant 0 : i32
      %dma_start3A_265 = tpu.memref_slice %arg10[%run_scoped3A_209, %dma_start3A_263, %dma_start3A_264] : memref<2x128x128xf32, #tpu.memory_space<vmem>> -> memref<1x128x128xf32, #tpu.memory_space<vmem>>
      %dma_start3A_266 = tpu.memref_squeeze %dma_start3A_265 : memref<1x128x128xf32, #tpu.memory_space<vmem>> -> memref<128x128xf32, #tpu.memory_space<vmem>>
      %dma_start3A_267 = arith.constant 0 : i32
      %dma_start3A_268 = tpu.memref_slice %arg6[%add3A_193, %dma_start3A_267] : memref<16384x128xf32, #tpu.memory_space<hbm>> -> memref<128x128xf32, #tpu.memory_space<hbm>>
      %dma_start3A_269 = arith.constant 0 : i32
      %dma_start3A_270 = tpu.memref_slice %arg6[%add3A_193, %dma_start3A_269] : memref<16384x128xf32, #tpu.memory_space<hbm>> -> memref<128x128xf32, #tpu.memory_space<hbm>>
      %dma_start3A_271 = arith.constant 0 : i32
      %dma_start3A_272 = arith.constant 0 : i32
      %dma_start3A_273 = tpu.memref_slice %arg10[%run_scoped3A_209, %dma_start3A_271, %dma_start3A_272] : memref<2x128x128xf32, #tpu.memory_space<vmem>> -> memref<1x128x128xf32, #tpu.memory_space<vmem>>
      %dma_start3A_274 = tpu.memref_squeeze %dma_start3A_273 : memref<1x128x128xf32, #tpu.memory_space<vmem>> -> memref<128x128xf32, #tpu.memory_space<vmem>>
      tpu.enqueue_dma source(%dma_start3A_274 : memref<128x128xf32, #tpu.memory_space<vmem>>) target(%dma_start3A_270 : memref<128x128xf32, #tpu.memory_space<hbm>>) target_semaphore(%run_scoped3A_262 : memref<!tpu.dma_semaphore, #tpu.memory_space<semaphore_mem>>)
      %dma_wait3A_275 = arith.constant 0 : i32
      %dma_wait3A_276 = arith.constant 0 : i32
      %dma_wait3A_277 = tpu.memref_slice %arg10[%run_scoped3A_209, %dma_wait3A_275, %dma_wait3A_276] : memref<2x128x128xf32, #tpu.memory_space<vmem>> -> memref<1x128x128xf32, #tpu.memory_space<vmem>>
      %dma_wait3A_278 = tpu.memref_squeeze %dma_wait3A_277 : memref<1x128x128xf32, #tpu.memory_space<vmem>> -> memref<128x128xf32, #tpu.memory_space<vmem>>
      %dma_wait3A_279 = arith.constant 0 : i32
      %dma_wait3A_280 = tpu.memref_slice %arg6[%add3A_193, %dma_wait3A_279] : memref<16384x128xf32, #tpu.memory_space<hbm>> -> memref<128x128xf32, #tpu.memory_space<hbm>>
      %dma_wait3A_281 = arith.constant 0 : i32
      %dma_wait3A_282 = tpu.memref_slice %arg6[%add3A_193, %dma_wait3A_281] : memref<16384x128xf32, #tpu.memory_space<hbm>> -> memref<128x128xf32, #tpu.memory_space<hbm>>
      %dma_wait3A_283 = arith.constant 0 : i32
      %dma_wait3A_284 = arith.constant 0 : i32
      %dma_wait3A_285 = tpu.memref_slice %arg10[%run_scoped3A_209, %dma_wait3A_283, %dma_wait3A_284] : memref<2x128x128xf32, #tpu.memory_space<vmem>> -> memref<1x128x128xf32, #tpu.memory_space<vmem>>
      %dma_wait3A_286 = tpu.memref_squeeze %dma_wait3A_285 : memref<1x128x128xf32, #tpu.memory_space<vmem>> -> memref<128x128xf32, #tpu.memory_space<vmem>>
      tpu.wait_dma2 semaphore(%run_scoped3A_262 : memref<!tpu.dma_semaphore, #tpu.memory_space<semaphore_mem>>) src(%dma_wait3A_286 : memref<128x128xf32, #tpu.memory_space<vmem>>) dst(%dma_wait3A_282 : memref<128x128xf32, #tpu.memory_space<hbm>>)
      tpu.yield
    }) : () -> ()
    %dma_wait3A_210 = arith.constant 2 : i32
    %dma_wait3A_211 = arith.constant 0 : i32
    %dma_wait3A_212 = arith.constant 0 : i32
    %dma_wait3A_213 = arith.constant 0 : i32
    %dma_wait3A_214 = arith.constant 0 : i32
    %dma_wait3A_215 = tpu.memref_slice %arg11[%dma_wait3A_211, %dma_wait3A_213, %dma_wait3A_214] : memref<2x128x128xf32, #tpu.memory_space<vmem>> -> memref<1x128x128xf32, #tpu.memory_space<vmem>>
    %dma_wait3A_216 = tpu.memref_squeeze %dma_wait3A_215 : memref<1x128x128xf32, #tpu.memory_space<vmem>> -> memref<128x128xf32, #tpu.memory_space<vmem>>
    %dma_wait3A_217 = arith.constant 0 : i32
    %dma_wait3A_218 = tpu.memref_slice %arg9[%dma_wait3A_210, %dma_wait3A_217] : memref<4x128xi32, #tpu.memory_space<vmem>> -> memref<1x128xi32, #tpu.memory_space<vmem>>
    %dma_wait3A_219 = tpu.memref_squeeze %dma_wait3A_218 : memref<1x128xi32, #tpu.memory_space<vmem>> -> memref<128xi32, #tpu.memory_space<vmem>>
    %dma_wait3A_220 = arith.constant 0 : i32
    %dma_wait3A_221 = arith.constant 0 : i32
    %dma_wait3A_222 = tpu.memref_slice %arg3[%dma_wait3A_220, %dma_wait3A_221] : memref<10240x128xf32, #tpu.memory_space<hbm>> -> memref<10240x128xf32, #tpu.memory_space<hbm>>
    %dma_wait3A_223 = tpu.memref_slice %arg13[%dma_wait3A_212] : memref<2x!tpu.dma_semaphore, #tpu.memory_space<semaphore_mem>> -> memref<1x!tpu.dma_semaphore, #tpu.memory_space<semaphore_mem>>
    %dma_wait3A_224 = tpu.memref_squeeze %dma_wait3A_223 : memref<1x!tpu.dma_semaphore, #tpu.memory_space<semaphore_mem>> -> memref<!tpu.dma_semaphore, #tpu.memory_space<semaphore_mem>>
    tpu.wait_indirect_dma semaphore(%dma_wait3A_224 : memref<!tpu.dma_semaphore, #tpu.memory_space<semaphore_mem>>) src(%dma_wait3A_222 : memref<10240x128xf32, #tpu.memory_space<hbm>>) dst(%dma_wait3A_216 : memref<128x128xf32, #tpu.memory_space<vmem>>)
    %run_scoped3A_225 = arith.constant 0 : i32
    "tpu.region"() ({
      %run_scoped3A_262 = tpu.sem_alloc : memref<!tpu.dma_semaphore, #tpu.memory_space<semaphore_mem>>
      %dma_start3A_263 = arith.constant 0 : i32
      %dma_start3A_264 = arith.constant 0 : i32
      %dma_start3A_265 = tpu.memref_slice %arg11[%run_scoped3A_225, %dma_start3A_263, %dma_start3A_264] : memref<2x128x128xf32, #tpu.memory_space<vmem>> -> memref<1x128x128xf32, #tpu.memory_space<vmem>>
      %dma_start3A_266 = tpu.memref_squeeze %dma_start3A_265 : memref<1x128x128xf32, #tpu.memory_space<vmem>> -> memref<128x128xf32, #tpu.memory_space<vmem>>
      %dma_start3A_267 = arith.constant 0 : i32
      %dma_start3A_268 = tpu.memref_slice %arg7[%add3A_193, %dma_start3A_267] : memref<16384x128xf32, #tpu.memory_space<hbm>> -> memref<128x128xf32, #tpu.memory_space<hbm>>
      %dma_start3A_269 = arith.constant 0 : i32
      %dma_start3A_270 = tpu.memref_slice %arg7[%add3A_193, %dma_start3A_269] : memref<16384x128xf32, #tpu.memory_space<hbm>> -> memref<128x128xf32, #tpu.memory_space<hbm>>
      %dma_start3A_271 = arith.constant 0 : i32
      %dma_start3A_272 = arith.constant 0 : i32
      %dma_start3A_273 = tpu.memref_slice %arg11[%run_scoped3A_225, %dma_start3A_271, %dma_start3A_272] : memref<2x128x128xf32, #tpu.memory_space<vmem>> -> memref<1x128x128xf32, #tpu.memory_space<vmem>>
      %dma_start3A_274 = tpu.memref_squeeze %dma_start3A_273 : memref<1x128x128xf32, #tpu.memory_space<vmem>> -> memref<128x128xf32, #tpu.memory_space<vmem>>
      tpu.enqueue_dma source(%dma_start3A_274 : memref<128x128xf32, #tpu.memory_space<vmem>>) target(%dma_start3A_270 : memref<128x128xf32, #tpu.memory_space<hbm>>) target_semaphore(%run_scoped3A_262 : memref<!tpu.dma_semaphore, #tpu.memory_space<semaphore_mem>>)
      %dma_wait3A_275 = arith.constant 0 : i32
      %dma_wait3A_276 = arith.constant 0 : i32
      %dma_wait3A_277 = tpu.memref_slice %arg11[%run_scoped3A_225, %dma_wait3A_275, %dma_wait3A_276] : memref<2x128x128xf32, #tpu.memory_space<vmem>> -> memref<1x128x128xf32, #tpu.memory_space<vmem>>
      %dma_wait3A_278 = tpu.memref_squeeze %dma_wait3A_277 : memref<1x128x128xf32, #tpu.memory_space<vmem>> -> memref<128x128xf32, #tpu.memory_space<vmem>>
      %dma_wait3A_279 = arith.constant 0 : i32
      %dma_wait3A_280 = tpu.memref_slice %arg7[%add3A_193, %dma_wait3A_279] : memref<16384x128xf32, #tpu.memory_space<hbm>> -> memref<128x128xf32, #tpu.memory_space<hbm>>
      %dma_wait3A_281 = arith.constant 0 : i32
      %dma_wait3A_282 = tpu.memref_slice %arg7[%add3A_193, %dma_wait3A_281] : memref<16384x128xf32, #tpu.memory_space<hbm>> -> memref<128x128xf32, #tpu.memory_space<hbm>>
      %dma_wait3A_283 = arith.constant 0 : i32
      %dma_wait3A_284 = arith.constant 0 : i32
      %dma_wait3A_285 = tpu.memref_slice %arg11[%run_scoped3A_225, %dma_wait3A_283, %dma_wait3A_284] : memref<2x128x128xf32, #tpu.memory_space<vmem>> -> memref<1x128x128xf32, #tpu.memory_space<vmem>>
      %dma_wait3A_286 = tpu.memref_squeeze %dma_wait3A_285 : memref<1x128x128xf32, #tpu.memory_space<vmem>> -> memref<128x128xf32, #tpu.memory_space<vmem>>
      tpu.wait_dma2 semaphore(%run_scoped3A_262 : memref<!tpu.dma_semaphore, #tpu.memory_space<semaphore_mem>>) src(%dma_wait3A_286 : memref<128x128xf32, #tpu.memory_space<vmem>>) dst(%dma_wait3A_282 : memref<128x128xf32, #tpu.memory_space<hbm>>)
      tpu.yield
    }) : () -> ()
    %mul3A_226 = arith.constant 512 : i32
    %mul3A_227 = arith.muli %add3A, %mul3A_226 : i32
    %add3A_228 = arith.constant 384 : i32
    %add3A_229 = arith.addi %mul3A_227, %add3A_228 : i32
    %dma_wait3A_230 = arith.constant 3 : i32
    %dma_wait3A_231 = arith.constant 1 : i32
    %dma_wait3A_232 = arith.constant 1 : i32
    %dma_wait3A_233 = arith.constant 0 : i32
    %dma_wait3A_234 = arith.constant 0 : i32
    %dma_wait3A_235 = tpu.memref_slice %arg10[%dma_wait3A_231, %dma_wait3A_233, %dma_wait3A_234] : memref<2x128x128xf32, #tpu.memory_space<vmem>> -> memref<1x128x128xf32, #tpu.memory_space<vmem>>
    %dma_wait3A_236 = tpu.memref_squeeze %dma_wait3A_235 : memref<1x128x128xf32, #tpu.memory_space<vmem>> -> memref<128x128xf32, #tpu.memory_space<vmem>>
    %dma_wait3A_237 = arith.constant 0 : i32
    %dma_wait3A_238 = tpu.memref_slice %arg8[%dma_wait3A_230, %dma_wait3A_237] : memref<4x128xi32, #tpu.memory_space<vmem>> -> memref<1x128xi32, #tpu.memory_space<vmem>>
    %dma_wait3A_239 = tpu.memref_squeeze %dma_wait3A_238 : memref<1x128xi32, #tpu.memory_space<vmem>> -> memref<128xi32, #tpu.memory_space<vmem>>
    %dma_wait3A_240 = arith.constant 0 : i32
    %dma_wait3A_241 = arith.constant 0 : i32
    %dma_wait3A_242 = tpu.memref_slice %arg2[%dma_wait3A_240, %dma_wait3A_241] : memref<10240x128xf32, #tpu.memory_space<hbm>> -> memref<10240x128xf32, #tpu.memory_space<hbm>>
    %dma_wait3A_243 = tpu.memref_slice %arg12[%dma_wait3A_232] : memref<2x!tpu.dma_semaphore, #tpu.memory_space<semaphore_mem>> -> memref<1x!tpu.dma_semaphore, #tpu.memory_space<semaphore_mem>>
    %dma_wait3A_244 = tpu.memref_squeeze %dma_wait3A_243 : memref<1x!tpu.dma_semaphore, #tpu.memory_space<semaphore_mem>> -> memref<!tpu.dma_semaphore, #tpu.memory_space<semaphore_mem>>
    tpu.wait_indirect_dma semaphore(%dma_wait3A_244 : memref<!tpu.dma_semaphore, #tpu.memory_space<semaphore_mem>>) src(%dma_wait3A_242 : memref<10240x128xf32, #tpu.memory_space<hbm>>) dst(%dma_wait3A_236 : memref<128x128xf32, #tpu.memory_space<vmem>>)
    %run_scoped3A_245 = arith.constant 1 : i32
    "tpu.region"() ({
      %run_scoped3A_262 = tpu.sem_alloc : memref<!tpu.dma_semaphore, #tpu.memory_space<semaphore_mem>>
      %dma_start3A_263 = arith.constant 0 : i32
      %dma_start3A_264 = arith.constant 0 : i32
      %dma_start3A_265 = tpu.memref_slice %arg10[%run_scoped3A_245, %dma_start3A_263, %dma_start3A_264] : memref<2x128x128xf32, #tpu.memory_space<vmem>> -> memref<1x128x128xf32, #tpu.memory_space<vmem>>
      %dma_start3A_266 = tpu.memref_squeeze %dma_start3A_265 : memref<1x128x128xf32, #tpu.memory_space<vmem>> -> memref<128x128xf32, #tpu.memory_space<vmem>>
      %dma_start3A_267 = arith.constant 0 : i32
      %dma_start3A_268 = tpu.memref_slice %arg6[%add3A_229, %dma_start3A_267] : memref<16384x128xf32, #tpu.memory_space<hbm>> -> memref<128x128xf32, #tpu.memory_space<hbm>>
      %dma_start3A_269 = arith.constant 0 : i32
      %dma_start3A_270 = tpu.memref_slice %arg6[%add3A_229, %dma_start3A_269] : memref<16384x128xf32, #tpu.memory_space<hbm>> -> memref<128x128xf32, #tpu.memory_space<hbm>>
      %dma_start3A_271 = arith.constant 0 : i32
      %dma_start3A_272 = arith.constant 0 : i32
      %dma_start3A_273 = tpu.memref_slice %arg10[%run_scoped3A_245, %dma_start3A_271, %dma_start3A_272] : memref<2x128x128xf32, #tpu.memory_space<vmem>> -> memref<1x128x128xf32, #tpu.memory_space<vmem>>
      %dma_start3A_274 = tpu.memref_squeeze %dma_start3A_273 : memref<1x128x128xf32, #tpu.memory_space<vmem>> -> memref<128x128xf32, #tpu.memory_space<vmem>>
      tpu.enqueue_dma source(%dma_start3A_274 : memref<128x128xf32, #tpu.memory_space<vmem>>) target(%dma_start3A_270 : memref<128x128xf32, #tpu.memory_space<hbm>>) target_semaphore(%run_scoped3A_262 : memref<!tpu.dma_semaphore, #tpu.memory_space<semaphore_mem>>)
      %dma_wait3A_275 = arith.constant 0 : i32
      %dma_wait3A_276 = arith.constant 0 : i32
      %dma_wait3A_277 = tpu.memref_slice %arg10[%run_scoped3A_245, %dma_wait3A_275, %dma_wait3A_276] : memref<2x128x128xf32, #tpu.memory_space<vmem>> -> memref<1x128x128xf32, #tpu.memory_space<vmem>>
      %dma_wait3A_278 = tpu.memref_squeeze %dma_wait3A_277 : memref<1x128x128xf32, #tpu.memory_space<vmem>> -> memref<128x128xf32, #tpu.memory_space<vmem>>
      %dma_wait3A_279 = arith.constant 0 : i32
      %dma_wait3A_280 = tpu.memref_slice %arg6[%add3A_229, %dma_wait3A_279] : memref<16384x128xf32, #tpu.memory_space<hbm>> -> memref<128x128xf32, #tpu.memory_space<hbm>>
      %dma_wait3A_281 = arith.constant 0 : i32
      %dma_wait3A_282 = tpu.memref_slice %arg6[%add3A_229, %dma_wait3A_281] : memref<16384x128xf32, #tpu.memory_space<hbm>> -> memref<128x128xf32, #tpu.memory_space<hbm>>
      %dma_wait3A_283 = arith.constant 0 : i32
      %dma_wait3A_284 = arith.constant 0 : i32
      %dma_wait3A_285 = tpu.memref_slice %arg10[%run_scoped3A_245, %dma_wait3A_283, %dma_wait3A_284] : memref<2x128x128xf32, #tpu.memory_space<vmem>> -> memref<1x128x128xf32, #tpu.memory_space<vmem>>
      %dma_wait3A_286 = tpu.memref_squeeze %dma_wait3A_285 : memref<1x128x128xf32, #tpu.memory_space<vmem>> -> memref<128x128xf32, #tpu.memory_space<vmem>>
      tpu.wait_dma2 semaphore(%run_scoped3A_262 : memref<!tpu.dma_semaphore, #tpu.memory_space<semaphore_mem>>) src(%dma_wait3A_286 : memref<128x128xf32, #tpu.memory_space<vmem>>) dst(%dma_wait3A_282 : memref<128x128xf32, #tpu.memory_space<hbm>>)
      tpu.yield
    }) : () -> ()
    %dma_wait3A_246 = arith.constant 3 : i32
    %dma_wait3A_247 = arith.constant 1 : i32
    %dma_wait3A_248 = arith.constant 1 : i32
    %dma_wait3A_249 = arith.constant 0 : i32
    %dma_wait3A_250 = arith.constant 0 : i32
    %dma_wait3A_251 = tpu.memref_slice %arg11[%dma_wait3A_247, %dma_wait3A_249, %dma_wait3A_250] : memref<2x128x128xf32, #tpu.memory_space<vmem>> -> memref<1x128x128xf32, #tpu.memory_space<vmem>>
    %dma_wait3A_252 = tpu.memref_squeeze %dma_wait3A_251 : memref<1x128x128xf32, #tpu.memory_space<vmem>> -> memref<128x128xf32, #tpu.memory_space<vmem>>
    %dma_wait3A_253 = arith.constant 0 : i32
    %dma_wait3A_254 = tpu.memref_slice %arg9[%dma_wait3A_246, %dma_wait3A_253] : memref<4x128xi32, #tpu.memory_space<vmem>> -> memref<1x128xi32, #tpu.memory_space<vmem>>
    %dma_wait3A_255 = tpu.memref_squeeze %dma_wait3A_254 : memref<1x128xi32, #tpu.memory_space<vmem>> -> memref<128xi32, #tpu.memory_space<vmem>>
    %dma_wait3A_256 = arith.constant 0 : i32
    %dma_wait3A_257 = arith.constant 0 : i32
    %dma_wait3A_258 = tpu.memref_slice %arg3[%dma_wait3A_256, %dma_wait3A_257] : memref<10240x128xf32, #tpu.memory_space<hbm>> -> memref<10240x128xf32, #tpu.memory_space<hbm>>
    %dma_wait3A_259 = tpu.memref_slice %arg13[%dma_wait3A_248] : memref<2x!tpu.dma_semaphore, #tpu.memory_space<semaphore_mem>> -> memref<1x!tpu.dma_semaphore, #tpu.memory_space<semaphore_mem>>
    %dma_wait3A_260 = tpu.memref_squeeze %dma_wait3A_259 : memref<1x!tpu.dma_semaphore, #tpu.memory_space<semaphore_mem>> -> memref<!tpu.dma_semaphore, #tpu.memory_space<semaphore_mem>>
    tpu.wait_indirect_dma semaphore(%dma_wait3A_260 : memref<!tpu.dma_semaphore, #tpu.memory_space<semaphore_mem>>) src(%dma_wait3A_258 : memref<10240x128xf32, #tpu.memory_space<hbm>>) dst(%dma_wait3A_252 : memref<128x128xf32, #tpu.memory_space<vmem>>)
    %run_scoped3A_261 = arith.constant 1 : i32
    "tpu.region"() ({
      %run_scoped3A_262 = tpu.sem_alloc : memref<!tpu.dma_semaphore, #tpu.memory_space<semaphore_mem>>
      %dma_start3A_263 = arith.constant 0 : i32
      %dma_start3A_264 = arith.constant 0 : i32
      %dma_start3A_265 = tpu.memref_slice %arg11[%run_scoped3A_261, %dma_start3A_263, %dma_start3A_264] : memref<2x128x128xf32, #tpu.memory_space<vmem>> -> memref<1x128x128xf32, #tpu.memory_space<vmem>>
      %dma_start3A_266 = tpu.memref_squeeze %dma_start3A_265 : memref<1x128x128xf32, #tpu.memory_space<vmem>> -> memref<128x128xf32, #tpu.memory_space<vmem>>
      %dma_start3A_267 = arith.constant 0 : i32
      %dma_start3A_268 = tpu.memref_slice %arg7[%add3A_229, %dma_start3A_267] : memref<16384x128xf32, #tpu.memory_space<hbm>> -> memref<128x128xf32, #tpu.memory_space<hbm>>
      %dma_start3A_269 = arith.constant 0 : i32
      %dma_start3A_270 = tpu.memref_slice %arg7[%add3A_229, %dma_start3A_269] : memref<16384x128xf32, #tpu.memory_space<hbm>> -> memref<128x128xf32, #tpu.memory_space<hbm>>
      %dma_start3A_271 = arith.constant 0 : i32
      %dma_start3A_272 = arith.constant 0 : i32
      %dma_start3A_273 = tpu.memref_slice %arg11[%run_scoped3A_261, %dma_start3A_271, %dma_start3A_272] : memref<2x128x128xf32, #tpu.memory_space<vmem>> -> memref<1x128x128xf32, #tpu.memory_space<vmem>>
      %dma_start3A_274 = tpu.memref_squeeze %dma_start3A_273 : memref<1x128x128xf32, #tpu.memory_space<vmem>> -> memref<128x128xf32, #tpu.memory_space<vmem>>
      tpu.enqueue_dma source(%dma_start3A_274 : memref<128x128xf32, #tpu.memory_space<vmem>>) target(%dma_start3A_270 : memref<128x128xf32, #tpu.memory_space<hbm>>) target_semaphore(%run_scoped3A_262 : memref<!tpu.dma_semaphore, #tpu.memory_space<semaphore_mem>>)
      %dma_wait3A_275 = arith.constant 0 : i32
      %dma_wait3A_276 = arith.constant 0 : i32
      %dma_wait3A_277 = tpu.memref_slice %arg11[%run_scoped3A_261, %dma_wait3A_275, %dma_wait3A_276] : memref<2x128x128xf32, #tpu.memory_space<vmem>> -> memref<1x128x128xf32, #tpu.memory_space<vmem>>
      %dma_wait3A_278 = tpu.memref_squeeze %dma_wait3A_277 : memref<1x128x128xf32, #tpu.memory_space<vmem>> -> memref<128x128xf32, #tpu.memory_space<vmem>>
      %dma_wait3A_279 = arith.constant 0 : i32
      %dma_wait3A_280 = tpu.memref_slice %arg7[%add3A_229, %dma_wait3A_279] : memref<16384x128xf32, #tpu.memory_space<hbm>> -> memref<128x128xf32, #tpu.memory_space<hbm>>
      %dma_wait3A_281 = arith.constant 0 : i32
      %dma_wait3A_282 = tpu.memref_slice %arg7[%add3A_229, %dma_wait3A_281] : memref<16384x128xf32, #tpu.memory_space<hbm>> -> memref<128x128xf32, #tpu.memory_space<hbm>>
      %dma_wait3A_283 = arith.constant 0 : i32
      %dma_wait3A_284 = arith.constant 0 : i32
      %dma_wait3A_285 = tpu.memref_slice %arg11[%run_scoped3A_261, %dma_wait3A_283, %dma_wait3A_284] : memref<2x128x128xf32, #tpu.memory_space<vmem>> -> memref<1x128x128xf32, #tpu.memory_space<vmem>>
      %dma_wait3A_286 = tpu.memref_squeeze %dma_wait3A_285 : memref<1x128x128xf32, #tpu.memory_space<vmem>> -> memref<128x128xf32, #tpu.memory_space<vmem>>
      tpu.wait_dma2 semaphore(%run_scoped3A_262 : memref<!tpu.dma_semaphore, #tpu.memory_space<semaphore_mem>>) src(%dma_wait3A_286 : memref<128x128xf32, #tpu.memory_space<vmem>>) dst(%dma_wait3A_282 : memref<128x128xf32, #tpu.memory_space<hbm>>)
      tpu.yield
    }) : () -> ()
    return
  }
}

module attributes {stable_mosaic.version = 14 : i64} {
  func.func @_prep_body(%arg0: i32, %arg1: memref<2x512xf32, #tpu.memory_space<vmem>>, %arg2: memref<512x128xf32, #tpu.memory_space<vmem>>, %arg3: memref<128x64xf32, #tpu.memory_space<vmem>>, %arg4: memref<256x512xf32, #tpu.memory_space<vmem>>, %arg5: memref<256x512xf32, #tpu.memory_space<vmem>>, %arg6: memref<64x128xf32, #tpu.memory_space<vmem>>, %arg7: memref<64x128xf32, #tpu.memory_space<vmem>>, %arg8: memref<256x128xf32, #tpu.memory_space<vmem>>, %arg9: memref<256x128xf32, #tpu.memory_space<vmem>>) attributes {dimension_semantics = [#tpu.dimension_semantics<arbitrary>], iteration_bounds = array<i64: 20>, scalar_prefetch = 0 : i64, scratch_operands = 0 : i64, tpu.core_type = #tpu.core_type<tc>, window_params = [{transform_indices = @transform_0, window_bounds = array<i64: 2, 512>}, {transform_indices = @transform_1, window_bounds = array<i64: 512, 128>}, {pipeline_mode = #tpu.pipeline_mode<synchronous>, transform_indices = @transform_2, window_bounds = array<i64: 128, 64>}, {pipeline_mode = #tpu.pipeline_mode<synchronous>, transform_indices = @transform_3, window_bounds = array<i64: 256, 512>}, {pipeline_mode = #tpu.pipeline_mode<synchronous>, transform_indices = @transform_4, window_bounds = array<i64: 256, 512>}, {pipeline_mode = #tpu.pipeline_mode<synchronous>, transform_indices = @transform_5, window_bounds = array<i64: 64, 128>}, {pipeline_mode = #tpu.pipeline_mode<synchronous>, transform_indices = @transform_6, window_bounds = array<i64: 64, 128>}, {transform_indices = @transform_7, window_bounds = array<i64: 256, 128>}, {transform_indices = @transform_8, window_bounds = array<i64: 256, 128>}]} {
    %get3A = arith.constant 0 : index
    %get3A_0 = arith.constant 0 : index
    %get3A_1 = vector.load %arg1[%get3A, %get3A_0] : memref<2x512xf32, #tpu.memory_space<vmem>>, vector<1x512xf32>
    %get3A_2 = vector.shape_cast %get3A_1 : vector<1x512xf32> to vector<512xf32>
    %get3A_3 = arith.constant 1 : index
    %get3A_4 = arith.constant 0 : index
    %get3A_5 = vector.load %arg1[%get3A_3, %get3A_4] : memref<2x512xf32, #tpu.memory_space<vmem>>, vector<1x512xf32>
    %get3A_6 = vector.shape_cast %get3A_5 : vector<1x512xf32> to vector<512xf32>
    %add3A = arith.addf %get3A_2, %get3A_6 : vector<512xf32>
    %add3A_7 = arith.constant 1.000000e+00 : f32
    %add3A_8 = vector.broadcast %add3A_7 : f32 to vector<512xf32>
    %add3A_9 = arith.addf %add3A, %add3A_8 : vector<512xf32>
    %rsqrt3A = math.rsqrt %add3A_9 : vector<512xf32>
    %get3A_10 = arith.constant 0 : index
    %get3A_11 = arith.constant 0 : index
    %get3A_12 = vector.load %arg2[%get3A_10, %get3A_11] : memref<512x128xf32, #tpu.memory_space<vmem>>, vector<512x128xf32>
    %get3A_13 = arith.constant 0 : index
    %get3A_14 = arith.constant 0 : index
    %get3A_15 = vector.load %arg3[%get3A_13, %get3A_14] : memref<128x64xf32, #tpu.memory_space<vmem>>, vector<128x64xf32>
    %dot_general3A = arith.constant dense<0.000000e+00> : vector<512x64xf32>
    %dot_general3A_16 = tpu.matmul %get3A_12, %get3A_15, %dot_general3A {dimension_numbers = #tpu.dot_dimension_numbers<[1], [0], [0], [1], [0, 0, 1, 1], [], []>, transpose_lhs_hint = false} : vector<512x128xf32>, vector<128x64xf32>, vector<512x64xf32> -> vector<512x64xf32>
    %broadcast_in_dim3A = vector.shape_cast %rsqrt3A : vector<512xf32> to vector<512x1xf32>
    %mul3A = vector.broadcast %broadcast_in_dim3A : vector<512x1xf32> to vector<512x64xf32>
    %mul3A_17 = arith.mulf %dot_general3A_16, %mul3A : vector<512x64xf32>
    %get3A_18 = arith.constant 0 : index
    %get3A_19 = arith.constant 0 : index
    %get3A_20 = vector.load %arg4[%get3A_18, %get3A_19] : memref<256x512xf32, #tpu.memory_space<vmem>>, vector<256x512xf32>
    %dot_general3A_21 = arith.constant dense<0.000000e+00> : vector<256x64xf32>
    %dot_general3A_22 = tpu.matmul %get3A_20, %mul3A_17, %dot_general3A_21 {dimension_numbers = #tpu.dot_dimension_numbers<[1], [0], [0], [1], [0, 0, 1, 1], [], []>, transpose_lhs_hint = false} : vector<256x512xf32>, vector<512x64xf32>, vector<256x64xf32> -> vector<256x64xf32>
    %get3A_23 = arith.constant 0 : index
    %get3A_24 = arith.constant 0 : index
    %get3A_25 = vector.load %arg5[%get3A_23, %get3A_24] : memref<256x512xf32, #tpu.memory_space<vmem>>, vector<256x512xf32>
    %dot_general3A_26 = arith.constant dense<0.000000e+00> : vector<256x64xf32>
    %dot_general3A_27 = tpu.matmul %get3A_25, %mul3A_17, %dot_general3A_26 {dimension_numbers = #tpu.dot_dimension_numbers<[1], [0], [0], [1], [0, 0, 1, 1], [], []>, transpose_lhs_hint = false} : vector<256x512xf32>, vector<512x64xf32>, vector<256x64xf32> -> vector<256x64xf32>
    %get3A_28 = arith.constant 0 : index
    %get3A_29 = arith.constant 0 : index
    %get3A_30 = vector.load %arg6[%get3A_28, %get3A_29] : memref<64x128xf32, #tpu.memory_space<vmem>>, vector<64x128xf32>
    %dot_general3A_31 = arith.constant dense<0.000000e+00> : vector<256x128xf32>
    %dot_general3A_32 = tpu.matmul %dot_general3A_22, %get3A_30, %dot_general3A_31 {dimension_numbers = #tpu.dot_dimension_numbers<[1], [0], [0], [1], [0, 0, 1, 1], [], []>, transpose_lhs_hint = false} : vector<256x64xf32>, vector<64x128xf32>, vector<256x128xf32> -> vector<256x128xf32>
    %get3A_33 = arith.constant 0 : index
    %get3A_34 = arith.constant 0 : index
    %get3A_35 = vector.load %arg7[%get3A_33, %get3A_34] : memref<64x128xf32, #tpu.memory_space<vmem>>, vector<64x128xf32>
    %dot_general3A_36 = arith.constant dense<0.000000e+00> : vector<256x128xf32>
    %dot_general3A_37 = tpu.matmul %dot_general3A_27, %get3A_35, %dot_general3A_36 {dimension_numbers = #tpu.dot_dimension_numbers<[1], [0], [0], [1], [0, 0, 1, 1], [], []>, transpose_lhs_hint = false} : vector<256x64xf32>, vector<64x128xf32>, vector<256x128xf32> -> vector<256x128xf32>
    %add3A_38 = arith.addf %dot_general3A_32, %dot_general3A_37 : vector<256x128xf32>
    %swap3A = arith.constant 0 : index
    %swap3A_39 = arith.constant 0 : index
    %swap3A_40 = vector.load %arg8[%swap3A, %swap3A_39] : memref<256x128xf32, #tpu.memory_space<vmem>>, vector<256x128xf32>
    tpu.vector_store %arg8[%swap3A, %swap3A_39], %add3A_38 {strides = array<i32>} : memref<256x128xf32, #tpu.memory_space<vmem>>, vector<256x128xf32>,
    %broadcast_in_dim3A_41 = vector.shape_cast %rsqrt3A : vector<512xf32> to vector<512x1xf32>
    %broadcast_in_dim3A_42 = arith.constant 1.000000e+00 : f32
    %broadcast_in_dim3A_43 = vector.broadcast %broadcast_in_dim3A_42 : f32 to vector<1x64xf32>
    %mul3A_44 = vector.broadcast %broadcast_in_dim3A_41 : vector<512x1xf32> to vector<512x64xf32>
    %mul3A_45 = vector.broadcast %broadcast_in_dim3A_43 : vector<1x64xf32> to vector<512x64xf32>
    %mul3A_46 = arith.mulf %mul3A_44, %mul3A_45 : vector<512x64xf32>
    %get3A_47 = arith.constant 0 : index
    %get3A_48 = arith.constant 0 : index
    %get3A_49 = vector.load %arg4[%get3A_47, %get3A_48] : memref<256x512xf32, #tpu.memory_space<vmem>>, vector<256x512xf32>
    %dot_general3A_50 = arith.constant dense<0.000000e+00> : vector<256x64xf32>
    %dot_general3A_51 = tpu.matmul %get3A_49, %mul3A_46, %dot_general3A_50 {dimension_numbers = #tpu.dot_dimension_numbers<[1], [0], [0], [1], [0, 0, 1, 1], [], []>, transpose_lhs_hint = false} : vector<256x512xf32>, vector<512x64xf32>, vector<256x64xf32> -> vector<256x64xf32>
    %get3A_52 = arith.constant 0 : index
    %get3A_53 = arith.constant 0 : index
    %get3A_54 = vector.load %arg6[%get3A_52, %get3A_53] : memref<64x128xf32, #tpu.memory_space<vmem>>, vector<64x128xf32>
    %dot_general3A_55 = arith.constant dense<0.000000e+00> : vector<256x128xf32>
    %dot_general3A_56 = tpu.matmul %dot_general3A_51, %get3A_54, %dot_general3A_55 {dimension_numbers = #tpu.dot_dimension_numbers<[1], [0], [0], [1], [0, 0, 1, 1], [], []>, transpose_lhs_hint = false} : vector<256x64xf32>, vector<64x128xf32>, vector<256x128xf32> -> vector<256x128xf32>
    %get3A_57 = arith.constant 0 : index
    %get3A_58 = arith.constant 0 : index
    %get3A_59 = vector.load %arg5[%get3A_57, %get3A_58] : memref<256x512xf32, #tpu.memory_space<vmem>>, vector<256x512xf32>
    %dot_general3A_60 = arith.constant dense<0.000000e+00> : vector<256x64xf32>
    %dot_general3A_61 = tpu.matmul %get3A_59, %mul3A_46, %dot_general3A_60 {dimension_numbers = #tpu.dot_dimension_numbers<[1], [0], [0], [1], [0, 0, 1, 1], [], []>, transpose_lhs_hint = false} : vector<256x512xf32>, vector<512x64xf32>, vector<256x64xf32> -> vector<256x64xf32>
    %get3A_62 = arith.constant 0 : index
    %get3A_63 = arith.constant 0 : index
    %get3A_64 = vector.load %arg7[%get3A_62, %get3A_63] : memref<64x128xf32, #tpu.memory_space<vmem>>, vector<64x128xf32>
    %dot_general3A_65 = arith.constant dense<0.000000e+00> : vector<256x128xf32>
    %dot_general3A_66 = tpu.matmul %dot_general3A_61, %get3A_64, %dot_general3A_65 {dimension_numbers = #tpu.dot_dimension_numbers<[1], [0], [0], [1], [0, 0, 1, 1], [], []>, transpose_lhs_hint = false} : vector<256x64xf32>, vector<64x128xf32>, vector<256x128xf32> -> vector<256x128xf32>
    %add3A_67 = arith.addf %dot_general3A_56, %dot_general3A_66 : vector<256x128xf32>
    %swap3A_68 = arith.constant 0 : index
    %swap3A_69 = arith.constant 0 : index
    %swap3A_70 = vector.load %arg9[%swap3A_68, %swap3A_69] : memref<256x128xf32, #tpu.memory_space<vmem>>, vector<256x128xf32>
    tpu.vector_store %arg9[%swap3A_68, %swap3A_69], %add3A_67 {strides = array<i32>} : memref<256x128xf32, #tpu.memory_space<vmem>>, vector<256x128xf32>,
    return
  }
  func.func @transform_0(%arg0: i32) -> (i32, i32) {
    %c0_i32 = arith.constant 0 : i32
    %c0_i32_0 = arith.constant 0 : i32
    return %c0_i32, %arg0 : i32, i32
  }
  func.func @transform_1(%arg0: i32) -> (i32, i32) {
    %c0_i32 = arith.constant 0 : i32
    %c0_i32_0 = arith.constant 0 : i32
    return %arg0, %c0_i32 : i32, i32
  }
  func.func @transform_2(%arg0: i32) -> (i32, i32) {
    %c0_i32 = arith.constant 0 : i32
    %c0_i32_0 = arith.constant 0 : i32
    %c0_i32_1 = arith.constant 0 : i32
    return %c0_i32, %c0_i32_0 : i32, i32
  }
  func.func @transform_3(%arg0: i32) -> (i32, i32) {
    %c0_i32 = arith.constant 0 : i32
    %c0_i32_0 = arith.constant 0 : i32
    %c0_i32_1 = arith.constant 0 : i32
    return %c0_i32, %c0_i32_0 : i32, i32
  }
  func.func @transform_4(%arg0: i32) -> (i32, i32) {
    %c0_i32 = arith.constant 0 : i32
    %c0_i32_0 = arith.constant 0 : i32
    %c0_i32_1 = arith.constant 0 : i32
    return %c0_i32, %c0_i32_0 : i32, i32
  }
  func.func @transform_5(%arg0: i32) -> (i32, i32) {
    %c0_i32 = arith.constant 0 : i32
    %c0_i32_0 = arith.constant 0 : i32
    %c0_i32_1 = arith.constant 0 : i32
    return %c0_i32, %c0_i32_0 : i32, i32
  }
  func.func @transform_6(%arg0: i32) -> (i32, i32) {
    %c0_i32 = arith.constant 0 : i32
    %c0_i32_0 = arith.constant 0 : i32
    %c0_i32_1 = arith.constant 0 : i32
    return %c0_i32, %c0_i32_0 : i32, i32
  }
  func.func @transform_7(%arg0: i32) -> (i32, i32) {
    %c0_i32 = arith.constant 0 : i32
    %c0_i32_0 = arith.constant 0 : i32
    return %arg0, %c0_i32 : i32, i32
  }
  func.func @transform_8(%arg0: i32) -> (i32, i32) {
    %c0_i32 = arith.constant 0 : i32
    %c0_i32_0 = arith.constant 0 : i32
    return %arg0, %c0_i32 : i32, i32
  }
}

module attributes {stable_mosaic.version = 14 : i64} {
  func.func @_mid_body(%arg0: i32, %arg1: memref<2x256x128xf32, #tpu.memory_space<vmem>>, %arg2: memref<256x128xf32, #tpu.memory_space<vmem>>, %arg3: memref<256x128xf32, #tpu.memory_space<vmem>>, %arg4: memref<1x128xf32, #tpu.memory_space<vmem>>, %arg5: memref<128x128xf32, #tpu.memory_space<vmem>>, %arg6: memref<256x128xf32, #tpu.memory_space<vmem>>) attributes {dimension_semantics = [#tpu.dimension_semantics<arbitrary>], iteration_bounds = array<i64: 20>, scalar_prefetch = 0 : i64, scratch_operands = 0 : i64, tpu.core_type = #tpu.core_type<tc>, window_params = [{transform_indices = @transform_0, window_bounds = array<i64: 2, 256, 128>}, {transform_indices = @transform_1, window_bounds = array<i64: 256, 128>}, {transform_indices = @transform_2, window_bounds = array<i64: 256, 128>}, {pipeline_mode = #tpu.pipeline_mode<synchronous>, transform_indices = @transform_3, window_bounds = array<i64: 1, 128>}, {pipeline_mode = #tpu.pipeline_mode<synchronous>, transform_indices = @transform_4, window_bounds = array<i64: 128, 128>}, {transform_indices = @transform_5, window_bounds = array<i64: 256, 128>}]} {
    %get3A = arith.constant 0 : index
    %get3A_0 = arith.constant 0 : index
    %get3A_1 = arith.constant 0 : index
    %get3A_2 = vector.load %arg1[%get3A, %get3A_0, %get3A_1] : memref<2x256x128xf32, #tpu.memory_space<vmem>>, vector<1x256x128xf32>
    %get3A_3 = vector.shape_cast %get3A_2 : vector<1x256x128xf32> to vector<256x128xf32>
    %get3A_4 = arith.constant 1 : index
    %get3A_5 = arith.constant 0 : index
    %get3A_6 = arith.constant 0 : index
    %get3A_7 = vector.load %arg1[%get3A_4, %get3A_5, %get3A_6] : memref<2x256x128xf32, #tpu.memory_space<vmem>>, vector<1x256x128xf32>
    %get3A_8 = vector.shape_cast %get3A_7 : vector<1x256x128xf32> to vector<256x128xf32>
    %add3A = arith.addf %get3A_3, %get3A_8 : vector<256x128xf32>
    %get3A_9 = arith.constant 0 : index
    %get3A_10 = arith.constant 0 : index
    %get3A_11 = vector.load %arg2[%get3A_9, %get3A_10] : memref<256x128xf32, #tpu.memory_space<vmem>>, vector<256x128xf32>
    %add3A_12 = arith.addf %add3A, %get3A_11 : vector<256x128xf32>
    %get3A_13 = arith.constant 0 : index
    %get3A_14 = arith.constant 0 : index
    %get3A_15 = vector.load %arg3[%get3A_13, %get3A_14] : memref<256x128xf32, #tpu.memory_space<vmem>>, vector<256x128xf32>
    %mul3A = arith.mulf %add3A_12, %get3A_15 : vector<256x128xf32>
    %get3A_16 = arith.constant 0 : index
    %get3A_17 = arith.constant 0 : index
    %get3A_18 = vector.load %arg4[%get3A_16, %get3A_17] : memref<1x128xf32, #tpu.memory_space<vmem>>, vector<1x128xf32>
    %add3A_19 = vector.broadcast %get3A_18 : vector<1x128xf32> to vector<256x128xf32>
    %add3A_20 = arith.addf %mul3A, %add3A_19 : vector<256x128xf32>
    %max3A = arith.constant 0.000000e+00 : f32
    %max3A_21 = vector.broadcast %max3A : f32 to vector<256x128xf32>
    %max3A_22 = arith.maximumf %add3A_20, %max3A_21 : vector<256x128xf32>
    %get3A_23 = arith.constant 0 : index
    %get3A_24 = arith.constant 0 : index
    %get3A_25 = vector.load %arg5[%get3A_23, %get3A_24] : memref<128x128xf32, #tpu.memory_space<vmem>>, vector<128x128xf32>
    %dot_general3A = arith.constant dense<0.000000e+00> : vector<256x128xf32>
    %dot_general3A_26 = tpu.matmul %max3A_22, %get3A_25, %dot_general3A {dimension_numbers = #tpu.dot_dimension_numbers<[1], [0], [0], [1], [0, 0, 1, 1], [], []>, transpose_lhs_hint = false} : vector<256x128xf32>, vector<128x128xf32>, vector<256x128xf32> -> vector<256x128xf32>
    %get3A_27 = arith.constant 0 : index
    %get3A_28 = arith.constant 0 : index
    %get3A_29 = vector.load %arg3[%get3A_27, %get3A_28] : memref<256x128xf32, #tpu.memory_space<vmem>>, vector<256x128xf32>
    %mul3A_30 = arith.mulf %dot_general3A_26, %get3A_29 : vector<256x128xf32>
    %swap3A = arith.constant 0 : index
    %swap3A_31 = arith.constant 0 : index
    %swap3A_32 = vector.load %arg6[%swap3A, %swap3A_31] : memref<256x128xf32, #tpu.memory_space<vmem>>, vector<256x128xf32>
    tpu.vector_store %arg6[%swap3A, %swap3A_31], %mul3A_30 {strides = array<i32>} : memref<256x128xf32, #tpu.memory_space<vmem>>, vector<256x128xf32>,
    return
  }
  func.func @transform_0(%arg0: i32) -> (i32, i32, i32) {
    %c0_i32 = arith.constant 0 : i32
    %c0_i32_0 = arith.constant 0 : i32
    %c0_i32_1 = arith.constant 0 : i32
    return %c0_i32, %arg0, %c0_i32_0 : i32, i32, i32
  }
  func.func @transform_1(%arg0: i32) -> (i32, i32) {
    %c0_i32 = arith.constant 0 : i32
    %c0_i32_0 = arith.constant 0 : i32
    return %arg0, %c0_i32 : i32, i32
  }
  func.func @transform_2(%arg0: i32) -> (i32, i32) {
    %c0_i32 = arith.constant 0 : i32
    %c0_i32_0 = arith.constant 0 : i32
    return %arg0, %c0_i32 : i32, i32
  }
  func.func @transform_3(%arg0: i32) -> (i32, i32) {
    %c0_i32 = arith.constant 0 : i32
    %c0_i32_0 = arith.constant 0 : i32
    %c0_i32_1 = arith.constant 0 : i32
    return %c0_i32, %c0_i32_0 : i32, i32
  }
  func.func @transform_4(%arg0: i32) -> (i32, i32) {
    %c0_i32 = arith.constant 0 : i32
    %c0_i32_0 = arith.constant 0 : i32
    %c0_i32_1 = arith.constant 0 : i32
    return %c0_i32, %c0_i32_0 : i32, i32
  }
  func.func @transform_5(%arg0: i32) -> (i32, i32) {
    %c0_i32 = arith.constant 0 : i32
    %c0_i32_0 = arith.constant 0 : i32
    return %arg0, %c0_i32 : i32, i32
  }
}

module attributes {stable_mosaic.version = 14 : i64} {
  func.func @_final_body(%arg0: i32, %arg1: memref<2x256x128xf32, #tpu.memory_space<vmem>>, %arg2: memref<256x128xf32, #tpu.memory_space<vmem>>, %arg3: memref<256x128xf32, #tpu.memory_space<vmem>>, %arg4: memref<1x128xf32, #tpu.memory_space<vmem>>, %arg5: memref<512x256xf32, #tpu.memory_space<vmem>>, %arg6: memref<512x256xf32, #tpu.memory_space<vmem>>, %arg7: memref<128x128xf32, #tpu.memory_space<vmem>>, %arg8: memref<128x128xf32, #tpu.memory_space<vmem>>, %arg9: memref<128x128xf32, #tpu.memory_space<vmem>>, %arg10: memref<128x128xf32, #tpu.memory_space<vmem>>, %arg11: memref<64x8x128xf32, #tpu.memory_space<vmem>>, %arg12: memref<64x8x128xf32, #tpu.memory_space<vmem>>) attributes {dimension_semantics = [#tpu.dimension_semantics<arbitrary>], iteration_bounds = array<i64: 20>, scalar_prefetch = 0 : i64, scratch_operands = 0 : i64, tpu.core_type = #tpu.core_type<tc>, window_params = [{transform_indices = @transform_0, window_bounds = array<i64: 2, 256, 128>}, {transform_indices = @transform_1, window_bounds = array<i64: 256, 128>}, {transform_indices = @transform_2, window_bounds = array<i64: 256, 128>}, {pipeline_mode = #tpu.pipeline_mode<synchronous>, transform_indices = @transform_3, window_bounds = array<i64: 1, 128>}, {pipeline_mode = #tpu.pipeline_mode<synchronous>, transform_indices = @transform_4, window_bounds = array<i64: 512, 256>}, {pipeline_mode = #tpu.pipeline_mode<synchronous>, transform_indices = @transform_5, window_bounds = array<i64: 512, 256>}, {pipeline_mode = #tpu.pipeline_mode<synchronous>, transform_indices = @transform_6, window_bounds = array<i64: 128, 128>}, {pipeline_mode = #tpu.pipeline_mode<synchronous>, transform_indices = @transform_7, window_bounds = array<i64: 128, 128>}, {pipeline_mode = #tpu.pipeline_mode<synchronous>, transform_indices = @transform_8, window_bounds = array<i64: 128, 128>}, {pipeline_mode = #tpu.pipeline_mode<synchronous>, transform_indices = @transform_9, window_bounds = array<i64: 128, 128>}, {transform_indices = @transform_10, window_bounds = array<i64: 64, 8, 128>}, {transform_indices = @transform_11, window_bounds = array<i64: 64, 8, 128>}]} {
    %get3A = arith.constant 0 : index
    %get3A_0 = arith.constant 0 : index
    %get3A_1 = arith.constant 0 : index
    %get3A_2 = vector.load %arg1[%get3A, %get3A_0, %get3A_1] : memref<2x256x128xf32, #tpu.memory_space<vmem>>, vector<1x256x128xf32>
    %get3A_3 = vector.shape_cast %get3A_2 : vector<1x256x128xf32> to vector<256x128xf32>
    %get3A_4 = arith.constant 1 : index
    %get3A_5 = arith.constant 0 : index
    %get3A_6 = arith.constant 0 : index
    %get3A_7 = vector.load %arg1[%get3A_4, %get3A_5, %get3A_6] : memref<2x256x128xf32, #tpu.memory_space<vmem>>, vector<1x256x128xf32>
    %get3A_8 = vector.shape_cast %get3A_7 : vector<1x256x128xf32> to vector<256x128xf32>
    %add3A = arith.addf %get3A_3, %get3A_8 : vector<256x128xf32>
    %get3A_9 = arith.constant 0 : index
    %get3A_10 = arith.constant 0 : index
    %get3A_11 = vector.load %arg2[%get3A_9, %get3A_10] : memref<256x128xf32, #tpu.memory_space<vmem>>, vector<256x128xf32>
    %add3A_12 = arith.addf %add3A, %get3A_11 : vector<256x128xf32>
    %get3A_13 = arith.constant 0 : index
    %get3A_14 = arith.constant 0 : index
    %get3A_15 = vector.load %arg3[%get3A_13, %get3A_14] : memref<256x128xf32, #tpu.memory_space<vmem>>, vector<256x128xf32>
    %mul3A = arith.mulf %add3A_12, %get3A_15 : vector<256x128xf32>
    %get3A_16 = arith.constant 0 : index
    %get3A_17 = arith.constant 0 : index
    %get3A_18 = vector.load %arg4[%get3A_16, %get3A_17] : memref<1x128xf32, #tpu.memory_space<vmem>>, vector<1x128xf32>
    %add3A_19 = vector.broadcast %get3A_18 : vector<1x128xf32> to vector<256x128xf32>
    %add3A_20 = arith.addf %mul3A, %add3A_19 : vector<256x128xf32>
    %max3A = arith.constant 0.000000e+00 : f32
    %max3A_21 = vector.broadcast %max3A : f32 to vector<256x128xf32>
    %max3A_22 = arith.maximumf %add3A_20, %max3A_21 : vector<256x128xf32>
    %get3A_23 = arith.constant 0 : index
    %get3A_24 = arith.constant 0 : index
    %get3A_25 = vector.load %arg5[%get3A_23, %get3A_24] : memref<512x256xf32, #tpu.memory_space<vmem>>, vector<512x256xf32>
    %get3A_26 = arith.constant 0 : index
    %get3A_27 = arith.constant 0 : index
    %get3A_28 = vector.load %arg7[%get3A_26, %get3A_27] : memref<128x128xf32, #tpu.memory_space<vmem>>, vector<128x128xf32>
    %dot_general3A = arith.constant dense<0.000000e+00> : vector<256x128xf32>
    %dot_general3A_29 = tpu.matmul %max3A_22, %get3A_28, %dot_general3A {dimension_numbers = #tpu.dot_dimension_numbers<[1], [0], [0], [1], [0, 0, 1, 1], [], []>, transpose_lhs_hint = false} : vector<256x128xf32>, vector<128x128xf32>, vector<256x128xf32> -> vector<256x128xf32>
    %dot_general3A_30 = arith.constant dense<0.000000e+00> : vector<512x128xf32>
    %dot_general3A_31 = tpu.matmul %get3A_25, %dot_general3A_29, %dot_general3A_30 {dimension_numbers = #tpu.dot_dimension_numbers<[1], [0], [0], [1], [0, 0, 1, 1], [], []>, transpose_lhs_hint = false} : vector<512x256xf32>, vector<256x128xf32>, vector<512x128xf32> -> vector<512x128xf32>
    %get3A_32 = arith.constant 0 : index
    %get3A_33 = arith.constant 0 : index
    %get3A_34 = vector.load %arg6[%get3A_32, %get3A_33] : memref<512x256xf32, #tpu.memory_space<vmem>>, vector<512x256xf32>
    %get3A_35 = arith.constant 0 : index
    %get3A_36 = arith.constant 0 : index
    %get3A_37 = vector.load %arg8[%get3A_35, %get3A_36] : memref<128x128xf32, #tpu.memory_space<vmem>>, vector<128x128xf32>
    %dot_general3A_38 = arith.constant dense<0.000000e+00> : vector<256x128xf32>
    %dot_general3A_39 = tpu.matmul %max3A_22, %get3A_37, %dot_general3A_38 {dimension_numbers = #tpu.dot_dimension_numbers<[1], [0], [0], [1], [0, 0, 1, 1], [], []>, transpose_lhs_hint = false} : vector<256x128xf32>, vector<128x128xf32>, vector<256x128xf32> -> vector<256x128xf32>
    %dot_general3A_40 = arith.constant dense<0.000000e+00> : vector<512x128xf32>
    %dot_general3A_41 = tpu.matmul %get3A_34, %dot_general3A_39, %dot_general3A_40 {dimension_numbers = #tpu.dot_dimension_numbers<[1], [0], [0], [1], [0, 0, 1, 1], [], []>, transpose_lhs_hint = false} : vector<512x256xf32>, vector<256x128xf32>, vector<512x128xf32> -> vector<512x128xf32>
    %add3A_42 = arith.addf %dot_general3A_31, %dot_general3A_41 : vector<512x128xf32>
    %get3A_43 = arith.constant 0 : index
    %get3A_44 = arith.constant 0 : index
    %get3A_45 = vector.load %arg5[%get3A_43, %get3A_44] : memref<512x256xf32, #tpu.memory_space<vmem>>, vector<512x256xf32>
    %get3A_46 = arith.constant 0 : index
    %get3A_47 = arith.constant 0 : index
    %get3A_48 = vector.load %arg9[%get3A_46, %get3A_47] : memref<128x128xf32, #tpu.memory_space<vmem>>, vector<128x128xf32>
    %dot_general3A_49 = arith.constant dense<0.000000e+00> : vector<256x128xf32>
    %dot_general3A_50 = tpu.matmul %max3A_22, %get3A_48, %dot_general3A_49 {dimension_numbers = #tpu.dot_dimension_numbers<[1], [0], [0], [1], [0, 0, 1, 1], [], []>, transpose_lhs_hint = false} : vector<256x128xf32>, vector<128x128xf32>, vector<256x128xf32> -> vector<256x128xf32>
    %dot_general3A_51 = arith.constant dense<0.000000e+00> : vector<512x128xf32>
    %dot_general3A_52 = tpu.matmul %get3A_45, %dot_general3A_50, %dot_general3A_51 {dimension_numbers = #tpu.dot_dimension_numbers<[1], [0], [0], [1], [0, 0, 1, 1], [], []>, transpose_lhs_hint = false} : vector<512x256xf32>, vector<256x128xf32>, vector<512x128xf32> -> vector<512x128xf32>
    %get3A_53 = arith.constant 0 : index
    %get3A_54 = arith.constant 0 : index
    %get3A_55 = vector.load %arg6[%get3A_53, %get3A_54] : memref<512x256xf32, #tpu.memory_space<vmem>>, vector<512x256xf32>
    %get3A_56 = arith.constant 0 : index
    %get3A_57 = arith.constant 0 : index
    %get3A_58 = vector.load %arg10[%get3A_56, %get3A_57] : memref<128x128xf32, #tpu.memory_space<vmem>>, vector<128x128xf32>
    %dot_general3A_59 = arith.constant dense<0.000000e+00> : vector<256x128xf32>
    %dot_general3A_60 = tpu.matmul %max3A_22, %get3A_58, %dot_general3A_59 {dimension_numbers = #tpu.dot_dimension_numbers<[1], [0], [0], [1], [0, 0, 1, 1], [], []>, transpose_lhs_hint = false} : vector<256x128xf32>, vector<128x128xf32>, vector<256x128xf32> -> vector<256x128xf32>
    %dot_general3A_61 = arith.constant dense<0.000000e+00> : vector<512x128xf32>
    %dot_general3A_62 = tpu.matmul %get3A_55, %dot_general3A_60, %dot_general3A_61 {dimension_numbers = #tpu.dot_dimension_numbers<[1], [0], [0], [1], [0, 0, 1, 1], [], []>, transpose_lhs_hint = false} : vector<512x256xf32>, vector<256x128xf32>, vector<512x128xf32> -> vector<512x128xf32>
    %add3A_63 = arith.addf %dot_general3A_52, %dot_general3A_62 : vector<512x128xf32>
    %reshape3A = vector.shape_cast %add3A_42 : vector<512x128xf32> to vector<64x8x128xf32>
    %swap3A = arith.constant 0 : index
    %swap3A_64 = arith.constant 0 : index
    %swap3A_65 = arith.constant 0 : index
    %swap3A_66 = vector.load %arg11[%swap3A, %swap3A_64, %swap3A_65] : memref<64x8x128xf32, #tpu.memory_space<vmem>>, vector<64x8x128xf32>
    tpu.vector_store %arg11[%swap3A, %swap3A_64, %swap3A_65], %reshape3A {strides = array<i32>} : memref<64x8x128xf32, #tpu.memory_space<vmem>>, vector<64x8x128xf32>,
    %reshape3A_67 = vector.shape_cast %add3A_63 : vector<512x128xf32> to vector<64x8x128xf32>
    %swap3A_68 = arith.constant 0 : index
    %swap3A_69 = arith.constant 0 : index
    %swap3A_70 = arith.constant 0 : index
    %swap3A_71 = vector.load %arg12[%swap3A_68, %swap3A_69, %swap3A_70] : memref<64x8x128xf32, #tpu.memory_space<vmem>>, vector<64x8x128xf32>
    tpu.vector_store %arg12[%swap3A_68, %swap3A_69, %swap3A_70], %reshape3A_67 {strides = array<i32>} : memref<64x8x128xf32, #tpu.memory_space<vmem>>, vector<64x8x128xf32>,
    return
  }
  func.func @transform_0(%arg0: i32) -> (i32, i32, i32) {
    %c0_i32 = arith.constant 0 : i32
    %c0_i32_0 = arith.constant 0 : i32
    %c0_i32_1 = arith.constant 0 : i32
    return %c0_i32, %arg0, %c0_i32_0 : i32, i32, i32
  }
  func.func @transform_1(%arg0: i32) -> (i32, i32) {
    %c0_i32 = arith.constant 0 : i32
    %c0_i32_0 = arith.constant 0 : i32
    return %arg0, %c0_i32 : i32, i32
  }
  func.func @transform_2(%arg0: i32) -> (i32, i32) {
    %c0_i32 = arith.constant 0 : i32
    %c0_i32_0 = arith.constant 0 : i32
    return %arg0, %c0_i32 : i32, i32
  }
  func.func @transform_3(%arg0: i32) -> (i32, i32) {
    %c0_i32 = arith.constant 0 : i32
    %c0_i32_0 = arith.constant 0 : i32
    %c0_i32_1 = arith.constant 0 : i32
    return %c0_i32, %c0_i32_0 : i32, i32
  }
  func.func @transform_4(%arg0: i32) -> (i32, i32) {
    %c0_i32 = arith.constant 0 : i32
    %c0_i32_0 = arith.constant 0 : i32
    %c0_i32_1 = arith.constant 0 : i32
    return %c0_i32, %c0_i32_0 : i32, i32
  }
  func.func @transform_5(%arg0: i32) -> (i32, i32) {
    %c0_i32 = arith.constant 0 : i32
    %c0_i32_0 = arith.constant 0 : i32
    %c0_i32_1 = arith.constant 0 : i32
    return %c0_i32, %c0_i32_0 : i32, i32
  }
  func.func @transform_6(%arg0: i32) -> (i32, i32) {
    %c0_i32 = arith.constant 0 : i32
    %c0_i32_0 = arith.constant 0 : i32
    %c0_i32_1 = arith.constant 0 : i32
    return %c0_i32, %c0_i32_0 : i32, i32
  }
  func.func @transform_7(%arg0: i32) -> (i32, i32) {
    %c0_i32 = arith.constant 0 : i32
    %c0_i32_0 = arith.constant 0 : i32
    %c0_i32_1 = arith.constant 0 : i32
    return %c0_i32, %c0_i32_0 : i32, i32
  }
  func.func @transform_8(%arg0: i32) -> (i32, i32) {
    %c0_i32 = arith.constant 0 : i32
    %c0_i32_0 = arith.constant 0 : i32
    %c0_i32_1 = arith.constant 0 : i32
    return %c0_i32, %c0_i32_0 : i32, i32
  }
  func.func @transform_9(%arg0: i32) -> (i32, i32) {
    %c0_i32 = arith.constant 0 : i32
    %c0_i32_0 = arith.constant 0 : i32
    %c0_i32_1 = arith.constant 0 : i32
    return %c0_i32, %c0_i32_0 : i32, i32
  }
  func.func @transform_10(%arg0: i32) -> (i32, i32, i32) {
    %c0_i32 = arith.constant 0 : i32
    %c0_i32_0 = arith.constant 0 : i32
    %c0_i32_1 = arith.constant 0 : i32
    return %arg0, %c0_i32, %c0_i32_0 : i32, i32, i32
  }
  func.func @transform_11(%arg0: i32) -> (i32, i32, i32) {
    %c0_i32 = arith.constant 0 : i32
    %c0_i32_0 = arith.constant 0 : i32
    %c0_i32_1 = arith.constant 0 : i32
    return %arg0, %c0_i32, %c0_i32_0 : i32, i32, i32
  }
}

module attributes {stable_mosaic.version = 14 : i64} {
  func.func @_tables_body(%arg0: memref<4x21xf32, #tpu.memory_space<vmem>>, %arg1: memref<8x21xf32, #tpu.memory_space<vmem>>, %arg2: memref<7x21xf32, #tpu.memory_space<vmem>>, %arg3: memref<224x4xf32, #tpu.memory_space<vmem>>, %arg4: memref<224x8xf32, #tpu.memory_space<vmem>>, %arg5: memref<224x7xf32, #tpu.memory_space<vmem>>, %arg6: memref<21x64xf32, #tpu.memory_space<vmem>>, %arg7: memref<21x64xf32, #tpu.memory_space<vmem>>, %arg8: memref<21x64xf32, #tpu.memory_space<vmem>>, %arg9: memref<1x64xf32, #tpu.memory_space<vmem>>, %arg10: memref<64x128xf32, #tpu.memory_space<vmem>>, %arg11: memref<8x32xf32, #tpu.memory_space<vmem>>, %arg12: memref<32x128xf32, #tpu.memory_space<vmem>>, %arg13: memref<224x128xf32, #tpu.memory_space<vmem>>, %arg14: memref<8x128xf32, #tpu.memory_space<vmem>>) attributes {dimension_semantics = [], scalar_prefetch = 0 : i64, scratch_operands = 0 : i64, tpu.core_type = #tpu.core_type<tc>} {
    %get3A = arith.constant 0 : index
    %get3A_0 = arith.constant 0 : index
    %get3A_1 = vector.load %arg0[%get3A, %get3A_0] : memref<4x21xf32, #tpu.memory_space<vmem>>, vector<4x21xf32>
    %get3A_2 = arith.constant 0 : index
    %get3A_3 = arith.constant 0 : index
    %get3A_4 = vector.load %arg6[%get3A_2, %get3A_3] : memref<21x64xf32, #tpu.memory_space<vmem>>, vector<21x64xf32>
    %dot_general3A = arith.constant dense<0.000000e+00> : vector<4x64xf32>
    %dot_general3A_5 = tpu.matmul %get3A_1, %get3A_4, %dot_general3A {dimension_numbers = #tpu.dot_dimension_numbers<[1], [0], [0], [1], [0, 0, 1, 1], [], []>, transpose_lhs_hint = false} : vector<4x21xf32>, vector<21x64xf32>, vector<4x64xf32> -> vector<4x64xf32>
    %get3A_6 = arith.constant 0 : index
    %get3A_7 = arith.constant 0 : index
    %get3A_8 = vector.load %arg1[%get3A_6, %get3A_7] : memref<8x21xf32, #tpu.memory_space<vmem>>, vector<8x21xf32>
    %get3A_9 = arith.constant 0 : index
    %get3A_10 = arith.constant 0 : index
    %get3A_11 = vector.load %arg7[%get3A_9, %get3A_10] : memref<21x64xf32, #tpu.memory_space<vmem>>, vector<21x64xf32>
    %dot_general3A_12 = arith.constant dense<0.000000e+00> : vector<8x64xf32>
    %dot_general3A_13 = tpu.matmul %get3A_8, %get3A_11, %dot_general3A_12 {dimension_numbers = #tpu.dot_dimension_numbers<[1], [0], [0], [1], [0, 0, 1, 1], [], []>, transpose_lhs_hint = false} : vector<8x21xf32>, vector<21x64xf32>, vector<8x64xf32> -> vector<8x64xf32>
    %get3A_14 = arith.constant 0 : index
    %get3A_15 = arith.constant 0 : index
    %get3A_16 = vector.load %arg2[%get3A_14, %get3A_15] : memref<7x21xf32, #tpu.memory_space<vmem>>, vector<7x21xf32>
    %get3A_17 = arith.constant 0 : index
    %get3A_18 = arith.constant 0 : index
    %get3A_19 = vector.load %arg8[%get3A_17, %get3A_18] : memref<21x64xf32, #tpu.memory_space<vmem>>, vector<21x64xf32>
    %dot_general3A_20 = arith.constant dense<0.000000e+00> : vector<7x64xf32>
    %dot_general3A_21 = tpu.matmul %get3A_16, %get3A_19, %dot_general3A_20 {dimension_numbers = #tpu.dot_dimension_numbers<[1], [0], [0], [1], [0, 0, 1, 1], [], []>, transpose_lhs_hint = false} : vector<7x21xf32>, vector<21x64xf32>, vector<7x64xf32> -> vector<7x64xf32>
    %get3A_22 = arith.constant 0 : index
    %get3A_23 = arith.constant 0 : index
    %get3A_24 = vector.load %arg3[%get3A_22, %get3A_23] : memref<224x4xf32, #tpu.memory_space<vmem>>, vector<224x4xf32>
    %dot_general3A_25 = arith.constant dense<0.000000e+00> : vector<224x64xf32>
    %dot_general3A_26 = tpu.matmul %get3A_24, %dot_general3A_5, %dot_general3A_25 {dimension_numbers = #tpu.dot_dimension_numbers<[1], [0], [0], [1], [0, 0, 1, 1], [], []>, transpose_lhs_hint = false} : vector<224x4xf32>, vector<4x64xf32>, vector<224x64xf32> -> vector<224x64xf32>
    %get3A_27 = arith.constant 0 : index
    %get3A_28 = arith.constant 0 : index
    %get3A_29 = vector.load %arg4[%get3A_27, %get3A_28] : memref<224x8xf32, #tpu.memory_space<vmem>>, vector<224x8xf32>
    %dot_general3A_30 = arith.constant dense<0.000000e+00> : vector<224x64xf32>
    %dot_general3A_31 = tpu.matmul %get3A_29, %dot_general3A_13, %dot_general3A_30 {dimension_numbers = #tpu.dot_dimension_numbers<[1], [0], [0], [1], [0, 0, 1, 1], [], []>, transpose_lhs_hint = false} : vector<224x8xf32>, vector<8x64xf32>, vector<224x64xf32> -> vector<224x64xf32>
    %add3A = arith.addf %dot_general3A_26, %dot_general3A_31 : vector<224x64xf32>
    %get3A_32 = arith.constant 0 : index
    %get3A_33 = arith.constant 0 : index
    %get3A_34 = vector.load %arg5[%get3A_32, %get3A_33] : memref<224x7xf32, #tpu.memory_space<vmem>>, vector<224x7xf32>
    %dot_general3A_35 = arith.constant dense<0.000000e+00> : vector<224x64xf32>
    %dot_general3A_36 = tpu.matmul %get3A_34, %dot_general3A_21, %dot_general3A_35 {dimension_numbers = #tpu.dot_dimension_numbers<[1], [0], [0], [1], [0, 0, 1, 1], [], []>, transpose_lhs_hint = false} : vector<224x7xf32>, vector<7x64xf32>, vector<224x64xf32> -> vector<224x64xf32>
    %add3A_37 = arith.addf %add3A, %dot_general3A_36 : vector<224x64xf32>
    %get3A_38 = arith.constant 0 : index
    %get3A_39 = arith.constant 0 : index
    %get3A_40 = vector.load %arg9[%get3A_38, %get3A_39] : memref<1x64xf32, #tpu.memory_space<vmem>>, vector<1x64xf32>
    %add3A_41 = vector.broadcast %get3A_40 : vector<1x64xf32> to vector<224x64xf32>
    %add3A_42 = arith.addf %add3A_37, %add3A_41 : vector<224x64xf32>
    %max3A = arith.constant 0.000000e+00 : f32
    %max3A_43 = vector.broadcast %max3A : f32 to vector<224x64xf32>
    %max3A_44 = arith.maximumf %add3A_42, %max3A_43 : vector<224x64xf32>
    %get3A_45 = arith.constant 0 : index
    %get3A_46 = arith.constant 0 : index
    %get3A_47 = vector.load %arg10[%get3A_45, %get3A_46] : memref<64x128xf32, #tpu.memory_space<vmem>>, vector<64x128xf32>
    %dot_general3A_48 = arith.constant dense<0.000000e+00> : vector<224x128xf32>
    %dot_general3A_49 = tpu.matmul %max3A_44, %get3A_47, %dot_general3A_48 {dimension_numbers = #tpu.dot_dimension_numbers<[1], [0], [0], [1], [0, 0, 1, 1], [], []>, transpose_lhs_hint = false} : vector<224x64xf32>, vector<64x128xf32>, vector<224x128xf32> -> vector<224x128xf32>
    %swap3A = arith.constant 0 : index
    %swap3A_50 = arith.constant 0 : index
    %swap3A_51 = vector.load %arg13[%swap3A, %swap3A_50] : memref<224x128xf32, #tpu.memory_space<vmem>>, vector<224x128xf32>
    tpu.vector_store %arg13[%swap3A, %swap3A_50], %dot_general3A_49 {strides = array<i32>} : memref<224x128xf32, #tpu.memory_space<vmem>>, vector<224x128xf32>,
    %get3A_52 = arith.constant 0 : index
    %get3A_53 = arith.constant 0 : index
    %get3A_54 = vector.load %arg11[%get3A_52, %get3A_53] : memref<8x32xf32, #tpu.memory_space<vmem>>, vector<8x32xf32>
    %get3A_55 = arith.constant 0 : index
    %get3A_56 = arith.constant 0 : index
    %get3A_57 = vector.load %arg12[%get3A_55, %get3A_56] : memref<32x128xf32, #tpu.memory_space<vmem>>, vector<32x128xf32>
    %dot_general3A_58 = arith.constant dense<0.000000e+00> : vector<8x128xf32>
    %dot_general3A_59 = tpu.matmul %get3A_54, %get3A_57, %dot_general3A_58 {dimension_numbers = #tpu.dot_dimension_numbers<[1], [0], [0], [1], [0, 0, 1, 1], [], []>, transpose_lhs_hint = false} : vector<8x32xf32>, vector<32x128xf32>, vector<8x128xf32> -> vector<8x128xf32>
    %swap3A_60 = arith.constant 0 : index
    %swap3A_61 = arith.constant 0 : index
    %swap3A_62 = vector.load %arg14[%swap3A_60, %swap3A_61] : memref<8x128xf32, #tpu.memory_space<vmem>>, vector<8x128xf32>
    tpu.vector_store %arg14[%swap3A_60, %swap3A_61], %dot_general3A_59 {strides = array<i32>} : memref<8x128xf32, #tpu.memory_space<vmem>>, vector<8x128xf32>,
    return
  }
}

module attributes {stable_mosaic.version = 14 : i64} {
  func.func @_head_body(%arg0: i32, %arg1: memref<256x8x128xf32, #tpu.memory_space<vmem>>, %arg2: memref<256x8x128xf32, #tpu.memory_space<vmem>>, %arg3: memref<2048x1xi32, #tpu.memory_space<vmem>>, %arg4: memref<2048x1xi32, #tpu.memory_space<vmem>>, %arg5: memref<2048x1xi32, #tpu.memory_space<vmem>>, %arg6: memref<2048x1xi32, #tpu.memory_space<vmem>>, %arg7: memref<224x128xf32, #tpu.memory_space<vmem>>, %arg8: memref<8x128xf32, #tpu.memory_space<vmem>>, %arg9: memref<1x128xf32, #tpu.memory_space<vmem>>, %arg10: memref<128x64xf32, #tpu.memory_space<vmem>>, %arg11: memref<1x64xf32, #tpu.memory_space<vmem>>, %arg12: memref<64x32xf32, #tpu.memory_space<vmem>>, %arg13: memref<1x32xf32, #tpu.memory_space<vmem>>, %arg14: memref<32x1xf32, #tpu.memory_space<vmem>>, %arg15: memref<1x1xf32, #tpu.memory_space<vmem>>, %arg16: memref<2048x1xf32, #tpu.memory_space<vmem>>) attributes {dimension_semantics = [#tpu.dimension_semantics<arbitrary>], iteration_bounds = array<i64: 8>, scalar_prefetch = 0 : i64, scratch_operands = 0 : i64, tpu.core_type = #tpu.core_type<tc>, window_params = [{transform_indices = @transform_0, window_bounds = array<i64: 256, 8, 128>}, {transform_indices = @transform_1, window_bounds = array<i64: 256, 8, 128>}, {transform_indices = @transform_2, window_bounds = array<i64: 2048, 1>}, {transform_indices = @transform_3, window_bounds = array<i64: 2048, 1>}, {transform_indices = @transform_4, window_bounds = array<i64: 2048, 1>}, {transform_indices = @transform_5, window_bounds = array<i64: 2048, 1>}, {pipeline_mode = #tpu.pipeline_mode<synchronous>, transform_indices = @transform_6, window_bounds = array<i64: 224, 128>}, {pipeline_mode = #tpu.pipeline_mode<synchronous>, transform_indices = @transform_7, window_bounds = array<i64: 8, 128>}, {pipeline_mode = #tpu.pipeline_mode<synchronous>, transform_indices = @transform_8, window_bounds = array<i64: 1, 128>}, {pipeline_mode = #tpu.pipeline_mode<synchronous>, transform_indices = @transform_9, window_bounds = array<i64: 128, 64>}, {pipeline_mode = #tpu.pipeline_mode<synchronous>, transform_indices = @transform_10, window_bounds = array<i64: 1, 64>}, {pipeline_mode = #tpu.pipeline_mode<synchronous>, transform_indices = @transform_11, window_bounds = array<i64: 64, 32>}, {pipeline_mode = #tpu.pipeline_mode<synchronous>, transform_indices = @transform_12, window_bounds = array<i64: 1, 32>}, {pipeline_mode = #tpu.pipeline_mode<synchronous>, transform_indices = @transform_13, window_bounds = array<i64: 32, 1>}, {pipeline_mode = #tpu.pipeline_mode<synchronous>, transform_indices = @transform_14, window_bounds = array<i64: 1, 1>}, {transform_indices = @transform_15, window_bounds = array<i64: 2048, 1>}]} {
    %get3A = arith.constant 0 : index
    %get3A_0 = arith.constant 0 : index
    %get3A_1 = vector.load %arg3[%get3A, %get3A_0] : memref<2048x1xi32, #tpu.memory_space<vmem>>, vector<2048x1xi32>
    %mul3A = arith.constant 56 : i32
    %mul3A_2 = vector.broadcast %mul3A : i32 to vector<2048x1xi32>
    %mul3A_3 = arith.muli %get3A_1, %mul3A_2 : vector<2048x1xi32>
    %get3A_4 = arith.constant 0 : index
    %get3A_5 = arith.constant 0 : index
    %get3A_6 = vector.load %arg4[%get3A_4, %get3A_5] : memref<2048x1xi32, #tpu.memory_space<vmem>>, vector<2048x1xi32>
    %mul3A_7 = arith.constant 7 : i32
    %mul3A_8 = vector.broadcast %mul3A_7 : i32 to vector<2048x1xi32>
    %mul3A_9 = arith.muli %get3A_6, %mul3A_8 : vector<2048x1xi32>
    %add3A = arith.addi %mul3A_3, %mul3A_9 : vector<2048x1xi32>
    %get3A_10 = arith.constant 0 : index
    %get3A_11 = arith.constant 0 : index
    %get3A_12 = vector.load %arg5[%get3A_10, %get3A_11] : memref<2048x1xi32, #tpu.memory_space<vmem>>, vector<2048x1xi32>
    %add3A_13 = arith.addi %add3A, %get3A_12 : vector<2048x1xi32>
    %iota3A = tpu.iota {dimensions = array<i32: 1>} : vector<2048x224xi32>
    %eq3A = vector.broadcast %add3A_13 : vector<2048x1xi32> to vector<2048x224xi32>
    %eq3A_14 = arith.cmpi eq, %eq3A, %iota3A : vector<2048x224xi32>
    %get3A_15 = arith.constant 0 : index
    %get3A_16 = arith.constant 0 : index
    %get3A_17 = vector.load %arg6[%get3A_15, %get3A_16] : memref<2048x1xi32, #tpu.memory_space<vmem>>, vector<2048x1xi32>
    %iota3A_18 = tpu.iota {dimensions = array<i32: 1>} : vector<2048x8xi32>
    %eq3A_19 = vector.broadcast %get3A_17 : vector<2048x1xi32> to vector<2048x8xi32>
    %eq3A_20 = arith.cmpi eq, %eq3A_19, %iota3A_18 : vector<2048x8xi32>
    %get3A_21 = arith.constant 0 : index
    %get3A_22 = arith.constant 0 : index
    %get3A_23 = arith.constant 0 : index
    %get3A_24 = vector.load %arg1[%get3A_21, %get3A_22, %get3A_23] : memref<256x8x128xf32, #tpu.memory_space<vmem>>, vector<256x8x128xf32>
    %reshape3A = vector.shape_cast %get3A_24 : vector<256x8x128xf32> to vector<2048x128xf32>
    %get3A_25 = arith.constant 0 : index
    %get3A_26 = arith.constant 0 : index
    %get3A_27 = arith.constant 0 : index
    %get3A_28 = vector.load %arg2[%get3A_25, %get3A_26, %get3A_27] : memref<256x8x128xf32, #tpu.memory_space<vmem>>, vector<256x8x128xf32>
    %reshape3A_29 = vector.shape_cast %get3A_28 : vector<256x8x128xf32> to vector<2048x128xf32>
    %add3A_30 = arith.addf %reshape3A, %reshape3A_29 : vector<2048x128xf32>
    %convert_element_type3A = arith.extui %eq3A_14 : vector<2048x224xi1> to vector<2048x224xi32>
    %convert_element_type3A_31 = arith.sitofp %convert_element_type3A : vector<2048x224xi32> to vector<2048x224xf32>
    %get3A_32 = arith.constant 0 : index
    %get3A_33 = arith.constant 0 : index
    %get3A_34 = vector.load %arg7[%get3A_32, %get3A_33] : memref<224x128xf32, #tpu.memory_space<vmem>>, vector<224x128xf32>
    %dot_general3A = arith.constant dense<0.000000e+00> : vector<2048x128xf32>
    %dot_general3A_35 = tpu.matmul %convert_element_type3A_31, %get3A_34, %dot_general3A {dimension_numbers = #tpu.dot_dimension_numbers<[1], [0], [0], [1], [0, 0, 1, 1], [], []>, transpose_lhs_hint = false} : vector<2048x224xf32>, vector<224x128xf32>, vector<2048x128xf32> -> vector<2048x128xf32>
    %add3A_36 = arith.addf %add3A_30, %dot_general3A_35 : vector<2048x128xf32>
    %convert_element_type3A_37 = arith.extui %eq3A_20 : vector<2048x8xi1> to vector<2048x8xi32>
    %convert_element_type3A_38 = arith.sitofp %convert_element_type3A_37 : vector<2048x8xi32> to vector<2048x8xf32>
    %get3A_39 = arith.constant 0 : index
    %get3A_40 = arith.constant 0 : index
    %get3A_41 = vector.load %arg8[%get3A_39, %get3A_40] : memref<8x128xf32, #tpu.memory_space<vmem>>, vector<8x128xf32>
    %dot_general3A_42 = arith.constant dense<0.000000e+00> : vector<2048x128xf32>
    %dot_general3A_43 = tpu.matmul %convert_element_type3A_38, %get3A_41, %dot_general3A_42 {dimension_numbers = #tpu.dot_dimension_numbers<[1], [0], [0], [1], [0, 0, 1, 1], [], []>, transpose_lhs_hint = false} : vector<2048x8xf32>, vector<8x128xf32>, vector<2048x128xf32> -> vector<2048x128xf32>
    %add3A_44 = arith.addf %add3A_36, %dot_general3A_43 : vector<2048x128xf32>
    %get3A_45 = arith.constant 0 : index
    %get3A_46 = arith.constant 0 : index
    %get3A_47 = vector.load %arg9[%get3A_45, %get3A_46] : memref<1x128xf32, #tpu.memory_space<vmem>>, vector<1x128xf32>
    %add3A_48 = vector.broadcast %get3A_47 : vector<1x128xf32> to vector<2048x128xf32>
    %add3A_49 = arith.addf %add3A_44, %add3A_48 : vector<2048x128xf32>
    %max3A = arith.constant 0.000000e+00 : f32
    %max3A_50 = vector.broadcast %max3A : f32 to vector<2048x128xf32>
    %max3A_51 = arith.maximumf %add3A_49, %max3A_50 : vector<2048x128xf32>
    %get3A_52 = arith.constant 0 : index
    %get3A_53 = arith.constant 0 : index
    %get3A_54 = vector.load %arg10[%get3A_52, %get3A_53] : memref<128x64xf32, #tpu.memory_space<vmem>>, vector<128x64xf32>
    %dot_general3A_55 = arith.constant dense<0.000000e+00> : vector<2048x64xf32>
    %dot_general3A_56 = tpu.matmul %max3A_51, %get3A_54, %dot_general3A_55 {dimension_numbers = #tpu.dot_dimension_numbers<[1], [0], [0], [1], [0, 0, 1, 1], [], []>, transpose_lhs_hint = false} : vector<2048x128xf32>, vector<128x64xf32>, vector<2048x64xf32> -> vector<2048x64xf32>
    %get3A_57 = arith.constant 0 : index
    %get3A_58 = arith.constant 0 : index
    %get3A_59 = vector.load %arg11[%get3A_57, %get3A_58] : memref<1x64xf32, #tpu.memory_space<vmem>>, vector<1x64xf32>
    %add3A_60 = vector.broadcast %get3A_59 : vector<1x64xf32> to vector<2048x64xf32>
    %add3A_61 = arith.addf %dot_general3A_56, %add3A_60 : vector<2048x64xf32>
    %max3A_62 = arith.constant 0.000000e+00 : f32
    %max3A_63 = vector.broadcast %max3A_62 : f32 to vector<2048x64xf32>
    %max3A_64 = arith.maximumf %add3A_61, %max3A_63 : vector<2048x64xf32>
    %get3A_65 = arith.constant 0 : index
    %get3A_66 = arith.constant 0 : index
    %get3A_67 = vector.load %arg12[%get3A_65, %get3A_66] : memref<64x32xf32, #tpu.memory_space<vmem>>, vector<64x32xf32>
    %dot_general3A_68 = arith.constant dense<0.000000e+00> : vector<2048x32xf32>
    %dot_general3A_69 = tpu.matmul %max3A_64, %get3A_67, %dot_general3A_68 {dimension_numbers = #tpu.dot_dimension_numbers<[1], [0], [0], [1], [0, 0, 1, 1], [], []>, transpose_lhs_hint = false} : vector<2048x64xf32>, vector<64x32xf32>, vector<2048x32xf32> -> vector<2048x32xf32>
    %get3A_70 = arith.constant 0 : index
    %get3A_71 = arith.constant 0 : index
    %get3A_72 = vector.load %arg13[%get3A_70, %get3A_71] : memref<1x32xf32, #tpu.memory_space<vmem>>, vector<1x32xf32>
    %add3A_73 = vector.broadcast %get3A_72 : vector<1x32xf32> to vector<2048x32xf32>
    %add3A_74 = arith.addf %dot_general3A_69, %add3A_73 : vector<2048x32xf32>
    %max3A_75 = arith.constant 0.000000e+00 : f32
    %max3A_76 = vector.broadcast %max3A_75 : f32 to vector<2048x32xf32>
    %max3A_77 = arith.maximumf %add3A_74, %max3A_76 : vector<2048x32xf32>
    %get3A_78 = arith.constant 0 : index
    %get3A_79 = arith.constant 0 : index
    %get3A_80 = vector.load %arg14[%get3A_78, %get3A_79] : memref<32x1xf32, #tpu.memory_space<vmem>>, vector<32x1xf32>
    %dot_general3A_81 = arith.constant dense<0.000000e+00> : vector<2048x1xf32>
    %dot_general3A_82 = tpu.matmul %max3A_77, %get3A_80, %dot_general3A_81 {dimension_numbers = #tpu.dot_dimension_numbers<[1], [0], [0], [1], [0, 0, 1, 1], [], []>, transpose_lhs_hint = false} : vector<2048x32xf32>, vector<32x1xf32>, vector<2048x1xf32> -> vector<2048x1xf32>
    %get3A_83 = arith.constant 0 : index
    %get3A_84 = arith.constant 0 : index
    %get3A_85 = vector.load %arg15[%get3A_83, %get3A_84] : memref<1x1xf32, #tpu.memory_space<vmem>>, vector<1x1xf32>
    %add3A_86 = vector.broadcast %get3A_85 : vector<1x1xf32> to vector<2048x1xf32>
    %add3A_87 = arith.addf %dot_general3A_82, %add3A_86 : vector<2048x1xf32>
    %neg3A = arith.constant 0.000000e+00 : f32
    %neg3A_88 = vector.broadcast %neg3A : f32 to vector<2048x1xf32>
    %neg3A_89 = arith.subf %neg3A_88, %add3A_87 : vector<2048x1xf32>
    %exp3A = math.exp %neg3A_89 : vector<2048x1xf32>
    %add3A_90 = arith.constant 1.000000e+00 : f32
    %add3A_91 = vector.broadcast %add3A_90 : f32 to vector<2048x1xf32>
    %add3A_92 = arith.addf %add3A_91, %exp3A : vector<2048x1xf32>
    %div3A = arith.constant 1.000000e+00 : f32
    %div3A_93 = vector.broadcast %div3A : f32 to vector<2048x1xf32>
    %div3A_94 = arith.divf %div3A_93, %add3A_92 : vector<2048x1xf32>
    %swap3A = arith.constant 0 : index
    %swap3A_95 = arith.constant 0 : index
    %swap3A_96 = vector.load %arg16[%swap3A, %swap3A_95] : memref<2048x1xf32, #tpu.memory_space<vmem>>, vector<2048x1xf32>
    tpu.vector_store %arg16[%swap3A, %swap3A_95], %div3A_94 {strides = array<i32>} : memref<2048x1xf32, #tpu.memory_space<vmem>>, vector<2048x1xf32>,
    return
  }
  func.func @transform_0(%arg0: i32) -> (i32, i32, i32) {
    %c0_i32 = arith.constant 0 : i32
    %c0_i32_0 = arith.constant 0 : i32
    %c0_i32_1 = arith.constant 0 : i32
    return %arg0, %c0_i32, %c0_i32_0 : i32, i32, i32
  }
  func.func @transform_1(%arg0: i32) -> (i32, i32, i32) {
    %c0_i32 = arith.constant 0 : i32
    %c0_i32_0 = arith.constant 0 : i32
    %c0_i32_1 = arith.constant 0 : i32
    return %arg0, %c0_i32, %c0_i32_0 : i32, i32, i32
  }
  func.func @transform_2(%arg0: i32) -> (i32, i32) {
    %c0_i32 = arith.constant 0 : i32
    %c0_i32_0 = arith.constant 0 : i32
    return %arg0, %c0_i32 : i32, i32
  }
  func.func @transform_3(%arg0: i32) -> (i32, i32) {
    %c0_i32 = arith.constant 0 : i32
    %c0_i32_0 = arith.constant 0 : i32
    return %arg0, %c0_i32 : i32, i32
  }
  func.func @transform_4(%arg0: i32) -> (i32, i32) {
    %c0_i32 = arith.constant 0 : i32
    %c0_i32_0 = arith.constant 0 : i32
    return %arg0, %c0_i32 : i32, i32
  }
  func.func @transform_5(%arg0: i32) -> (i32, i32) {
    %c0_i32 = arith.constant 0 : i32
    %c0_i32_0 = arith.constant 0 : i32
    return %arg0, %c0_i32 : i32, i32
  }
  func.func @transform_6(%arg0: i32) -> (i32, i32) {
    %c0_i32 = arith.constant 0 : i32
    %c0_i32_0 = arith.constant 0 : i32
    %c0_i32_1 = arith.constant 0 : i32
    return %c0_i32, %c0_i32_0 : i32, i32
  }
  func.func @transform_7(%arg0: i32) -> (i32, i32) {
    %c0_i32 = arith.constant 0 : i32
    %c0_i32_0 = arith.constant 0 : i32
    %c0_i32_1 = arith.constant 0 : i32
    return %c0_i32, %c0_i32_0 : i32, i32
  }
  func.func @transform_8(%arg0: i32) -> (i32, i32) {
    %c0_i32 = arith.constant 0 : i32
    %c0_i32_0 = arith.constant 0 : i32
    %c0_i32_1 = arith.constant 0 : i32
    return %c0_i32, %c0_i32_0 : i32, i32
  }
  func.func @transform_9(%arg0: i32) -> (i32, i32) {
    %c0_i32 = arith.constant 0 : i32
    %c0_i32_0 = arith.constant 0 : i32
    %c0_i32_1 = arith.constant 0 : i32
    return %c0_i32, %c0_i32_0 : i32, i32
  }
  func.func @transform_10(%arg0: i32) -> (i32, i32) {
    %c0_i32 = arith.constant 0 : i32
    %c0_i32_0 = arith.constant 0 : i32
    %c0_i32_1 = arith.constant 0 : i32
    return %c0_i32, %c0_i32_0 : i32, i32
  }
  func.func @transform_11(%arg0: i32) -> (i32, i32) {
    %c0_i32 = arith.constant 0 : i32
    %c0_i32_0 = arith.constant 0 : i32
    %c0_i32_1 = arith.constant 0 : i32
    return %c0_i32, %c0_i32_0 : i32, i32
  }
  func.func @transform_12(%arg0: i32) -> (i32, i32) {
    %c0_i32 = arith.constant 0 : i32
    %c0_i32_0 = arith.constant 0 : i32
    %c0_i32_1 = arith.constant 0 : i32
    return %c0_i32, %c0_i32_0 : i32, i32
  }
  func.func @transform_13(%arg0: i32) -> (i32, i32) {
    %c0_i32 = arith.constant 0 : i32
    %c0_i32_0 = arith.constant 0 : i32
    %c0_i32_1 = arith.constant 0 : i32
    return %c0_i32, %c0_i32_0 : i32, i32
  }
  func.func @transform_14(%arg0: i32) -> (i32, i32) {
    %c0_i32 = arith.constant 0 : i32
    %c0_i32_0 = arith.constant 0 : i32
    %c0_i32_1 = arith.constant 0 : i32
    return %c0_i32, %c0_i32_0 : i32, i32
  }
  func.func @transform_15(%arg0: i32) -> (i32, i32) {
    %c0_i32 = arith.constant 0 : i32
    %c0_i32_0 = arith.constant 0 : i32
    return %arg0, %c0_i32 : i32, i32
  }
}

</mosaic_0001>

<sc_bundles>
// kernel: kernel.13.cloned.1.call-start
scs
__scs_entry_jumppad:
0x0: {  	(pc) =	sbr.rel $0x88, $3  }
0x1: {  	(tag) =	ssettag $0x0;
	lr =	simm.s32 $0x1  }
0x2: {  	[smem:$0x3F85] =	sst lr;
	_ =	strace $0xD0000000  }
0x3: {  	_ = 	snop  }
0x4: {  	_ = 	snop  }
0x5: {  	_ = 	snop  }
0x6: {  	_ = 	snop  }
0x7: {  	_ = 	snop  }
__scs_overlays_trampoline_lowered:
0x8: {  	[smem:$0x3F94] =	sst s0  }
0x9: {  	[smem:$0x3F95] =	sst s1  }
0xa: {  	[smem:$0x3F96] =	sst s2  }
0xb: {  	[smem:$0x3F97] =	sst s3  }
0xc: {  	[smem:$0x3F98] =	sst s4  }
0xd: {  	[smem:$0x3F99] =	sst s5  }
0xe: {  	[smem:$0x3F9A] =	sst s6  }
0xf: {  	[smem:$0x3F9B] =	sst s7  }
0x10: {  	[smem:$0x3F9C] =	sst s8  }
0x11: {  	[smem:$0x3F9D] =	sst s9;
	s0 =	simm.s32 @!p0 $0x0  }
0x12: {  	s1 =	sld [smem:$0x3F83];
	s0 =	simm.s32 @p0 $0x1  }
0x13: {  	[smem:$0x3F9E] =	sst s0;
	s0 =	simm.s32 @!p1 $0x0  }
0x14: {  	s2 =	sld [smem:$0x3F82];
	s0 =	simm.s32 @p1 $0x1  }
0x15: {  	[smem:$0x3F9F] =	sst s0;
	s0 =	simm.s32 @!p2 $0x0  }
0x16: {  	s3 =	sld [smem:$0x3FDB];
	s0 =	simm.s32 @p2 $0x1  }
0x17: {  	s4 =	simm.s32 $0x1BF5;
	[smem:$0x3FA1] =	sst s0  }
0x18: {  	s0 =	sld [smem:$0x3F84];
	_ =	swait.ge [sflag:s4], $0x0  }
0x19: {  	s7 =	sld [smem:$0x3F85]  }
0x1a: {  	s8 =	sadd.s32 $0xFFFFE003, lr  }
0x1b: {  	s9 =	sadd.s32 $0xFFFFFEF7, lr;
	s5 =	simm.s32 $0xFFFFFFFF;
	p2 =	slt.u32 s8, $0xFFFFF086  }
0x1c: {  	p1 =	slt.u32 s9, $0xF7A;
	s5 =	simm.s32 @!p2 $0x0  }
0x1d: {  	s5 =	simm.s32 @p1 $0x1;
	p0 =	seq.s32 s7, s2  }
0x1e: {  	s7 =	smul.u32 @!p0 $0xF7A, s2;
	p2 =	seq.s32 @!p0 s5, $0x0  }
0x1f: {  	s9 =	smul.u32 $0xF7A, s1;
	s8 =	simm.s32 @!p0 $0x1BF5;
	p2 =	por !p2, p0  }
0x20: {  	[sflag:s8] =	ssyncset.s32 @!p0 $0xFFFFF086;
	s6 =	sadd.s32 @!p0 s3, s7;
	s7 =	simm.s32 @!p0 $0x108  }
0x21: {  	s3 =	sadd.s32 s3, s9;
	s6 =	sadd.s32 @!p0 $0x88, s6;
	s7 =	simm.s32 @p2 $0x1082  }
0x22: {  	[simem:s7], [sflag:s8] =	dma.local @!p0 [hbm:s6], $0xF7A  }
0x23: {  	s9 =	sor.u32 $0xD0000000, s2;
	s6 =	simm.s32 $0x108;
	_ =	swait.ge @!p0 [sflag:s8], $0x0  }
0x24: {  	s3 =	sadd.s32 $0x88, s3;
	s6 =	simm.s32 @!p1 $0x1082;
	[sflag:s4] =	ssyncset.s32 $0xFFFFF086  }
0x25: {  	[simem:s6], [sflag:s4] =	dma.local [hbm:s3], $0xF7A  }
0x26: {  	[smem:$0x3F85] =	sst s1;
	(tag) =	ssettag s2;
	_ =	strace s9  }
0x27: {  	s1 =	sld [smem:$0x3F95]  }
0x28: {  	s2 =	sld [smem:$0x3F96]  }
0x29: {  	s4 =	sld [smem:$0x3F98]  }
0x2a: {  	p0 =	seq.s32 s5, $0x0;
	s5 =	sld [smem:$0x3F99]  }
0x2b: {  	s6 =	sld [smem:$0x3F9A]  }
0x2c: {  	s7 =	sld [smem:$0x3F9B]  }
0x2d: {  	s3 =	simm.s32 $0x108;
	s8 =	sld [smem:$0x3F9C]  }
0x2e: {  	s3 =	simm.s32 @!p0 $0x1082;
	s9 =	sld [smem:$0x3F9D]  }
0x2f: {  	lr =	sadd.s32 s0, s3;
	s0 =	sld [smem:$0x3F94]  }
0x30: {  	s3 =	sld [smem:$0x3F97]  }
0x31: {  	[smem:$0x3FA0] =	sst s10  }
0x32: {  	s10 =	sld [smem:$0x3F9E];
	_ =	sdelay $0x3  }
0x33: {  	p0 =	seq.s32 s10, $0x1;
	s10 =	sld [smem:$0x3FA0];
	_ =	sdelay $0x3  }
0x34: {  	[smem:$0x3FA0] =	sst s10  }
0x35: {  	s10 =	sld [smem:$0x3F9F];
	_ =	sdelay $0x3  }
0x36: {  	p1 =	seq.s32 s10, $0x1;
	s10 =	sld [smem:$0x3FA0];
	_ =	sdelay $0x3  }
0x37: {  	[smem:$0x3FA0] =	sst s10  }
0x38: {  	s10 =	sld [smem:$0x3FA1]  }
0x39: {  	_ = 	snop;
	(pc) =	sbr.ind lr, $3  }
0x3a: {  	_ = 	snop  }
0x3b: {  	_ = 	snop  }
0x3c: {  	p2 =	seq.s32 s10, $0x1;
	s10 =	sld [smem:$0x3FA0]  }
0x3d: {  	_ =	shalt  }
0x3e: {  	_ =	shalt  }
0x3f: {  	_ =	shalt  }
0x40: {  	_ =	shalt  }
0x41: {  	_ =	shalt  }
0x42: {  	_ =	shalt  }
0x43: {  	_ =	shalt  }
0x44: {  	_ =	shalt  }
0x45: {  	_ =	shalt  }
0x46: {  	_ =	shalt  }
0x47: {  	_ =	shalt  }
0x48: {  	_ =	shalt  }
0x49: {  	_ =	shalt  }
0x4a: {  	_ =	shalt  }
0x4b: {  	_ =	shalt  }
0x4c: {  	_ =	shalt  }
0x4d: {  	_ =	shalt  }
0x4e: {  	_ =	shalt  }
0x4f: {  	_ =	shalt  }
0x50: {  	_ =	shalt  }
0x51: {  	_ =	shalt  }
0x52: {  	_ =	shalt  }
0x53: {  	_ =	shalt  }
0x54: {  	_ =	shalt  }
0x55: {  	_ =	shalt  }
0x56: {  	_ =	shalt  }
0x57: {  	_ =	shalt  }
0x58: {  	_ =	shalt  }
0x59: {  	_ =	shalt  }
0x5a: {  	_ =	shalt  }
0x5b: {  	_ =	shalt  }
0x5c: {  	_ =	shalt  }
0x5d: {  	_ =	shalt  }
0x5e: {  	_ =	shalt  }
0x5f: {  	_ =	shalt  }
0x60: {  	_ =	shalt  }
0x61: {  	_ =	shalt  }
0x62: {  	_ =	shalt  }
0x63: {  	_ =	shalt  }
0x64: {  	_ =	shalt  }
0x65: {  	_ =	shalt  }
0x66: {  	_ =	shalt  }
0x67: {  	_ =	shalt  }
0x68: {  	_ =	shalt  }
0x69: {  	_ =	shalt  }
0x6a: {  	_ =	shalt  }
0x6b: {  	_ =	shalt  }
0x6c: {  	_ =	shalt  }
0x6d: {  	_ =	shalt  }
0x6e: {  	_ =	shalt  }
0x6f: {  	_ =	shalt  }
0x70: {  	_ =	shalt  }
0x71: {  	_ =	shalt  }
0x72: {  	_ =	shalt  }
0x73: {  	_ =	shalt  }
0x74: {  	_ =	shalt  }
0x75: {  	_ =	shalt  }
0x76: {  	_ =	shalt  }
0x77: {  	_ =	shalt  }
0x78: {  	_ =	shalt  }
0x79: {  	_ =	shalt  }
0x7a: {  	_ =	shalt  }
0x7b: {  	_ =	shalt  }
0x7c: {  	_ =	shalt  }
0x7d: {  	_ =	shalt  }
0x7e: {  	_ =	shalt  }
0x7f: {  	_ =	shalt  }
0x80: {  	_ =	shalt  }
0x81: {  	_ =	shalt  }
0x82: {  	_ =	shalt  }
0x83: {  	_ =	shalt  }
0x84: {  	_ =	shalt  }
0x85: {  	_ =	shalt  }
0x86: {  	_ =	shalt  }
0x87: {  	_ =	shalt  }
.Lfunc_end0:
.L_simem_size_0:
called_computation_lowered:
.L_overlay_start_0:
0x88: {  	s2 =	sld [smem:$0x3FD9]  }
0x89: {  	s3 =	sld [smem:$0x3FFE];
	_ =	sdelay $0x1  }
0x8a: {  	s1 =	srdreg.scid  }
0x8b: {  	s0 =	sand.u32 $0x1, s1  }
0x8c: {  	s17 =	sshll.u32 s0, $0xA;
	s2 =	sadd.s32 s3, s2  }
0x8d: {  	s2 =	sadd.s32 s2, s17  }
0x8e: {  	[smem:$0x3FAC] =	sst s2  }
0x8f: {  	_ = 	snop  }
0x90: {  	s2 =	sld [smem:$0x3FD0];
	(tm) =	ssettm $0x1  }
0x91: {  	s18 =	sld [smem:$0x3FFB];
	_ =	sdelay $0x3  }
0x92: {  	_ =	strace s18  }
0x93: {  	s3 =	sld [smem:$0x3FFC];
	_ =	sdelay $0x3  }
0x94: {  	_ =	strace s3  }
0x95: {  	s3 =	sld [smem:$0x3FFD];
	_ =	sdelay $0x3  }
0x96: {  	_ =	strace s3  }
0x97: {  	_ =	strace $0x8FFFFFFF  }
0x98: {  	s19 =	sld [smem:$0x3FDB];
	_ =	sdelay $0x1  }
0x99: {  	s4 =	simm.s32 $_scs_section_size  }
0x9a: {  	s5 =	simm.s32 $_size__tile_overlayer_lowered;
	s6 =	simm.s32 $_tile_overlayer_lowered  }
0x9b: {  	s22 =	simm.s32 $0x1BFF;
	s21 =	sshll.u32 s6, $0x1;
	s3 =	sadd.s32 s4, s19  }
0x9c: {  	s7 =	simm.s32 $0x0;
	s20 =	sshll.u32 s5, $0x1;
	s5 =	sadd.s32 s21, s3  }
0x9d: {  	[timem:s7], [sflag:s22] =	dma.local [hbm:s5], s20  }
0x9e: {  	_ =	swait.ge [sflag:s22], s20  }
0x9f: {  	s4 =	ssub.s32 $0x0, s20;
	[sflag:s22] =	ssyncset.done $0x0  }
0xa0: {  	[sflag:s22] =	ssyncadd.s32 s4;
	_ =	sdelay $0x1  }
0xa1: {  	s23 =	simm.s32 $0x1B8B  }
0xa2: {  	_ =	swait.ge [sflag:s23], $0x1  }
0xa3: {  	[sflag:s23] =	ssyncset.done $0x0  }
0xa4: {  	s25 =	simm.s32 $0x1B8E;
	s24 =	sld [smem:$0x3FFE];
	[sflag:s23] =	ssyncadd.s32 $0xFFFFFFFF  }
0xa5: {  	s26 =	simm.s32 $execute0_lowered;
	[smem:$0x3FD2] =	sst s25  }
0xa6: {  	s5 =	sshll.u32 s26, $0x1;
	_ =	strace $0x80000046;
	[dreg:$0x1] =	wrdreg $0xFFFFFFFF  }
0xa7: {  	s28 =	simm.s32 $_size_execute0_lowered;
	s3 =	sadd.s32 s3, s5;
	[dreg:$0x0] =	wrdreg $0x0  }
0xa8: {  	s5 =	sshll.u32 s28, $0x1;
	[dreg:$0x2] =	wrdreg s3  }
0xa9: {  	[dreg:$0x3] =	wrdreg s5  }
0xaa: {  	[dreg:$0x4] =	wrdreg $0xC0  }
0xab: {  	_ =	task [dreg:s7], $0x5FFFF  }
0xac: {  	[dreg:$0x1] =	wrdreg $0xFFFFFFFF  }
0xad: {  	[dreg:$0x0] =	wrdreg $0x60  }
0xae: {  	[dreg:$0x2] =	wrdreg s24  }
0xaf: {  	[dreg:$0x3] =	wrdreg s2  }
0xb0: {  	[dreg:$0x4] =	wrdreg $0x28800  }
0xb1: {  	[dreg:$0x5] =	wrdreg $0x9  }
0xb2: {  	_ =	task.clear_ibuf [dreg:s7], $0x6FFFF;
	_ =	strace $0x90000046  }
0xb3: {  	s29 =	simm.s32 $0x9;
	_ =	strace $0x80000048  }
0xb4: {  	_ =	swait.ge [sflag:s29], $0x1  }
0xb5: {  	[sflag:s29] =	ssyncadd.s32 $0xFFFFFFFF  }
0xb6: {  	_ =	strace $0x90000048  }
0xb7: {  	_ =	sfence  }
0xb8: {  	s30 =	sld [smem:$0x0];
	_ =	sdelay $0x2  }
0xb9: {  	s31 =	sshll.u32 s1, $0xD;
	s1 =	sshrl.u32 s1, $0x2  }
0xba: {  	s3 =	sand.u32 $0x4000, s31;
	s1 =	sadd.s32 s1, s30  }
0xbb: {  	s0 =	sor.u32 s3, s0;
	s1 =	sshll.u32 s1, $0x11  }
0xbc: {  	s0 =	sor.u32 s1, s0  }
0xbd: {  	s0 =	sadd.s32 $0x8F2B, s0  }
0xbe: {  	[sflag:s0] =	ssyncadd.remote.s32 $0x1  }
0xbf: {  	_ =	sfence.sel $0xFFFF  }
0xc0: {  	[dreg:$0x0] =	wrdreg $0xFFFFFFFF;
	(pc) =	sbr.abs _section_cstart, $3  }
0xc1: {  	[dreg:$0x1] =	wrdreg $0xFFFFFFFF  }
0xc2: {  	_ =	task.clear_ibuf [dreg:s7], $0x2FFFF;
	_ =	strace $0x9FFFFFFF  }
0xc3: {  	(tm) =	ssettm $0x7FFFFFFF  }
tec
execute0_lowered:
.L_overlay_start_1:
0x0: {  	(tag) =	ssettag $0x1  }
0x1: {  	s0 =	srdreg.scid;
	s4 =	rddreg [dreg:$0x0]  }
0x2: {  	s1 =	rddreg [dreg:$0x1];
	s6 =	stileid.u32  }
0x3: {  	s2 =	rddreg [dreg:$0x2];
	s3 =	simm.s32 $0x0;
	s10 =	simm.s32 $0x2800  }
0x4: {  	s11 =	simm.s32 $0x0;
	s5 =	sand.u32 $0x1, s0;
	[smem:$0x7FF] =	sst s3  }
0x5: {  	p0 =	sne.s32 s6, $0x0;
	s0 =	sshll.u32 s5, $0x4;
	s8 =	smul.u32 $0x500, s5  }
0x6: {  	s5 =	ssub.s32 $0x2, s5;
	s7 =	sor.u32 s6, s0;
	s0 =	rddreg [dreg:$0x3]  }
0x7: {  	s9 =	sshrl.u32 s5, $0x1;
	s7 =	smul.u32 $0x500, s7;
	s8 =	sadd.s32 s8, s4  }
0x8: {  	_ =	strace $0x80000047;
	s9 =	ssub.s32 s5, s9;
	s5 =	sadd.s32 $0x1B600, s8  }
0x9: {  	s6 =	smax.u32 s9, $0x1;
	s8 =	sshrl.u32 @!p0 s2, $0x3;
	s7 =	sadd.s32 s7, s4  }
0xa: {  	v0 =	vimm.f32 $1.000000000e+00;
	s9 =	simm.s32 $0x80;
	s4 =	sadd.s32 $0x7600, s7;
	s7 =	simm.s32 $0x1  }
.LBB2_1:
0xb: {  	[tilespmem:s3], [sflag:$0x1] =	stream.linear.gather [hbm4b:s4+s3], $0x2800, $0x38;
	[tilespmem:$0x2B00] =	vst v63  }
0xc: {  	_ =	swait.ge [sflag:s7], $0x2800  }
0xd: {  	[sflag:s7] =	ssyncset.done $0x0  }
0xe: {  	[sflag:s7] =	ssyncadd.s32 $0xFFFFD800  }
0xf: {  	[tilespmem:$0x2800] =	vst v0  }
0x10: {  	[tilespmem:$0x2810] =	vst v0  }
0x11: {  	[tilespmem:$0x2820] =	vst v0  }
0x12: {  	[tilespmem:$0x2830] =	vst v0  }
0x13: {  	[tilespmem:$0x2840] =	vst v0  }
0x14: {  	[tilespmem:$0x2850] =	vst v0  }
0x15: {  	[tilespmem:$0x2860] =	vst v0  }
0x16: {  	s12 =	simm.s32 @!p0 $0x1C01;
	[tilespmem:$0x2870] =	vst v0  }
0x17: {  	[spmem:s8], [sflag:s12] =	dma.local @!p0 [hbm:s1], $0x500  }
0x18: {  	s12 =	simm.s32 @!p0 $0x1  }
0x19: {  	_ =	swait.ge @!p0 [sflag:s12], $0x500  }
0x1a: {  	[sflag:s12] =	ssyncset.done @!p0 $0x0  }
0x1b: {  	[sflag:s12] =	ssyncadd.s32 @!p0 $0xFFFFFB00  }
0x1c: {  	s31 =	simm.s32 $0x0;
	[bflag:$0x0] =	sbarrier.arrive $0xFFFF  }
0x1d: {  	[spmem:s2] =	stream.indirect.scatter.add.f32 [tilespmem:s10], [sflag:$0x1], $0x1, s31, s9, $0xb8;
	[tilespmem:$0x2B00] =	vst v63  }
0x1e: {  	_ =	swait.ge [sflag:s7], $0x80  }
0x1f: {  	s12 =	simm.s32 $0x200;
	[sflag:s7] =	ssyncset.done $0x0  }
.LBB2_2:
0x20: {  	s13 =	sshra.s32 s12, $0x2;
	[sflag:s7] =	ssyncadd.s32 $0xFFFFFF80;
	p1 =	sne.s32 s12, $0x9E00  }
0x21: {  	[spmem:s2] =	stream.indirect.scatter.add.f32 [tilespmem:s10], [sflag:$0x1], $0x1, s13, s9, $0xb8;
	[tilespmem:$0x2B00] =	vst v63  }
.Ltmp0:
0x22: {  	_ = 	snop;
	(pc) =	sbr.rel @p1 .LBB2_2-.Ltmp0, $4  }
0x23: {  	_ = 	snop  }
0x24: {  	s12 =	sadd.s32 $0x200, s12  }
0x25: {  	_ =	swait.ge [sflag:s7], $0x80  }
0x26: {  	[sflag:s7] =	ssyncset.done $0x0  }
0x27: {  	[sflag:s7] =	ssyncadd.s32 $0xFFFFFF80;
	s11 =	sadd.s32 $0x1, s11  }
0x28: {  	s12 =	simm.s32 @!p0 $0x1C01;
	[bflag:$0x0] =	sbarrier.arrive $0xFFFF;
	p1 =	sne.s32 s11, s6  }
0x29: {  	[hbm:s5], [sflag:s12] =	dma.local @!p0 [spmem:s8], $0x500  }
.Ltmp1:
0x2a: {  	_ = 	snop;
	(pc) =	sbr.rel @p1 .LBB2_1-.Ltmp1, $4  }
0x2b: {  	s12 =	simm.s32 @!p0 $0x1  }
0x2c: {  	_ =	swait.ge @!p0 [sflag:s12], $0x500  }
0x2d: {  	[sflag:s12] =	ssyncset.done @!p0 $0x0  }
0x2e: {  	[sflag:s12] =	ssyncadd.s32 @!p0 $0xFFFFFB00  }
0x2f: {  	_ =	sfence.sel $0x180000  }
0x30: {  	[bflag:$0x0] =	sbarrier.arrive $0xFFFF  }
0x31: {  	_ =	strace $0x90000047  }
0x32: {  	s0 =	sadd.s32 @!p0 $0x100000, s0;
	[bflag:$0x2] =	sbarrier.arrive $0xFFFF  }
0x33: {  	[sflag:s0] =	ssyncadd.tile.s32 @!p0 $0x1;
	_ =	shalt  }
.Lfunc_end2:
_tile_overlayer_lowered:
.L_overlay_start_2:
0x34: {  	(tag) =	ssettag $0x2  }
0x35: {  	s0 =	rddreg [dreg:$0x0];
	s2 =	stileid.u32  }
0x36: {  	s1 =	rddreg [dreg:$0x1];
	p0 =	sne.s32 s2, $0x0  }
0x37: {  	s3 =	rddreg [dreg:$0x2];
	[bflag:$0x3] =	sbarrier.arrive $0xFFFF;
	s2 =	simm.s32 @!p0 $0x1C01  }
0x38: {  	[timem:s3], [sflag:s2] =	dma.local @!p0 [hbm:s0], s1  }
0x39: {  	s0 =	simm.s32 @!p0 $0x1  }
0x3a: {  	_ =	swait.ge @!p0 [sflag:s0], s1  }
0x3b: {  	s1 =	ssub.s32 @!p0 $0x0, s1;
	[sflag:s0] =	ssyncset.done @!p0 $0x0  }
0x3c: {  	[sflag:s0] =	ssyncadd.s32 @!p0 s1  }
0x3d: {  	[bflag:$0x3] =	sbarrier.arrive $0xFFFF  }
0x3e: {  	_ =	shalt  }

// kernel: kernel.16.cloned.1.call-start
scs
__scs_entry_jumppad:
0x0: {  	(pc) =	sbr.rel $0x88, $3  }
0x1: {  	(tag) =	ssettag $0x0;
	lr =	simm.s32 $0x1  }
0x2: {  	[smem:$0x3F85] =	sst lr;
	_ =	strace $0xD0000000  }
0x3: {  	_ = 	snop  }
0x4: {  	_ = 	snop  }
0x5: {  	_ = 	snop  }
0x6: {  	_ = 	snop  }
0x7: {  	_ = 	snop  }
__scs_overlays_trampoline_lowered:
0x8: {  	[smem:$0x3F94] =	sst s0  }
0x9: {  	[smem:$0x3F95] =	sst s1  }
0xa: {  	[smem:$0x3F96] =	sst s2  }
0xb: {  	[smem:$0x3F97] =	sst s3  }
0xc: {  	[smem:$0x3F98] =	sst s4  }
0xd: {  	[smem:$0x3F99] =	sst s5  }
0xe: {  	[smem:$0x3F9A] =	sst s6  }
0xf: {  	[smem:$0x3F9B] =	sst s7  }
0x10: {  	[smem:$0x3F9C] =	sst s8  }
0x11: {  	[smem:$0x3F9D] =	sst s9;
	s0 =	simm.s32 @!p0 $0x0  }
0x12: {  	s1 =	sld [smem:$0x3F83];
	s0 =	simm.s32 @p0 $0x1  }
0x13: {  	[smem:$0x3F9E] =	sst s0;
	s0 =	simm.s32 @!p1 $0x0  }
0x14: {  	s2 =	sld [smem:$0x3F82];
	s0 =	simm.s32 @p1 $0x1  }
0x15: {  	[smem:$0x3F9F] =	sst s0;
	s0 =	simm.s32 @!p2 $0x0  }
0x16: {  	s3 =	sld [smem:$0x3FDB];
	s0 =	simm.s32 @p2 $0x1  }
0x17: {  	s4 =	simm.s32 $0x1BF5;
	[smem:$0x3FA1] =	sst s0  }
0x18: {  	s0 =	sld [smem:$0x3F84];
	_ =	swait.ge [sflag:s4], $0x0  }
0x19: {  	s7 =	sld [smem:$0x3F85]  }
0x1a: {  	s8 =	sadd.s32 $0xFFFFE003, lr  }
0x1b: {  	s9 =	sadd.s32 $0xFFFFFEF7, lr;
	s5 =	simm.s32 $0xFFFFFFFF;
	p2 =	slt.u32 s8, $0xFFFFF086  }
0x1c: {  	p1 =	slt.u32 s9, $0xF7A;
	s5 =	simm.s32 @!p2 $0x0  }
0x1d: {  	s5 =	simm.s32 @p1 $0x1;
	p0 =	seq.s32 s7, s2  }
0x1e: {  	s7 =	smul.u32 @!p0 $0xF7A, s2;
	p2 =	seq.s32 @!p0 s5, $0x0  }
0x1f: {  	s9 =	smul.u32 $0xF7A, s1;
	s8 =	simm.s32 @!p0 $0x1BF5;
	p2 =	por !p2, p0  }
0x20: {  	[sflag:s8] =	ssyncset.s32 @!p0 $0xFFFFF086;
	s6 =	sadd.s32 @!p0 s3, s7;
	s7 =	simm.s32 @!p0 $0x108  }
0x21: {  	s3 =	sadd.s32 s3, s9;
	s6 =	sadd.s32 @!p0 $0x88, s6;
	s7 =	simm.s32 @p2 $0x1082  }
0x22: {  	[simem:s7], [sflag:s8] =	dma.local @!p0 [hbm:s6], $0xF7A  }
0x23: {  	s9 =	sor.u32 $0xD0000000, s2;
	s6 =	simm.s32 $0x108;
	_ =	swait.ge @!p0 [sflag:s8], $0x0  }
0x24: {  	s3 =	sadd.s32 $0x88, s3;
	s6 =	simm.s32 @!p1 $0x1082;
	[sflag:s4] =	ssyncset.s32 $0xFFFFF086  }
0x25: {  	[simem:s6], [sflag:s4] =	dma.local [hbm:s3], $0xF7A  }
0x26: {  	[smem:$0x3F85] =	sst s1;
	(tag) =	ssettag s2;
	_ =	strace s9  }
0x27: {  	s1 =	sld [smem:$0x3F95]  }
0x28: {  	s2 =	sld [smem:$0x3F96]  }
0x29: {  	s4 =	sld [smem:$0x3F98]  }
0x2a: {  	p0 =	seq.s32 s5, $0x0;
	s5 =	sld [smem:$0x3F99]  }
0x2b: {  	s6 =	sld [smem:$0x3F9A]  }
0x2c: {  	s7 =	sld [smem:$0x3F9B]  }
0x2d: {  	s3 =	simm.s32 $0x108;
	s8 =	sld [smem:$0x3F9C]  }
0x2e: {  	s3 =	simm.s32 @!p0 $0x1082;
	s9 =	sld [smem:$0x3F9D]  }
0x2f: {  	lr =	sadd.s32 s0, s3;
	s0 =	sld [smem:$0x3F94]  }
0x30: {  	s3 =	sld [smem:$0x3F97]  }
0x31: {  	[smem:$0x3FA0] =	sst s10  }
0x32: {  	s10 =	sld [smem:$0x3F9E];
	_ =	sdelay $0x3  }
0x33: {  	p0 =	seq.s32 s10, $0x1;
	s10 =	sld [smem:$0x3FA0];
	_ =	sdelay $0x3  }
0x34: {  	[smem:$0x3FA0] =	sst s10  }
0x35: {  	s10 =	sld [smem:$0x3F9F];
	_ =	sdelay $0x3  }
0x36: {  	p1 =	seq.s32 s10, $0x1;
	s10 =	sld [smem:$0x3FA0];
	_ =	sdelay $0x3  }
0x37: {  	[smem:$0x3FA0] =	sst s10  }
0x38: {  	s10 =	sld [smem:$0x3FA1]  }
0x39: {  	_ = 	snop;
	(pc) =	sbr.ind lr, $3  }
0x3a: {  	_ = 	snop  }
0x3b: {  	_ = 	snop  }
0x3c: {  	p2 =	seq.s32 s10, $0x1;
	s10 =	sld [smem:$0x3FA0]  }
0x3d: {  	_ =	shalt  }
0x3e: {  	_ =	shalt  }
0x3f: {  	_ =	shalt  }
0x40: {  	_ =	shalt  }
0x41: {  	_ =	shalt  }
0x42: {  	_ =	shalt  }
0x43: {  	_ =	shalt  }
0x44: {  	_ =	shalt  }
0x45: {  	_ =	shalt  }
0x46: {  	_ =	shalt  }
0x47: {  	_ =	shalt  }
0x48: {  	_ =	shalt  }
0x49: {  	_ =	shalt  }
0x4a: {  	_ =	shalt  }
0x4b: {  	_ =	shalt  }
0x4c: {  	_ =	shalt  }
0x4d: {  	_ =	shalt  }
0x4e: {  	_ =	shalt  }
0x4f: {  	_ =	shalt  }
0x50: {  	_ =	shalt  }
0x51: {  	_ =	shalt  }
0x52: {  	_ =	shalt  }
0x53: {  	_ =	shalt  }
0x54: {  	_ =	shalt  }
0x55: {  	_ =	shalt  }
0x56: {  	_ =	shalt  }
0x57: {  	_ =	shalt  }
0x58: {  	_ =	shalt  }
0x59: {  	_ =	shalt  }
0x5a: {  	_ =	shalt  }
0x5b: {  	_ =	shalt  }
0x5c: {  	_ =	shalt  }
0x5d: {  	_ =	shalt  }
0x5e: {  	_ =	shalt  }
0x5f: {  	_ =	shalt  }
0x60: {  	_ =	shalt  }
0x61: {  	_ =	shalt  }
0x62: {  	_ =	shalt  }
0x63: {  	_ =	shalt  }
0x64: {  	_ =	shalt  }
0x65: {  	_ =	shalt  }
0x66: {  	_ =	shalt  }
0x67: {  	_ =	shalt  }
0x68: {  	_ =	shalt  }
0x69: {  	_ =	shalt  }
0x6a: {  	_ =	shalt  }
0x6b: {  	_ =	shalt  }
0x6c: {  	_ =	shalt  }
0x6d: {  	_ =	shalt  }
0x6e: {  	_ =	shalt  }
0x6f: {  	_ =	shalt  }
0x70: {  	_ =	shalt  }
0x71: {  	_ =	shalt  }
0x72: {  	_ =	shalt  }
0x73: {  	_ =	shalt  }
0x74: {  	_ =	shalt  }
0x75: {  	_ =	shalt  }
0x76: {  	_ =	shalt  }
0x77: {  	_ =	shalt  }
0x78: {  	_ =	shalt  }
0x79: {  	_ =	shalt  }
0x7a: {  	_ =	shalt  }
0x7b: {  	_ =	shalt  }
0x7c: {  	_ =	shalt  }
0x7d: {  	_ =	shalt  }
0x7e: {  	_ =	shalt  }
0x7f: {  	_ =	shalt  }
0x80: {  	_ =	shalt  }
0x81: {  	_ =	shalt  }
0x82: {  	_ =	shalt  }
0x83: {  	_ =	shalt  }
0x84: {  	_ =	shalt  }
0x85: {  	_ =	shalt  }
0x86: {  	_ =	shalt  }
0x87: {  	_ =	shalt  }
.Lfunc_end0:
.L_simem_size_0:
called_computation.1_lowered:
.L_overlay_start_0:
0x88: {  	s2 =	sld [smem:$0x3FD9]  }
0x89: {  	s3 =	sld [smem:$0x3FFE];
	_ =	sdelay $0x1  }
0x8a: {  	s1 =	srdreg.scid  }
0x8b: {  	s0 =	sand.u32 $0x1, s1  }
0x8c: {  	s16 =	sshll.u32 s0, $0xA;
	s2 =	sadd.s32 s3, s2  }
0x8d: {  	s2 =	sadd.s32 s2, s16  }
0x8e: {  	[smem:$0x3FAC] =	sst s2  }
0x8f: {  	_ = 	snop  }
0x90: {  	(tm) =	ssettm $0x1  }
0x91: {  	s17 =	sld [smem:$0x3FFB];
	_ =	sdelay $0x3  }
0x92: {  	_ =	strace s17  }
0x93: {  	s2 =	sld [smem:$0x3FFC];
	_ =	sdelay $0x3  }
0x94: {  	_ =	strace s2  }
0x95: {  	s2 =	sld [smem:$0x3FFD];
	_ =	sdelay $0x3  }
0x96: {  	_ =	strace s2  }
0x97: {  	_ =	strace $0x8FFFFFFF  }
0x98: {  	s18 =	sld [smem:$0x3FDB];
	_ =	sdelay $0x1  }
0x99: {  	s19 =	simm.s32 $_scs_section_size  }
0x9a: {  	s4 =	simm.s32 $_size__tile_overlayer_lowered;
	s5 =	simm.s32 $_tile_overlayer_lowered  }
0x9b: {  	s22 =	simm.s32 $0x1BFF;
	s21 =	sshll.u32 s5, $0x1;
	s2 =	sadd.s32 s19, s18  }
0x9c: {  	s6 =	simm.s32 $0x0;
	s20 =	sshll.u32 s4, $0x1;
	s4 =	sadd.s32 s21, s2  }
0x9d: {  	[timem:s6], [sflag:s22] =	dma.local [hbm:s4], s20  }
0x9e: {  	_ =	swait.ge [sflag:s22], s20  }
0x9f: {  	s3 =	ssub.s32 $0x0, s20;
	[sflag:s22] =	ssyncset.done $0x0  }
0xa0: {  	[sflag:s22] =	ssyncadd.s32 s3;
	_ =	sdelay $0x1  }
0xa1: {  	s23 =	simm.s32 $0x1B8B  }
0xa2: {  	_ =	swait.ge [sflag:s23], $0x1  }
0xa3: {  	[sflag:s23] =	ssyncset.done $0x0  }
0xa4: {  	s25 =	simm.s32 $0x1B8E;
	s24 =	sld [smem:$0x3FFE];
	[sflag:s23] =	ssyncadd.s32 $0xFFFFFFFF  }
0xa5: {  	s26 =	simm.s32 $execute0_lowered;
	[smem:$0x3FD2] =	sst s25  }
0xa6: {  	s4 =	sshll.u32 s26, $0x1;
	_ =	strace $0x80000049;
	[dreg:$0x1] =	wrdreg $0xFFFFFFFF  }
0xa7: {  	s28 =	simm.s32 $_size_execute0_lowered;
	s2 =	sadd.s32 s2, s4;
	[dreg:$0x0] =	wrdreg $0x0  }
0xa8: {  	s4 =	sshll.u32 s28, $0x1;
	[dreg:$0x2] =	wrdreg s2  }
0xa9: {  	[dreg:$0x3] =	wrdreg s4  }
0xaa: {  	[dreg:$0x4] =	wrdreg $0xC0  }
0xab: {  	_ =	task [dreg:s6], $0x5FFFF  }
0xac: {  	[dreg:$0x1] =	wrdreg $0xFFFFFFFF  }
0xad: {  	[dreg:$0x0] =	wrdreg $0x60  }
0xae: {  	[dreg:$0x2] =	wrdreg s24  }
0xaf: {  	[dreg:$0x3] =	wrdreg $0xD0000  }
0xb0: {  	[dreg:$0x4] =	wrdreg $0x9  }
0xb1: {  	_ =	task.clear_ibuf [dreg:s6], $0x5FFFF;
	_ =	strace $0x90000049  }
0xb2: {  	s29 =	simm.s32 $0x9;
	_ =	strace $0x8000004B  }
0xb3: {  	_ =	swait.ge [sflag:s29], $0x1  }
0xb4: {  	[sflag:s29] =	ssyncadd.s32 $0xFFFFFFFF  }
0xb5: {  	_ =	strace $0x9000004B  }
0xb6: {  	_ =	sfence  }
0xb7: {  	s30 =	sld [smem:$0x0];
	_ =	sdelay $0x2  }
0xb8: {  	s31 =	sshll.u32 s1, $0xD;
	s1 =	sshrl.u32 s1, $0x2  }
0xb9: {  	s3 =	sand.u32 $0x4000, s31;
	s1 =	sadd.s32 s1, s30  }
0xba: {  	s0 =	sor.u32 s3, s0;
	s1 =	sshll.u32 s1, $0x11  }
0xbb: {  	s0 =	sor.u32 s1, s0  }
0xbc: {  	s0 =	sadd.s32 $0x8F2B, s0  }
0xbd: {  	[sflag:s0] =	ssyncadd.remote.s32 $0x1  }
0xbe: {  	_ =	sfence.sel $0xFFFF  }
0xbf: {  	[dreg:$0x0] =	wrdreg $0xFFFFFFFF;
	(pc) =	sbr.abs _section_cstart, $3  }
0xc0: {  	[dreg:$0x1] =	wrdreg $0xFFFFFFFF  }
0xc1: {  	_ =	task.clear_ibuf [dreg:s6], $0x2FFFF;
	_ =	strace $0x9FFFFFFF  }
0xc2: {  	(tm) =	ssettm $0x7FFFFFFF  }
0xc3: {  	_ =	shalt  }
tec
execute0_lowered:
.L_overlay_start_1:
0x0: {  	(tag) =	ssettag $0x1  }
0x1: {  	s0 =	srdreg.scid;
	s5 =	rddreg [dreg:$0x0]  }
0x2: {  	s1 =	rddreg [dreg:$0x1];
	s9 =	stileid.u32;
	s2 =	simm.s32 $0x0  }
0x3: {  	s11 =	simm.s32 $0x80;
	s12 =	simm.s32 $0x5000;
	s13 =	simm.s32 $0x7000  }
0x4: {  	s15 =	simm.s32 $0x9000;
	s17 =	simm.s32 $0x1;
	s19 =	simm.s32 $0xB000  }
0x5: {  	s20 =	simm.s32 $0x2;
	s22 =	simm.s32 $0x5;
	s24 =	simm.s32 $0x3  }
0x6: {  	s26 =	simm.s32 $0x6;
	s29 =	simm.s32 $0x4;
	s30 =	simm.s32 $0x2980  }
0x7: {  	s31 =	simm.s32 $0x7;
	s14 =	simm.s32 $0x8;
	s0 =	sand.u32 $0x1, s0  }
0x8: {  	s18 =	simm.s32 $0x0;
	[smem:$0x7FF] =	sst s2;
	s3 =	sshll.u32 s0, $0x4  }
0x9: {  	p0 =	sne.s32 s9, $0x0;
	s6 =	smul.u32 $0x14000, s0;
	s3 =	sor.u32 s9, s3  }
0xa: {  	_ =	strace $0x8000004A;
	s0 =	ssub.s32 $0x2, s0;
	s4 =	smul.u32 $0x500, s3  }
.Ltmp0:
0xb: {  	s16 =	sshrl.u32 @!p0 s1, $0x3;
	s8 =	sshrl.u32 s0, $0x1;
	(pc) =	sbr.rel .LBB2_1-.Ltmp0, $4  }
0xc: {  	s9 =	simm.s32 $0x9;
	s3 =	sadd.s32 $0x1B600, s5;
	s0 =	ssub.s32 s0, s8  }
0xd: {  	s10 =	sadd.s32 s6, s5;
	s8 =	smax.u32 s0, $0x1;
	s7 =	sadd.s32 s4, s5  }
0xe: {  	s0 =	simm.s32 $0x300;
	s4 =	sadd.s32 $0x2F600, s5;
	s5 =	sadd.s32 $0x11600, s7  }
0xf: {  	s6 =	sadd.s32 $0x7600, s7;
	s7 =	sadd.s32 $0x43600, s10;
	s10 =	simm.s32 $0x2800  }
.LBB2_4:
0x10: {  	_ =	swait.ge [sflag:s24], $0x2000  }
0x11: {  	[sflag:s24] =	ssyncset.done $0x0  }
0x12: {  	[sflag:s24] =	ssyncadd.s32 $0xFFFFE000  }
0x13: {  	[spmem:s1] =	stream.indirect.scatter.add.f32 [tilespmem:s15], [sflag:$0x7], $0x40, s25, s11, $0xb8;
	[tilespmem:$0x17000] =	vst v63  }
0x14: {  	_ =	swait.ge [sflag:s26], $0x2000  }
0x15: {  	[sflag:s26] =	ssyncset.done $0x0  }
0x16: {  	[sflag:s26] =	ssyncadd.s32 $0xFFFFE000  }
0x17: {  	_ =	swait.ge [sflag:s29], $0x2000  }
0x18: {  	[sflag:s29] =	ssyncset.done $0x0  }
0x19: {  	s21 =	sadd.s32 $0x2B80, s21;
	[sflag:s29] =	ssyncadd.s32 $0xFFFFE000  }
0x1a: {  	[spmem:s1] =	stream.indirect.scatter.add.f32 [tilespmem:s19], [sflag:$0x8], $0x40, s21, s11, $0xb8;
	[tilespmem:$0x17000] =	vst v63  }
0x1b: {  	_ =	swait.ge [sflag:s31], $0x2000  }
0x1c: {  	[sflag:s31] =	ssyncset.done $0x0  }
0x1d: {  	[sflag:s31] =	ssyncadd.s32 $0xFFFFE000  }
0x1e: {  	_ =	swait.ge [sflag:s14], $0x2000  }
0x1f: {  	[sflag:s14] =	ssyncset.done $0x0  }
0x20: {  	s18 =	sadd.s32 $0x1, s18;
	[sflag:s14] =	ssyncadd.s32 $0xFFFFE000  }
0x21: {  	p1 =	sne.s32 s18, s8;
	s21 =	simm.s32 @!p0 $0x1C09;
	[bflag:$0x0] =	sbarrier.arrive $0xFFFF  }
0x22: {  	[hbm:s7], [sflag:s21] =	dma.local @!p0 [spmem:s16], $0x14000  }
.Ltmp1:
0x23: {  	_ = 	snop;
	(pc) =	sbr.rel @!p1 .LBB2_5-.Ltmp1, $4  }
0x24: {  	s21 =	simm.s32 @!p0 $0x9  }
0x25: {  	_ =	swait.ge @!p0 [sflag:s21], $0x14000  }
0x26: {  	[sflag:s21] =	ssyncset.done @!p0 $0x0  }
0x27: {  	[sflag:s21] =	ssyncadd.s32 @!p0 $0xFFFEC000  }
.LBB2_1:
0x28: {  	[tilespmem:s2], [sflag:$0x9] =	stream.linear.gather [hbm4b:s5+s2], $0x2800, $0x38;
	[tilespmem:$0x17000] =	vst v63  }
0x29: {  	_ =	swait.ge [sflag:s9], $0x2800  }
0x2a: {  	[sflag:s9] =	ssyncset.done $0x0  }
0x2b: {  	[sflag:s9] =	ssyncadd.s32 $0xFFFFD800  }
0x2c: {  	[tilespmem:s10], [sflag:$0x9] =	stream.linear.gather [hbm4b:s6+s2], $0x2800, $0x38;
	[tilespmem:$0x17000] =	vst v63  }
0x2d: {  	_ =	swait.ge [sflag:s9], $0x2800  }
0x2e: {  	[sflag:s9] =	ssyncset.done $0x0  }
0x2f: {  	[sflag:s9] =	ssyncadd.s32 $0xFFFFD800  }
0x30: {  	[tilespmem:s12], [sflag:$0x1] =	stream.indirect.gather [hbm4b:s3+s11], $0x40, s2, s11, $0xb8;
	[tilespmem:$0x17000] =	vst v63  }
0x31: {  	_ = 	snop  }
0x32: {  	[tilespmem:s13], [sflag:$0x2] =	stream.indirect.gather [hbm4b:s3+s11], $0x40, s11, s11, $0xb8;
	[tilespmem:$0x17000] =	vst v63  }
0x33: {  	s21 =	simm.s32 $0x100  }
0x34: {  	[tilespmem:s15], [sflag:$0x3] =	stream.indirect.gather [hbm4b:s3+s11], $0x40, s21, s11, $0xb8;
	[tilespmem:$0x17000] =	vst v63  }
0x35: {  	s21 =	simm.s32 @!p0 $0x1C09  }
0x36: {  	[spmem:s16], [sflag:s21] =	dma.local @!p0 [hbm:s4], $0x14000  }
0x37: {  	s21 =	simm.s32 @!p0 $0x9  }
0x38: {  	_ =	swait.ge @!p0 [sflag:s21], $0x14000  }
0x39: {  	[sflag:s21] =	ssyncset.done @!p0 $0x0  }
0x3a: {  	[sflag:s21] =	ssyncadd.s32 @!p0 $0xFFFEC000  }
0x3b: {  	[bflag:$0x0] =	sbarrier.arrive $0xFFFF  }
0x3c: {  	_ =	swait.ge [sflag:s17], $0x2000  }
0x3d: {  	[sflag:s17] =	ssyncset.done $0x0  }
0x3e: {  	[sflag:s17] =	ssyncadd.s32 $0xFFFFE000  }
0x3f: {  	[spmem:s1] =	stream.indirect.scatter.add.f32 [tilespmem:s12], [sflag:$0x5], $0x40, s10, s11, $0xb8;
	[tilespmem:$0x17000] =	vst v63  }
0x40: {  	s25 =	simm.s32 $0x180  }
0x41: {  	[tilespmem:s19], [sflag:$0x4] =	stream.indirect.gather [hbm4b:s3+s11], $0x40, s25, s11, $0xb8;
	[tilespmem:$0x17000] =	vst v63  }
0x42: {  	_ =	swait.ge [sflag:s20], $0x2000  }
0x43: {  	[sflag:s20] =	ssyncset.done $0x0  }
0x44: {  	s28 =	simm.s32 $0x2880;
	[sflag:s20] =	ssyncadd.s32 $0xFFFFE000  }
0x45: {  	[spmem:s1] =	stream.indirect.scatter.add.f32 [tilespmem:s13], [sflag:$0x6], $0x40, s28, s11, $0xb8;
	[tilespmem:$0x17000] =	vst v63  }
0x46: {  	_ =	swait.ge [sflag:s22], $0x2000  }
0x47: {  	[sflag:s22] =	ssyncset.done $0x0  }
0x48: {  	s23 =	simm.s32 $0x200;
	[sflag:s22] =	ssyncadd.s32 $0xFFFFE000  }
0x49: {  	[tilespmem:s12], [sflag:$0x1] =	stream.indirect.gather [hbm4b:s3+s11], $0x40, s23, s11, $0xb8;
	[tilespmem:$0x17000] =	vst v63  }
0x4a: {  	_ =	swait.ge [sflag:s24], $0x2000  }
0x4b: {  	[sflag:s24] =	ssyncset.done $0x0  }
0x4c: {  	s25 =	simm.s32 $0x2900;
	[sflag:s24] =	ssyncadd.s32 $0xFFFFE000  }
0x4d: {  	[spmem:s1] =	stream.indirect.scatter.add.f32 [tilespmem:s15], [sflag:$0x7], $0x40, s25, s11, $0xb8;
	[tilespmem:$0x17000] =	vst v63  }
0x4e: {  	_ =	swait.ge [sflag:s26], $0x2000  }
0x4f: {  	[sflag:s26] =	ssyncset.done $0x0  }
0x50: {  	s28 =	simm.s32 $0x280;
	[sflag:s26] =	ssyncadd.s32 $0xFFFFE000  }
0x51: {  	[tilespmem:s13], [sflag:$0x2] =	stream.indirect.gather [hbm4b:s3+s11], $0x40, s28, s11, $0xb8;
	[tilespmem:$0x17000] =	vst v63  }
0x52: {  	_ =	swait.ge [sflag:s29], $0x2000  }
0x53: {  	[sflag:s29] =	ssyncset.done $0x0  }
0x54: {  	[sflag:s29] =	ssyncadd.s32 $0xFFFFE000  }
0x55: {  	[spmem:s1] =	stream.indirect.scatter.add.f32 [tilespmem:s19], [sflag:$0x8], $0x40, s30, s11, $0xb8;
	[tilespmem:$0x17000] =	vst v63  }
0x56: {  	_ =	swait.ge [sflag:s31], $0x2000  }
0x57: {  	[sflag:s31] =	ssyncset.done $0x0  }
0x58: {  	s23 =	simm.s32 $0x0;
	[sflag:s31] =	ssyncadd.s32 $0xFFFFE000  }
0x59: {  	[tilespmem:s15], [sflag:$0x3] =	stream.indirect.gather [hbm4b:s3+s11], $0x40, s0, s11, $0xb8;
	[tilespmem:$0x17000] =	vst v63  }
.LBB2_2:
0x5a: {  	_ =	swait.ge [sflag:s17], $0x2000  }
0x5b: {  	s21 =	sshra.s32 s23, $0x2;
	[sflag:s17] =	ssyncset.done $0x0  }
0x5c: {  	s25 =	sadd.s32 $0x2A00, s21;
	[sflag:s17] =	ssyncadd.s32 $0xFFFFE000  }
0x5d: {  	[spmem:s1] =	stream.indirect.scatter.add.f32 [tilespmem:s12], [sflag:$0x5], $0x40, s25, s11, $0xb8;
	[tilespmem:$0x17000] =	vst v63  }
0x5e: {  	_ =	swait.ge [sflag:s14], $0x2000  }
0x5f: {  	[sflag:s14] =	ssyncset.done $0x0  }
0x60: {  	s28 =	sadd.s32 $0x380, s21;
	[sflag:s14] =	ssyncadd.s32 $0xFFFFE000  }
0x61: {  	[tilespmem:s19], [sflag:$0x4] =	stream.indirect.gather [hbm4b:s3+s11], $0x40, s28, s11, $0xb8;
	[tilespmem:$0x17000] =	vst v63  }
0x62: {  	_ =	swait.ge [sflag:s20], $0x2000  }
0x63: {  	p1 =	seq.s32 s23, $0x9000;
	[sflag:s20] =	ssyncset.done $0x0  }
.Ltmp2:
0x64: {  	s28 =	sadd.s32 $0x2A80, s21;
	[sflag:s20] =	ssyncadd.s32 $0xFFFFE000;
	(pc) =	sbr.rel @p1 .LBB2_4-.Ltmp2, $4  }
0x65: {  	[spmem:s1] =	stream.indirect.scatter.add.f32 [tilespmem:s13], [sflag:$0x6], $0x40, s28, s11, $0xb8;
	[tilespmem:$0x17000] =	vst v63  }
0x66: {  	_ =	swait.ge [sflag:s22], $0x2000  }
0x67: {  	[sflag:s22] =	ssyncset.done $0x0  }
0x68: {  	s25 =	sadd.s32 $0x2B00, s21;
	[sflag:s22] =	ssyncadd.s32 $0xFFFFE000  }
0x69: {  	s28 =	sadd.s32 $0x400, s21  }
0x6a: {  	[tilespmem:s12], [sflag:$0x1] =	stream.indirect.gather [hbm4b:s3+s11], $0x40, s28, s11, $0xb8;
	[tilespmem:$0x17000] =	vst v63  }
0x6b: {  	_ =	swait.ge [sflag:s24], $0x2000  }
0x6c: {  	[sflag:s24] =	ssyncset.done $0x0  }
0x6d: {  	[sflag:s24] =	ssyncadd.s32 $0xFFFFE000  }
0x6e: {  	[spmem:s1] =	stream.indirect.scatter.add.f32 [tilespmem:s15], [sflag:$0x7], $0x40, s25, s11, $0xb8;
	[tilespmem:$0x17000] =	vst v63  }
0x6f: {  	_ =	swait.ge [sflag:s26], $0x2000  }
0x70: {  	[sflag:s26] =	ssyncset.done $0x0  }
0x71: {  	s28 =	sadd.s32 $0x480, s21;
	[sflag:s26] =	ssyncadd.s32 $0xFFFFE000  }
0x72: {  	[tilespmem:s13], [sflag:$0x2] =	stream.indirect.gather [hbm4b:s3+s11], $0x40, s28, s11, $0xb8;
	[tilespmem:$0x17000] =	vst v63  }
0x73: {  	_ =	swait.ge [sflag:s29], $0x2000  }
0x74: {  	[sflag:s29] =	ssyncset.done $0x0  }
0x75: {  	s28 =	sadd.s32 $0x2B80, s21;
	[sflag:s29] =	ssyncadd.s32 $0xFFFFE000  }
0x76: {  	[spmem:s1] =	stream.indirect.scatter.add.f32 [tilespmem:s19], [sflag:$0x8], $0x40, s28, s11, $0xb8;
	[tilespmem:$0x17000] =	vst v63  }
.Ltmp3:
0x77: {  	_ = 	snop;
	(pc) =	sbr.rel .LBB2_2-.Ltmp3, $4  }
0x78: {  	_ =	swait.ge [sflag:s31], $0x2000  }
0x79: {  	[sflag:s31] =	ssyncset.done $0x0  }
0x7a: {  	s23 =	sadd.s32 $0x800, s23;
	s28 =	sadd.s32 $0x500, s21;
	[sflag:s31] =	ssyncadd.s32 $0xFFFFE000  }
0x7b: {  	[tilespmem:s15], [sflag:$0x3] =	stream.indirect.gather [hbm4b:s3+s11], $0x40, s28, s11, $0xb8;
	[tilespmem:$0x17000] =	vst v63  }
.LBB2_5:
0x7c: {  	_ =	sfence.sel $0x180000  }
0x7d: {  	[bflag:$0x0] =	sbarrier.arrive $0xFFFF  }
0x7e: {  	_ =	strace $0x9000004A  }
0x7f: {  	[bflag:$0x2] =	sbarrier.arrive $0xFFFF  }
0x80: {  	s0 =	rddreg [dreg:$0x2]  }
0x81: {  	s0 =	sadd.s32 @!p0 $0x100000, s0  }
0x82: {  	[sflag:s0] =	ssyncadd.tile.s32 @!p0 $0x1;
	_ =	shalt  }
.Lfunc_end2:
_tile_overlayer_lowered:
.L_overlay_start_2:
0x83: {  	(tag) =	ssettag $0x2  }
0x84: {  	s0 =	rddreg [dreg:$0x0];
	s2 =	stileid.u32  }
0x85: {  	s1 =	rddreg [dreg:$0x1];
	p0 =	sne.s32 s2, $0x0  }
0x86: {  	s3 =	rddreg [dreg:$0x2];
	[bflag:$0x3] =	sbarrier.arrive $0xFFFF;
	s2 =	simm.s32 @!p0 $0x1C09  }
0x87: {  	[timem:s3], [sflag:s2] =	dma.local @!p0 [hbm:s0], s1  }
0x88: {  	s0 =	simm.s32 @!p0 $0x9  }
0x89: {  	_ =	swait.ge @!p0 [sflag:s0], s1  }
0x8a: {  	s1 =	ssub.s32 @!p0 $0x0, s1;
	[sflag:s0] =	ssyncset.done @!p0 $0x0  }
0x8b: {  	[sflag:s0] =	ssyncadd.s32 @!p0 s1  }
0x8c: {  	[bflag:$0x3] =	sbarrier.arrive $0xFFFF  }
0x8d: {  	_ =	shalt  }

// kernel: kernel.19.cloned.1.call-start
scs
__scs_entry_jumppad:
0x0: {  	(pc) =	sbr.rel $0x88, $3  }
0x1: {  	(tag) =	ssettag $0x0;
	lr =	simm.s32 $0x1  }
0x2: {  	[smem:$0x3F85] =	sst lr;
	_ =	strace $0xD0000000  }
0x3: {  	_ = 	snop  }
0x4: {  	_ = 	snop  }
0x5: {  	_ = 	snop  }
0x6: {  	_ = 	snop  }
0x7: {  	_ = 	snop  }
__scs_overlays_trampoline_lowered:
0x8: {  	[smem:$0x3F94] =	sst s0  }
0x9: {  	[smem:$0x3F95] =	sst s1  }
0xa: {  	[smem:$0x3F96] =	sst s2  }
0xb: {  	[smem:$0x3F97] =	sst s3  }
0xc: {  	[smem:$0x3F98] =	sst s4  }
0xd: {  	[smem:$0x3F99] =	sst s5  }
0xe: {  	[smem:$0x3F9A] =	sst s6  }
0xf: {  	[smem:$0x3F9B] =	sst s7  }
0x10: {  	[smem:$0x3F9C] =	sst s8  }
0x11: {  	[smem:$0x3F9D] =	sst s9;
	s0 =	simm.s32 @!p0 $0x0  }
0x12: {  	s1 =	sld [smem:$0x3F83];
	s0 =	simm.s32 @p0 $0x1  }
0x13: {  	[smem:$0x3F9E] =	sst s0;
	s0 =	simm.s32 @!p1 $0x0  }
0x14: {  	s2 =	sld [smem:$0x3F82];
	s0 =	simm.s32 @p1 $0x1  }
0x15: {  	[smem:$0x3F9F] =	sst s0;
	s0 =	simm.s32 @!p2 $0x0  }
0x16: {  	s3 =	sld [smem:$0x3FDB];
	s0 =	simm.s32 @p2 $0x1  }
0x17: {  	s4 =	simm.s32 $0x1BF5;
	[smem:$0x3FA1] =	sst s0  }
0x18: {  	s0 =	sld [smem:$0x3F84];
	_ =	swait.ge [sflag:s4], $0x0  }
0x19: {  	s7 =	sld [smem:$0x3F85]  }
0x1a: {  	s8 =	sadd.s32 $0xFFFFE003, lr  }
0x1b: {  	s9 =	sadd.s32 $0xFFFFFEF7, lr;
	s5 =	simm.s32 $0xFFFFFFFF;
	p2 =	slt.u32 s8, $0xFFFFF086  }
0x1c: {  	p1 =	slt.u32 s9, $0xF7A;
	s5 =	simm.s32 @!p2 $0x0  }
0x1d: {  	s5 =	simm.s32 @p1 $0x1;
	p0 =	seq.s32 s7, s2  }
0x1e: {  	s7 =	smul.u32 @!p0 $0xF7A, s2;
	p2 =	seq.s32 @!p0 s5, $0x0  }
0x1f: {  	s9 =	smul.u32 $0xF7A, s1;
	s8 =	simm.s32 @!p0 $0x1BF5;
	p2 =	por !p2, p0  }
0x20: {  	[sflag:s8] =	ssyncset.s32 @!p0 $0xFFFFF086;
	s6 =	sadd.s32 @!p0 s3, s7;
	s7 =	simm.s32 @!p0 $0x108  }
0x21: {  	s3 =	sadd.s32 s3, s9;
	s6 =	sadd.s32 @!p0 $0x88, s6;
	s7 =	simm.s32 @p2 $0x1082  }
0x22: {  	[simem:s7], [sflag:s8] =	dma.local @!p0 [hbm:s6], $0xF7A  }
0x23: {  	s9 =	sor.u32 $0xD0000000, s2;
	s6 =	simm.s32 $0x108;
	_ =	swait.ge @!p0 [sflag:s8], $0x0  }
0x24: {  	s3 =	sadd.s32 $0x88, s3;
	s6 =	simm.s32 @!p1 $0x1082;
	[sflag:s4] =	ssyncset.s32 $0xFFFFF086  }
0x25: {  	[simem:s6], [sflag:s4] =	dma.local [hbm:s3], $0xF7A  }
0x26: {  	[smem:$0x3F85] =	sst s1;
	(tag) =	ssettag s2;
	_ =	strace s9  }
0x27: {  	s1 =	sld [smem:$0x3F95]  }
0x28: {  	s2 =	sld [smem:$0x3F96]  }
0x29: {  	s4 =	sld [smem:$0x3F98]  }
0x2a: {  	p0 =	seq.s32 s5, $0x0;
	s5 =	sld [smem:$0x3F99]  }
0x2b: {  	s6 =	sld [smem:$0x3F9A]  }
0x2c: {  	s7 =	sld [smem:$0x3F9B]  }
0x2d: {  	s3 =	simm.s32 $0x108;
	s8 =	sld [smem:$0x3F9C]  }
0x2e: {  	s3 =	simm.s32 @!p0 $0x1082;
	s9 =	sld [smem:$0x3F9D]  }
0x2f: {  	lr =	sadd.s32 s0, s3;
	s0 =	sld [smem:$0x3F94]  }
0x30: {  	s3 =	sld [smem:$0x3F97]  }
0x31: {  	[smem:$0x3FA0] =	sst s10  }
0x32: {  	s10 =	sld [smem:$0x3F9E];
	_ =	sdelay $0x3  }
0x33: {  	p0 =	seq.s32 s10, $0x1;
	s10 =	sld [smem:$0x3FA0];
	_ =	sdelay $0x3  }
0x34: {  	[smem:$0x3FA0] =	sst s10  }
0x35: {  	s10 =	sld [smem:$0x3F9F];
	_ =	sdelay $0x3  }
0x36: {  	p1 =	seq.s32 s10, $0x1;
	s10 =	sld [smem:$0x3FA0];
	_ =	sdelay $0x3  }
0x37: {  	[smem:$0x3FA0] =	sst s10  }
0x38: {  	s10 =	sld [smem:$0x3FA1]  }
0x39: {  	_ = 	snop;
	(pc) =	sbr.ind lr, $3  }
0x3a: {  	_ = 	snop  }
0x3b: {  	_ = 	snop  }
0x3c: {  	p2 =	seq.s32 s10, $0x1;
	s10 =	sld [smem:$0x3FA0]  }
0x3d: {  	_ =	shalt  }
0x3e: {  	_ =	shalt  }
0x3f: {  	_ =	shalt  }
0x40: {  	_ =	shalt  }
0x41: {  	_ =	shalt  }
0x42: {  	_ =	shalt  }
0x43: {  	_ =	shalt  }
0x44: {  	_ =	shalt  }
0x45: {  	_ =	shalt  }
0x46: {  	_ =	shalt  }
0x47: {  	_ =	shalt  }
0x48: {  	_ =	shalt  }
0x49: {  	_ =	shalt  }
0x4a: {  	_ =	shalt  }
0x4b: {  	_ =	shalt  }
0x4c: {  	_ =	shalt  }
0x4d: {  	_ =	shalt  }
0x4e: {  	_ =	shalt  }
0x4f: {  	_ =	shalt  }
0x50: {  	_ =	shalt  }
0x51: {  	_ =	shalt  }
0x52: {  	_ =	shalt  }
0x53: {  	_ =	shalt  }
0x54: {  	_ =	shalt  }
0x55: {  	_ =	shalt  }
0x56: {  	_ =	shalt  }
0x57: {  	_ =	shalt  }
0x58: {  	_ =	shalt  }
0x59: {  	_ =	shalt  }
0x5a: {  	_ =	shalt  }
0x5b: {  	_ =	shalt  }
0x5c: {  	_ =	shalt  }
0x5d: {  	_ =	shalt  }
0x5e: {  	_ =	shalt  }
0x5f: {  	_ =	shalt  }
0x60: {  	_ =	shalt  }
0x61: {  	_ =	shalt  }
0x62: {  	_ =	shalt  }
0x63: {  	_ =	shalt  }
0x64: {  	_ =	shalt  }
0x65: {  	_ =	shalt  }
0x66: {  	_ =	shalt  }
0x67: {  	_ =	shalt  }
0x68: {  	_ =	shalt  }
0x69: {  	_ =	shalt  }
0x6a: {  	_ =	shalt  }
0x6b: {  	_ =	shalt  }
0x6c: {  	_ =	shalt  }
0x6d: {  	_ =	shalt  }
0x6e: {  	_ =	shalt  }
0x6f: {  	_ =	shalt  }
0x70: {  	_ =	shalt  }
0x71: {  	_ =	shalt  }
0x72: {  	_ =	shalt  }
0x73: {  	_ =	shalt  }
0x74: {  	_ =	shalt  }
0x75: {  	_ =	shalt  }
0x76: {  	_ =	shalt  }
0x77: {  	_ =	shalt  }
0x78: {  	_ =	shalt  }
0x79: {  	_ =	shalt  }
0x7a: {  	_ =	shalt  }
0x7b: {  	_ =	shalt  }
0x7c: {  	_ =	shalt  }
0x7d: {  	_ =	shalt  }
0x7e: {  	_ =	shalt  }
0x7f: {  	_ =	shalt  }
0x80: {  	_ =	shalt  }
0x81: {  	_ =	shalt  }
0x82: {  	_ =	shalt  }
0x83: {  	_ =	shalt  }
0x84: {  	_ =	shalt  }
0x85: {  	_ =	shalt  }
0x86: {  	_ =	shalt  }
0x87: {  	_ =	shalt  }
.Lfunc_end0:
.L_simem_size_0:
called_computation.2_lowered:
.L_overlay_start_0:
0x88: {  	s2 =	sld [smem:$0x3FD9]  }
0x89: {  	s3 =	sld [smem:$0x3FFE];
	_ =	sdelay $0x1  }
0x8a: {  	s1 =	srdreg.scid  }
0x8b: {  	s0 =	sand.u32 $0x1, s1  }
0x8c: {  	s16 =	sshll.u32 s0, $0xA;
	s2 =	sadd.s32 s3, s2  }
0x8d: {  	s2 =	sadd.s32 s2, s16  }
0x8e: {  	[smem:$0x3FAC] =	sst s2  }
0x8f: {  	_ = 	snop  }
0x90: {  	(tm) =	ssettm $0x1  }
0x91: {  	s17 =	sld [smem:$0x3FFB];
	_ =	sdelay $0x3  }
0x92: {  	_ =	strace s17  }
0x93: {  	s2 =	sld [smem:$0x3FFC];
	_ =	sdelay $0x3  }
0x94: {  	_ =	strace s2  }
0x95: {  	s2 =	sld [smem:$0x3FFD];
	_ =	sdelay $0x3  }
0x96: {  	_ =	strace s2  }
0x97: {  	_ =	strace $0x8FFFFFFF  }
0x98: {  	s18 =	sld [smem:$0x3FDB];
	_ =	sdelay $0x1  }
0x99: {  	s19 =	simm.s32 $_scs_section_size  }
0x9a: {  	s4 =	simm.s32 $_size__tile_overlayer_lowered;
	s5 =	simm.s32 $_tile_overlayer_lowered  }
0x9b: {  	s22 =	simm.s32 $0x1BFF;
	s21 =	sshll.u32 s5, $0x1;
	s2 =	sadd.s32 s19, s18  }
0x9c: {  	s6 =	simm.s32 $0x0;
	s20 =	sshll.u32 s4, $0x1;
	s4 =	sadd.s32 s21, s2  }
0x9d: {  	[timem:s6], [sflag:s22] =	dma.local [hbm:s4], s20  }
0x9e: {  	_ =	swait.ge [sflag:s22], s20  }
0x9f: {  	s3 =	ssub.s32 $0x0, s20;
	[sflag:s22] =	ssyncset.done $0x0  }
0xa0: {  	[sflag:s22] =	ssyncadd.s32 s3;
	_ =	sdelay $0x1  }
0xa1: {  	s23 =	simm.s32 $0x1B8B  }
0xa2: {  	_ =	swait.ge [sflag:s23], $0x1  }
0xa3: {  	[sflag:s23] =	ssyncset.done $0x0  }
0xa4: {  	s25 =	simm.s32 $0x1B8E;
	s24 =	sld [smem:$0x3FFE];
	[sflag:s23] =	ssyncadd.s32 $0xFFFFFFFF  }
0xa5: {  	s26 =	simm.s32 $execute0_lowered;
	[smem:$0x3FD2] =	sst s25  }
0xa6: {  	s4 =	sshll.u32 s26, $0x1;
	_ =	strace $0x8000004C;
	[dreg:$0x1] =	wrdreg $0xFFFFFFFF  }
0xa7: {  	s28 =	simm.s32 $_size_execute0_lowered;
	s2 =	sadd.s32 s2, s4;
	[dreg:$0x0] =	wrdreg $0x0  }
0xa8: {  	s4 =	sshll.u32 s28, $0x1;
	[dreg:$0x2] =	wrdreg s2  }
0xa9: {  	[dreg:$0x3] =	wrdreg s4  }
0xaa: {  	[dreg:$0x4] =	wrdreg $0xC0  }
0xab: {  	_ =	task [dreg:s6], $0x5FFFF  }
0xac: {  	[dreg:$0x1] =	wrdreg $0xFFFFFFFF  }
0xad: {  	[dreg:$0x0] =	wrdreg $0x60  }
0xae: {  	[dreg:$0x2] =	wrdreg s24  }
0xaf: {  	[dreg:$0x3] =	wrdreg $0xD0000  }
0xb0: {  	[dreg:$0x4] =	wrdreg $0x9  }
0xb1: {  	_ =	task.clear_ibuf [dreg:s6], $0x5FFFF;
	_ =	strace $0x9000004C  }
0xb2: {  	s29 =	simm.s32 $0x9;
	_ =	strace $0x8000004E  }
0xb3: {  	_ =	swait.ge [sflag:s29], $0x1  }
0xb4: {  	[sflag:s29] =	ssyncadd.s32 $0xFFFFFFFF  }
0xb5: {  	_ =	strace $0x9000004E  }
0xb6: {  	_ =	sfence  }
0xb7: {  	s30 =	sld [smem:$0x0];
	_ =	sdelay $0x2  }
0xb8: {  	s31 =	sshll.u32 s1, $0xD;
	s1 =	sshrl.u32 s1, $0x2  }
0xb9: {  	s3 =	sand.u32 $0x4000, s31;
	s1 =	sadd.s32 s1, s30  }
0xba: {  	s0 =	sor.u32 s3, s0;
	s1 =	sshll.u32 s1, $0x11  }
0xbb: {  	s0 =	sor.u32 s1, s0  }
0xbc: {  	s0 =	sadd.s32 $0x8F2B, s0  }
0xbd: {  	[sflag:s0] =	ssyncadd.remote.s32 $0x1  }
0xbe: {  	_ =	sfence.sel $0xFFFF  }
0xbf: {  	[dreg:$0x0] =	wrdreg $0xFFFFFFFF;
	(pc) =	sbr.abs _section_cstart, $3  }
0xc0: {  	[dreg:$0x1] =	wrdreg $0xFFFFFFFF  }
0xc1: {  	_ =	task.clear_ibuf [dreg:s6], $0x2FFFF;
	_ =	strace $0x9FFFFFFF  }
0xc2: {  	(tm) =	ssettm $0x7FFFFFFF  }
0xc3: {  	_ =	shalt  }
tec
execute0_lowered:
.L_overlay_start_1:
0x0: {  	(tag) =	ssettag $0x1  }
0x1: {  	s0 =	srdreg.scid;
	s5 =	rddreg [dreg:$0x0]  }
0x2: {  	s1 =	rddreg [dreg:$0x1];
	s9 =	stileid.u32;
	s2 =	simm.s32 $0x0  }
0x3: {  	s11 =	simm.s32 $0x80;
	s12 =	simm.s32 $0x5000;
	s13 =	simm.s32 $0x7000  }
0x4: {  	s15 =	simm.s32 $0x9000;
	s17 =	simm.s32 $0x1;
	s19 =	simm.s32 $0xB000  }
0x5: {  	s20 =	simm.s32 $0x2;
	s22 =	simm.s32 $0x5;
	s24 =	simm.s32 $0x3  }
0x6: {  	s26 =	simm.s32 $0x6;
	s29 =	simm.s32 $0x4;
	s30 =	simm.s32 $0x2980  }
0x7: {  	s31 =	simm.s32 $0x7;
	s14 =	simm.s32 $0x8;
	s0 =	sand.u32 $0x1, s0  }
0x8: {  	s18 =	simm.s32 $0x0;
	[smem:$0x7FF] =	sst s2;
	s3 =	sshll.u32 s0, $0x4  }
0x9: {  	p0 =	sne.s32 s9, $0x0;
	s6 =	smul.u32 $0x14000, s0;
	s3 =	sor.u32 s9, s3  }
0xa: {  	_ =	strace $0x8000004D;
	s0 =	ssub.s32 $0x2, s0;
	s4 =	smul.u32 $0x500, s3  }
.Ltmp0:
0xb: {  	s16 =	sshrl.u32 @!p0 s1, $0x3;
	s8 =	sshrl.u32 s0, $0x1;
	(pc) =	sbr.rel .LBB2_1-.Ltmp0, $4  }
0xc: {  	s9 =	simm.s32 $0x9;
	s3 =	sadd.s32 $0x1B600, s5;
	s0 =	ssub.s32 s0, s8  }
0xd: {  	s10 =	sadd.s32 s6, s5;
	s8 =	smax.u32 s0, $0x1;
	s7 =	sadd.s32 s4, s5  }
0xe: {  	s0 =	simm.s32 $0x300;
	s4 =	sadd.s32 $0x2F600, s5;
	s5 =	sadd.s32 $0x11600, s7  }
0xf: {  	s6 =	sadd.s32 $0x7600, s7;
	s7 =	sadd.s32 $0x43600, s10;
	s10 =	simm.s32 $0x2800  }
.LBB2_4:
0x10: {  	_ =	swait.ge [sflag:s24], $0x2000  }
0x11: {  	[sflag:s24] =	ssyncset.done $0x0  }
0x12: {  	[sflag:s24] =	ssyncadd.s32 $0xFFFFE000  }
0x13: {  	[spmem:s1] =	stream.indirect.scatter.add.f32 [tilespmem:s15], [sflag:$0x7], $0x40, s25, s11, $0xb8;
	[tilespmem:$0x17000] =	vst v63  }
0x14: {  	_ =	swait.ge [sflag:s26], $0x2000  }
0x15: {  	[sflag:s26] =	ssyncset.done $0x0  }
0x16: {  	[sflag:s26] =	ssyncadd.s32 $0xFFFFE000  }
0x17: {  	_ =	swait.ge [sflag:s29], $0x2000  }
0x18: {  	[sflag:s29] =	ssyncset.done $0x0  }
0x19: {  	s21 =	sadd.s32 $0x2B80, s21;
	[sflag:s29] =	ssyncadd.s32 $0xFFFFE000  }
0x1a: {  	[spmem:s1] =	stream.indirect.scatter.add.f32 [tilespmem:s19], [sflag:$0x8], $0x40, s21, s11, $0xb8;
	[tilespmem:$0x17000] =	vst v63  }
0x1b: {  	_ =	swait.ge [sflag:s31], $0x2000  }
0x1c: {  	[sflag:s31] =	ssyncset.done $0x0  }
0x1d: {  	[sflag:s31] =	ssyncadd.s32 $0xFFFFE000  }
0x1e: {  	_ =	swait.ge [sflag:s14], $0x2000  }
0x1f: {  	[sflag:s14] =	ssyncset.done $0x0  }
0x20: {  	s18 =	sadd.s32 $0x1, s18;
	[sflag:s14] =	ssyncadd.s32 $0xFFFFE000  }
0x21: {  	p1 =	sne.s32 s18, s8;
	s21 =	simm.s32 @!p0 $0x1C09;
	[bflag:$0x0] =	sbarrier.arrive $0xFFFF  }
0x22: {  	[hbm:s7], [sflag:s21] =	dma.local @!p0 [spmem:s16], $0x14000  }
.Ltmp1:
0x23: {  	_ = 	snop;
	(pc) =	sbr.rel @!p1 .LBB2_5-.Ltmp1, $4  }
0x24: {  	s21 =	simm.s32 @!p0 $0x9  }
0x25: {  	_ =	swait.ge @!p0 [sflag:s21], $0x14000  }
0x26: {  	[sflag:s21] =	ssyncset.done @!p0 $0x0  }
0x27: {  	[sflag:s21] =	ssyncadd.s32 @!p0 $0xFFFEC000  }
.LBB2_1:
0x28: {  	[tilespmem:s2], [sflag:$0x9] =	stream.linear.gather [hbm4b:s5+s2], $0x2800, $0x38;
	[tilespmem:$0x17000] =	vst v63  }
0x29: {  	_ =	swait.ge [sflag:s9], $0x2800  }
0x2a: {  	[sflag:s9] =	ssyncset.done $0x0  }
0x2b: {  	[sflag:s9] =	ssyncadd.s32 $0xFFFFD800  }
0x2c: {  	[tilespmem:s10], [sflag:$0x9] =	stream.linear.gather [hbm4b:s6+s2], $0x2800, $0x38;
	[tilespmem:$0x17000] =	vst v63  }
0x2d: {  	_ =	swait.ge [sflag:s9], $0x2800  }
0x2e: {  	[sflag:s9] =	ssyncset.done $0x0  }
0x2f: {  	[sflag:s9] =	ssyncadd.s32 $0xFFFFD800  }
0x30: {  	[tilespmem:s12], [sflag:$0x1] =	stream.indirect.gather [hbm4b:s3+s11], $0x40, s2, s11, $0xb8;
	[tilespmem:$0x17000] =	vst v63  }
0x31: {  	_ = 	snop  }
0x32: {  	[tilespmem:s13], [sflag:$0x2] =	stream.indirect.gather [hbm4b:s3+s11], $0x40, s11, s11, $0xb8;
	[tilespmem:$0x17000] =	vst v63  }
0x33: {  	s21 =	simm.s32 $0x100  }
0x34: {  	[tilespmem:s15], [sflag:$0x3] =	stream.indirect.gather [hbm4b:s3+s11], $0x40, s21, s11, $0xb8;
	[tilespmem:$0x17000] =	vst v63  }
0x35: {  	s21 =	simm.s32 @!p0 $0x1C09  }
0x36: {  	[spmem:s16], [sflag:s21] =	dma.local @!p0 [hbm:s4], $0x14000  }
0x37: {  	s21 =	simm.s32 @!p0 $0x9  }
0x38: {  	_ =	swait.ge @!p0 [sflag:s21], $0x14000  }
0x39: {  	[sflag:s21] =	ssyncset.done @!p0 $0x0  }
0x3a: {  	[sflag:s21] =	ssyncadd.s32 @!p0 $0xFFFEC000  }
0x3b: {  	[bflag:$0x0] =	sbarrier.arrive $0xFFFF  }
0x3c: {  	_ =	swait.ge [sflag:s17], $0x2000  }
0x3d: {  	[sflag:s17] =	ssyncset.done $0x0  }
0x3e: {  	[sflag:s17] =	ssyncadd.s32 $0xFFFFE000  }
0x3f: {  	[spmem:s1] =	stream.indirect.scatter.add.f32 [tilespmem:s12], [sflag:$0x5], $0x40, s10, s11, $0xb8;
	[tilespmem:$0x17000] =	vst v63  }
0x40: {  	s25 =	simm.s32 $0x180  }
0x41: {  	[tilespmem:s19], [sflag:$0x4] =	stream.indirect.gather [hbm4b:s3+s11], $0x40, s25, s11, $0xb8;
	[tilespmem:$0x17000] =	vst v63  }
0x42: {  	_ =	swait.ge [sflag:s20], $0x2000  }
0x43: {  	[sflag:s20] =	ssyncset.done $0x0  }
0x44: {  	s28 =	simm.s32 $0x2880;
	[sflag:s20] =	ssyncadd.s32 $0xFFFFE000  }
0x45: {  	[spmem:s1] =	stream.indirect.scatter.add.f32 [tilespmem:s13], [sflag:$0x6], $0x40, s28, s11, $0xb8;
	[tilespmem:$0x17000] =	vst v63  }
0x46: {  	_ =	swait.ge [sflag:s22], $0x2000  }
0x47: {  	[sflag:s22] =	ssyncset.done $0x0  }
0x48: {  	s23 =	simm.s32 $0x200;
	[sflag:s22] =	ssyncadd.s32 $0xFFFFE000  }
0x49: {  	[tilespmem:s12], [sflag:$0x1] =	stream.indirect.gather [hbm4b:s3+s11], $0x40, s23, s11, $0xb8;
	[tilespmem:$0x17000] =	vst v63  }
0x4a: {  	_ =	swait.ge [sflag:s24], $0x2000  }
0x4b: {  	[sflag:s24] =	ssyncset.done $0x0  }
0x4c: {  	s25 =	simm.s32 $0x2900;
	[sflag:s24] =	ssyncadd.s32 $0xFFFFE000  }
0x4d: {  	[spmem:s1] =	stream.indirect.scatter.add.f32 [tilespmem:s15], [sflag:$0x7], $0x40, s25, s11, $0xb8;
	[tilespmem:$0x17000] =	vst v63  }
0x4e: {  	_ =	swait.ge [sflag:s26], $0x2000  }
0x4f: {  	[sflag:s26] =	ssyncset.done $0x0  }
0x50: {  	s28 =	simm.s32 $0x280;
	[sflag:s26] =	ssyncadd.s32 $0xFFFFE000  }
0x51: {  	[tilespmem:s13], [sflag:$0x2] =	stream.indirect.gather [hbm4b:s3+s11], $0x40, s28, s11, $0xb8;
	[tilespmem:$0x17000] =	vst v63  }
0x52: {  	_ =	swait.ge [sflag:s29], $0x2000  }
0x53: {  	[sflag:s29] =	ssyncset.done $0x0  }
0x54: {  	[sflag:s29] =	ssyncadd.s32 $0xFFFFE000  }
0x55: {  	[spmem:s1] =	stream.indirect.scatter.add.f32 [tilespmem:s19], [sflag:$0x8], $0x40, s30, s11, $0xb8;
	[tilespmem:$0x17000] =	vst v63  }
0x56: {  	_ =	swait.ge [sflag:s31], $0x2000  }
0x57: {  	[sflag:s31] =	ssyncset.done $0x0  }
0x58: {  	s23 =	simm.s32 $0x0;
	[sflag:s31] =	ssyncadd.s32 $0xFFFFE000  }
0x59: {  	[tilespmem:s15], [sflag:$0x3] =	stream.indirect.gather [hbm4b:s3+s11], $0x40, s0, s11, $0xb8;
	[tilespmem:$0x17000] =	vst v63  }
.LBB2_2:
0x5a: {  	_ =	swait.ge [sflag:s17], $0x2000  }
0x5b: {  	s21 =	sshra.s32 s23, $0x2;
	[sflag:s17] =	ssyncset.done $0x0  }
0x5c: {  	s25 =	sadd.s32 $0x2A00, s21;
	[sflag:s17] =	ssyncadd.s32 $0xFFFFE000  }
0x5d: {  	[spmem:s1] =	stream.indirect.scatter.add.f32 [tilespmem:s12], [sflag:$0x5], $0x40, s25, s11, $0xb8;
	[tilespmem:$0x17000] =	vst v63  }
0x5e: {  	_ =	swait.ge [sflag:s14], $0x2000  }
0x5f: {  	[sflag:s14] =	ssyncset.done $0x0  }
0x60: {  	s28 =	sadd.s32 $0x380, s21;
	[sflag:s14] =	ssyncadd.s32 $0xFFFFE000  }
0x61: {  	[tilespmem:s19], [sflag:$0x4] =	stream.indirect.gather [hbm4b:s3+s11], $0x40, s28, s11, $0xb8;
	[tilespmem:$0x17000] =	vst v63  }
0x62: {  	_ =	swait.ge [sflag:s20], $0x2000  }
0x63: {  	p1 =	seq.s32 s23, $0x9000;
	[sflag:s20] =	ssyncset.done $0x0  }
.Ltmp2:
0x64: {  	s28 =	sadd.s32 $0x2A80, s21;
	[sflag:s20] =	ssyncadd.s32 $0xFFFFE000;
	(pc) =	sbr.rel @p1 .LBB2_4-.Ltmp2, $4  }
0x65: {  	[spmem:s1] =	stream.indirect.scatter.add.f32 [tilespmem:s13], [sflag:$0x6], $0x40, s28, s11, $0xb8;
	[tilespmem:$0x17000] =	vst v63  }
0x66: {  	_ =	swait.ge [sflag:s22], $0x2000  }
0x67: {  	[sflag:s22] =	ssyncset.done $0x0  }
0x68: {  	s25 =	sadd.s32 $0x2B00, s21;
	[sflag:s22] =	ssyncadd.s32 $0xFFFFE000  }
0x69: {  	s28 =	sadd.s32 $0x400, s21  }
0x6a: {  	[tilespmem:s12], [sflag:$0x1] =	stream.indirect.gather [hbm4b:s3+s11], $0x40, s28, s11, $0xb8;
	[tilespmem:$0x17000] =	vst v63  }
0x6b: {  	_ =	swait.ge [sflag:s24], $0x2000  }
0x6c: {  	[sflag:s24] =	ssyncset.done $0x0  }
0x6d: {  	[sflag:s24] =	ssyncadd.s32 $0xFFFFE000  }
0x6e: {  	[spmem:s1] =	stream.indirect.scatter.add.f32 [tilespmem:s15], [sflag:$0x7], $0x40, s25, s11, $0xb8;
	[tilespmem:$0x17000] =	vst v63  }
0x6f: {  	_ =	swait.ge [sflag:s26], $0x2000  }
0x70: {  	[sflag:s26] =	ssyncset.done $0x0  }
0x71: {  	s28 =	sadd.s32 $0x480, s21;
	[sflag:s26] =	ssyncadd.s32 $0xFFFFE000  }
0x72: {  	[tilespmem:s13], [sflag:$0x2] =	stream.indirect.gather [hbm4b:s3+s11], $0x40, s28, s11, $0xb8;
	[tilespmem:$0x17000] =	vst v63  }
0x73: {  	_ =	swait.ge [sflag:s29], $0x2000  }
0x74: {  	[sflag:s29] =	ssyncset.done $0x0  }
0x75: {  	s28 =	sadd.s32 $0x2B80, s21;
	[sflag:s29] =	ssyncadd.s32 $0xFFFFE000  }
0x76: {  	[spmem:s1] =	stream.indirect.scatter.add.f32 [tilespmem:s19], [sflag:$0x8], $0x40, s28, s11, $0xb8;
	[tilespmem:$0x17000] =	vst v63  }
.Ltmp3:
0x77: {  	_ = 	snop;
	(pc) =	sbr.rel .LBB2_2-.Ltmp3, $4  }
0x78: {  	_ =	swait.ge [sflag:s31], $0x2000  }
0x79: {  	[sflag:s31] =	ssyncset.done $0x0  }
0x7a: {  	s23 =	sadd.s32 $0x800, s23;
	s28 =	sadd.s32 $0x500, s21;
	[sflag:s31] =	ssyncadd.s32 $0xFFFFE000  }
0x7b: {  	[tilespmem:s15], [sflag:$0x3] =	stream.indirect.gather [hbm4b:s3+s11], $0x40, s28, s11, $0xb8;
	[tilespmem:$0x17000] =	vst v63  }
.LBB2_5:
0x7c: {  	_ =	sfence.sel $0x180000  }
0x7d: {  	[bflag:$0x0] =	sbarrier.arrive $0xFFFF  }
0x7e: {  	_ =	strace $0x9000004D  }
0x7f: {  	[bflag:$0x2] =	sbarrier.arrive $0xFFFF  }
0x80: {  	s0 =	rddreg [dreg:$0x2]  }
0x81: {  	s0 =	sadd.s32 @!p0 $0x100000, s0  }
0x82: {  	[sflag:s0] =	ssyncadd.tile.s32 @!p0 $0x1;
	_ =	shalt  }
.Lfunc_end2:
_tile_overlayer_lowered:
.L_overlay_start_2:
0x83: {  	(tag) =	ssettag $0x2  }
0x84: {  	s0 =	rddreg [dreg:$0x0];
	s2 =	stileid.u32  }
0x85: {  	s1 =	rddreg [dreg:$0x1];
	p0 =	sne.s32 s2, $0x0  }
0x86: {  	s3 =	rddreg [dreg:$0x2];
	[bflag:$0x3] =	sbarrier.arrive $0xFFFF;
	s2 =	simm.s32 @!p0 $0x1C09  }
0x87: {  	[timem:s3], [sflag:s2] =	dma.local @!p0 [hbm:s0], s1  }
0x88: {  	s0 =	simm.s32 @!p0 $0x9  }
0x89: {  	_ =	swait.ge @!p0 [sflag:s0], s1  }
0x8a: {  	s1 =	ssub.s32 @!p0 $0x0, s1;
	[sflag:s0] =	ssyncset.done @!p0 $0x0  }
0x8b: {  	[sflag:s0] =	ssyncadd.s32 @!p0 s1  }
0x8c: {  	[bflag:$0x3] =	sbarrier.arrive $0xFFFF  }
0x8d: {  	_ =	shalt  }

// kernel: kernel.22.cloned.1.call-start
scs
__scs_entry_jumppad:
0x0: {  	(pc) =	sbr.rel $0x88, $3  }
0x1: {  	(tag) =	ssettag $0x0;
	lr =	simm.s32 $0x1  }
0x2: {  	[smem:$0x3F85] =	sst lr;
	_ =	strace $0xD0000000  }
0x3: {  	_ = 	snop  }
0x4: {  	_ = 	snop  }
0x5: {  	_ = 	snop  }
0x6: {  	_ = 	snop  }
0x7: {  	_ = 	snop  }
__scs_overlays_trampoline_lowered:
0x8: {  	[smem:$0x3F94] =	sst s0  }
0x9: {  	[smem:$0x3F95] =	sst s1  }
0xa: {  	[smem:$0x3F96] =	sst s2  }
0xb: {  	[smem:$0x3F97] =	sst s3  }
0xc: {  	[smem:$0x3F98] =	sst s4  }
0xd: {  	[smem:$0x3F99] =	sst s5  }
0xe: {  	[smem:$0x3F9A] =	sst s6  }
0xf: {  	[smem:$0x3F9B] =	sst s7  }
0x10: {  	[smem:$0x3F9C] =	sst s8  }
0x11: {  	[smem:$0x3F9D] =	sst s9;
	s0 =	simm.s32 @!p0 $0x0  }
0x12: {  	s1 =	sld [smem:$0x3F83];
	s0 =	simm.s32 @p0 $0x1  }
0x13: {  	[smem:$0x3F9E] =	sst s0;
	s0 =	simm.s32 @!p1 $0x0  }
0x14: {  	s2 =	sld [smem:$0x3F82];
	s0 =	simm.s32 @p1 $0x1  }
0x15: {  	[smem:$0x3F9F] =	sst s0;
	s0 =	simm.s32 @!p2 $0x0  }
0x16: {  	s3 =	sld [smem:$0x3FDB];
	s0 =	simm.s32 @p2 $0x1  }
0x17: {  	s4 =	simm.s32 $0x1BF5;
	[smem:$0x3FA1] =	sst s0  }
0x18: {  	s0 =	sld [smem:$0x3F84];
	_ =	swait.ge [sflag:s4], $0x0  }
0x19: {  	s7 =	sld [smem:$0x3F85]  }
0x1a: {  	s8 =	sadd.s32 $0xFFFFE003, lr  }
0x1b: {  	s9 =	sadd.s32 $0xFFFFFEF7, lr;
	s5 =	simm.s32 $0xFFFFFFFF;
	p2 =	slt.u32 s8, $0xFFFFF086  }
0x1c: {  	p1 =	slt.u32 s9, $0xF7A;
	s5 =	simm.s32 @!p2 $0x0  }
0x1d: {  	s5 =	simm.s32 @p1 $0x1;
	p0 =	seq.s32 s7, s2  }
0x1e: {  	s7 =	smul.u32 @!p0 $0xF7A, s2;
	p2 =	seq.s32 @!p0 s5, $0x0  }
0x1f: {  	s9 =	smul.u32 $0xF7A, s1;
	s8 =	simm.s32 @!p0 $0x1BF5;
	p2 =	por !p2, p0  }
0x20: {  	[sflag:s8] =	ssyncset.s32 @!p0 $0xFFFFF086;
	s6 =	sadd.s32 @!p0 s3, s7;
	s7 =	simm.s32 @!p0 $0x108  }
0x21: {  	s3 =	sadd.s32 s3, s9;
	s6 =	sadd.s32 @!p0 $0x88, s6;
	s7 =	simm.s32 @p2 $0x1082  }
0x22: {  	[simem:s7], [sflag:s8] =	dma.local @!p0 [hbm:s6], $0xF7A  }
0x23: {  	s9 =	sor.u32 $0xD0000000, s2;
	s6 =	simm.s32 $0x108;
	_ =	swait.ge @!p0 [sflag:s8], $0x0  }
0x24: {  	s3 =	sadd.s32 $0x88, s3;
	s6 =	simm.s32 @!p1 $0x1082;
	[sflag:s4] =	ssyncset.s32 $0xFFFFF086  }
0x25: {  	[simem:s6], [sflag:s4] =	dma.local [hbm:s3], $0xF7A  }
0x26: {  	[smem:$0x3F85] =	sst s1;
	(tag) =	ssettag s2;
	_ =	strace s9  }
0x27: {  	s1 =	sld [smem:$0x3F95]  }
0x28: {  	s2 =	sld [smem:$0x3F96]  }
0x29: {  	s4 =	sld [smem:$0x3F98]  }
0x2a: {  	p0 =	seq.s32 s5, $0x0;
	s5 =	sld [smem:$0x3F99]  }
0x2b: {  	s6 =	sld [smem:$0x3F9A]  }
0x2c: {  	s7 =	sld [smem:$0x3F9B]  }
0x2d: {  	s3 =	simm.s32 $0x108;
	s8 =	sld [smem:$0x3F9C]  }
0x2e: {  	s3 =	simm.s32 @!p0 $0x1082;
	s9 =	sld [smem:$0x3F9D]  }
0x2f: {  	lr =	sadd.s32 s0, s3;
	s0 =	sld [smem:$0x3F94]  }
0x30: {  	s3 =	sld [smem:$0x3F97]  }
0x31: {  	[smem:$0x3FA0] =	sst s10  }
0x32: {  	s10 =	sld [smem:$0x3F9E];
	_ =	sdelay $0x3  }
0x33: {  	p0 =	seq.s32 s10, $0x1;
	s10 =	sld [smem:$0x3FA0];
	_ =	sdelay $0x3  }
0x34: {  	[smem:$0x3FA0] =	sst s10  }
0x35: {  	s10 =	sld [smem:$0x3F9F];
	_ =	sdelay $0x3  }
0x36: {  	p1 =	seq.s32 s10, $0x1;
	s10 =	sld [smem:$0x3FA0];
	_ =	sdelay $0x3  }
0x37: {  	[smem:$0x3FA0] =	sst s10  }
0x38: {  	s10 =	sld [smem:$0x3FA1]  }
0x39: {  	_ = 	snop;
	(pc) =	sbr.ind lr, $3  }
0x3a: {  	_ = 	snop  }
0x3b: {  	_ = 	snop  }
0x3c: {  	p2 =	seq.s32 s10, $0x1;
	s10 =	sld [smem:$0x3FA0]  }
0x3d: {  	_ =	shalt  }
0x3e: {  	_ =	shalt  }
0x3f: {  	_ =	shalt  }
0x40: {  	_ =	shalt  }
0x41: {  	_ =	shalt  }
0x42: {  	_ =	shalt  }
0x43: {  	_ =	shalt  }
0x44: {  	_ =	shalt  }
0x45: {  	_ =	shalt  }
0x46: {  	_ =	shalt  }
0x47: {  	_ =	shalt  }
0x48: {  	_ =	shalt  }
0x49: {  	_ =	shalt  }
0x4a: {  	_ =	shalt  }
0x4b: {  	_ =	shalt  }
0x4c: {  	_ =	shalt  }
0x4d: {  	_ =	shalt  }
0x4e: {  	_ =	shalt  }
0x4f: {  	_ =	shalt  }
0x50: {  	_ =	shalt  }
0x51: {  	_ =	shalt  }
0x52: {  	_ =	shalt  }
0x53: {  	_ =	shalt  }
0x54: {  	_ =	shalt  }
0x55: {  	_ =	shalt  }
0x56: {  	_ =	shalt  }
0x57: {  	_ =	shalt  }
0x58: {  	_ =	shalt  }
0x59: {  	_ =	shalt  }
0x5a: {  	_ =	shalt  }
0x5b: {  	_ =	shalt  }
0x5c: {  	_ =	shalt  }
0x5d: {  	_ =	shalt  }
0x5e: {  	_ =	shalt  }
0x5f: {  	_ =	shalt  }
0x60: {  	_ =	shalt  }
0x61: {  	_ =	shalt  }
0x62: {  	_ =	shalt  }
0x63: {  	_ =	shalt  }
0x64: {  	_ =	shalt  }
0x65: {  	_ =	shalt  }
0x66: {  	_ =	shalt  }
0x67: {  	_ =	shalt  }
0x68: {  	_ =	shalt  }
0x69: {  	_ =	shalt  }
0x6a: {  	_ =	shalt  }
0x6b: {  	_ =	shalt  }
0x6c: {  	_ =	shalt  }
0x6d: {  	_ =	shalt  }
0x6e: {  	_ =	shalt  }
0x6f: {  	_ =	shalt  }
0x70: {  	_ =	shalt  }
0x71: {  	_ =	shalt  }
0x72: {  	_ =	shalt  }
0x73: {  	_ =	shalt  }
0x74: {  	_ =	shalt  }
0x75: {  	_ =	shalt  }
0x76: {  	_ =	shalt  }
0x77: {  	_ =	shalt  }
0x78: {  	_ =	shalt  }
0x79: {  	_ =	shalt  }
0x7a: {  	_ =	shalt  }
0x7b: {  	_ =	shalt  }
0x7c: {  	_ =	shalt  }
0x7d: {  	_ =	shalt  }
0x7e: {  	_ =	shalt  }
0x7f: {  	_ =	shalt  }
0x80: {  	_ =	shalt  }
0x81: {  	_ =	shalt  }
0x82: {  	_ =	shalt  }
0x83: {  	_ =	shalt  }
0x84: {  	_ =	shalt  }
0x85: {  	_ =	shalt  }
0x86: {  	_ =	shalt  }
0x87: {  	_ =	shalt  }
.Lfunc_end0:
.L_simem_size_0:
called_computation.3_lowered:
.L_overlay_start_0:
0x88: {  	s2 =	sld [smem:$0x3FD9]  }
0x89: {  	s3 =	sld [smem:$0x3FFE];
	_ =	sdelay $0x1  }
0x8a: {  	s1 =	srdreg.scid  }
0x8b: {  	s0 =	sand.u32 $0x1, s1  }
0x8c: {  	s16 =	sshll.u32 s0, $0xA;
	s2 =	sadd.s32 s3, s2  }
0x8d: {  	s2 =	sadd.s32 s2, s16  }
0x8e: {  	[smem:$0x3FAC] =	sst s2  }
0x8f: {  	_ = 	snop  }
0x90: {  	(tm) =	ssettm $0x1  }
0x91: {  	s17 =	sld [smem:$0x3FFB];
	_ =	sdelay $0x3  }
0x92: {  	_ =	strace s17  }
0x93: {  	s2 =	sld [smem:$0x3FFC];
	_ =	sdelay $0x3  }
0x94: {  	_ =	strace s2  }
0x95: {  	s2 =	sld [smem:$0x3FFD];
	_ =	sdelay $0x3  }
0x96: {  	_ =	strace s2  }
0x97: {  	_ =	strace $0x8FFFFFFF  }
0x98: {  	s18 =	sld [smem:$0x3FDB];
	_ =	sdelay $0x1  }
0x99: {  	s19 =	simm.s32 $_scs_section_size  }
0x9a: {  	s4 =	simm.s32 $_size__tile_overlayer_lowered;
	s5 =	simm.s32 $_tile_overlayer_lowered  }
0x9b: {  	s22 =	simm.s32 $0x1BFF;
	s21 =	sshll.u32 s5, $0x1;
	s2 =	sadd.s32 s19, s18  }
0x9c: {  	s6 =	simm.s32 $0x0;
	s20 =	sshll.u32 s4, $0x1;
	s4 =	sadd.s32 s21, s2  }
0x9d: {  	[timem:s6], [sflag:s22] =	dma.local [hbm:s4], s20  }
0x9e: {  	_ =	swait.ge [sflag:s22], s20  }
0x9f: {  	s3 =	ssub.s32 $0x0, s20;
	[sflag:s22] =	ssyncset.done $0x0  }
0xa0: {  	[sflag:s22] =	ssyncadd.s32 s3;
	_ =	sdelay $0x1  }
0xa1: {  	s23 =	simm.s32 $0x1B8B  }
0xa2: {  	_ =	swait.ge [sflag:s23], $0x1  }
0xa3: {  	[sflag:s23] =	ssyncset.done $0x0  }
0xa4: {  	s25 =	simm.s32 $0x1B8E;
	s24 =	sld [smem:$0x3FFE];
	[sflag:s23] =	ssyncadd.s32 $0xFFFFFFFF  }
0xa5: {  	s26 =	simm.s32 $execute0_lowered;
	[smem:$0x3FD2] =	sst s25  }
0xa6: {  	s4 =	sshll.u32 s26, $0x1;
	_ =	strace $0x8000004F;
	[dreg:$0x1] =	wrdreg $0xFFFFFFFF  }
0xa7: {  	s28 =	simm.s32 $_size_execute0_lowered;
	s2 =	sadd.s32 s2, s4;
	[dreg:$0x0] =	wrdreg $0x0  }
0xa8: {  	s4 =	sshll.u32 s28, $0x1;
	[dreg:$0x2] =	wrdreg s2  }
0xa9: {  	[dreg:$0x3] =	wrdreg s4  }
0xaa: {  	[dreg:$0x4] =	wrdreg $0xC0  }
0xab: {  	_ =	task [dreg:s6], $0x5FFFF  }
0xac: {  	[dreg:$0x1] =	wrdreg $0xFFFFFFFF  }
0xad: {  	[dreg:$0x0] =	wrdreg $0x60  }
0xae: {  	[dreg:$0x2] =	wrdreg s24  }
0xaf: {  	[dreg:$0x3] =	wrdreg $0xD0000  }
0xb0: {  	[dreg:$0x4] =	wrdreg $0x9  }
0xb1: {  	_ =	task.clear_ibuf [dreg:s6], $0x5FFFF;
	_ =	strace $0x9000004F  }
0xb2: {  	s29 =	simm.s32 $0x9;
	_ =	strace $0x80000051  }
0xb3: {  	_ =	swait.ge [sflag:s29], $0x1  }
0xb4: {  	[sflag:s29] =	ssyncadd.s32 $0xFFFFFFFF  }
0xb5: {  	_ =	strace $0x90000051  }
0xb6: {  	_ =	sfence  }
0xb7: {  	s30 =	sld [smem:$0x0];
	_ =	sdelay $0x2  }
0xb8: {  	s31 =	sshll.u32 s1, $0xD;
	s1 =	sshrl.u32 s1, $0x2  }
0xb9: {  	s3 =	sand.u32 $0x4000, s31;
	s1 =	sadd.s32 s1, s30  }
0xba: {  	s0 =	sor.u32 s3, s0;
	s1 =	sshll.u32 s1, $0x11  }
0xbb: {  	s0 =	sor.u32 s1, s0  }
0xbc: {  	s0 =	sadd.s32 $0x8F2B, s0  }
0xbd: {  	[sflag:s0] =	ssyncadd.remote.s32 $0x1  }
0xbe: {  	_ =	sfence.sel $0xFFFF  }
0xbf: {  	[dreg:$0x0] =	wrdreg $0xFFFFFFFF;
	(pc) =	sbr.abs _section_cstart, $3  }
0xc0: {  	[dreg:$0x1] =	wrdreg $0xFFFFFFFF  }
0xc1: {  	_ =	task.clear_ibuf [dreg:s6], $0x2FFFF;
	_ =	strace $0x9FFFFFFF  }
0xc2: {  	(tm) =	ssettm $0x7FFFFFFF  }
0xc3: {  	_ =	shalt  }
tec
execute0_lowered:
.L_overlay_start_1:
0x0: {  	(tag) =	ssettag $0x1  }
0x1: {  	s0 =	srdreg.scid;
	s5 =	rddreg [dreg:$0x0]  }
0x2: {  	s1 =	rddreg [dreg:$0x1];
	s9 =	stileid.u32;
	s2 =	simm.s32 $0x0  }
0x3: {  	s11 =	simm.s32 $0x80;
	s12 =	simm.s32 $0x5000;
	s13 =	simm.s32 $0x7000  }
0x4: {  	s15 =	simm.s32 $0x9000;
	s17 =	simm.s32 $0x1;
	s19 =	simm.s32 $0xB000  }
0x5: {  	s20 =	simm.s32 $0x2;
	s22 =	simm.s32 $0x5;
	s24 =	simm.s32 $0x3  }
0x6: {  	s26 =	simm.s32 $0x6;
	s29 =	simm.s32 $0x4;
	s30 =	simm.s32 $0x2980  }
0x7: {  	s31 =	simm.s32 $0x7;
	s14 =	simm.s32 $0x8;
	s0 =	sand.u32 $0x1, s0  }
0x8: {  	s18 =	simm.s32 $0x0;
	[smem:$0x7FF] =	sst s2;
	s3 =	sshll.u32 s0, $0x4  }
0x9: {  	p0 =	sne.s32 s9, $0x0;
	s6 =	smul.u32 $0x14000, s0;
	s3 =	sor.u32 s9, s3  }
0xa: {  	_ =	strace $0x80000050;
	s0 =	ssub.s32 $0x2, s0;
	s4 =	smul.u32 $0x500, s3  }
.Ltmp0:
0xb: {  	s16 =	sshrl.u32 @!p0 s1, $0x3;
	s8 =	sshrl.u32 s0, $0x1;
	(pc) =	sbr.rel .LBB2_1-.Ltmp0, $4  }
0xc: {  	s9 =	simm.s32 $0x9;
	s3 =	sadd.s32 $0x1B600, s5;
	s0 =	ssub.s32 s0, s8  }
0xd: {  	s10 =	sadd.s32 s6, s5;
	s8 =	smax.u32 s0, $0x1;
	s7 =	sadd.s32 s4, s5  }
0xe: {  	s0 =	simm.s32 $0x300;
	s4 =	sadd.s32 $0x2F600, s5;
	s5 =	sadd.s32 $0x11600, s7  }
0xf: {  	s6 =	sadd.s32 $0x7600, s7;
	s7 =	sadd.s32 $0x43600, s10;
	s10 =	simm.s32 $0x2800  }
.LBB2_4:
0x10: {  	_ =	swait.ge [sflag:s24], $0x2000  }
0x11: {  	[sflag:s24] =	ssyncset.done $0x0  }
0x12: {  	[sflag:s24] =	ssyncadd.s32 $0xFFFFE000  }
0x13: {  	[spmem:s1] =	stream.indirect.scatter.add.f32 [tilespmem:s15], [sflag:$0x7], $0x40, s25, s11, $0xb8;
	[tilespmem:$0x17000] =	vst v63  }
0x14: {  	_ =	swait.ge [sflag:s26], $0x2000  }
0x15: {  	[sflag:s26] =	ssyncset.done $0x0  }
0x16: {  	[sflag:s26] =	ssyncadd.s32 $0xFFFFE000  }
0x17: {  	_ =	swait.ge [sflag:s29], $0x2000  }
0x18: {  	[sflag:s29] =	ssyncset.done $0x0  }
0x19: {  	s21 =	sadd.s32 $0x2B80, s21;
	[sflag:s29] =	ssyncadd.s32 $0xFFFFE000  }
0x1a: {  	[spmem:s1] =	stream.indirect.scatter.add.f32 [tilespmem:s19], [sflag:$0x8], $0x40, s21, s11, $0xb8;
	[tilespmem:$0x17000] =	vst v63  }
0x1b: {  	_ =	swait.ge [sflag:s31], $0x2000  }
0x1c: {  	[sflag:s31] =	ssyncset.done $0x0  }
0x1d: {  	[sflag:s31] =	ssyncadd.s32 $0xFFFFE000  }
0x1e: {  	_ =	swait.ge [sflag:s14], $0x2000  }
0x1f: {  	[sflag:s14] =	ssyncset.done $0x0  }
0x20: {  	s18 =	sadd.s32 $0x1, s18;
	[sflag:s14] =	ssyncadd.s32 $0xFFFFE000  }
0x21: {  	p1 =	sne.s32 s18, s8;
	s21 =	simm.s32 @!p0 $0x1C09;
	[bflag:$0x0] =	sbarrier.arrive $0xFFFF  }
0x22: {  	[hbm:s7], [sflag:s21] =	dma.local @!p0 [spmem:s16], $0x14000  }
.Ltmp1:
0x23: {  	_ = 	snop;
	(pc) =	sbr.rel @!p1 .LBB2_5-.Ltmp1, $4  }
0x24: {  	s21 =	simm.s32 @!p0 $0x9  }
0x25: {  	_ =	swait.ge @!p0 [sflag:s21], $0x14000  }
0x26: {  	[sflag:s21] =	ssyncset.done @!p0 $0x0  }
0x27: {  	[sflag:s21] =	ssyncadd.s32 @!p0 $0xFFFEC000  }
.LBB2_1:
0x28: {  	[tilespmem:s2], [sflag:$0x9] =	stream.linear.gather [hbm4b:s5+s2], $0x2800, $0x38;
	[tilespmem:$0x17000] =	vst v63  }
0x29: {  	_ =	swait.ge [sflag:s9], $0x2800  }
0x2a: {  	[sflag:s9] =	ssyncset.done $0x0  }
0x2b: {  	[sflag:s9] =	ssyncadd.s32 $0xFFFFD800  }
0x2c: {  	[tilespmem:s10], [sflag:$0x9] =	stream.linear.gather [hbm4b:s6+s2], $0x2800, $0x38;
	[tilespmem:$0x17000] =	vst v63  }
0x2d: {  	_ =	swait.ge [sflag:s9], $0x2800  }
0x2e: {  	[sflag:s9] =	ssyncset.done $0x0  }
0x2f: {  	[sflag:s9] =	ssyncadd.s32 $0xFFFFD800  }
0x30: {  	[tilespmem:s12], [sflag:$0x1] =	stream.indirect.gather [hbm4b:s3+s11], $0x40, s2, s11, $0xb8;
	[tilespmem:$0x17000] =	vst v63  }
0x31: {  	_ = 	snop  }
0x32: {  	[tilespmem:s13], [sflag:$0x2] =	stream.indirect.gather [hbm4b:s3+s11], $0x40, s11, s11, $0xb8;
	[tilespmem:$0x17000] =	vst v63  }
0x33: {  	s21 =	simm.s32 $0x100  }
0x34: {  	[tilespmem:s15], [sflag:$0x3] =	stream.indirect.gather [hbm4b:s3+s11], $0x40, s21, s11, $0xb8;
	[tilespmem:$0x17000] =	vst v63  }
0x35: {  	s21 =	simm.s32 @!p0 $0x1C09  }
0x36: {  	[spmem:s16], [sflag:s21] =	dma.local @!p0 [hbm:s4], $0x14000  }
0x37: {  	s21 =	simm.s32 @!p0 $0x9  }
0x38: {  	_ =	swait.ge @!p0 [sflag:s21], $0x14000  }
0x39: {  	[sflag:s21] =	ssyncset.done @!p0 $0x0  }
0x3a: {  	[sflag:s21] =	ssyncadd.s32 @!p0 $0xFFFEC000  }
0x3b: {  	[bflag:$0x0] =	sbarrier.arrive $0xFFFF  }
0x3c: {  	_ =	swait.ge [sflag:s17], $0x2000  }
0x3d: {  	[sflag:s17] =	ssyncset.done $0x0  }
0x3e: {  	[sflag:s17] =	ssyncadd.s32 $0xFFFFE000  }
0x3f: {  	[spmem:s1] =	stream.indirect.scatter.add.f32 [tilespmem:s12], [sflag:$0x5], $0x40, s10, s11, $0xb8;
	[tilespmem:$0x17000] =	vst v63  }
0x40: {  	s25 =	simm.s32 $0x180  }
0x41: {  	[tilespmem:s19], [sflag:$0x4] =	stream.indirect.gather [hbm4b:s3+s11], $0x40, s25, s11, $0xb8;
	[tilespmem:$0x17000] =	vst v63  }
0x42: {  	_ =	swait.ge [sflag:s20], $0x2000  }
0x43: {  	[sflag:s20] =	ssyncset.done $0x0  }
0x44: {  	s28 =	simm.s32 $0x2880;
	[sflag:s20] =	ssyncadd.s32 $0xFFFFE000  }
0x45: {  	[spmem:s1] =	stream.indirect.scatter.add.f32 [tilespmem:s13], [sflag:$0x6], $0x40, s28, s11, $0xb8;
	[tilespmem:$0x17000] =	vst v63  }
0x46: {  	_ =	swait.ge [sflag:s22], $0x2000  }
0x47: {  	[sflag:s22] =	ssyncset.done $0x0  }
0x48: {  	s23 =	simm.s32 $0x200;
	[sflag:s22] =	ssyncadd.s32 $0xFFFFE000  }
0x49: {  	[tilespmem:s12], [sflag:$0x1] =	stream.indirect.gather [hbm4b:s3+s11], $0x40, s23, s11, $0xb8;
	[tilespmem:$0x17000] =	vst v63  }
0x4a: {  	_ =	swait.ge [sflag:s24], $0x2000  }
0x4b: {  	[sflag:s24] =	ssyncset.done $0x0  }
0x4c: {  	s25 =	simm.s32 $0x2900;
	[sflag:s24] =	ssyncadd.s32 $0xFFFFE000  }
0x4d: {  	[spmem:s1] =	stream.indirect.scatter.add.f32 [tilespmem:s15], [sflag:$0x7], $0x40, s25, s11, $0xb8;
	[tilespmem:$0x17000] =	vst v63  }
0x4e: {  	_ =	swait.ge [sflag:s26], $0x2000  }
0x4f: {  	[sflag:s26] =	ssyncset.done $0x0  }
0x50: {  	s28 =	simm.s32 $0x280;
	[sflag:s26] =	ssyncadd.s32 $0xFFFFE000  }
0x51: {  	[tilespmem:s13], [sflag:$0x2] =	stream.indirect.gather [hbm4b:s3+s11], $0x40, s28, s11, $0xb8;
	[tilespmem:$0x17000] =	vst v63  }
0x52: {  	_ =	swait.ge [sflag:s29], $0x2000  }
0x53: {  	[sflag:s29] =	ssyncset.done $0x0  }
0x54: {  	[sflag:s29] =	ssyncadd.s32 $0xFFFFE000  }
0x55: {  	[spmem:s1] =	stream.indirect.scatter.add.f32 [tilespmem:s19], [sflag:$0x8], $0x40, s30, s11, $0xb8;
	[tilespmem:$0x17000] =	vst v63  }
0x56: {  	_ =	swait.ge [sflag:s31], $0x2000  }
0x57: {  	[sflag:s31] =	ssyncset.done $0x0  }
0x58: {  	s23 =	simm.s32 $0x0;
	[sflag:s31] =	ssyncadd.s32 $0xFFFFE000  }
0x59: {  	[tilespmem:s15], [sflag:$0x3] =	stream.indirect.gather [hbm4b:s3+s11], $0x40, s0, s11, $0xb8;
	[tilespmem:$0x17000] =	vst v63  }
.LBB2_2:
0x5a: {  	_ =	swait.ge [sflag:s17], $0x2000  }
0x5b: {  	s21 =	sshra.s32 s23, $0x2;
	[sflag:s17] =	ssyncset.done $0x0  }
0x5c: {  	s25 =	sadd.s32 $0x2A00, s21;
	[sflag:s17] =	ssyncadd.s32 $0xFFFFE000  }
0x5d: {  	[spmem:s1] =	stream.indirect.scatter.add.f32 [tilespmem:s12], [sflag:$0x5], $0x40, s25, s11, $0xb8;
	[tilespmem:$0x17000] =	vst v63  }
0x5e: {  	_ =	swait.ge [sflag:s14], $0x2000  }
0x5f: {  	[sflag:s14] =	ssyncset.done $0x0  }
0x60: {  	s28 =	sadd.s32 $0x380, s21;
	[sflag:s14] =	ssyncadd.s32 $0xFFFFE000  }
0x61: {  	[tilespmem:s19], [sflag:$0x4] =	stream.indirect.gather [hbm4b:s3+s11], $0x40, s28, s11, $0xb8;
	[tilespmem:$0x17000] =	vst v63  }
0x62: {  	_ =	swait.ge [sflag:s20], $0x2000  }
0x63: {  	p1 =	seq.s32 s23, $0x9000;
	[sflag:s20] =	ssyncset.done $0x0  }
.Ltmp2:
0x64: {  	s28 =	sadd.s32 $0x2A80, s21;
	[sflag:s20] =	ssyncadd.s32 $0xFFFFE000;
	(pc) =	sbr.rel @p1 .LBB2_4-.Ltmp2, $4  }
0x65: {  	[spmem:s1] =	stream.indirect.scatter.add.f32 [tilespmem:s13], [sflag:$0x6], $0x40, s28, s11, $0xb8;
	[tilespmem:$0x17000] =	vst v63  }
0x66: {  	_ =	swait.ge [sflag:s22], $0x2000  }
0x67: {  	[sflag:s22] =	ssyncset.done $0x0  }
0x68: {  	s25 =	sadd.s32 $0x2B00, s21;
	[sflag:s22] =	ssyncadd.s32 $0xFFFFE000  }
0x69: {  	s28 =	sadd.s32 $0x400, s21  }
0x6a: {  	[tilespmem:s12], [sflag:$0x1] =	stream.indirect.gather [hbm4b:s3+s11], $0x40, s28, s11, $0xb8;
	[tilespmem:$0x17000] =	vst v63  }
0x6b: {  	_ =	swait.ge [sflag:s24], $0x2000  }
0x6c: {  	[sflag:s24] =	ssyncset.done $0x0  }
0x6d: {  	[sflag:s24] =	ssyncadd.s32 $0xFFFFE000  }
0x6e: {  	[spmem:s1] =	stream.indirect.scatter.add.f32 [tilespmem:s15], [sflag:$0x7], $0x40, s25, s11, $0xb8;
	[tilespmem:$0x17000] =	vst v63  }
0x6f: {  	_ =	swait.ge [sflag:s26], $0x2000  }
0x70: {  	[sflag:s26] =	ssyncset.done $0x0  }
0x71: {  	s28 =	sadd.s32 $0x480, s21;
	[sflag:s26] =	ssyncadd.s32 $0xFFFFE000  }
0x72: {  	[tilespmem:s13], [sflag:$0x2] =	stream.indirect.gather [hbm4b:s3+s11], $0x40, s28, s11, $0xb8;
	[tilespmem:$0x17000] =	vst v63  }
0x73: {  	_ =	swait.ge [sflag:s29], $0x2000  }
0x74: {  	[sflag:s29] =	ssyncset.done $0x0  }
0x75: {  	s28 =	sadd.s32 $0x2B80, s21;
	[sflag:s29] =	ssyncadd.s32 $0xFFFFE000  }
0x76: {  	[spmem:s1] =	stream.indirect.scatter.add.f32 [tilespmem:s19], [sflag:$0x8], $0x40, s28, s11, $0xb8;
	[tilespmem:$0x17000] =	vst v63  }
.Ltmp3:
0x77: {  	_ = 	snop;
	(pc) =	sbr.rel .LBB2_2-.Ltmp3, $4  }
0x78: {  	_ =	swait.ge [sflag:s31], $0x2000  }
0x79: {  	[sflag:s31] =	ssyncset.done $0x0  }
0x7a: {  	s23 =	sadd.s32 $0x800, s23;
	s28 =	sadd.s32 $0x500, s21;
	[sflag:s31] =	ssyncadd.s32 $0xFFFFE000  }
0x7b: {  	[tilespmem:s15], [sflag:$0x3] =	stream.indirect.gather [hbm4b:s3+s11], $0x40, s28, s11, $0xb8;
	[tilespmem:$0x17000] =	vst v63  }
.LBB2_5:
0x7c: {  	_ =	sfence.sel $0x180000  }
0x7d: {  	[bflag:$0x0] =	sbarrier.arrive $0xFFFF  }
0x7e: {  	_ =	strace $0x90000050  }
0x7f: {  	[bflag:$0x2] =	sbarrier.arrive $0xFFFF  }
0x80: {  	s0 =	rddreg [dreg:$0x2]  }
0x81: {  	s0 =	sadd.s32 @!p0 $0x100000, s0  }
0x82: {  	[sflag:s0] =	ssyncadd.tile.s32 @!p0 $0x1;
	_ =	shalt  }
.Lfunc_end2:
_tile_overlayer_lowered:
.L_overlay_start_2:
0x83: {  	(tag) =	ssettag $0x2  }
0x84: {  	s0 =	rddreg [dreg:$0x0];
	s2 =	stileid.u32  }
0x85: {  	s1 =	rddreg [dreg:$0x1];
	p0 =	sne.s32 s2, $0x0  }
0x86: {  	s3 =	rddreg [dreg:$0x2];
	[bflag:$0x3] =	sbarrier.arrive $0xFFFF;
	s2 =	simm.s32 @!p0 $0x1C09  }
0x87: {  	[timem:s3], [sflag:s2] =	dma.local @!p0 [hbm:s0], s1  }
0x88: {  	s0 =	simm.s32 @!p0 $0x9  }
0x89: {  	_ =	swait.ge @!p0 [sflag:s0], s1  }
0x8a: {  	s1 =	ssub.s32 @!p0 $0x0, s1;
	[sflag:s0] =	ssyncset.done @!p0 $0x0  }
0x8b: {  	[sflag:s0] =	ssyncadd.s32 @!p0 s1  }
0x8c: {  	[bflag:$0x3] =	sbarrier.arrive $0xFFFF  }
0x8d: {  	_ =	shalt  }

// kernel: kernel.25.cloned.1.call-start
scs
__scs_entry_jumppad:
0x0: {  	(pc) =	sbr.rel $0x88, $3  }
0x1: {  	(tag) =	ssettag $0x0;
	lr =	simm.s32 $0x1  }
0x2: {  	[smem:$0x3F85] =	sst lr;
	_ =	strace $0xD0000000  }
0x3: {  	_ = 	snop  }
0x4: {  	_ = 	snop  }
0x5: {  	_ = 	snop  }
0x6: {  	_ = 	snop  }
0x7: {  	_ = 	snop  }
__scs_overlays_trampoline_lowered:
0x8: {  	[smem:$0x3F94] =	sst s0  }
0x9: {  	[smem:$0x3F95] =	sst s1  }
0xa: {  	[smem:$0x3F96] =	sst s2  }
0xb: {  	[smem:$0x3F97] =	sst s3  }
0xc: {  	[smem:$0x3F98] =	sst s4  }
0xd: {  	[smem:$0x3F99] =	sst s5  }
0xe: {  	[smem:$0x3F9A] =	sst s6  }
0xf: {  	[smem:$0x3F9B] =	sst s7  }
0x10: {  	[smem:$0x3F9C] =	sst s8  }
0x11: {  	[smem:$0x3F9D] =	sst s9;
	s0 =	simm.s32 @!p0 $0x0  }
0x12: {  	s1 =	sld [smem:$0x3F83];
	s0 =	simm.s32 @p0 $0x1  }
0x13: {  	[smem:$0x3F9E] =	sst s0;
	s0 =	simm.s32 @!p1 $0x0  }
0x14: {  	s2 =	sld [smem:$0x3F82];
	s0 =	simm.s32 @p1 $0x1  }
0x15: {  	[smem:$0x3F9F] =	sst s0;
	s0 =	simm.s32 @!p2 $0x0  }
0x16: {  	s3 =	sld [smem:$0x3FDB];
	s0 =	simm.s32 @p2 $0x1  }
0x17: {  	s4 =	simm.s32 $0x1BF5;
	[smem:$0x3FA1] =	sst s0  }
0x18: {  	s0 =	sld [smem:$0x3F84];
	_ =	swait.ge [sflag:s4], $0x0  }
0x19: {  	s7 =	sld [smem:$0x3F85]  }
0x1a: {  	s8 =	sadd.s32 $0xFFFFE003, lr  }
0x1b: {  	s9 =	sadd.s32 $0xFFFFFEF7, lr;
	s5 =	simm.s32 $0xFFFFFFFF;
	p2 =	slt.u32 s8, $0xFFFFF086  }
0x1c: {  	p1 =	slt.u32 s9, $0xF7A;
	s5 =	simm.s32 @!p2 $0x0  }
0x1d: {  	s5 =	simm.s32 @p1 $0x1;
	p0 =	seq.s32 s7, s2  }
0x1e: {  	s7 =	smul.u32 @!p0 $0xF7A, s2;
	p2 =	seq.s32 @!p0 s5, $0x0  }
0x1f: {  	s9 =	smul.u32 $0xF7A, s1;
	s8 =	simm.s32 @!p0 $0x1BF5;
	p2 =	por !p2, p0  }
0x20: {  	[sflag:s8] =	ssyncset.s32 @!p0 $0xFFFFF086;
	s6 =	sadd.s32 @!p0 s3, s7;
	s7 =	simm.s32 @!p0 $0x108  }
0x21: {  	s3 =	sadd.s32 s3, s9;
	s6 =	sadd.s32 @!p0 $0x88, s6;
	s7 =	simm.s32 @p2 $0x1082  }
0x22: {  	[simem:s7], [sflag:s8] =	dma.local @!p0 [hbm:s6], $0xF7A  }
0x23: {  	s9 =	sor.u32 $0xD0000000, s2;
	s6 =	simm.s32 $0x108;
	_ =	swait.ge @!p0 [sflag:s8], $0x0  }
0x24: {  	s3 =	sadd.s32 $0x88, s3;
	s6 =	simm.s32 @!p1 $0x1082;
	[sflag:s4] =	ssyncset.s32 $0xFFFFF086  }
0x25: {  	[simem:s6], [sflag:s4] =	dma.local [hbm:s3], $0xF7A  }
0x26: {  	[smem:$0x3F85] =	sst s1;
	(tag) =	ssettag s2;
	_ =	strace s9  }
0x27: {  	s1 =	sld [smem:$0x3F95]  }
0x28: {  	s2 =	sld [smem:$0x3F96]  }
0x29: {  	s4 =	sld [smem:$0x3F98]  }
0x2a: {  	p0 =	seq.s32 s5, $0x0;
	s5 =	sld [smem:$0x3F99]  }
0x2b: {  	s6 =	sld [smem:$0x3F9A]  }
0x2c: {  	s7 =	sld [smem:$0x3F9B]  }
0x2d: {  	s3 =	simm.s32 $0x108;
	s8 =	sld [smem:$0x3F9C]  }
0x2e: {  	s3 =	simm.s32 @!p0 $0x1082;
	s9 =	sld [smem:$0x3F9D]  }
0x2f: {  	lr =	sadd.s32 s0, s3;
	s0 =	sld [smem:$0x3F94]  }
0x30: {  	s3 =	sld [smem:$0x3F97]  }
0x31: {  	[smem:$0x3FA0] =	sst s10  }
0x32: {  	s10 =	sld [smem:$0x3F9E];
	_ =	sdelay $0x3  }
0x33: {  	p0 =	seq.s32 s10, $0x1;
	s10 =	sld [smem:$0x3FA0];
	_ =	sdelay $0x3  }
0x34: {  	[smem:$0x3FA0] =	sst s10  }
0x35: {  	s10 =	sld [smem:$0x3F9F];
	_ =	sdelay $0x3  }
0x36: {  	p1 =	seq.s32 s10, $0x1;
	s10 =	sld [smem:$0x3FA0];
	_ =	sdelay $0x3  }
0x37: {  	[smem:$0x3FA0] =	sst s10  }
0x38: {  	s10 =	sld [smem:$0x3FA1]  }
0x39: {  	_ = 	snop;
	(pc) =	sbr.ind lr, $3  }
0x3a: {  	_ = 	snop  }
0x3b: {  	_ = 	snop  }
0x3c: {  	p2 =	seq.s32 s10, $0x1;
	s10 =	sld [smem:$0x3FA0]  }
0x3d: {  	_ =	shalt  }
0x3e: {  	_ =	shalt  }
0x3f: {  	_ =	shalt  }
0x40: {  	_ =	shalt  }
0x41: {  	_ =	shalt  }
0x42: {  	_ =	shalt  }
0x43: {  	_ =	shalt  }
0x44: {  	_ =	shalt  }
0x45: {  	_ =	shalt  }
0x46: {  	_ =	shalt  }
0x47: {  	_ =	shalt  }
0x48: {  	_ =	shalt  }
0x49: {  	_ =	shalt  }
0x4a: {  	_ =	shalt  }
0x4b: {  	_ =	shalt  }
0x4c: {  	_ =	shalt  }
0x4d: {  	_ =	shalt  }
0x4e: {  	_ =	shalt  }
0x4f: {  	_ =	shalt  }
0x50: {  	_ =	shalt  }
0x51: {  	_ =	shalt  }
0x52: {  	_ =	shalt  }
0x53: {  	_ =	shalt  }
0x54: {  	_ =	shalt  }
0x55: {  	_ =	shalt  }
0x56: {  	_ =	shalt  }
0x57: {  	_ =	shalt  }
0x58: {  	_ =	shalt  }
0x59: {  	_ =	shalt  }
0x5a: {  	_ =	shalt  }
0x5b: {  	_ =	shalt  }
0x5c: {  	_ =	shalt  }
0x5d: {  	_ =	shalt  }
0x5e: {  	_ =	shalt  }
0x5f: {  	_ =	shalt  }
0x60: {  	_ =	shalt  }
0x61: {  	_ =	shalt  }
0x62: {  	_ =	shalt  }
0x63: {  	_ =	shalt  }
0x64: {  	_ =	shalt  }
0x65: {  	_ =	shalt  }
0x66: {  	_ =	shalt  }
0x67: {  	_ =	shalt  }
0x68: {  	_ =	shalt  }
0x69: {  	_ =	shalt  }
0x6a: {  	_ =	shalt  }
0x6b: {  	_ =	shalt  }
0x6c: {  	_ =	shalt  }
0x6d: {  	_ =	shalt  }
0x6e: {  	_ =	shalt  }
0x6f: {  	_ =	shalt  }
0x70: {  	_ =	shalt  }
0x71: {  	_ =	shalt  }
0x72: {  	_ =	shalt  }
0x73: {  	_ =	shalt  }
0x74: {  	_ =	shalt  }
0x75: {  	_ =	shalt  }
0x76: {  	_ =	shalt  }
0x77: {  	_ =	shalt  }
0x78: {  	_ =	shalt  }
0x79: {  	_ =	shalt  }
0x7a: {  	_ =	shalt  }
0x7b: {  	_ =	shalt  }
0x7c: {  	_ =	shalt  }
0x7d: {  	_ =	shalt  }
0x7e: {  	_ =	shalt  }
0x7f: {  	_ =	shalt  }
0x80: {  	_ =	shalt  }
0x81: {  	_ =	shalt  }
0x82: {  	_ =	shalt  }
0x83: {  	_ =	shalt  }
0x84: {  	_ =	shalt  }
0x85: {  	_ =	shalt  }
0x86: {  	_ =	shalt  }
0x87: {  	_ =	shalt  }
.Lfunc_end0:
.L_simem_size_0:
called_computation.4_lowered:
.L_overlay_start_0:
0x88: {  	s2 =	sld [smem:$0x3FD9]  }
0x89: {  	s3 =	sld [smem:$0x3FFE];
	_ =	sdelay $0x1  }
0x8a: {  	s1 =	srdreg.scid  }
0x8b: {  	s0 =	sand.u32 $0x1, s1  }
0x8c: {  	s17 =	sshll.u32 s0, $0xA;
	s2 =	sadd.s32 s3, s2  }
0x8d: {  	s2 =	sadd.s32 s2, s17  }
0x8e: {  	[smem:$0x3FAC] =	sst s2  }
0x8f: {  	_ = 	snop  }
0x90: {  	s2 =	sld [smem:$0x3FC7]  }
0x91: {  	s18 =	sld [smem:$0x3FC6];
	(tm) =	ssettm $0x1  }
0x92: {  	s4 =	sld [smem:$0x3FFB];
	_ =	sdelay $0x3  }
0x93: {  	_ =	strace s4  }
0x94: {  	s4 =	sld [smem:$0x3FFC];
	_ =	sdelay $0x3  }
0x95: {  	_ =	strace s4  }
0x96: {  	s4 =	sld [smem:$0x3FFD];
	_ =	sdelay $0x3  }
0x97: {  	_ =	strace s4  }
0x98: {  	_ =	strace $0x8FFFFFFF  }
0x99: {  	s19 =	sld [smem:$0x3FDB];
	_ =	sdelay $0x1  }
0x9a: {  	s5 =	simm.s32 $_scs_section_size  }
0x9b: {  	s6 =	simm.s32 $_size__tile_overlayer_lowered;
	s7 =	simm.s32 $_tile_overlayer_lowered  }
0x9c: {  	s22 =	simm.s32 $0x1BFF;
	s21 =	sshll.u32 s7, $0x1;
	s4 =	sadd.s32 s5, s19  }
0x9d: {  	s8 =	simm.s32 $0x0;
	s20 =	sshll.u32 s6, $0x1;
	s6 =	sadd.s32 s21, s4  }
0x9e: {  	[timem:s8], [sflag:s22] =	dma.local [hbm:s6], s20  }
0x9f: {  	_ =	swait.ge [sflag:s22], s20  }
0xa0: {  	s5 =	ssub.s32 $0x0, s20;
	[sflag:s22] =	ssyncset.done $0x0  }
0xa1: {  	[sflag:s22] =	ssyncadd.s32 s5;
	_ =	sdelay $0x1  }
0xa2: {  	s23 =	simm.s32 $0x1B8B  }
0xa3: {  	_ =	swait.ge [sflag:s23], $0x1  }
0xa4: {  	[sflag:s23] =	ssyncset.done $0x0  }
0xa5: {  	s25 =	simm.s32 $0x1B8E;
	s24 =	sld [smem:$0x3FFE];
	[sflag:s23] =	ssyncadd.s32 $0xFFFFFFFF  }
0xa6: {  	s26 =	simm.s32 $execute0_lowered;
	[smem:$0x3FD2] =	sst s25  }
0xa7: {  	s6 =	sshll.u32 s26, $0x1;
	_ =	strace $0x80000052;
	[dreg:$0x1] =	wrdreg $0xFFFFFFFF  }
0xa8: {  	s28 =	simm.s32 $_size_execute0_lowered;
	s4 =	sadd.s32 s4, s6;
	[dreg:$0x0] =	wrdreg $0x0  }
0xa9: {  	s6 =	sshll.u32 s28, $0x1;
	[dreg:$0x2] =	wrdreg s4  }
0xaa: {  	[dreg:$0x3] =	wrdreg s6  }
0xab: {  	[dreg:$0x4] =	wrdreg $0xC0  }
0xac: {  	_ =	task [dreg:s8], $0x5FFFF  }
0xad: {  	[dreg:$0x1] =	wrdreg $0xFFFFFFFF  }
0xae: {  	[dreg:$0x0] =	wrdreg $0x60  }
0xaf: {  	[dreg:$0x2] =	wrdreg s24  }
0xb0: {  	[dreg:$0x3] =	wrdreg s2  }
0xb1: {  	[dreg:$0x4] =	wrdreg s18  }
0xb2: {  	[dreg:$0x5] =	wrdreg $0x9  }
0xb3: {  	_ =	task.clear_ibuf [dreg:s8], $0x6FFFF;
	_ =	strace $0x90000052  }
0xb4: {  	s29 =	simm.s32 $0x9;
	_ =	strace $0x80000054  }
0xb5: {  	_ =	swait.ge [sflag:s29], $0x1  }
0xb6: {  	[sflag:s29] =	ssyncadd.s32 $0xFFFFFFFF  }
0xb7: {  	_ =	strace $0x90000054  }
0xb8: {  	_ =	sfence  }
0xb9: {  	s30 =	sld [smem:$0x0];
	_ =	sdelay $0x2  }
0xba: {  	s31 =	sshll.u32 s1, $0xD;
	s1 =	sshrl.u32 s1, $0x2  }
0xbb: {  	s3 =	sand.u32 $0x4000, s31;
	s1 =	sadd.s32 s1, s30  }
0xbc: {  	s0 =	sor.u32 s3, s0;
	s1 =	sshll.u32 s1, $0x11  }
0xbd: {  	s0 =	sor.u32 s1, s0  }
0xbe: {  	s0 =	sadd.s32 $0x8F2B, s0  }
0xbf: {  	[sflag:s0] =	ssyncadd.remote.s32 $0x1  }
0xc0: {  	_ =	sfence.sel $0xFFFF  }
0xc1: {  	[dreg:$0x0] =	wrdreg $0xFFFFFFFF;
	(pc) =	sbr.abs _section_cstart, $3  }
0xc2: {  	[dreg:$0x1] =	wrdreg $0xFFFFFFFF  }
0xc3: {  	_ =	task.clear_ibuf [dreg:s8], $0x2FFFF;
	_ =	strace $0x9FFFFFFF  }
0xc4: {  	(tm) =	ssettm $0x7FFFFFFF  }
0xc5: {  	_ =	shalt  }
tec
execute0_lowered:
.L_overlay_start_1:
0x0: {  	(tag) =	ssettag $0x1  }
0x1: {  	s1 =	srdreg.scid  }
0x2: {  	s0 =	stileid.u32;
	s30 =	sand.u32 $0x1, s1  }
0x3: {  	s17 =	rddreg [dreg:$0x0];
	s5 =	sshll.u32 s0, $0x9;
	s4 =	sshll.u32 s30, $0xD  }
0x4: {  	s3 =	rddreg [dreg:$0x1];
	s15 =	sor.u32 s5, s4  }
0x5: {  	s25 =	rddreg [dreg:$0x2];
	s2 =	simm.s32 $0x0;
	s4 =	sshrl.u32 s15, $0x3  }
0x6: {  	[smem:$0x7FF] =	sst s2;
	s3 =	sadd.s32 s3, s4  }
0x7: {  	_ =	strace $0x80000053;
	[dreg:$0x4] =	wrdreg s3  }
0x8: {  	s3 =	simm.s32 $0x5;
	s26 =	rddreg [dreg:$0x4]  }
0x9: {  	[tilespmem:s2], [sflag:$0x5] =	stream.linear.gather [hbm4b:s26+s2], $0x200, $0x38;
	[tilespmem:$0x10400] =	vst v63  }
0xa: {  	_ =	swait.ge [sflag:s3], $0x200  }
0xb: {  	[sflag:s3] =	ssyncset.done $0x0  }
0xc: {  	s5 =	simm.s32 $0x200;
	s4 =	sadd.s32 s25, s4;
	[sflag:s3] =	ssyncadd.s32 $0xFFFFFE00  }
0xd: {  	[tilespmem:s5], [sflag:$0x5] =	stream.linear.gather [hbm4b:s4+s2], $0x200, $0x38;
	[tilespmem:$0x10400] =	vst v63  }
0xe: {  	_ =	swait.ge [sflag:s3], $0x200  }
0xf: {  	s7 =	simm.s32 $0x80;
	[sflag:s3] =	ssyncset.done $0x0  }
0x10: {  	s8 =	simm.s32 $0x400;
	s6 =	sadd.s32 $0x7600, s17;
	[sflag:s3] =	ssyncadd.s32 $0xFFFFFE00  }
0x11: {  	[tilespmem:s8], [sflag:$0x1] =	stream.indirect.gather [hbm4b:s6+s7], $0x80, s2, s7, $0xb8;
	[tilespmem:$0x10400] =	vst v63  }
0x12: {  	s10 =	simm.s32 $0x8400;
	s9 =	sadd.s32 $0x2F600, s17  }
0x13: {  	[tilespmem:s10], [sflag:$0x3] =	stream.indirect.gather [hbm4b:s9+s7], $0x80, s5, s7, $0xb8;
	[tilespmem:$0x10400] =	vst v63  }
0x14: {  	s11 =	simm.s32 $0x4400  }
0x15: {  	[tilespmem:s11], [sflag:$0x2] =	stream.indirect.gather [hbm4b:s6+s7], $0x80, s7, s7, $0xb8;
	[tilespmem:$0x10400] =	vst v63  }
0x16: {  	s12 =	simm.s32 $0x280;
	s13 =	simm.s32 $0xC400;
	s14 =	simm.s32 $0x1  }
0x17: {  	[tilespmem:s13], [sflag:$0x4] =	stream.indirect.gather [hbm4b:s9+s7], $0x80, s12, s7, $0xb8;
	[tilespmem:$0x10400] =	vst v63  }
0x18: {  	_ =	swait.ge [sflag:s14], $0x4000  }
0x19: {  	s29 =	sadd.s32 $0x57600, s17;
	s0 =	sshll.u32 s15, $0x4;
	[sflag:s14] =	ssyncset.done $0x0  }
0x1a: {  	s15 =	sadd.s32 s29, s0;
	[sflag:s14] =	ssyncadd.s32 $0xFFFFC000  }
0x1b: {  	[hbm4b:s15+s2] =	stream.linear.scatter [tilespmem:s8], [sflag:$0x5], $0x4000, $0x38;
	[tilespmem:$0x10400] =	vst v63  }
0x1c: {  	_ =	swait.ge [sflag:s3], $0x4000  }
0x1d: {  	[sflag:s3] =	ssyncset.done $0x0  }
0x1e: {  	s16 =	simm.s32 $0x3;
	[sflag:s3] =	ssyncadd.s32 $0xFFFFC000  }
0x1f: {  	_ =	swait.ge [sflag:s16], $0x4000  }
0x20: {  	s31 =	sadd.s32 $0x97600, s17;
	[sflag:s16] =	ssyncset.done $0x0  }
0x21: {  	s17 =	sadd.s32 s31, s0;
	[sflag:s16] =	ssyncadd.s32 $0xFFFFC000  }
0x22: {  	[hbm4b:s17+s2] =	stream.linear.scatter [tilespmem:s10], [sflag:$0x5], $0x4000, $0x38;
	[tilespmem:$0x10400] =	vst v63  }
0x23: {  	_ =	swait.ge [sflag:s3], $0x4000  }
0x24: {  	[sflag:s3] =	ssyncset.done $0x0  }
0x25: {  	s18 =	simm.s32 $0x100;
	[sflag:s3] =	ssyncadd.s32 $0xFFFFC000  }
0x26: {  	[tilespmem:s8], [sflag:$0x1] =	stream.indirect.gather [hbm4b:s6+s7], $0x80, s18, s7, $0xb8;
	[tilespmem:$0x10400] =	vst v63  }
0x27: {  	s19 =	simm.s32 $0x300;
	s20 =	simm.s32 $0x2  }
0x28: {  	[tilespmem:s10], [sflag:$0x3] =	stream.indirect.gather [hbm4b:s9+s7], $0x80, s19, s7, $0xb8;
	[tilespmem:$0x10400] =	vst v63  }
0x29: {  	_ =	swait.ge [sflag:s20], $0x4000  }
0x2a: {  	s23 =	sor.u32 $0x800, s0;
	[sflag:s20] =	ssyncset.done $0x0  }
0x2b: {  	s21 =	sadd.s32 s29, s23;
	[sflag:s20] =	ssyncadd.s32 $0xFFFFC000  }
0x2c: {  	[hbm4b:s21+s2] =	stream.linear.scatter [tilespmem:s11], [sflag:$0x5], $0x4000, $0x38;
	[tilespmem:$0x10400] =	vst v63  }
0x2d: {  	_ =	swait.ge [sflag:s3], $0x4000  }
0x2e: {  	[sflag:s3] =	ssyncset.done $0x0  }
0x2f: {  	s22 =	simm.s32 $0x4;
	[sflag:s3] =	ssyncadd.s32 $0xFFFFC000  }
0x30: {  	_ =	swait.ge [sflag:s22], $0x4000  }
0x31: {  	[sflag:s22] =	ssyncset.done $0x0  }
0x32: {  	s23 =	sadd.s32 s31, s23;
	[sflag:s22] =	ssyncadd.s32 $0xFFFFC000  }
0x33: {  	[hbm4b:s23+s2] =	stream.linear.scatter [tilespmem:s13], [sflag:$0x5], $0x4000, $0x38;
	[tilespmem:$0x10400] =	vst v63  }
0x34: {  	_ =	swait.ge [sflag:s3], $0x4000  }
0x35: {  	[sflag:s3] =	ssyncset.done $0x0  }
0x36: {  	s24 =	simm.s32 $0x180;
	[sflag:s3] =	ssyncadd.s32 $0xFFFFC000  }
0x37: {  	[tilespmem:s11], [sflag:$0x2] =	stream.indirect.gather [hbm4b:s6+s7], $0x80, s24, s7, $0xb8;
	[tilespmem:$0x10400] =	vst v63  }
0x38: {  	s25 =	simm.s32 $0x380  }
0x39: {  	[tilespmem:s13], [sflag:$0x4] =	stream.indirect.gather [hbm4b:s9+s7], $0x80, s25, s7, $0xb8;
	[tilespmem:$0x10400] =	vst v63  }
0x3a: {  	_ =	swait.ge [sflag:s14], $0x4000  }
0x3b: {  	s28 =	sor.u32 $0x1000, s0;
	[sflag:s14] =	ssyncset.done $0x0  }
0x3c: {  	s26 =	sadd.s32 s29, s28;
	[sflag:s14] =	ssyncadd.s32 $0xFFFFC000  }
0x3d: {  	[hbm4b:s26+s2] =	stream.linear.scatter [tilespmem:s8], [sflag:$0x5], $0x4000, $0x38;
	[tilespmem:$0x10400] =	vst v63  }
0x3e: {  	_ =	swait.ge [sflag:s3], $0x4000  }
0x3f: {  	[sflag:s3] =	ssyncset.done $0x0  }
0x40: {  	[sflag:s3] =	ssyncadd.s32 $0xFFFFC000  }
0x41: {  	_ =	swait.ge [sflag:s16], $0x4000  }
0x42: {  	[sflag:s16] =	ssyncset.done $0x0  }
0x43: {  	s28 =	sadd.s32 s31, s28;
	[sflag:s16] =	ssyncadd.s32 $0xFFFFC000  }
0x44: {  	[hbm4b:s28+s2] =	stream.linear.scatter [tilespmem:s10], [sflag:$0x5], $0x4000, $0x38;
	[tilespmem:$0x10400] =	vst v63  }
0x45: {  	_ =	swait.ge [sflag:s3], $0x4000  }
0x46: {  	[sflag:s3] =	ssyncset.done $0x0  }
0x47: {  	[sflag:s3] =	ssyncadd.s32 $0xFFFFC000  }
0x48: {  	_ =	swait.ge [sflag:s20], $0x4000  }
0x49: {  	s30 =	ssub.s32 $0x2, s30;
	s1 =	sor.u32 $0x1800, s0;
	[sflag:s20] =	ssyncset.done $0x0  }
0x4a: {  	s0 =	sshrl.u32 s30, $0x1;
	s29 =	sadd.s32 s29, s1;
	[sflag:s20] =	ssyncadd.s32 $0xFFFFC000  }
0x4b: {  	[hbm4b:s29+s2] =	stream.linear.scatter [tilespmem:s11], [sflag:$0x5], $0x4000, $0x38;
	[tilespmem:$0x10400] =	vst v63  }
0x4c: {  	s0 =	ssub.s32 s30, s0;
	_ =	swait.ge [sflag:s3], $0x4000  }
0x4d: {  	s0 =	smax.u32 s0, $0x1;
	[sflag:s3] =	ssyncset.done $0x0  }
0x4e: {  	p0 =	sne.s32 s0, $0x1;
	[sflag:s3] =	ssyncadd.s32 $0xFFFFC000  }
.Ltmp0:
0x4f: {  	_ =	swait.ge [sflag:s22], $0x4000;
	(pc) =	sbr.rel @!p0 .LBB2_2-.Ltmp0, $4  }
0x50: {  	[sflag:s22] =	ssyncset.done $0x0  }
0x51: {  	s30 =	sadd.s32 s31, s1;
	[sflag:s22] =	ssyncadd.s32 $0xFFFFC000  }
0x52: {  	[hbm4b:s30+s2] =	stream.linear.scatter [tilespmem:s13], [sflag:$0x5], $0x4000, $0x38;
	[tilespmem:$0x10400] =	vst v63  }
0x53: {  	s31 =	sadd.s32 $0xFFFFFFFF, s0;
	_ =	swait.ge [sflag:s3], $0x4000  }
.LBB2_1:
0x54: {  	[sflag:s3] =	ssyncset.done $0x0  }
0x55: {  	s0 =	rddreg [dreg:$0x4];
	[sflag:s3] =	ssyncadd.s32 $0xFFFFC000  }
0x56: {  	[tilespmem:s2], [sflag:$0x5] =	stream.linear.gather [hbm4b:s0+s2], $0x200, $0x38;
	[tilespmem:$0x10400] =	vst v63  }
0x57: {  	_ =	swait.ge [sflag:s3], $0x200  }
0x58: {  	[sflag:s3] =	ssyncset.done $0x0  }
0x59: {  	[sflag:s3] =	ssyncadd.s32 $0xFFFFFE00  }
0x5a: {  	[tilespmem:s5], [sflag:$0x5] =	stream.linear.gather [hbm4b:s4+s2], $0x200, $0x38;
	[tilespmem:$0x10400] =	vst v63  }
0x5b: {  	_ =	swait.ge [sflag:s3], $0x200  }
0x5c: {  	[sflag:s3] =	ssyncset.done $0x0  }
0x5d: {  	[sflag:s3] =	ssyncadd.s32 $0xFFFFFE00  }
0x5e: {  	[tilespmem:s8], [sflag:$0x1] =	stream.indirect.gather [hbm4b:s6+s7], $0x80, s2, s7, $0xb8;
	[tilespmem:$0x10400] =	vst v63  }
0x5f: {  	_ = 	snop  }
0x60: {  	[tilespmem:s10], [sflag:$0x3] =	stream.indirect.gather [hbm4b:s9+s7], $0x80, s5, s7, $0xb8;
	[tilespmem:$0x10400] =	vst v63  }
0x61: {  	_ = 	snop  }
0x62: {  	[tilespmem:s11], [sflag:$0x2] =	stream.indirect.gather [hbm4b:s6+s7], $0x80, s7, s7, $0xb8;
	[tilespmem:$0x10400] =	vst v63  }
0x63: {  	_ = 	snop  }
0x64: {  	[tilespmem:s13], [sflag:$0x4] =	stream.indirect.gather [hbm4b:s9+s7], $0x80, s12, s7, $0xb8;
	[tilespmem:$0x10400] =	vst v63  }
0x65: {  	_ =	swait.ge [sflag:s14], $0x4000  }
0x66: {  	[sflag:s14] =	ssyncset.done $0x0  }
0x67: {  	[sflag:s14] =	ssyncadd.s32 $0xFFFFC000  }
0x68: {  	[hbm4b:s15+s2] =	stream.linear.scatter [tilespmem:s8], [sflag:$0x5], $0x4000, $0x38;
	[tilespmem:$0x10400] =	vst v63  }
0x69: {  	_ =	swait.ge [sflag:s3], $0x4000  }
0x6a: {  	[sflag:s3] =	ssyncset.done $0x0  }
0x6b: {  	[sflag:s3] =	ssyncadd.s32 $0xFFFFC000  }
0x6c: {  	_ =	swait.ge [sflag:s16], $0x4000  }
0x6d: {  	[sflag:s16] =	ssyncset.done $0x0  }
0x6e: {  	[sflag:s16] =	ssyncadd.s32 $0xFFFFC000  }
0x6f: {  	[hbm4b:s17+s2] =	stream.linear.scatter [tilespmem:s10], [sflag:$0x5], $0x4000, $0x38;
	[tilespmem:$0x10400] =	vst v63  }
0x70: {  	_ =	swait.ge [sflag:s3], $0x4000  }
0x71: {  	[sflag:s3] =	ssyncset.done $0x0  }
0x72: {  	[sflag:s3] =	ssyncadd.s32 $0xFFFFC000  }
0x73: {  	[tilespmem:s8], [sflag:$0x1] =	stream.indirect.gather [hbm4b:s6+s7], $0x80, s18, s7, $0xb8;
	[tilespmem:$0x10400] =	vst v63  }
0x74: {  	_ = 	snop  }
0x75: {  	[tilespmem:s10], [sflag:$0x3] =	stream.indirect.gather [hbm4b:s9+s7], $0x80, s19, s7, $0xb8;
	[tilespmem:$0x10400] =	vst v63  }
0x76: {  	_ =	swait.ge [sflag:s20], $0x4000  }
0x77: {  	[sflag:s20] =	ssyncset.done $0x0  }
0x78: {  	[sflag:s20] =	ssyncadd.s32 $0xFFFFC000  }
0x79: {  	[hbm4b:s21+s2] =	stream.linear.scatter [tilespmem:s11], [sflag:$0x5], $0x4000, $0x38;
	[tilespmem:$0x10400] =	vst v63  }
0x7a: {  	_ =	swait.ge [sflag:s3], $0x4000  }
0x7b: {  	[sflag:s3] =	ssyncset.done $0x0  }
0x7c: {  	[sflag:s3] =	ssyncadd.s32 $0xFFFFC000  }
0x7d: {  	_ =	swait.ge [sflag:s22], $0x4000  }
0x7e: {  	[sflag:s22] =	ssyncset.done $0x0  }
0x7f: {  	[sflag:s22] =	ssyncadd.s32 $0xFFFFC000  }
0x80: {  	[hbm4b:s23+s2] =	stream.linear.scatter [tilespmem:s13], [sflag:$0x5], $0x4000, $0x38;
	[tilespmem:$0x10400] =	vst v63  }
0x81: {  	_ =	swait.ge [sflag:s3], $0x4000  }
0x82: {  	[sflag:s3] =	ssyncset.done $0x0  }
0x83: {  	[sflag:s3] =	ssyncadd.s32 $0xFFFFC000  }
0x84: {  	[tilespmem:s11], [sflag:$0x2] =	stream.indirect.gather [hbm4b:s6+s7], $0x80, s24, s7, $0xb8;
	[tilespmem:$0x10400] =	vst v63  }
0x85: {  	_ = 	snop  }
0x86: {  	[tilespmem:s13], [sflag:$0x4] =	stream.indirect.gather [hbm4b:s9+s7], $0x80, s25, s7, $0xb8;
	[tilespmem:$0x10400] =	vst v63  }
0x87: {  	_ =	swait.ge [sflag:s14], $0x4000  }
0x88: {  	[sflag:s14] =	ssyncset.done $0x0  }
0x89: {  	[sflag:s14] =	ssyncadd.s32 $0xFFFFC000  }
0x8a: {  	[hbm4b:s26+s2] =	stream.linear.scatter [tilespmem:s8], [sflag:$0x5], $0x4000, $0x38;
	[tilespmem:$0x10400] =	vst v63  }
0x8b: {  	_ =	swait.ge [sflag:s3], $0x4000  }
0x8c: {  	[sflag:s3] =	ssyncset.done $0x0  }
0x8d: {  	[sflag:s3] =	ssyncadd.s32 $0xFFFFC000  }
0x8e: {  	_ =	swait.ge [sflag:s16], $0x4000  }
0x8f: {  	[sflag:s16] =	ssyncset.done $0x0  }
0x90: {  	[sflag:s16] =	ssyncadd.s32 $0xFFFFC000  }
0x91: {  	[hbm4b:s28+s2] =	stream.linear.scatter [tilespmem:s10], [sflag:$0x5], $0x4000, $0x38;
	[tilespmem:$0x10400] =	vst v63  }
0x92: {  	_ =	swait.ge [sflag:s3], $0x4000  }
0x93: {  	[sflag:s3] =	ssyncset.done $0x0  }
0x94: {  	[sflag:s3] =	ssyncadd.s32 $0xFFFFC000  }
0x95: {  	_ =	swait.ge [sflag:s20], $0x4000  }
0x96: {  	[sflag:s20] =	ssyncset.done $0x0  }
0x97: {  	[sflag:s20] =	ssyncadd.s32 $0xFFFFC000  }
0x98: {  	[hbm4b:s29+s2] =	stream.linear.scatter [tilespmem:s11], [sflag:$0x5], $0x4000, $0x38;
	[tilespmem:$0x10400] =	vst v63  }
0x99: {  	_ =	swait.ge [sflag:s3], $0x4000  }
0x9a: {  	[sflag:s3] =	ssyncset.done $0x0  }
0x9b: {  	p0 =	sne.s32 s31, $0x1;
	[sflag:s3] =	ssyncadd.s32 $0xFFFFC000  }
.Ltmp1:
0x9c: {  	_ =	swait.ge [sflag:s22], $0x4000;
	(pc) =	sbr.rel @p0 .LBB2_1-.Ltmp1, $4  }
0x9d: {  	[sflag:s22] =	ssyncset.done $0x0  }
0x9e: {  	[sflag:s22] =	ssyncadd.s32 $0xFFFFC000  }
0x9f: {  	[hbm4b:s30+s2] =	stream.linear.scatter [tilespmem:s13], [sflag:$0x5], $0x4000, $0x38;
	[tilespmem:$0x10400] =	vst v63  }
0xa0: {  	s31 =	sadd.s32 $0xFFFFFFFF, s31;
	_ =	swait.ge [sflag:s3], $0x4000  }
.LBB2_2:
0xa1: {  	[sflag:s3] =	ssyncset.done $0x0  }
0xa2: {  	[sflag:s3] =	ssyncadd.s32 $0xFFFFC000  }
0xa3: {  	_ =	sfence.sel $0x180000  }
0xa4: {  	[bflag:$0x0] =	sbarrier.arrive $0xFFFF  }
0xa5: {  	_ =	strace $0x90000053  }
0xa6: {  	s0 =	stileid.u32;
	[bflag:$0x2] =	sbarrier.arrive $0xFFFF  }
0xa7: {  	p0 =	sne.s32 s0, $0x0;
	s0 =	rddreg [dreg:$0x3]  }
0xa8: {  	s0 =	sadd.s32 @!p0 $0x100000, s0  }
0xa9: {  	[sflag:s0] =	ssyncadd.tile.s32 @!p0 $0x1;
	_ =	shalt  }
.Lfunc_end2:
_tile_overlayer_lowered:
.L_overlay_start_2:
0xaa: {  	(tag) =	ssettag $0x2  }
0xab: {  	s0 =	rddreg [dreg:$0x0];
	s2 =	stileid.u32  }
0xac: {  	s1 =	rddreg [dreg:$0x1];
	p0 =	sne.s32 s2, $0x0  }
0xad: {  	s3 =	rddreg [dreg:$0x2];
	[bflag:$0x3] =	sbarrier.arrive $0xFFFF;
	s2 =	simm.s32 @!p0 $0x1C05  }
0xae: {  	[timem:s3], [sflag:s2] =	dma.local @!p0 [hbm:s0], s1  }
0xaf: {  	s0 =	simm.s32 @!p0 $0x5  }
0xb0: {  	_ =	swait.ge @!p0 [sflag:s0], s1  }
0xb1: {  	s1 =	ssub.s32 @!p0 $0x0, s1;
	[sflag:s0] =	ssyncset.done @!p0 $0x0  }
0xb2: {  	[sflag:s0] =	ssyncadd.s32 @!p0 s1  }
0xb3: {  	[bflag:$0x3] =	sbarrier.arrive $0xFFFF  }
0xb4: {  	_ =	shalt  }

</sc_bundles>
